<compile_context>
chip_gen: v7x
topology: tpu7x:2x2x1
jax: 0.10.2.dev20260603
libtpu: 0.0.44.dev20260713+nightly
codegen_flags: <defaults>
</compile_context>

<pallas_src>
import functools

import jax
import jax.numpy as jnp
from jax import lax
from jax.experimental import pallas as pl
from jax.experimental.pallas import tpu as pltpu
from jax.experimental.pallas import tpu_sc as plsc

_N = 10000
_E = 320000
_C = 80
_f32 = jnp.float32
_NCH0 = _E // 16 // _C
_NW = 32
_NCH = _E // _NW // _C

_L0_ROWS = 5120
_L0_ACC = _L0_ROWS + _C
_PK_ROWS = 2560


def _sc_layer0():
    mesh = plsc.VectorSubcoreMesh(core_axis_name="c", subcore_axis_name="s")

    _HC = _NCH0 // 2

    @functools.partial(
        pl.kernel,
        mesh=mesh,
        out_type=jax.ShapeDtypeStruct((2, _L0_ROWS, 128), _f32),
        scratch_types=[
            pltpu.VMEM((_HC, _C), jnp.int32),
            pltpu.VMEM((_HC, _C), jnp.int32),
            pltpu.VMEM((_C, 128), _f32),
            pltpu.VMEM((_C, 128), _f32),
            pltpu.VMEM((_C, 128), _f32),
            pltpu.VMEM((_C, 128), _f32),
            pltpu.VMEM_SHARED((_L0_ACC, 128), _f32),
            pltpu.SemaphoreType.DMA,
            pltpu.SemaphoreType.DMA,
        ],
    )
    def k(x_hbm, el_hbm, src_hbm, dst_hbm, out_hbm,
          src_v, dst_v, xr0, xr1, er0, er1, acc, si0, si1):
        cid = lax.axis_index("c")
        sid = lax.axis_index("s")
        lo = cid * 5000
        iota = lax.iota(jnp.int32, 16)

        def zer(j, _):
            for g in range(8):
                er0[j, pl.ds(g * 16, 16)] = jnp.zeros((16,), _f32)
            return 0
        lax.fori_loop(0, _C, zer, 0)
        base = sid * (_L0_ROWS // 16)
        for kk in range(_L0_ROWS // 16 // _C):
            pltpu.sync_copy(er0, acc.at[pl.ds(base + kk * _C, _C)])
        plsc.subcore_barrier()

        def issue_in(h, i, xr, er, si):
            pltpu.async_copy(x_hbm.at[src_v.at[i]], xr, si)
            pltpu.async_copy(el_hbm.at[sid, h * _HC + i], er, si)

        def wait_in(h, i, xr, er, si):
            pltpu.make_async_copy(x_hbm.at[src_v.at[i]], xr, si).wait()
            pltpu.make_async_copy(el_hbm.at[sid, h * _HC + i], er, si).wait()

        def compute(xr, er):
            def edge(j, _):
                for g in range(8):
                    sl = pl.ds(g * 16, 16)
                    er[j, sl] = jnp.maximum(xr[j, sl] + er[j, sl], 0.0)
                return 0
            lax.fori_loop(0, _C, edge, 0)

        for h in (0, 1):
            pltpu.sync_copy(src_hbm.at[sid, h], src_v)
            pltpu.sync_copy(dst_hbm.at[sid, h], dst_v)

            def fix(i, _):
                for g in range(_C // 16):
                    sl = pl.ds(g * 16, 16)
                    d = dst_v[i, sl] - lo
                    ok = jnp.logical_and(d >= 0, d < 5000)
                    dst_v[i, sl] = jnp.where(ok, d,
                                             _L0_ROWS + g * 16 + iota)
                return 0
            lax.fori_loop(0, _HC, fix, 0)

            issue_in(h, 0, xr0, er0, si0)

            def pair(i2, _):
                c0 = 2 * i2
                issue_in(h, c0 + 1, xr1, er1, si1)
                wait_in(h, c0, xr0, er0, si0)
                compute(xr0, er0)
                pltpu.sync_copy(er0, acc.at[dst_v.at[c0]], add=True)

                @pl.when(i2 < _HC // 2 - 1)
                def _():
                    issue_in(h, c0 + 2, xr0, er0, si0)
                wait_in(h, c0 + 1, xr1, er1, si1)
                compute(xr1, er1)
                pltpu.sync_copy(er1, acc.at[dst_v.at[c0 + 1]], add=True)
                return 0
            lax.fori_loop(0, _HC // 2, pair, 0)
            ct = _HC - 1
            issue_in(h, ct, xr0, er0, si0)
            wait_in(h, ct, xr0, er0, si0)
            compute(xr0, er0)
            pltpu.sync_copy(er0, acc.at[dst_v.at[ct]], add=True)

        plsc.subcore_barrier()
        pltpu.sync_copy(acc.at[pl.ds(base, _L0_ROWS // 16)],
                        out_hbm.at[cid, pl.ds(base, _L0_ROWS // 16)])

    return k


def _sc_layer12():
    mesh = plsc.VectorSubcoreMesh(core_axis_name="c", subcore_axis_name="s")

    @functools.partial(
        pl.kernel,
        mesh=mesh,
        out_type=jax.ShapeDtypeStruct((2, _PK_ROWS, 128), _f32),
        scratch_types=[
            pltpu.VMEM((_NCH, _C), jnp.int32),
            pltpu.VMEM((_NCH, _C), jnp.int32),
            pltpu.VMEM((_C // 8, 128), jnp.int32),
            pltpu.VMEM((_C // 8, 128), jnp.int32),
            pltpu.VMEM((_C, 128), _f32),
            pltpu.VMEM((_C, 128), _f32),
            pltpu.VMEM((_C // 4, 128), _f32),
            pltpu.VMEM((_C // 4, 128), _f32),
            pltpu.VMEM_SHARED((_PK_ROWS, 128), _f32),
            pltpu.SemaphoreType.DMA,
            pltpu.SemaphoreType.DMA,
        ],
    )
    def k(xrep_hbm, el_hbm, src_hbm, dstq_hbm, dstm_hbm, out_hbm,
          src_v, dstq_v, dm0, dm1, xr0, xr1, eb0, eb1, acc, si0, si1):
        cid = lax.axis_index("c")
        sid = lax.axis_index("s")
        w = sid * 2 + cid
        pltpu.sync_copy(src_hbm.at[w], src_v)
        pltpu.sync_copy(dstq_hbm.at[w], dstq_v)

        def zer(j, _):
            for g in range(8):
                xr0[j, pl.ds(g * 16, 16)] = jnp.zeros((16,), _f32)
            return 0
        lax.fori_loop(0, _C, zer, 0)
        base = sid * (_PK_ROWS // 16)
        for kk in range(_PK_ROWS // 16 // _C):
            pltpu.sync_copy(xr0, acc.at[pl.ds(base + kk * _C, _C)])
        plsc.subcore_barrier()

        zero = jnp.zeros((16,), _f32)

        def compute(xr, eb, dm):
            def edge(j, _):
                dmg = dm[j // 8, pl.ds((j % 8) * 16, 16)]
                erow = j // 4
                ecol = (j % 4) * 32
                m0 = jnp.maximum(
                    xr[j, pl.ds(0, 16)] + eb[erow, pl.ds(ecol, 16)], 0.0)
                m1 = jnp.maximum(
                    xr[j, pl.ds(16, 16)] + eb[erow, pl.ds(ecol + 16, 16)],
                    0.0)
                for wd in range(4):
                    msk = dmg == wd * 32
                    xr[j, pl.ds(wd * 32, 16)] = jnp.where(msk, m0, zero)
                    xr[j, pl.ds(wd * 32 + 16, 16)] = jnp.where(msk, m1, zero)
                return 0
            lax.fori_loop(0, _C, edge, 0)

        def issue_in(i, xr, eb, dm, si):
            pltpu.async_copy(xrep_hbm.at[src_v.at[i]], xr, si)
            pltpu.async_copy(el_hbm.at[w, i], eb, si)
            pltpu.async_copy(dstm_hbm.at[w, i], dm, si)

        def wait_in(i, xr, eb, dm, si):
            pltpu.make_async_copy(xrep_hbm.at[src_v.at[i]], xr, si).wait()
            pltpu.make_async_copy(el_hbm.at[w, i], eb, si).wait()
            pltpu.make_async_copy(dstm_hbm.at[w, i], dm, si).wait()

        issue_in(0, xr0, eb0, dm0, si0)

        def pair(i2, _):
            c0 = 2 * i2
            issue_in(c0 + 1, xr1, eb1, dm1, si1)
            wait_in(c0, xr0, eb0, dm0, si0)
            compute(xr0, eb0, dm0)
            pltpu.sync_copy(xr0, acc.at[dstq_v.at[c0]], add=True)

            @pl.when(i2 < _NCH // 2 - 1)
            def _():
                issue_in(c0 + 2, xr0, eb0, dm0, si0)
            wait_in(c0 + 1, xr1, eb1, dm1, si1)
            compute(xr1, eb1, dm1)
            pltpu.sync_copy(xr1, acc.at[dstq_v.at[c0 + 1]], add=True)
            return 0
        lax.fori_loop(0, _NCH // 2, pair, 0)
        ct = _NCH - 1
        issue_in(ct, xr0, eb0, dm0, si0)
        wait_in(ct, xr0, eb0, dm0, si0)
        compute(xr0, eb0, dm0)
        pltpu.sync_copy(xr0, acc.at[dstq_v.at[ct]], add=True)
        plsc.subcore_barrier()
        pltpu.sync_copy(acc.at[pl.ds(base, _PK_ROWS // 16)],
                        out_hbm.at[cid, pl.ds(base, _PK_ROWS // 16)])

    return k



def _full(shape):
    return pl.BlockSpec(shape, lambda i: tuple(0 for _ in shape))


def _fold_body(einW, einb, we0, be0, we1, be1, we2, be2, eoW, eob,
               wc0, bc0, wc1, bc1, wc2, bc2, wo, bo):
    W = einW[...]
    b = einb[...]
    for we, be, wc, bc in ((we0, be0, wc0, bc0), (we1, be1, wc1, bc1),
                           (we2, be2, wc2, bc2), (eoW, eob, wo, bo)):
        m = we[...]
        wc[...] = jnp.dot(W, m, preferred_element_type=_f32)
        bc[...] = jnp.dot(b, m, preferred_element_type=_f32) + be[...]


def _fold_weights(einW, einb, gnn_params, eoW, eob):
    ins = [einW, einb.reshape(1, -1)]
    outs = []
    specs = [_full((16, 128)), _full((1, 128))]
    for p in gnn_params:
        d = p["We"].shape[1]
        ins += [p["We"], p["be"].reshape(1, -1)]
        specs += [_full((128, d)), _full((1, d))]
        outs += [jax.ShapeDtypeStruct((16, d), _f32),
                 jax.ShapeDtypeStruct((1, d), _f32)]
    ins += [eoW, eob.reshape(1, -1)]
    specs += [_full((128, 16)), _full((1, 16))]
    outs += [jax.ShapeDtypeStruct((16, 16), _f32),
             jax.ShapeDtypeStruct((1, 16), _f32)]
    out_specs = [_full(o.shape) for o in outs]
    return pl.pallas_call(
        _fold_body, grid=(1,), in_specs=specs, out_specs=out_specs,
        out_shape=outs)(*ins)


_BE = 3200


def _edge_body(eh_ref, eh4_ref, wc0, bc0, wb1, bb1, wb2, bb2, wo, bo,
               el0, el1, el2, eo):
    eh = eh_ref[...]
    v0 = jnp.dot(eh, wc0[...], preferred_element_type=_f32) + bc0[...]
    el0[...] = v0.reshape(el0.shape)
    e4 = eh4_ref[...]
    el1[...] = jnp.dot(e4, wb1[...], preferred_element_type=_f32) + bb1[...]
    el2[...] = jnp.dot(e4, wb2[...], preferred_element_type=_f32) + bb2[...]
    v = jnp.dot(eh, wo[...], preferred_element_type=_f32) + bo[...]
    up = jnp.concatenate([v[-1:], v[:-1]], axis=0)
    down = jnp.concatenate([v[1:], v[:1]], axis=0)
    row = lax.broadcasted_iota(jnp.int32, v.shape, 0)
    eo[...] = 0.5 * (v + jnp.where(row % 2 == 1, up, down))


def _edge_features(e_h, wc0, bc0, wb1, bb1, wb2, bb2, wo, bo):
    nblk = _E // _BE
    eh4 = e_h.reshape(_E // 4, 64)
    espec = pl.BlockSpec((_BE, 16), lambda i: (i, 0))
    e4spec = pl.BlockSpec((_BE // 4, 64), lambda i: (i, 0))
    wspecs = [_full(w.shape) for w in (wc0, bc0, wb1, bb1, wb2, bb2, wo, bo)]
    outs = [jax.ShapeDtypeStruct((_E // _C, _C, 128), _f32),
            jax.ShapeDtypeStruct((_E // 4, 128), _f32),
            jax.ShapeDtypeStruct((_E // 4, 128), _f32),
            jax.ShapeDtypeStruct((_E, 16), _f32)]
    out_specs = [pl.BlockSpec((_BE // _C, _C, 128), lambda i: (i, 0, 0)),
                 pl.BlockSpec((_BE // 4, 128), lambda i: (i, 0)),
                 pl.BlockSpec((_BE // 4, 128), lambda i: (i, 0)),
                 pl.BlockSpec((_BE, 16), lambda i: (i, 0))]
    return pl.pallas_call(
        _edge_body, grid=(nblk,), in_specs=[espec, e4spec] + wspecs,
        out_specs=out_specs, out_shape=outs)(
            e_h, eh4, wc0, bc0, wb1, bb1, wb2, bb2, wo, bo)


_BN = 2000


def _node_body(x_ref, a0_ref, a1_ref, w1, b1, w2, b2, out_ref, *, use_gelu,
               single):
    if single:
        t = x_ref[...] + a0_ref[...]
    else:
        t = x_ref[...] + a0_ref[...] + a1_ref[...]
    h = jnp.dot(t, w1[...], preferred_element_type=_f32) + b1[...]
    h = jnp.maximum(h, 0.0)
    h = jnp.dot(h, w2[...], preferred_element_type=_f32) + b2[...]
    if use_gelu:
        h = 0.5 * h * (1.0 + lax.erf(h * 0.7071067811865476))
    out_ref[...] = h


def _node_update(x, a0, a1, W1, b1, W2, b2, use_gelu):
    din = x.shape[1]
    dhid = W1.shape[1]
    dout = W2.shape[1]
    nblk = _N // _BN
    bspec = lambda d: pl.BlockSpec((_BN, d), lambda i: (i, 0))
    single = a1 is None
    args = [x, a0] + ([] if single else [a1])
    in_specs = [bspec(din), bspec(din)] + ([] if single else [bspec(din)])
    if single:
        def body(x_ref, a0_ref, w1, b1, w2, b2, out_ref):
            _node_body(x_ref, a0_ref, None, w1, b1, w2, b2, out_ref,
                       use_gelu=use_gelu, single=True)
    else:
        body = functools.partial(_node_body, use_gelu=use_gelu, single=False)
    return pl.pallas_call(
        body,
        grid=(nblk,),
        in_specs=in_specs + [_full((din, dhid)), _full((1, dhid)),
                             _full((dhid, dout)), _full((1, dout))],
        out_specs=bspec(dout),
        out_shape=jax.ShapeDtypeStruct((_N, dout), _f32))(
            *args, W1, b1.reshape(1, -1), W2, b2.reshape(1, -1))


_sc_l0 = _sc_layer0()
_sc_l12 = _sc_layer12()


def kernel(inc_node_edge, x_h, e_h, edge_in_W, edge_in_b, gnn_params,
           edge_out_W, edge_out_b):
    src = inc_node_edge[:, 0]
    dst = inc_node_edge[:, 1]
    src16 = src.reshape(16, 2, _NCH0 // 2, _C)
    dst16 = dst.reshape(16, 2, _NCH0 // 2, _C)
    src32 = src.reshape(_NW, _NCH, _C)
    dstq = (dst // 4).reshape(_NW, _NCH, _C)
    dstm = jnp.broadcast_to(((dst % 4) * 32)[:, None], (_E, 16))
    dstm = dstm.reshape(_NW, _NCH, _C // 8, 128)

    (wc0, bc0, wc1, bc1, wc2, bc2, wo, bo) = _fold_weights(
        edge_in_W, edge_in_b, gnn_params, edge_out_W, edge_out_b)
    eye4 = jnp.eye(4, dtype=_f32)
    wb1 = jnp.kron(eye4, wc1)
    bb1 = jnp.tile(bc1, (1, 4))
    wb2 = jnp.kron(eye4, wc2)
    bb2 = jnp.tile(bc2, (1, 4))

    el0, el1, el2, eo = _edge_features(
        e_h, wc0, bc0, wb1, bb1, wb2, bb2, wo, bo)

    p = gnn_params[0]
    agg = _sc_l0(x_h, el0.reshape(16, _NCH0, _C, 128), src16, dst16)
    agg = agg[:, :5000].reshape(_N, 128)
    x = _node_update(x_h, agg, None, p["W1"], p["b1"], p["W2"], p["b2"],
                     use_gelu=True)
    xs = [x]

    for l in (1, 2):
        p = gnn_params[l]
        el = (el1 if l == 1 else el2).reshape(_NW, _NCH, _C // 4, 128)
        xrep = jnp.tile(x, (1, 4))
        ag = _sc_l12(xrep, el, src32, dstq, dstm)
        a0 = ag[0].reshape(4 * _PK_ROWS, 32)[:_N]
        a1 = ag[1].reshape(4 * _PK_ROWS, 32)[:_N]
        x = _node_update(x, a0, a1, p["W1"], p["b1"], p["W2"], p["b2"],
                         use_gelu=(l < 2))
        xs.append(x)

    return (x, eo, tuple(xs))

# --- scband reference (transcript-rebuilt; emitter-appended) ---
"""Pipeline reference for scband-gnnlayer-4002909520031 (READ-ONLY COPY).

The authoritative reference and input builder live on the scoring server;
editing this copy changes nothing except your own understanding.
"""

import jax, jax.numpy as jnp
import numpy as np

N = 10000
E = 320000
D_NODE = 128
D_EDGE = 16
HID = 32
OUT = 128
IN_DIMS = [D_NODE, HID, HID]
OUT_DIMS = [HID, HID, OUT]


def _lin_init(key, fan_in, fan_out):
    k1, k2 = jax.random.split(key)
    s = 1.0 / np.sqrt(fan_in)
    W = jax.random.uniform(k1, (fan_in, fan_out), jnp.float32, -s, s)
    b = jax.random.uniform(k2, (fan_out,), jnp.float32, -s, s)
    return W, b


def setup_inputs(seed: int = 0):
    key = jax.random.key(seed)
    keys = jax.random.split(key, 16)
    inc_node_edge = jax.random.randint(keys[0], (E, 2), 0, N, dtype=jnp.int32)
    x_h = jax.random.normal(keys[1], (N, D_NODE), jnp.float32)
    e_h = jax.random.normal(keys[2], (E, D_EDGE), jnp.float32)
    edge_in_W, edge_in_b = _lin_init(keys[3], D_EDGE, D_NODE)
    gnn_params = []
    for l in range(3):
        kl = jax.random.split(keys[4 + l], 3)
        We, be = _lin_init(kl[0], D_NODE, IN_DIMS[l])
        W1, b1 = _lin_init(kl[1], IN_DIMS[l], OUT_DIMS[l])
        W2, b2 = _lin_init(kl[2], OUT_DIMS[l], OUT_DIMS[l])
        gnn_params.append({"We": We, "be": be, "W1": W1, "b1": b1, "W2": W2, "b2": b2})
    edge_out_W, edge_out_b = _lin_init(keys[7], OUT, D_EDGE)
    return {"inc_node_edge": inc_node_edge, "x_h": x_h, "e_h": e_h,
            "edge_in_W": edge_in_W, "edge_in_b": edge_in_b,
            "gnn_params": gnn_params,
            "edge_out_W": edge_out_W, "edge_out_b": edge_out_b}


def reference(inc_node_edge, x_h, e_h, edge_in_W, edge_in_b, gnn_params, edge_out_W, edge_out_b):
    # edge_index = graph.inc_node_edge.long().T
    edge_index = inc_node_edge.T
    src = edge_index[0]
    dst = edge_index[1]
    # e_h = self.edge_in_lin(e_h)
    e = e_h @ edge_in_W + edge_in_b  # [E, D_NODE]
    x = x_h
    xs = []
    n_layers = len(gnn_params)
    for l, p in enumerate(gnn_params):
        # GINEConv: per-layer edge projection to conv input dim
        e_l = e @ p["We"] + p["be"]  # [E, in_dims[l]]
        m = jax.nn.relu(x[src] + e_l)  # message
        agg = jax.ops.segment_sum(m, dst, num_segments=N)  # scatter-add at dst
        h = x + agg  # (1 + eps) * x_i + agg, eps = 0
        h = h @ p["W1"] + p["b1"]
        h = jax.nn.relu(h)
        h = h @ p["W2"] + p["b2"]
        if l < n_layers - 1:
            h = jax.nn.gelu(h, approximate=False)  # act='gelu' between layers
        x = h
        xs.append(x)
    # e_h = self.edge_out_lin(e_h)  (GINE does not update edges)
    e_out = e @ edge_out_W + edge_out_b  # [E, D_EDGE]
    # symmetrize paired (bidirectional) edges
    e_half = (e_out[::2] + e_out[1::2]) / 2.0
    e_out = jnp.tile(e_half, (1, 2)).reshape(E, D_EDGE)
    return (x, e_out, tuple(xs))

if __name__ == "__main__":
    import jax
    _d = setup_inputs()
    print(jax.jit(kernel)(*tuple(_d.values())))

</pallas_src>

<mosaic_0001>
#map = affine_map<(d0, d1) -> (0, 0)>
#map1 = affine_map<(d0, d1) -> (0, 0, 0, 0)>
#map2 = affine_map<(d0, d1) -> (0, 0, 0)>
module attributes {stable_mosaic.version = 14 : i64} {
  func.func @k(%arg0: i32, %arg1: i32, %arg2: memref<10000x128xf32, #tpu.memory_space<hbm>>, %arg3: memref<16x250x80x128xf32, #tpu.memory_space<hbm>>, %arg4: memref<16x2x125x80xi32, #tpu.memory_space<hbm>>, %arg5: memref<16x2x125x80xi32, #tpu.memory_space<hbm>>, %arg6: memref<2x5120x128xf32, #tpu.memory_space<hbm>>, %arg7: memref<125x80xi32, #tpu.memory_space<vmem>>, %arg8: memref<125x80xi32, #tpu.memory_space<vmem>>, %arg9: memref<80x128xf32, #tpu.memory_space<vmem>>, %arg10: memref<80x128xf32, #tpu.memory_space<vmem>>, %arg11: memref<80x128xf32, #tpu.memory_space<vmem>>, %arg12: memref<80x128xf32, #tpu.memory_space<vmem>>, %arg13: memref<5200x128xf32, #tpu.memory_space<vmem_shared>>, %arg14: memref<!tpu.dma_semaphore, #tpu.memory_space<semaphore_mem>>, %arg15: memref<!tpu.dma_semaphore, #tpu.memory_space<semaphore_mem>>) attributes {dimension_semantics = [#tpu.dimension_semantics<core_parallel>, #tpu.dimension_semantics<subcore_parallel>], iteration_bounds = array<i64: 2, 16>, scalar_prefetch = 0 : i64, scratch_operands = 9 : i64, tpu.core_type = #tpu.core_type<sc_vector_subcore>, window_params = [{transform_indices = #map}, {transform_indices = #map1}, {transform_indices = #map1}, {transform_indices = #map1}, {transform_indices = #map2}]} {
    %mul3A = arith.constant 5000 : i32
    %mul3A_0 = arith.muli %arg0, %mul3A : i32
    %iota3A = tpu.iota {dimensions = array<i32: 0>} : vector<16xi32>
    %scan3A = arith.constant 0 : i32
    %scan3A_1 = arith.constant 0 : i32
    %scan3A_2 = arith.constant 80 : i32
    %scan3A_3 = arith.addi %scan3A_1, %scan3A_2 : i32
    %scan3A_4 = arith.constant 1 : i32
    %scan3A_5 = scf.for %scan3A_158 = %scan3A_1 to %scan3A_3 step %scan3A_4 iter_args(%scan3A_159 = %scan3A) -> (i32)  : i32 {
      %broadcast_in_dim3A = arith.constant 0.000000e+00 : f32
      %broadcast_in_dim3A_160 = vector.broadcast %broadcast_in_dim3A : f32 to vector<16xf32>
      %swap3A = arith.index_cast %scan3A_158 : i32 to index
      %swap3A_161 = arith.constant 0 : index
      %swap3A_162 = tpu.vector_load %arg11[%swap3A, %swap3A_161] {strides = array<i32>} : memref<80x128xf32, #tpu.memory_space<vmem>>, vector<1x16xf32>,
      %swap3A_163 = vector.shape_cast %swap3A_162 : vector<1x16xf32> to vector<16xf32>
      %swap3A_164 = vector.shape_cast %broadcast_in_dim3A_160 : vector<16xf32> to vector<1x16xf32>
      tpu.vector_store %arg11[%swap3A, %swap3A_161], %swap3A_164 {strides = array<i32>} : memref<80x128xf32, #tpu.memory_space<vmem>>, vector<1x16xf32>,
      %broadcast_in_dim3A_165 = arith.constant 0.000000e+00 : f32
      %broadcast_in_dim3A_166 = vector.broadcast %broadcast_in_dim3A_165 : f32 to vector<16xf32>
      %swap3A_167 = arith.index_cast %scan3A_158 : i32 to index
      %swap3A_168 = arith.constant 16 : index
      %swap3A_169 = tpu.vector_load %arg11[%swap3A_167, %swap3A_168] {strides = array<i32>} : memref<80x128xf32, #tpu.memory_space<vmem>>, vector<1x16xf32>,
      %swap3A_170 = vector.shape_cast %swap3A_169 : vector<1x16xf32> to vector<16xf32>
      %swap3A_171 = vector.shape_cast %broadcast_in_dim3A_166 : vector<16xf32> to vector<1x16xf32>
      tpu.vector_store %arg11[%swap3A_167, %swap3A_168], %swap3A_171 {strides = array<i32>} : memref<80x128xf32, #tpu.memory_space<vmem>>, vector<1x16xf32>,
      %broadcast_in_dim3A_172 = arith.constant 0.000000e+00 : f32
      %broadcast_in_dim3A_173 = vector.broadcast %broadcast_in_dim3A_172 : f32 to vector<16xf32>
      %swap3A_174 = arith.index_cast %scan3A_158 : i32 to index
      %swap3A_175 = arith.constant 32 : index
      %swap3A_176 = tpu.vector_load %arg11[%swap3A_174, %swap3A_175] {strides = array<i32>} : memref<80x128xf32, #tpu.memory_space<vmem>>, vector<1x16xf32>,
      %swap3A_177 = vector.shape_cast %swap3A_176 : vector<1x16xf32> to vector<16xf32>
      %swap3A_178 = vector.shape_cast %broadcast_in_dim3A_173 : vector<16xf32> to vector<1x16xf32>
      tpu.vector_store %arg11[%swap3A_174, %swap3A_175], %swap3A_178 {strides = array<i32>} : memref<80x128xf32, #tpu.memory_space<vmem>>, vector<1x16xf32>,
      %broadcast_in_dim3A_179 = arith.constant 0.000000e+00 : f32
      %broadcast_in_dim3A_180 = vector.broadcast %broadcast_in_dim3A_179 : f32 to vector<16xf32>
      %swap3A_181 = arith.index_cast %scan3A_158 : i32 to index
      %swap3A_182 = arith.constant 48 : index
      %swap3A_183 = tpu.vector_load %arg11[%swap3A_181, %swap3A_182] {strides = array<i32>} : memref<80x128xf32, #tpu.memory_space<vmem>>, vector<1x16xf32>,
      %swap3A_184 = vector.shape_cast %swap3A_183 : vector<1x16xf32> to vector<16xf32>
      %swap3A_185 = vector.shape_cast %broadcast_in_dim3A_180 : vector<16xf32> to vector<1x16xf32>
      tpu.vector_store %arg11[%swap3A_181, %swap3A_182], %swap3A_185 {strides = array<i32>} : memref<80x128xf32, #tpu.memory_space<vmem>>, vector<1x16xf32>,
      %broadcast_in_dim3A_186 = arith.constant 0.000000e+00 : f32
      %broadcast_in_dim3A_187 = vector.broadcast %broadcast_in_dim3A_186 : f32 to vector<16xf32>
      %swap3A_188 = arith.index_cast %scan3A_158 : i32 to index
      %swap3A_189 = arith.constant 64 : index
      %swap3A_190 = tpu.vector_load %arg11[%swap3A_188, %swap3A_189] {strides = array<i32>} : memref<80x128xf32, #tpu.memory_space<vmem>>, vector<1x16xf32>,
      %swap3A_191 = vector.shape_cast %swap3A_190 : vector<1x16xf32> to vector<16xf32>
      %swap3A_192 = vector.shape_cast %broadcast_in_dim3A_187 : vector<16xf32> to vector<1x16xf32>
      tpu.vector_store %arg11[%swap3A_188, %swap3A_189], %swap3A_192 {strides = array<i32>} : memref<80x128xf32, #tpu.memory_space<vmem>>, vector<1x16xf32>,
      %broadcast_in_dim3A_193 = arith.constant 0.000000e+00 : f32
      %broadcast_in_dim3A_194 = vector.broadcast %broadcast_in_dim3A_193 : f32 to vector<16xf32>
      %swap3A_195 = arith.index_cast %scan3A_158 : i32 to index
      %swap3A_196 = arith.constant 80 : index
      %swap3A_197 = tpu.vector_load %arg11[%swap3A_195, %swap3A_196] {strides = array<i32>} : memref<80x128xf32, #tpu.memory_space<vmem>>, vector<1x16xf32>,
      %swap3A_198 = vector.shape_cast %swap3A_197 : vector<1x16xf32> to vector<16xf32>
      %swap3A_199 = vector.shape_cast %broadcast_in_dim3A_194 : vector<16xf32> to vector<1x16xf32>
      tpu.vector_store %arg11[%swap3A_195, %swap3A_196], %swap3A_199 {strides = array<i32>} : memref<80x128xf32, #tpu.memory_space<vmem>>, vector<1x16xf32>,
      %broadcast_in_dim3A_200 = arith.constant 0.000000e+00 : f32
      %broadcast_in_dim3A_201 = vector.broadcast %broadcast_in_dim3A_200 : f32 to vector<16xf32>
      %swap3A_202 = arith.index_cast %scan3A_158 : i32 to index
      %swap3A_203 = arith.constant 96 : index
      %swap3A_204 = tpu.vector_load %arg11[%swap3A_202, %swap3A_203] {strides = array<i32>} : memref<80x128xf32, #tpu.memory_space<vmem>>, vector<1x16xf32>,
      %swap3A_205 = vector.shape_cast %swap3A_204 : vector<1x16xf32> to vector<16xf32>
      %swap3A_206 = vector.shape_cast %broadcast_in_dim3A_201 : vector<16xf32> to vector<1x16xf32>
      tpu.vector_store %arg11[%swap3A_202, %swap3A_203], %swap3A_206 {strides = array<i32>} : memref<80x128xf32, #tpu.memory_space<vmem>>, vector<1x16xf32>,
      %broadcast_in_dim3A_207 = arith.constant 0.000000e+00 : f32
      %broadcast_in_dim3A_208 = vector.broadcast %broadcast_in_dim3A_207 : f32 to vector<16xf32>
      %swap3A_209 = arith.index_cast %scan3A_158 : i32 to index
      %swap3A_210 = arith.constant 112 : index
      %swap3A_211 = tpu.vector_load %arg11[%swap3A_209, %swap3A_210] {strides = array<i32>} : memref<80x128xf32, #tpu.memory_space<vmem>>, vector<1x16xf32>,
      %swap3A_212 = vector.shape_cast %swap3A_211 : vector<1x16xf32> to vector<16xf32>
      %swap3A_213 = vector.shape_cast %broadcast_in_dim3A_208 : vector<16xf32> to vector<1x16xf32>
      tpu.vector_store %arg11[%swap3A_209, %swap3A_210], %swap3A_213 {strides = array<i32>} : memref<80x128xf32, #tpu.memory_space<vmem>>, vector<1x16xf32>,
      %scan3A_214 = arith.constant 0 : i32
      scf.yield %scan3A_214 : i32
    }
    %scan3A_6 = arith.constant 80 : i32
    %mul3A_7 = arith.constant 320 : i32
    %mul3A_8 = arith.muli %arg1, %mul3A_7 : i32
    %add3A = arith.constant 0 : i32
    %add3A_9 = arith.addi %mul3A_8, %add3A : i32
    "tpu.region"() ({
      %run_scoped3A_158 = tpu.sem_alloc : memref<!tpu.dma_semaphore, #tpu.memory_space<semaphore_mem>>
      %dma_start3A_159 = arith.constant 0 : i32
      %dma_start3A_160 = tpu.memref_slice %arg13[%add3A_9, %dma_start3A_159] : memref<5200x128xf32, #tpu.memory_space<vmem_shared>> -> memref<80x128xf32, #tpu.memory_space<vmem_shared>>
      %dma_start3A_161 = arith.constant 0 : i32
      %dma_start3A_162 = tpu.memref_slice %arg13[%add3A_9, %dma_start3A_161] : memref<5200x128xf32, #tpu.memory_space<vmem_shared>> -> memref<80x128xf32, #tpu.memory_space<vmem_shared>>
      tpu.enqueue_dma source(%arg11 : memref<80x128xf32, #tpu.memory_space<vmem>>) target(%dma_start3A_162 : memref<80x128xf32, #tpu.memory_space<vmem_shared>>) target_semaphore(%run_scoped3A_158 : memref<!tpu.dma_semaphore, #tpu.memory_space<semaphore_mem>>)
      %dma_wait3A_163 = arith.constant 0 : i32
      %dma_wait3A_164 = tpu.memref_slice %arg13[%add3A_9, %dma_wait3A_163] : memref<5200x128xf32, #tpu.memory_space<vmem_shared>> -> memref<80x128xf32, #tpu.memory_space<vmem_shared>>
      %dma_wait3A_165 = arith.constant 0 : i32
      %dma_wait3A_166 = tpu.memref_slice %arg13[%add3A_9, %dma_wait3A_165] : memref<5200x128xf32, #tpu.memory_space<vmem_shared>> -> memref<80x128xf32, #tpu.memory_space<vmem_shared>>
      tpu.wait_dma2 semaphore(%run_scoped3A_158 : memref<!tpu.dma_semaphore, #tpu.memory_space<semaphore_mem>>) src(%arg11 : memref<80x128xf32, #tpu.memory_space<vmem>>) dst(%dma_wait3A_166 : memref<80x128xf32, #tpu.memory_space<vmem_shared>>)
      tpu.yield
    }) : () -> ()
    %add3A_10 = arith.constant 80 : i32
    %add3A_11 = arith.addi %mul3A_8, %add3A_10 : i32
    "tpu.region"() ({
      %run_scoped3A_158 = tpu.sem_alloc : memref<!tpu.dma_semaphore, #tpu.memory_space<semaphore_mem>>
      %dma_start3A_159 = arith.constant 0 : i32
      %dma_start3A_160 = tpu.memref_slice %arg13[%add3A_11, %dma_start3A_159] : memref<5200x128xf32, #tpu.memory_space<vmem_shared>> -> memref<80x128xf32, #tpu.memory_space<vmem_shared>>
      %dma_start3A_161 = arith.constant 0 : i32
      %dma_start3A_162 = tpu.memref_slice %arg13[%add3A_11, %dma_start3A_161] : memref<5200x128xf32, #tpu.memory_space<vmem_shared>> -> memref<80x128xf32, #tpu.memory_space<vmem_shared>>
      tpu.enqueue_dma source(%arg11 : memref<80x128xf32, #tpu.memory_space<vmem>>) target(%dma_start3A_162 : memref<80x128xf32, #tpu.memory_space<vmem_shared>>) target_semaphore(%run_scoped3A_158 : memref<!tpu.dma_semaphore, #tpu.memory_space<semaphore_mem>>)
      %dma_wait3A_163 = arith.constant 0 : i32
      %dma_wait3A_164 = tpu.memref_slice %arg13[%add3A_11, %dma_wait3A_163] : memref<5200x128xf32, #tpu.memory_space<vmem_shared>> -> memref<80x128xf32, #tpu.memory_space<vmem_shared>>
      %dma_wait3A_165 = arith.constant 0 : i32
      %dma_wait3A_166 = tpu.memref_slice %arg13[%add3A_11, %dma_wait3A_165] : memref<5200x128xf32, #tpu.memory_space<vmem_shared>> -> memref<80x128xf32, #tpu.memory_space<vmem_shared>>
      tpu.wait_dma2 semaphore(%run_scoped3A_158 : memref<!tpu.dma_semaphore, #tpu.memory_space<semaphore_mem>>) src(%arg11 : memref<80x128xf32, #tpu.memory_space<vmem>>) dst(%dma_wait3A_166 : memref<80x128xf32, #tpu.memory_space<vmem_shared>>)
      tpu.yield
    }) : () -> ()
    %add3A_12 = arith.constant 160 : i32
    %add3A_13 = arith.addi %mul3A_8, %add3A_12 : i32
    "tpu.region"() ({
      %run_scoped3A_158 = tpu.sem_alloc : memref<!tpu.dma_semaphore, #tpu.memory_space<semaphore_mem>>
      %dma_start3A_159 = arith.constant 0 : i32
      %dma_start3A_160 = tpu.memref_slice %arg13[%add3A_13, %dma_start3A_159] : memref<5200x128xf32, #tpu.memory_space<vmem_shared>> -> memref<80x128xf32, #tpu.memory_space<vmem_shared>>
      %dma_start3A_161 = arith.constant 0 : i32
      %dma_start3A_162 = tpu.memref_slice %arg13[%add3A_13, %dma_start3A_161] : memref<5200x128xf32, #tpu.memory_space<vmem_shared>> -> memref<80x128xf32, #tpu.memory_space<vmem_shared>>
      tpu.enqueue_dma source(%arg11 : memref<80x128xf32, #tpu.memory_space<vmem>>) target(%dma_start3A_162 : memref<80x128xf32, #tpu.memory_space<vmem_shared>>) target_semaphore(%run_scoped3A_158 : memref<!tpu.dma_semaphore, #tpu.memory_space<semaphore_mem>>)
      %dma_wait3A_163 = arith.constant 0 : i32
      %dma_wait3A_164 = tpu.memref_slice %arg13[%add3A_13, %dma_wait3A_163] : memref<5200x128xf32, #tpu.memory_space<vmem_shared>> -> memref<80x128xf32, #tpu.memory_space<vmem_shared>>
      %dma_wait3A_165 = arith.constant 0 : i32
      %dma_wait3A_166 = tpu.memref_slice %arg13[%add3A_13, %dma_wait3A_165] : memref<5200x128xf32, #tpu.memory_space<vmem_shared>> -> memref<80x128xf32, #tpu.memory_space<vmem_shared>>
      tpu.wait_dma2 semaphore(%run_scoped3A_158 : memref<!tpu.dma_semaphore, #tpu.memory_space<semaphore_mem>>) src(%arg11 : memref<80x128xf32, #tpu.memory_space<vmem>>) dst(%dma_wait3A_166 : memref<80x128xf32, #tpu.memory_space<vmem_shared>>)
      tpu.yield
    }) : () -> ()
    %add3A_14 = arith.constant 240 : i32
    %add3A_15 = arith.addi %mul3A_8, %add3A_14 : i32
    "tpu.region"() ({
      %run_scoped3A_158 = tpu.sem_alloc : memref<!tpu.dma_semaphore, #tpu.memory_space<semaphore_mem>>
      %dma_start3A_159 = arith.constant 0 : i32
      %dma_start3A_160 = tpu.memref_slice %arg13[%add3A_15, %dma_start3A_159] : memref<5200x128xf32, #tpu.memory_space<vmem_shared>> -> memref<80x128xf32, #tpu.memory_space<vmem_shared>>
      %dma_start3A_161 = arith.constant 0 : i32
      %dma_start3A_162 = tpu.memref_slice %arg13[%add3A_15, %dma_start3A_161] : memref<5200x128xf32, #tpu.memory_space<vmem_shared>> -> memref<80x128xf32, #tpu.memory_space<vmem_shared>>
      tpu.enqueue_dma source(%arg11 : memref<80x128xf32, #tpu.memory_space<vmem>>) target(%dma_start3A_162 : memref<80x128xf32, #tpu.memory_space<vmem_shared>>) target_semaphore(%run_scoped3A_158 : memref<!tpu.dma_semaphore, #tpu.memory_space<semaphore_mem>>)
      %dma_wait3A_163 = arith.constant 0 : i32
      %dma_wait3A_164 = tpu.memref_slice %arg13[%add3A_15, %dma_wait3A_163] : memref<5200x128xf32, #tpu.memory_space<vmem_shared>> -> memref<80x128xf32, #tpu.memory_space<vmem_shared>>
      %dma_wait3A_165 = arith.constant 0 : i32
      %dma_wait3A_166 = tpu.memref_slice %arg13[%add3A_15, %dma_wait3A_165] : memref<5200x128xf32, #tpu.memory_space<vmem_shared>> -> memref<80x128xf32, #tpu.memory_space<vmem_shared>>
      tpu.wait_dma2 semaphore(%run_scoped3A_158 : memref<!tpu.dma_semaphore, #tpu.memory_space<semaphore_mem>>) src(%arg11 : memref<80x128xf32, #tpu.memory_space<vmem>>) dst(%dma_wait3A_166 : memref<80x128xf32, #tpu.memory_space<vmem_shared>>)
      tpu.yield
    }) : () -> ()
    %barrier3A = arith.constant 0 : index
    tpu.barrier barrier_id(%barrier3A)
    %run_scoped3A = arith.constant 0 : i32
    "tpu.region"() ({
      %run_scoped3A_158 = tpu.sem_alloc : memref<!tpu.dma_semaphore, #tpu.memory_space<semaphore_mem>>
      %dma_start3A_159 = arith.constant 0 : i32
      %dma_start3A_160 = arith.constant 0 : i32
      %dma_start3A_161 = tpu.memref_slice %arg4[%arg1, %run_scoped3A, %dma_start3A_159, %dma_start3A_160] : memref<16x2x125x80xi32, #tpu.memory_space<hbm>> -> memref<1x1x125x80xi32, #tpu.memory_space<hbm>>
      %dma_start3A_162 = tpu.memref_squeeze %dma_start3A_161 : memref<1x1x125x80xi32, #tpu.memory_space<hbm>> -> memref<125x80xi32, #tpu.memory_space<hbm>>
      %dma_start3A_163 = arith.constant 0 : i32
      %dma_start3A_164 = arith.constant 0 : i32
      %dma_start3A_165 = tpu.memref_slice %arg4[%arg1, %run_scoped3A, %dma_start3A_163, %dma_start3A_164] : memref<16x2x125x80xi32, #tpu.memory_space<hbm>> -> memref<1x1x125x80xi32, #tpu.memory_space<hbm>>
      %dma_start3A_166 = tpu.memref_squeeze %dma_start3A_165 : memref<1x1x125x80xi32, #tpu.memory_space<hbm>> -> memref<125x80xi32, #tpu.memory_space<hbm>>
      tpu.enqueue_dma source(%dma_start3A_166 : memref<125x80xi32, #tpu.memory_space<hbm>>) target(%arg7 : memref<125x80xi32, #tpu.memory_space<vmem>>) target_semaphore(%run_scoped3A_158 : memref<!tpu.dma_semaphore, #tpu.memory_space<semaphore_mem>>)
      %dma_wait3A_167 = arith.constant 0 : i32
      %dma_wait3A_168 = arith.constant 0 : i32
      %dma_wait3A_169 = tpu.memref_slice %arg4[%arg1, %run_scoped3A, %dma_wait3A_167, %dma_wait3A_168] : memref<16x2x125x80xi32, #tpu.memory_space<hbm>> -> memref<1x1x125x80xi32, #tpu.memory_space<hbm>>
      %dma_wait3A_170 = tpu.memref_squeeze %dma_wait3A_169 : memref<1x1x125x80xi32, #tpu.memory_space<hbm>> -> memref<125x80xi32, #tpu.memory_space<hbm>>
      %dma_wait3A_171 = arith.constant 0 : i32
      %dma_wait3A_172 = arith.constant 0 : i32
      %dma_wait3A_173 = tpu.memref_slice %arg4[%arg1, %run_scoped3A, %dma_wait3A_171, %dma_wait3A_172] : memref<16x2x125x80xi32, #tpu.memory_space<hbm>> -> memref<1x1x125x80xi32, #tpu.memory_space<hbm>>
      %dma_wait3A_174 = tpu.memref_squeeze %dma_wait3A_173 : memref<1x1x125x80xi32, #tpu.memory_space<hbm>> -> memref<125x80xi32, #tpu.memory_space<hbm>>
      tpu.wait_dma2 semaphore(%run_scoped3A_158 : memref<!tpu.dma_semaphore, #tpu.memory_space<semaphore_mem>>) src(%dma_wait3A_174 : memref<125x80xi32, #tpu.memory_space<hbm>>) dst(%arg7 : memref<125x80xi32, #tpu.memory_space<vmem>>)
      tpu.yield
    }) : () -> ()
    %run_scoped3A_16 = arith.constant 0 : i32
    "tpu.region"() ({
      %run_scoped3A_158 = tpu.sem_alloc : memref<!tpu.dma_semaphore, #tpu.memory_space<semaphore_mem>>
      %dma_start3A_159 = arith.constant 0 : i32
      %dma_start3A_160 = arith.constant 0 : i32
      %dma_start3A_161 = tpu.memref_slice %arg5[%arg1, %run_scoped3A_16, %dma_start3A_159, %dma_start3A_160] : memref<16x2x125x80xi32, #tpu.memory_space<hbm>> -> memref<1x1x125x80xi32, #tpu.memory_space<hbm>>
      %dma_start3A_162 = tpu.memref_squeeze %dma_start3A_161 : memref<1x1x125x80xi32, #tpu.memory_space<hbm>> -> memref<125x80xi32, #tpu.memory_space<hbm>>
      %dma_start3A_163 = arith.constant 0 : i32
      %dma_start3A_164 = arith.constant 0 : i32
      %dma_start3A_165 = tpu.memref_slice %arg5[%arg1, %run_scoped3A_16, %dma_start3A_163, %dma_start3A_164] : memref<16x2x125x80xi32, #tpu.memory_space<hbm>> -> memref<1x1x125x80xi32, #tpu.memory_space<hbm>>
      %dma_start3A_166 = tpu.memref_squeeze %dma_start3A_165 : memref<1x1x125x80xi32, #tpu.memory_space<hbm>> -> memref<125x80xi32, #tpu.memory_space<hbm>>
      tpu.enqueue_dma source(%dma_start3A_166 : memref<125x80xi32, #tpu.memory_space<hbm>>) target(%arg8 : memref<125x80xi32, #tpu.memory_space<vmem>>) target_semaphore(%run_scoped3A_158 : memref<!tpu.dma_semaphore, #tpu.memory_space<semaphore_mem>>)
      %dma_wait3A_167 = arith.constant 0 : i32
      %dma_wait3A_168 = arith.constant 0 : i32
      %dma_wait3A_169 = tpu.memref_slice %arg5[%arg1, %run_scoped3A_16, %dma_wait3A_167, %dma_wait3A_168] : memref<16x2x125x80xi32, #tpu.memory_space<hbm>> -> memref<1x1x125x80xi32, #tpu.memory_space<hbm>>
      %dma_wait3A_170 = tpu.memref_squeeze %dma_wait3A_169 : memref<1x1x125x80xi32, #tpu.memory_space<hbm>> -> memref<125x80xi32, #tpu.memory_space<hbm>>
      %dma_wait3A_171 = arith.constant 0 : i32
      %dma_wait3A_172 = arith.constant 0 : i32
      %dma_wait3A_173 = tpu.memref_slice %arg5[%arg1, %run_scoped3A_16, %dma_wait3A_171, %dma_wait3A_172] : memref<16x2x125x80xi32, #tpu.memory_space<hbm>> -> memref<1x1x125x80xi32, #tpu.memory_space<hbm>>
      %dma_wait3A_174 = tpu.memref_squeeze %dma_wait3A_173 : memref<1x1x125x80xi32, #tpu.memory_space<hbm>> -> memref<125x80xi32, #tpu.memory_space<hbm>>
      tpu.wait_dma2 semaphore(%run_scoped3A_158 : memref<!tpu.dma_semaphore, #tpu.memory_space<semaphore_mem>>) src(%dma_wait3A_174 : memref<125x80xi32, #tpu.memory_space<hbm>>) dst(%arg8 : memref<125x80xi32, #tpu.memory_space<vmem>>)
      tpu.yield
    }) : () -> ()
    %scan3A_17 = arith.constant 0 : i32
    %scan3A_18 = arith.constant 0 : i32
    %scan3A_19 = arith.constant 125 : i32
    %scan3A_20 = arith.addi %scan3A_18, %scan3A_19 : i32
    %scan3A_21 = arith.constant 1 : i32
    %scan3A_22 = scf.for %scan3A_158 = %scan3A_18 to %scan3A_20 step %scan3A_21 iter_args(%scan3A_159 = %scan3A_17) -> (i32)  : i32 {
      %get3A = arith.index_cast %scan3A_158 : i32 to index
      %get3A_160 = arith.constant 0 : index
      %get3A_161 = tpu.vector_load %arg8[%get3A, %get3A_160] {strides = array<i32>} : memref<125x80xi32, #tpu.memory_space<vmem>>, vector<1x16xi32>,
      %get3A_162 = vector.shape_cast %get3A_161 : vector<1x16xi32> to vector<16xi32>
      %sub3A = vector.broadcast %mul3A_0 : i32 to vector<16xi32>
      %sub3A_163 = arith.subi %get3A_162, %sub3A : vector<16xi32>
      %ge3A = arith.constant 0 : i32
      %ge3A_164 = vector.broadcast %ge3A : i32 to vector<16xi32>
      %ge3A_165 = arith.cmpi sge, %sub3A_163, %ge3A_164 : vector<16xi32>
      %lt3A = arith.constant 5000 : i32
      %lt3A_166 = vector.broadcast %lt3A : i32 to vector<16xi32>
      %lt3A_167 = arith.cmpi slt, %sub3A_163, %lt3A_166 : vector<16xi32>
      %and3A = arith.andi %ge3A_165, %lt3A_167 : vector<16xi1>
      %add3A_168 = arith.constant 5120 : i32
      %add3A_169 = vector.broadcast %add3A_168 : i32 to vector<16xi32>
      %add3A_170 = arith.addi %add3A_169, %iota3A : vector<16xi32>
      %select_n3A = arith.select %and3A, %sub3A_163, %add3A_170 : vector<16xi1>, vector<16xi32>
      %swap3A = arith.index_cast %scan3A_158 : i32 to index
      %swap3A_171 = arith.constant 0 : index
      %swap3A_172 = tpu.vector_load %arg8[%swap3A, %swap3A_171] {strides = array<i32>} : memref<125x80xi32, #tpu.memory_space<vmem>>, vector<1x16xi32>,
      %swap3A_173 = vector.shape_cast %swap3A_172 : vector<1x16xi32> to vector<16xi32>
      %swap3A_174 = vector.shape_cast %select_n3A : vector<16xi32> to vector<1x16xi32>
      tpu.vector_store %arg8[%swap3A, %swap3A_171], %swap3A_174 {strides = array<i32>} : memref<125x80xi32, #tpu.memory_space<vmem>>, vector<1x16xi32>,
      %get3A_175 = arith.index_cast %scan3A_158 : i32 to index
      %get3A_176 = arith.constant 16 : index
      %get3A_177 = tpu.vector_load %arg8[%get3A_175, %get3A_176] {strides = array<i32>} : memref<125x80xi32, #tpu.memory_space<vmem>>, vector<1x16xi32>,
      %get3A_178 = vector.shape_cast %get3A_177 : vector<1x16xi32> to vector<16xi32>
      %sub3A_179 = vector.broadcast %mul3A_0 : i32 to vector<16xi32>
      %sub3A_180 = arith.subi %get3A_178, %sub3A_179 : vector<16xi32>
      %ge3A_181 = arith.constant 0 : i32
      %ge3A_182 = vector.broadcast %ge3A_181 : i32 to vector<16xi32>
      %ge3A_183 = arith.cmpi sge, %sub3A_180, %ge3A_182 : vector<16xi32>
      %lt3A_184 = arith.constant 5000 : i32
      %lt3A_185 = vector.broadcast %lt3A_184 : i32 to vector<16xi32>
      %lt3A_186 = arith.cmpi slt, %sub3A_180, %lt3A_185 : vector<16xi32>
      %and3A_187 = arith.andi %ge3A_183, %lt3A_186 : vector<16xi1>
      %add3A_188 = arith.constant 5136 : i32
      %add3A_189 = vector.broadcast %add3A_188 : i32 to vector<16xi32>
      %add3A_190 = arith.addi %add3A_189, %iota3A : vector<16xi32>
      %select_n3A_191 = arith.select %and3A_187, %sub3A_180, %add3A_190 : vector<16xi1>, vector<16xi32>
      %swap3A_192 = arith.index_cast %scan3A_158 : i32 to index
      %swap3A_193 = arith.constant 16 : index
      %swap3A_194 = tpu.vector_load %arg8[%swap3A_192, %swap3A_193] {strides = array<i32>} : memref<125x80xi32, #tpu.memory_space<vmem>>, vector<1x16xi32>,
      %swap3A_195 = vector.shape_cast %swap3A_194 : vector<1x16xi32> to vector<16xi32>
      %swap3A_196 = vector.shape_cast %select_n3A_191 : vector<16xi32> to vector<1x16xi32>
      tpu.vector_store %arg8[%swap3A_192, %swap3A_193], %swap3A_196 {strides = array<i32>} : memref<125x80xi32, #tpu.memory_space<vmem>>, vector<1x16xi32>,
      %get3A_197 = arith.index_cast %scan3A_158 : i32 to index
      %get3A_198 = arith.constant 32 : index
      %get3A_199 = tpu.vector_load %arg8[%get3A_197, %get3A_198] {strides = array<i32>} : memref<125x80xi32, #tpu.memory_space<vmem>>, vector<1x16xi32>,
      %get3A_200 = vector.shape_cast %get3A_199 : vector<1x16xi32> to vector<16xi32>
      %sub3A_201 = vector.broadcast %mul3A_0 : i32 to vector<16xi32>
      %sub3A_202 = arith.subi %get3A_200, %sub3A_201 : vector<16xi32>
      %ge3A_203 = arith.constant 0 : i32
      %ge3A_204 = vector.broadcast %ge3A_203 : i32 to vector<16xi32>
      %ge3A_205 = arith.cmpi sge, %sub3A_202, %ge3A_204 : vector<16xi32>
      %lt3A_206 = arith.constant 5000 : i32
      %lt3A_207 = vector.broadcast %lt3A_206 : i32 to vector<16xi32>
      %lt3A_208 = arith.cmpi slt, %sub3A_202, %lt3A_207 : vector<16xi32>
      %and3A_209 = arith.andi %ge3A_205, %lt3A_208 : vector<16xi1>
      %add3A_210 = arith.constant 5152 : i32
      %add3A_211 = vector.broadcast %add3A_210 : i32 to vector<16xi32>
      %add3A_212 = arith.addi %add3A_211, %iota3A : vector<16xi32>
      %select_n3A_213 = arith.select %and3A_209, %sub3A_202, %add3A_212 : vector<16xi1>, vector<16xi32>
      %swap3A_214 = arith.index_cast %scan3A_158 : i32 to index
      %swap3A_215 = arith.constant 32 : index
      %swap3A_216 = tpu.vector_load %arg8[%swap3A_214, %swap3A_215] {strides = array<i32>} : memref<125x80xi32, #tpu.memory_space<vmem>>, vector<1x16xi32>,
      %swap3A_217 = vector.shape_cast %swap3A_216 : vector<1x16xi32> to vector<16xi32>
      %swap3A_218 = vector.shape_cast %select_n3A_213 : vector<16xi32> to vector<1x16xi32>
      tpu.vector_store %arg8[%swap3A_214, %swap3A_215], %swap3A_218 {strides = array<i32>} : memref<125x80xi32, #tpu.memory_space<vmem>>, vector<1x16xi32>,
      %get3A_219 = arith.index_cast %scan3A_158 : i32 to index
      %get3A_220 = arith.constant 48 : index
      %get3A_221 = tpu.vector_load %arg8[%get3A_219, %get3A_220] {strides = array<i32>} : memref<125x80xi32, #tpu.memory_space<vmem>>, vector<1x16xi32>,
      %get3A_222 = vector.shape_cast %get3A_221 : vector<1x16xi32> to vector<16xi32>
      %sub3A_223 = vector.broadcast %mul3A_0 : i32 to vector<16xi32>
      %sub3A_224 = arith.subi %get3A_222, %sub3A_223 : vector<16xi32>
      %ge3A_225 = arith.constant 0 : i32
      %ge3A_226 = vector.broadcast %ge3A_225 : i32 to vector<16xi32>
      %ge3A_227 = arith.cmpi sge, %sub3A_224, %ge3A_226 : vector<16xi32>
      %lt3A_228 = arith.constant 5000 : i32
      %lt3A_229 = vector.broadcast %lt3A_228 : i32 to vector<16xi32>
      %lt3A_230 = arith.cmpi slt, %sub3A_224, %lt3A_229 : vector<16xi32>
      %and3A_231 = arith.andi %ge3A_227, %lt3A_230 : vector<16xi1>
      %add3A_232 = arith.constant 5168 : i32
      %add3A_233 = vector.broadcast %add3A_232 : i32 to vector<16xi32>
      %add3A_234 = arith.addi %add3A_233, %iota3A : vector<16xi32>
      %select_n3A_235 = arith.select %and3A_231, %sub3A_224, %add3A_234 : vector<16xi1>, vector<16xi32>
      %swap3A_236 = arith.index_cast %scan3A_158 : i32 to index
      %swap3A_237 = arith.constant 48 : index
      %swap3A_238 = tpu.vector_load %arg8[%swap3A_236, %swap3A_237] {strides = array<i32>} : memref<125x80xi32, #tpu.memory_space<vmem>>, vector<1x16xi32>,
      %swap3A_239 = vector.shape_cast %swap3A_238 : vector<1x16xi32> to vector<16xi32>
      %swap3A_240 = vector.shape_cast %select_n3A_235 : vector<16xi32> to vector<1x16xi32>
      tpu.vector_store %arg8[%swap3A_236, %swap3A_237], %swap3A_240 {strides = array<i32>} : memref<125x80xi32, #tpu.memory_space<vmem>>, vector<1x16xi32>,
      %get3A_241 = arith.index_cast %scan3A_158 : i32 to index
      %get3A_242 = arith.constant 64 : index
      %get3A_243 = tpu.vector_load %arg8[%get3A_241, %get3A_242] {strides = array<i32>} : memref<125x80xi32, #tpu.memory_space<vmem>>, vector<1x16xi32>,
      %get3A_244 = vector.shape_cast %get3A_243 : vector<1x16xi32> to vector<16xi32>
      %sub3A_245 = vector.broadcast %mul3A_0 : i32 to vector<16xi32>
      %sub3A_246 = arith.subi %get3A_244, %sub3A_245 : vector<16xi32>
      %ge3A_247 = arith.constant 0 : i32
      %ge3A_248 = vector.broadcast %ge3A_247 : i32 to vector<16xi32>
      %ge3A_249 = arith.cmpi sge, %sub3A_246, %ge3A_248 : vector<16xi32>
      %lt3A_250 = arith.constant 5000 : i32
      %lt3A_251 = vector.broadcast %lt3A_250 : i32 to vector<16xi32>
      %lt3A_252 = arith.cmpi slt, %sub3A_246, %lt3A_251 : vector<16xi32>
      %and3A_253 = arith.andi %ge3A_249, %lt3A_252 : vector<16xi1>
      %add3A_254 = arith.constant 5184 : i32
      %add3A_255 = vector.broadcast %add3A_254 : i32 to vector<16xi32>
      %add3A_256 = arith.addi %add3A_255, %iota3A : vector<16xi32>
      %select_n3A_257 = arith.select %and3A_253, %sub3A_246, %add3A_256 : vector<16xi1>, vector<16xi32>
      %swap3A_258 = arith.index_cast %scan3A_158 : i32 to index
      %swap3A_259 = arith.constant 64 : index
      %swap3A_260 = tpu.vector_load %arg8[%swap3A_258, %swap3A_259] {strides = array<i32>} : memref<125x80xi32, #tpu.memory_space<vmem>>, vector<1x16xi32>,
      %swap3A_261 = vector.shape_cast %swap3A_260 : vector<1x16xi32> to vector<16xi32>
      %swap3A_262 = vector.shape_cast %select_n3A_257 : vector<16xi32> to vector<1x16xi32>
      tpu.vector_store %arg8[%swap3A_258, %swap3A_259], %swap3A_262 {strides = array<i32>} : memref<125x80xi32, #tpu.memory_space<vmem>>, vector<1x16xi32>,
      %scan3A_263 = arith.constant 0 : i32
      scf.yield %scan3A_263 : i32
    }
    %scan3A_23 = arith.constant 125 : i32
    %dma_start3A = arith.constant 0 : i32
    %dma_start3A_24 = arith.constant 0 : i32
    %dma_start3A_25 = tpu.memref_slice %arg7[%dma_start3A, %dma_start3A_24] : memref<125x80xi32, #tpu.memory_space<vmem>> -> memref<1x80xi32, #tpu.memory_space<vmem>>
    %dma_start3A_26 = tpu.memref_squeeze %dma_start3A_25 : memref<1x80xi32, #tpu.memory_space<vmem>> -> memref<80xi32, #tpu.memory_space<vmem>>
    %dma_start3A_27 = arith.constant 0 : i32
    %dma_start3A_28 = arith.constant 0 : i32
    %dma_start3A_29 = tpu.memref_slice %arg2[%dma_start3A_27, %dma_start3A_28] : memref<10000x128xf32, #tpu.memory_space<hbm>> -> memref<10000x128xf32, #tpu.memory_space<hbm>>
    tpu.enqueue_indirect_dma source(%dma_start3A_29 : memref<10000x128xf32, #tpu.memory_space<hbm>>) target(%arg9 : memref<80x128xf32, #tpu.memory_space<vmem>>) offsets(%dma_start3A_26 : memref<80xi32, #tpu.memory_space<vmem>>) semaphore(%arg14 : memref<!tpu.dma_semaphore, #tpu.memory_space<semaphore_mem>>)
    %dma_start3A_30 = arith.constant 0 : i32
    %dma_start3A_31 = arith.constant 0 : i32
    %dma_start3A_32 = arith.constant 0 : i32
    %dma_start3A_33 = tpu.memref_slice %arg3[%arg1, %dma_start3A_30, %dma_start3A_31, %dma_start3A_32] : memref<16x250x80x128xf32, #tpu.memory_space<hbm>> -> memref<1x1x80x128xf32, #tpu.memory_space<hbm>>
    %dma_start3A_34 = tpu.memref_squeeze %dma_start3A_33 : memref<1x1x80x128xf32, #tpu.memory_space<hbm>> -> memref<80x128xf32, #tpu.memory_space<hbm>>
    %dma_start3A_35 = arith.constant 0 : i32
    %dma_start3A_36 = arith.constant 0 : i32
    %dma_start3A_37 = tpu.memref_slice %arg3[%arg1, %dma_start3A_30, %dma_start3A_35, %dma_start3A_36] : memref<16x250x80x128xf32, #tpu.memory_space<hbm>> -> memref<1x1x80x128xf32, #tpu.memory_space<hbm>>
    %dma_start3A_38 = tpu.memref_squeeze %dma_start3A_37 : memref<1x1x80x128xf32, #tpu.memory_space<hbm>> -> memref<80x128xf32, #tpu.memory_space<hbm>>
    tpu.enqueue_dma source(%dma_start3A_38 : memref<80x128xf32, #tpu.memory_space<hbm>>) target(%arg11 : memref<80x128xf32, #tpu.memory_space<vmem>>) target_semaphore(%arg14 : memref<!tpu.dma_semaphore, #tpu.memory_space<semaphore_mem>>)
    %scan3A_39 = arith.constant 0 : i32
    %scan3A_40 = arith.constant 0 : i32
    %scan3A_41 = arith.constant 62 : i32
    %scan3A_42 = arith.addi %scan3A_40, %scan3A_41 : i32
    %scan3A_43 = arith.constant 1 : i32
    %scan3A_44 = scf.for %scan3A_158 = %scan3A_40 to %scan3A_42 step %scan3A_43 iter_args(%scan3A_159 = %scan3A_39) -> (i32)  : i32 {
      %mul3A_160 = arith.constant 2 : i32
      %mul3A_161 = arith.muli %mul3A_160, %scan3A_158 : i32
      %add3A_162 = arith.constant 1 : i32
      %add3A_163 = arith.addi %mul3A_161, %add3A_162 : i32
      %dma_start3A_164 = arith.constant 0 : i32
      %dma_start3A_165 = tpu.memref_slice %arg7[%add3A_163, %dma_start3A_164] : memref<125x80xi32, #tpu.memory_space<vmem>> -> memref<1x80xi32, #tpu.memory_space<vmem>>
      %dma_start3A_166 = tpu.memref_squeeze %dma_start3A_165 : memref<1x80xi32, #tpu.memory_space<vmem>> -> memref<80xi32, #tpu.memory_space<vmem>>
      %dma_start3A_167 = arith.constant 0 : i32
      %dma_start3A_168 = arith.constant 0 : i32
      %dma_start3A_169 = tpu.memref_slice %arg2[%dma_start3A_167, %dma_start3A_168] : memref<10000x128xf32, #tpu.memory_space<hbm>> -> memref<10000x128xf32, #tpu.memory_space<hbm>>
      tpu.enqueue_indirect_dma source(%dma_start3A_169 : memref<10000x128xf32, #tpu.memory_space<hbm>>) target(%arg10 : memref<80x128xf32, #tpu.memory_space<vmem>>) offsets(%dma_start3A_166 : memref<80xi32, #tpu.memory_space<vmem>>) semaphore(%arg15 : memref<!tpu.dma_semaphore, #tpu.memory_space<semaphore_mem>>)
      %add3A_170 = arith.constant 0 : i32
      %add3A_171 = arith.addi %add3A_170, %add3A_163 : i32
      %dma_start3A_172 = arith.constant 0 : i32
      %dma_start3A_173 = arith.constant 0 : i32
      %dma_start3A_174 = tpu.memref_slice %arg3[%arg1, %add3A_171, %dma_start3A_172, %dma_start3A_173] : memref<16x250x80x128xf32, #tpu.memory_space<hbm>> -> memref<1x1x80x128xf32, #tpu.memory_space<hbm>>
      %dma_start3A_175 = tpu.memref_squeeze %dma_start3A_174 : memref<1x1x80x128xf32, #tpu.memory_space<hbm>> -> memref<80x128xf32, #tpu.memory_space<hbm>>
      %dma_start3A_176 = arith.constant 0 : i32
      %dma_start3A_177 = arith.constant 0 : i32
      %dma_start3A_178 = tpu.memref_slice %arg3[%arg1, %add3A_171, %dma_start3A_176, %dma_start3A_177] : memref<16x250x80x128xf32, #tpu.memory_space<hbm>> -> memref<1x1x80x128xf32, #tpu.memory_space<hbm>>
      %dma_start3A_179 = tpu.memref_squeeze %dma_start3A_178 : memref<1x1x80x128xf32, #tpu.memory_space<hbm>> -> memref<80x128xf32, #tpu.memory_space<hbm>>
      tpu.enqueue_dma source(%dma_start3A_179 : memref<80x128xf32, #tpu.memory_space<hbm>>) target(%arg12 : memref<80x128xf32, #tpu.memory_space<vmem>>) target_semaphore(%arg15 : memref<!tpu.dma_semaphore, #tpu.memory_space<semaphore_mem>>)
      %dma_wait3A_180 = arith.constant 0 : i32
      %dma_wait3A_181 = tpu.memref_slice %arg7[%mul3A_161, %dma_wait3A_180] : memref<125x80xi32, #tpu.memory_space<vmem>> -> memref<1x80xi32, #tpu.memory_space<vmem>>
      %dma_wait3A_182 = tpu.memref_squeeze %dma_wait3A_181 : memref<1x80xi32, #tpu.memory_space<vmem>> -> memref<80xi32, #tpu.memory_space<vmem>>
      %dma_wait3A_183 = arith.constant 0 : i32
      %dma_wait3A_184 = arith.constant 0 : i32
      %dma_wait3A_185 = tpu.memref_slice %arg2[%dma_wait3A_183, %dma_wait3A_184] : memref<10000x128xf32, #tpu.memory_space<hbm>> -> memref<10000x128xf32, #tpu.memory_space<hbm>>
      tpu.wait_indirect_dma semaphore(%arg14 : memref<!tpu.dma_semaphore, #tpu.memory_space<semaphore_mem>>) src(%dma_wait3A_185 : memref<10000x128xf32, #tpu.memory_space<hbm>>) dst(%arg9 : memref<80x128xf32, #tpu.memory_space<vmem>>)
      %add3A_186 = arith.constant 0 : i32
      %add3A_187 = arith.addi %add3A_186, %mul3A_161 : i32
      %dma_wait3A_188 = arith.constant 0 : i32
      %dma_wait3A_189 = arith.constant 0 : i32
      %dma_wait3A_190 = tpu.memref_slice %arg3[%arg1, %add3A_187, %dma_wait3A_188, %dma_wait3A_189] : memref<16x250x80x128xf32, #tpu.memory_space<hbm>> -> memref<1x1x80x128xf32, #tpu.memory_space<hbm>>
      %dma_wait3A_191 = tpu.memref_squeeze %dma_wait3A_190 : memref<1x1x80x128xf32, #tpu.memory_space<hbm>> -> memref<80x128xf32, #tpu.memory_space<hbm>>
      %dma_wait3A_192 = arith.constant 0 : i32
      %dma_wait3A_193 = arith.constant 0 : i32
      %dma_wait3A_194 = tpu.memref_slice %arg3[%arg1, %add3A_187, %dma_wait3A_192, %dma_wait3A_193] : memref<16x250x80x128xf32, #tpu.memory_space<hbm>> -> memref<1x1x80x128xf32, #tpu.memory_space<hbm>>
      %dma_wait3A_195 = tpu.memref_squeeze %dma_wait3A_194 : memref<1x1x80x128xf32, #tpu.memory_space<hbm>> -> memref<80x128xf32, #tpu.memory_space<hbm>>
      tpu.wait_dma2 semaphore(%arg14 : memref<!tpu.dma_semaphore, #tpu.memory_space<semaphore_mem>>) src(%dma_wait3A_195 : memref<80x128xf32, #tpu.memory_space<hbm>>) dst(%arg11 : memref<80x128xf32, #tpu.memory_space<vmem>>)
      %scan3A_196 = arith.constant 0 : i32
      %scan3A_197 = arith.constant 0 : i32
      %scan3A_198 = arith.constant 80 : i32
      %scan3A_199 = arith.addi %scan3A_197, %scan3A_198 : i32
      %scan3A_200 = arith.constant 1 : i32
      %scan3A_201 = scf.for %scan3A_233 = %scan3A_197 to %scan3A_199 step %scan3A_200 iter_args(%scan3A_234 = %scan3A_196) -> (i32)  : i32 {
        %get3A = arith.index_cast %scan3A_233 : i32 to index
        %get3A_235 = arith.constant 0 : index
        %get3A_236 = tpu.vector_load %arg9[%get3A, %get3A_235] {strides = array<i32>} : memref<80x128xf32, #tpu.memory_space<vmem>>, vector<1x16xf32>,
        %get3A_237 = vector.shape_cast %get3A_236 : vector<1x16xf32> to vector<16xf32>
        %get3A_238 = arith.index_cast %scan3A_233 : i32 to index
        %get3A_239 = arith.constant 0 : index
        %get3A_240 = tpu.vector_load %arg11[%get3A_238, %get3A_239] {strides = array<i32>} : memref<80x128xf32, #tpu.memory_space<vmem>>, vector<1x16xf32>,
        %get3A_241 = vector.shape_cast %get3A_240 : vector<1x16xf32> to vector<16xf32>
        %add3A_242 = arith.addf %get3A_237, %get3A_241 : vector<16xf32>
        %max3A = arith.constant 0.000000e+00 : f32
        %max3A_243 = vector.broadcast %max3A : f32 to vector<16xf32>
        %max3A_244 = arith.maximumf %add3A_242, %max3A_243 : vector<16xf32>
        %swap3A = arith.index_cast %scan3A_233 : i32 to index
        %swap3A_245 = arith.constant 0 : index
        %swap3A_246 = tpu.vector_load %arg11[%swap3A, %swap3A_245] {strides = array<i32>} : memref<80x128xf32, #tpu.memory_space<vmem>>, vector<1x16xf32>,
        %swap3A_247 = vector.shape_cast %swap3A_246 : vector<1x16xf32> to vector<16xf32>
        %swap3A_248 = vector.shape_cast %max3A_244 : vector<16xf32> to vector<1x16xf32>
        tpu.vector_store %arg11[%swap3A, %swap3A_245], %swap3A_248 {strides = array<i32>} : memref<80x128xf32, #tpu.memory_space<vmem>>, vector<1x16xf32>,
        %get3A_249 = arith.index_cast %scan3A_233 : i32 to index
        %get3A_250 = arith.constant 16 : index
        %get3A_251 = tpu.vector_load %arg9[%get3A_249, %get3A_250] {strides = array<i32>} : memref<80x128xf32, #tpu.memory_space<vmem>>, vector<1x16xf32>,
        %get3A_252 = vector.shape_cast %get3A_251 : vector<1x16xf32> to vector<16xf32>
        %get3A_253 = arith.index_cast %scan3A_233 : i32 to index
        %get3A_254 = arith.constant 16 : index
        %get3A_255 = tpu.vector_load %arg11[%get3A_253, %get3A_254] {strides = array<i32>} : memref<80x128xf32, #tpu.memory_space<vmem>>, vector<1x16xf32>,
        %get3A_256 = vector.shape_cast %get3A_255 : vector<1x16xf32> to vector<16xf32>
        %add3A_257 = arith.addf %get3A_252, %get3A_256 : vector<16xf32>
        %max3A_258 = arith.constant 0.000000e+00 : f32
        %max3A_259 = vector.broadcast %max3A_258 : f32 to vector<16xf32>
        %max3A_260 = arith.maximumf %add3A_257, %max3A_259 : vector<16xf32>
        %swap3A_261 = arith.index_cast %scan3A_233 : i32 to index
        %swap3A_262 = arith.constant 16 : index
        %swap3A_263 = tpu.vector_load %arg11[%swap3A_261, %swap3A_262] {strides = array<i32>} : memref<80x128xf32, #tpu.memory_space<vmem>>, vector<1x16xf32>,
        %swap3A_264 = vector.shape_cast %swap3A_263 : vector<1x16xf32> to vector<16xf32>
        %swap3A_265 = vector.shape_cast %max3A_260 : vector<16xf32> to vector<1x16xf32>
        tpu.vector_store %arg11[%swap3A_261, %swap3A_262], %swap3A_265 {strides = array<i32>} : memref<80x128xf32, #tpu.memory_space<vmem>>, vector<1x16xf32>,
        %get3A_266 = arith.index_cast %scan3A_233 : i32 to index
        %get3A_267 = arith.constant 32 : index
        %get3A_268 = tpu.vector_load %arg9[%get3A_266, %get3A_267] {strides = array<i32>} : memref<80x128xf32, #tpu.memory_space<vmem>>, vector<1x16xf32>,
        %get3A_269 = vector.shape_cast %get3A_268 : vector<1x16xf32> to vector<16xf32>
        %get3A_270 = arith.index_cast %scan3A_233 : i32 to index
        %get3A_271 = arith.constant 32 : index
        %get3A_272 = tpu.vector_load %arg11[%get3A_270, %get3A_271] {strides = array<i32>} : memref<80x128xf32, #tpu.memory_space<vmem>>, vector<1x16xf32>,
        %get3A_273 = vector.shape_cast %get3A_272 : vector<1x16xf32> to vector<16xf32>
        %add3A_274 = arith.addf %get3A_269, %get3A_273 : vector<16xf32>
        %max3A_275 = arith.constant 0.000000e+00 : f32
        %max3A_276 = vector.broadcast %max3A_275 : f32 to vector<16xf32>
        %max3A_277 = arith.maximumf %add3A_274, %max3A_276 : vector<16xf32>
        %swap3A_278 = arith.index_cast %scan3A_233 : i32 to index
        %swap3A_279 = arith.constant 32 : index
        %swap3A_280 = tpu.vector_load %arg11[%swap3A_278, %swap3A_279] {strides = array<i32>} : memref<80x128xf32, #tpu.memory_space<vmem>>, vector<1x16xf32>,
        %swap3A_281 = vector.shape_cast %swap3A_280 : vector<1x16xf32> to vector<16xf32>
        %swap3A_282 = vector.shape_cast %max3A_277 : vector<16xf32> to vector<1x16xf32>
        tpu.vector_store %arg11[%swap3A_278, %swap3A_279], %swap3A_282 {strides = array<i32>} : memref<80x128xf32, #tpu.memory_space<vmem>>, vector<1x16xf32>,
        %get3A_283 = arith.index_cast %scan3A_233 : i32 to index
        %get3A_284 = arith.constant 48 : index
        %get3A_285 = tpu.vector_load %arg9[%get3A_283, %get3A_284] {strides = array<i32>} : memref<80x128xf32, #tpu.memory_space<vmem>>, vector<1x16xf32>,
        %get3A_286 = vector.shape_cast %get3A_285 : vector<1x16xf32> to vector<16xf32>
        %get3A_287 = arith.index_cast %scan3A_233 : i32 to index
        %get3A_288 = arith.constant 48 : index
        %get3A_289 = tpu.vector_load %arg11[%get3A_287, %get3A_288] {strides = array<i32>} : memref<80x128xf32, #tpu.memory_space<vmem>>, vector<1x16xf32>,
        %get3A_290 = vector.shape_cast %get3A_289 : vector<1x16xf32> to vector<16xf32>
        %add3A_291 = arith.addf %get3A_286, %get3A_290 : vector<16xf32>
        %max3A_292 = arith.constant 0.000000e+00 : f32
        %max3A_293 = vector.broadcast %max3A_292 : f32 to vector<16xf32>
        %max3A_294 = arith.maximumf %add3A_291, %max3A_293 : vector<16xf32>
        %swap3A_295 = arith.index_cast %scan3A_233 : i32 to index
        %swap3A_296 = arith.constant 48 : index
        %swap3A_297 = tpu.vector_load %arg11[%swap3A_295, %swap3A_296] {strides = array<i32>} : memref<80x128xf32, #tpu.memory_space<vmem>>, vector<1x16xf32>,
        %swap3A_298 = vector.shape_cast %swap3A_297 : vector<1x16xf32> to vector<16xf32>
        %swap3A_299 = vector.shape_cast %max3A_294 : vector<16xf32> to vector<1x16xf32>
        tpu.vector_store %arg11[%swap3A_295, %swap3A_296], %swap3A_299 {strides = array<i32>} : memref<80x128xf32, #tpu.memory_space<vmem>>, vector<1x16xf32>,
        %get3A_300 = arith.index_cast %scan3A_233 : i32 to index
        %get3A_301 = arith.constant 64 : index
        %get3A_302 = tpu.vector_load %arg9[%get3A_300, %get3A_301] {strides = array<i32>} : memref<80x128xf32, #tpu.memory_space<vmem>>, vector<1x16xf32>,
        %get3A_303 = vector.shape_cast %get3A_302 : vector<1x16xf32> to vector<16xf32>
        %get3A_304 = arith.index_cast %scan3A_233 : i32 to index
        %get3A_305 = arith.constant 64 : index
        %get3A_306 = tpu.vector_load %arg11[%get3A_304, %get3A_305] {strides = array<i32>} : memref<80x128xf32, #tpu.memory_space<vmem>>, vector<1x16xf32>,
        %get3A_307 = vector.shape_cast %get3A_306 : vector<1x16xf32> to vector<16xf32>
        %add3A_308 = arith.addf %get3A_303, %get3A_307 : vector<16xf32>
        %max3A_309 = arith.constant 0.000000e+00 : f32
        %max3A_310 = vector.broadcast %max3A_309 : f32 to vector<16xf32>
        %max3A_311 = arith.maximumf %add3A_308, %max3A_310 : vector<16xf32>
        %swap3A_312 = arith.index_cast %scan3A_233 : i32 to index
        %swap3A_313 = arith.constant 64 : index
        %swap3A_314 = tpu.vector_load %arg11[%swap3A_312, %swap3A_313] {strides = array<i32>} : memref<80x128xf32, #tpu.memory_space<vmem>>, vector<1x16xf32>,
        %swap3A_315 = vector.shape_cast %swap3A_314 : vector<1x16xf32> to vector<16xf32>
        %swap3A_316 = vector.shape_cast %max3A_311 : vector<16xf32> to vector<1x16xf32>
        tpu.vector_store %arg11[%swap3A_312, %swap3A_313], %swap3A_316 {strides = array<i32>} : memref<80x128xf32, #tpu.memory_space<vmem>>, vector<1x16xf32>,
        %get3A_317 = arith.index_cast %scan3A_233 : i32 to index
        %get3A_318 = arith.constant 80 : index
        %get3A_319 = tpu.vector_load %arg9[%get3A_317, %get3A_318] {strides = array<i32>} : memref<80x128xf32, #tpu.memory_space<vmem>>, vector<1x16xf32>,
        %get3A_320 = vector.shape_cast %get3A_319 : vector<1x16xf32> to vector<16xf32>
        %get3A_321 = arith.index_cast %scan3A_233 : i32 to index
        %get3A_322 = arith.constant 80 : index
        %get3A_323 = tpu.vector_load %arg11[%get3A_321, %get3A_322] {strides = array<i32>} : memref<80x128xf32, #tpu.memory_space<vmem>>, vector<1x16xf32>,
        %get3A_324 = vector.shape_cast %get3A_323 : vector<1x16xf32> to vector<16xf32>
        %add3A_325 = arith.addf %get3A_320, %get3A_324 : vector<16xf32>
        %max3A_326 = arith.constant 0.000000e+00 : f32
        %max3A_327 = vector.broadcast %max3A_326 : f32 to vector<16xf32>
        %max3A_328 = arith.maximumf %add3A_325, %max3A_327 : vector<16xf32>
        %swap3A_329 = arith.index_cast %scan3A_233 : i32 to index
        %swap3A_330 = arith.constant 80 : index
        %swap3A_331 = tpu.vector_load %arg11[%swap3A_329, %swap3A_330] {strides = array<i32>} : memref<80x128xf32, #tpu.memory_space<vmem>>, vector<1x16xf32>,
        %swap3A_332 = vector.shape_cast %swap3A_331 : vector<1x16xf32> to vector<16xf32>
        %swap3A_333 = vector.shape_cast %max3A_328 : vector<16xf32> to vector<1x16xf32>
        tpu.vector_store %arg11[%swap3A_329, %swap3A_330], %swap3A_333 {strides = array<i32>} : memref<80x128xf32, #tpu.memory_space<vmem>>, vector<1x16xf32>,
        %get3A_334 = arith.index_cast %scan3A_233 : i32 to index
        %get3A_335 = arith.constant 96 : index
        %get3A_336 = tpu.vector_load %arg9[%get3A_334, %get3A_335] {strides = array<i32>} : memref<80x128xf32, #tpu.memory_space<vmem>>, vector<1x16xf32>,
        %get3A_337 = vector.shape_cast %get3A_336 : vector<1x16xf32> to vector<16xf32>
        %get3A_338 = arith.index_cast %scan3A_233 : i32 to index
        %get3A_339 = arith.constant 96 : index
        %get3A_340 = tpu.vector_load %arg11[%get3A_338, %get3A_339] {strides = array<i32>} : memref<80x128xf32, #tpu.memory_space<vmem>>, vector<1x16xf32>,
        %get3A_341 = vector.shape_cast %get3A_340 : vector<1x16xf32> to vector<16xf32>
        %add3A_342 = arith.addf %get3A_337, %get3A_341 : vector<16xf32>
        %max3A_343 = arith.constant 0.000000e+00 : f32
        %max3A_344 = vector.broadcast %max3A_343 : f32 to vector<16xf32>
        %max3A_345 = arith.maximumf %add3A_342, %max3A_344 : vector<16xf32>
        %swap3A_346 = arith.index_cast %scan3A_233 : i32 to index
        %swap3A_347 = arith.constant 96 : index
        %swap3A_348 = tpu.vector_load %arg11[%swap3A_346, %swap3A_347] {strides = array<i32>} : memref<80x128xf32, #tpu.memory_space<vmem>>, vector<1x16xf32>,
        %swap3A_349 = vector.shape_cast %swap3A_348 : vector<1x16xf32> to vector<16xf32>
        %swap3A_350 = vector.shape_cast %max3A_345 : vector<16xf32> to vector<1x16xf32>
        tpu.vector_store %arg11[%swap3A_346, %swap3A_347], %swap3A_350 {strides = array<i32>} : memref<80x128xf32, #tpu.memory_space<vmem>>, vector<1x16xf32>,
        %get3A_351 = arith.index_cast %scan3A_233 : i32 to index
        %get3A_352 = arith.constant 112 : index
        %get3A_353 = tpu.vector_load %arg9[%get3A_351, %get3A_352] {strides = array<i32>} : memref<80x128xf32, #tpu.memory_space<vmem>>, vector<1x16xf32>,
        %get3A_354 = vector.shape_cast %get3A_353 : vector<1x16xf32> to vector<16xf32>
        %get3A_355 = arith.index_cast %scan3A_233 : i32 to index
        %get3A_356 = arith.constant 112 : index
        %get3A_357 = tpu.vector_load %arg11[%get3A_355, %get3A_356] {strides = array<i32>} : memref<80x128xf32, #tpu.memory_space<vmem>>, vector<1x16xf32>,
        %get3A_358 = vector.shape_cast %get3A_357 : vector<1x16xf32> to vector<16xf32>
        %add3A_359 = arith.addf %get3A_354, %get3A_358 : vector<16xf32>
        %max3A_360 = arith.constant 0.000000e+00 : f32
        %max3A_361 = vector.broadcast %max3A_360 : f32 to vector<16xf32>
        %max3A_362 = arith.maximumf %add3A_359, %max3A_361 : vector<16xf32>
        %swap3A_363 = arith.index_cast %scan3A_233 : i32 to index
        %swap3A_364 = arith.constant 112 : index
        %swap3A_365 = tpu.vector_load %arg11[%swap3A_363, %swap3A_364] {strides = array<i32>} : memref<80x128xf32, #tpu.memory_space<vmem>>, vector<1x16xf32>,
        %swap3A_366 = vector.shape_cast %swap3A_365 : vector<1x16xf32> to vector<16xf32>
        %swap3A_367 = vector.shape_cast %max3A_362 : vector<16xf32> to vector<1x16xf32>
        tpu.vector_store %arg11[%swap3A_363, %swap3A_364], %swap3A_367 {strides = array<i32>} : memref<80x128xf32, #tpu.memory_space<vmem>>, vector<1x16xf32>,
        %scan3A_368 = arith.constant 0 : i32
        scf.yield %scan3A_368 : i32
      }
      %scan3A_202 = arith.constant 80 : i32
      "tpu.region"() ({
        %run_scoped3A_233 = tpu.sem_alloc : memref<!tpu.dma_semaphore, #tpu.memory_space<semaphore_mem>>
        %dma_start3A_234 = arith.constant 0 : i32
        %dma_start3A_235 = tpu.memref_slice %arg8[%mul3A_161, %dma_start3A_234] : memref<125x80xi32, #tpu.memory_space<vmem>> -> memref<1x80xi32, #tpu.memory_space<vmem>>
        %dma_start3A_236 = tpu.memref_squeeze %dma_start3A_235 : memref<1x80xi32, #tpu.memory_space<vmem>> -> memref<80xi32, #tpu.memory_space<vmem>>
        %dma_start3A_237 = arith.constant 0 : i32
        %dma_start3A_238 = arith.constant 0 : i32
        %dma_start3A_239 = tpu.memref_slice %arg13[%dma_start3A_237, %dma_start3A_238] : memref<5200x128xf32, #tpu.memory_space<vmem_shared>> -> memref<5200x128xf32, #tpu.memory_space<vmem_shared>>
        tpu.enqueue_indirect_dma source(%arg11 : memref<80x128xf32, #tpu.memory_space<vmem>>) target(%dma_start3A_239 : memref<5200x128xf32, #tpu.memory_space<vmem_shared>>) offsets(%dma_start3A_236 : memref<80xi32, #tpu.memory_space<vmem>>) semaphore(%run_scoped3A_233 : memref<!tpu.dma_semaphore, #tpu.memory_space<semaphore_mem>>) {add = true}
        %dma_wait3A_240 = arith.constant 0 : i32
        %dma_wait3A_241 = tpu.memref_slice %arg8[%mul3A_161, %dma_wait3A_240] : memref<125x80xi32, #tpu.memory_space<vmem>> -> memref<1x80xi32, #tpu.memory_space<vmem>>
        %dma_wait3A_242 = tpu.memref_squeeze %dma_wait3A_241 : memref<1x80xi32, #tpu.memory_space<vmem>> -> memref<80xi32, #tpu.memory_space<vmem>>
        %dma_wait3A_243 = arith.constant 0 : i32
        %dma_wait3A_244 = arith.constant 0 : i32
        %dma_wait3A_245 = tpu.memref_slice %arg13[%dma_wait3A_243, %dma_wait3A_244] : memref<5200x128xf32, #tpu.memory_space<vmem_shared>> -> memref<5200x128xf32, #tpu.memory_space<vmem_shared>>
        tpu.wait_indirect_dma semaphore(%run_scoped3A_233 : memref<!tpu.dma_semaphore, #tpu.memory_space<semaphore_mem>>) src(%arg11 : memref<80x128xf32, #tpu.memory_space<vmem>>) dst(%dma_wait3A_245 : memref<5200x128xf32, #tpu.memory_space<vmem_shared>>)
        tpu.yield
      }) : () -> ()
      %lt3A = arith.constant 61 : i32
      %lt3A_203 = arith.cmpi slt, %scan3A_158, %lt3A : i32
      %convert_element_type3A = arith.extui %lt3A_203 : i1 to i32
      %cond3A = arith.constant 0 : i32
      %cond3A_204 = arith.cmpi ne, %convert_element_type3A, %cond3A : i32
      scf.if %cond3A_204 {
        %add3A_233 = arith.constant 2 : i32
        %add3A_234 = arith.addi %mul3A_161, %add3A_233 : i32
        %dma_start3A_235 = arith.constant 0 : i32
        %dma_start3A_236 = tpu.memref_slice %arg7[%add3A_234, %dma_start3A_235] : memref<125x80xi32, #tpu.memory_space<vmem>> -> memref<1x80xi32, #tpu.memory_space<vmem>>
        %dma_start3A_237 = tpu.memref_squeeze %dma_start3A_236 : memref<1x80xi32, #tpu.memory_space<vmem>> -> memref<80xi32, #tpu.memory_space<vmem>>
        %dma_start3A_238 = arith.constant 0 : i32
        %dma_start3A_239 = arith.constant 0 : i32
        %dma_start3A_240 = tpu.memref_slice %arg2[%dma_start3A_238, %dma_start3A_239] : memref<10000x128xf32, #tpu.memory_space<hbm>> -> memref<10000x128xf32, #tpu.memory_space<hbm>>
        tpu.enqueue_indirect_dma source(%dma_start3A_240 : memref<10000x128xf32, #tpu.memory_space<hbm>>) target(%arg9 : memref<80x128xf32, #tpu.memory_space<vmem>>) offsets(%dma_start3A_237 : memref<80xi32, #tpu.memory_space<vmem>>) semaphore(%arg14 : memref<!tpu.dma_semaphore, #tpu.memory_space<semaphore_mem>>)
        %add3A_241 = arith.constant 0 : i32
        %add3A_242 = arith.addi %add3A_241, %add3A_234 : i32
        %dma_start3A_243 = arith.constant 0 : i32
        %dma_start3A_244 = arith.constant 0 : i32
        %dma_start3A_245 = tpu.memref_slice %arg3[%arg1, %add3A_242, %dma_start3A_243, %dma_start3A_244] : memref<16x250x80x128xf32, #tpu.memory_space<hbm>> -> memref<1x1x80x128xf32, #tpu.memory_space<hbm>>
        %dma_start3A_246 = tpu.memref_squeeze %dma_start3A_245 : memref<1x1x80x128xf32, #tpu.memory_space<hbm>> -> memref<80x128xf32, #tpu.memory_space<hbm>>
        %dma_start3A_247 = arith.constant 0 : i32
        %dma_start3A_248 = arith.constant 0 : i32
        %dma_start3A_249 = tpu.memref_slice %arg3[%arg1, %add3A_242, %dma_start3A_247, %dma_start3A_248] : memref<16x250x80x128xf32, #tpu.memory_space<hbm>> -> memref<1x1x80x128xf32, #tpu.memory_space<hbm>>
        %dma_start3A_250 = tpu.memref_squeeze %dma_start3A_249 : memref<1x1x80x128xf32, #tpu.memory_space<hbm>> -> memref<80x128xf32, #tpu.memory_space<hbm>>
        tpu.enqueue_dma source(%dma_start3A_250 : memref<80x128xf32, #tpu.memory_space<hbm>>) target(%arg11 : memref<80x128xf32, #tpu.memory_space<vmem>>) target_semaphore(%arg14 : memref<!tpu.dma_semaphore, #tpu.memory_space<semaphore_mem>>)
      } else {
      }
      %add3A_205 = arith.constant 1 : i32
      %add3A_206 = arith.addi %mul3A_161, %add3A_205 : i32
      %dma_wait3A_207 = arith.constant 0 : i32
      %dma_wait3A_208 = tpu.memref_slice %arg7[%add3A_206, %dma_wait3A_207] : memref<125x80xi32, #tpu.memory_space<vmem>> -> memref<1x80xi32, #tpu.memory_space<vmem>>
      %dma_wait3A_209 = tpu.memref_squeeze %dma_wait3A_208 : memref<1x80xi32, #tpu.memory_space<vmem>> -> memref<80xi32, #tpu.memory_space<vmem>>
      %dma_wait3A_210 = arith.constant 0 : i32
      %dma_wait3A_211 = arith.constant 0 : i32
      %dma_wait3A_212 = tpu.memref_slice %arg2[%dma_wait3A_210, %dma_wait3A_211] : memref<10000x128xf32, #tpu.memory_space<hbm>> -> memref<10000x128xf32, #tpu.memory_space<hbm>>
      tpu.wait_indirect_dma semaphore(%arg15 : memref<!tpu.dma_semaphore, #tpu.memory_space<semaphore_mem>>) src(%dma_wait3A_212 : memref<10000x128xf32, #tpu.memory_space<hbm>>) dst(%arg10 : memref<80x128xf32, #tpu.memory_space<vmem>>)
      %add3A_213 = arith.constant 0 : i32
      %add3A_214 = arith.addi %add3A_213, %add3A_206 : i32
      %dma_wait3A_215 = arith.constant 0 : i32
      %dma_wait3A_216 = arith.constant 0 : i32
      %dma_wait3A_217 = tpu.memref_slice %arg3[%arg1, %add3A_214, %dma_wait3A_215, %dma_wait3A_216] : memref<16x250x80x128xf32, #tpu.memory_space<hbm>> -> memref<1x1x80x128xf32, #tpu.memory_space<hbm>>
      %dma_wait3A_218 = tpu.memref_squeeze %dma_wait3A_217 : memref<1x1x80x128xf32, #tpu.memory_space<hbm>> -> memref<80x128xf32, #tpu.memory_space<hbm>>
      %dma_wait3A_219 = arith.constant 0 : i32
      %dma_wait3A_220 = arith.constant 0 : i32
      %dma_wait3A_221 = tpu.memref_slice %arg3[%arg1, %add3A_214, %dma_wait3A_219, %dma_wait3A_220] : memref<16x250x80x128xf32, #tpu.memory_space<hbm>> -> memref<1x1x80x128xf32, #tpu.memory_space<hbm>>
      %dma_wait3A_222 = tpu.memref_squeeze %dma_wait3A_221 : memref<1x1x80x128xf32, #tpu.memory_space<hbm>> -> memref<80x128xf32, #tpu.memory_space<hbm>>
      tpu.wait_dma2 semaphore(%arg15 : memref<!tpu.dma_semaphore, #tpu.memory_space<semaphore_mem>>) src(%dma_wait3A_222 : memref<80x128xf32, #tpu.memory_space<hbm>>) dst(%arg12 : memref<80x128xf32, #tpu.memory_space<vmem>>)
      %scan3A_223 = arith.constant 0 : i32
      %scan3A_224 = arith.constant 0 : i32
      %scan3A_225 = arith.constant 80 : i32
      %scan3A_226 = arith.addi %scan3A_224, %scan3A_225 : i32
      %scan3A_227 = arith.constant 1 : i32
      %scan3A_228 = scf.for %scan3A_233 = %scan3A_224 to %scan3A_226 step %scan3A_227 iter_args(%scan3A_234 = %scan3A_223) -> (i32)  : i32 {
        %get3A = arith.index_cast %scan3A_233 : i32 to index
        %get3A_235 = arith.constant 0 : index
        %get3A_236 = tpu.vector_load %arg10[%get3A, %get3A_235] {strides = array<i32>} : memref<80x128xf32, #tpu.memory_space<vmem>>, vector<1x16xf32>,
        %get3A_237 = vector.shape_cast %get3A_236 : vector<1x16xf32> to vector<16xf32>
        %get3A_238 = arith.index_cast %scan3A_233 : i32 to index
        %get3A_239 = arith.constant 0 : index
        %get3A_240 = tpu.vector_load %arg12[%get3A_238, %get3A_239] {strides = array<i32>} : memref<80x128xf32, #tpu.memory_space<vmem>>, vector<1x16xf32>,
        %get3A_241 = vector.shape_cast %get3A_240 : vector<1x16xf32> to vector<16xf32>
        %add3A_242 = arith.addf %get3A_237, %get3A_241 : vector<16xf32>
        %max3A = arith.constant 0.000000e+00 : f32
        %max3A_243 = vector.broadcast %max3A : f32 to vector<16xf32>
        %max3A_244 = arith.maximumf %add3A_242, %max3A_243 : vector<16xf32>
        %swap3A = arith.index_cast %scan3A_233 : i32 to index
        %swap3A_245 = arith.constant 0 : index
        %swap3A_246 = tpu.vector_load %arg12[%swap3A, %swap3A_245] {strides = array<i32>} : memref<80x128xf32, #tpu.memory_space<vmem>>, vector<1x16xf32>,
        %swap3A_247 = vector.shape_cast %swap3A_246 : vector<1x16xf32> to vector<16xf32>
        %swap3A_248 = vector.shape_cast %max3A_244 : vector<16xf32> to vector<1x16xf32>
        tpu.vector_store %arg12[%swap3A, %swap3A_245], %swap3A_248 {strides = array<i32>} : memref<80x128xf32, #tpu.memory_space<vmem>>, vector<1x16xf32>,
        %get3A_249 = arith.index_cast %scan3A_233 : i32 to index
        %get3A_250 = arith.constant 16 : index
        %get3A_251 = tpu.vector_load %arg10[%get3A_249, %get3A_250] {strides = array<i32>} : memref<80x128xf32, #tpu.memory_space<vmem>>, vector<1x16xf32>,
        %get3A_252 = vector.shape_cast %get3A_251 : vector<1x16xf32> to vector<16xf32>
        %get3A_253 = arith.index_cast %scan3A_233 : i32 to index
        %get3A_254 = arith.constant 16 : index
        %get3A_255 = tpu.vector_load %arg12[%get3A_253, %get3A_254] {strides = array<i32>} : memref<80x128xf32, #tpu.memory_space<vmem>>, vector<1x16xf32>,
        %get3A_256 = vector.shape_cast %get3A_255 : vector<1x16xf32> to vector<16xf32>
        %add3A_257 = arith.addf %get3A_252, %get3A_256 : vector<16xf32>
        %max3A_258 = arith.constant 0.000000e+00 : f32
        %max3A_259 = vector.broadcast %max3A_258 : f32 to vector<16xf32>
        %max3A_260 = arith.maximumf %add3A_257, %max3A_259 : vector<16xf32>
        %swap3A_261 = arith.index_cast %scan3A_233 : i32 to index
        %swap3A_262 = arith.constant 16 : index
        %swap3A_263 = tpu.vector_load %arg12[%swap3A_261, %swap3A_262] {strides = array<i32>} : memref<80x128xf32, #tpu.memory_space<vmem>>, vector<1x16xf32>,
        %swap3A_264 = vector.shape_cast %swap3A_263 : vector<1x16xf32> to vector<16xf32>
        %swap3A_265 = vector.shape_cast %max3A_260 : vector<16xf32> to vector<1x16xf32>
        tpu.vector_store %arg12[%swap3A_261, %swap3A_262], %swap3A_265 {strides = array<i32>} : memref<80x128xf32, #tpu.memory_space<vmem>>, vector<1x16xf32>,
        %get3A_266 = arith.index_cast %scan3A_233 : i32 to index
        %get3A_267 = arith.constant 32 : index
        %get3A_268 = tpu.vector_load %arg10[%get3A_266, %get3A_267] {strides = array<i32>} : memref<80x128xf32, #tpu.memory_space<vmem>>, vector<1x16xf32>,
        %get3A_269 = vector.shape_cast %get3A_268 : vector<1x16xf32> to vector<16xf32>
        %get3A_270 = arith.index_cast %scan3A_233 : i32 to index
        %get3A_271 = arith.constant 32 : index
        %get3A_272 = tpu.vector_load %arg12[%get3A_270, %get3A_271] {strides = array<i32>} : memref<80x128xf32, #tpu.memory_space<vmem>>, vector<1x16xf32>,
        %get3A_273 = vector.shape_cast %get3A_272 : vector<1x16xf32> to vector<16xf32>
        %add3A_274 = arith.addf %get3A_269, %get3A_273 : vector<16xf32>
        %max3A_275 = arith.constant 0.000000e+00 : f32
        %max3A_276 = vector.broadcast %max3A_275 : f32 to vector<16xf32>
        %max3A_277 = arith.maximumf %add3A_274, %max3A_276 : vector<16xf32>
        %swap3A_278 = arith.index_cast %scan3A_233 : i32 to index
        %swap3A_279 = arith.constant 32 : index
        %swap3A_280 = tpu.vector_load %arg12[%swap3A_278, %swap3A_279] {strides = array<i32>} : memref<80x128xf32, #tpu.memory_space<vmem>>, vector<1x16xf32>,
        %swap3A_281 = vector.shape_cast %swap3A_280 : vector<1x16xf32> to vector<16xf32>
        %swap3A_282 = vector.shape_cast %max3A_277 : vector<16xf32> to vector<1x16xf32>
        tpu.vector_store %arg12[%swap3A_278, %swap3A_279], %swap3A_282 {strides = array<i32>} : memref<80x128xf32, #tpu.memory_space<vmem>>, vector<1x16xf32>,
        %get3A_283 = arith.index_cast %scan3A_233 : i32 to index
        %get3A_284 = arith.constant 48 : index
        %get3A_285 = tpu.vector_load %arg10[%get3A_283, %get3A_284] {strides = array<i32>} : memref<80x128xf32, #tpu.memory_space<vmem>>, vector<1x16xf32>,
        %get3A_286 = vector.shape_cast %get3A_285 : vector<1x16xf32> to vector<16xf32>
        %get3A_287 = arith.index_cast %scan3A_233 : i32 to index
        %get3A_288 = arith.constant 48 : index
        %get3A_289 = tpu.vector_load %arg12[%get3A_287, %get3A_288] {strides = array<i32>} : memref<80x128xf32, #tpu.memory_space<vmem>>, vector<1x16xf32>,
        %get3A_290 = vector.shape_cast %get3A_289 : vector<1x16xf32> to vector<16xf32>
        %add3A_291 = arith.addf %get3A_286, %get3A_290 : vector<16xf32>
        %max3A_292 = arith.constant 0.000000e+00 : f32
        %max3A_293 = vector.broadcast %max3A_292 : f32 to vector<16xf32>
        %max3A_294 = arith.maximumf %add3A_291, %max3A_293 : vector<16xf32>
        %swap3A_295 = arith.index_cast %scan3A_233 : i32 to index
        %swap3A_296 = arith.constant 48 : index
        %swap3A_297 = tpu.vector_load %arg12[%swap3A_295, %swap3A_296] {strides = array<i32>} : memref<80x128xf32, #tpu.memory_space<vmem>>, vector<1x16xf32>,
        %swap3A_298 = vector.shape_cast %swap3A_297 : vector<1x16xf32> to vector<16xf32>
        %swap3A_299 = vector.shape_cast %max3A_294 : vector<16xf32> to vector<1x16xf32>
        tpu.vector_store %arg12[%swap3A_295, %swap3A_296], %swap3A_299 {strides = array<i32>} : memref<80x128xf32, #tpu.memory_space<vmem>>, vector<1x16xf32>,
        %get3A_300 = arith.index_cast %scan3A_233 : i32 to index
        %get3A_301 = arith.constant 64 : index
        %get3A_302 = tpu.vector_load %arg10[%get3A_300, %get3A_301] {strides = array<i32>} : memref<80x128xf32, #tpu.memory_space<vmem>>, vector<1x16xf32>,
        %get3A_303 = vector.shape_cast %get3A_302 : vector<1x16xf32> to vector<16xf32>
        %get3A_304 = arith.index_cast %scan3A_233 : i32 to index
        %get3A_305 = arith.constant 64 : index
        %get3A_306 = tpu.vector_load %arg12[%get3A_304, %get3A_305] {strides = array<i32>} : memref<80x128xf32, #tpu.memory_space<vmem>>, vector<1x16xf32>,
        %get3A_307 = vector.shape_cast %get3A_306 : vector<1x16xf32> to vector<16xf32>
        %add3A_308 = arith.addf %get3A_303, %get3A_307 : vector<16xf32>
        %max3A_309 = arith.constant 0.000000e+00 : f32
        %max3A_310 = vector.broadcast %max3A_309 : f32 to vector<16xf32>
        %max3A_311 = arith.maximumf %add3A_308, %max3A_310 : vector<16xf32>
        %swap3A_312 = arith.index_cast %scan3A_233 : i32 to index
        %swap3A_313 = arith.constant 64 : index
        %swap3A_314 = tpu.vector_load %arg12[%swap3A_312, %swap3A_313] {strides = array<i32>} : memref<80x128xf32, #tpu.memory_space<vmem>>, vector<1x16xf32>,
        %swap3A_315 = vector.shape_cast %swap3A_314 : vector<1x16xf32> to vector<16xf32>
        %swap3A_316 = vector.shape_cast %max3A_311 : vector<16xf32> to vector<1x16xf32>
        tpu.vector_store %arg12[%swap3A_312, %swap3A_313], %swap3A_316 {strides = array<i32>} : memref<80x128xf32, #tpu.memory_space<vmem>>, vector<1x16xf32>,
        %get3A_317 = arith.index_cast %scan3A_233 : i32 to index
        %get3A_318 = arith.constant 80 : index
        %get3A_319 = tpu.vector_load %arg10[%get3A_317, %get3A_318] {strides = array<i32>} : memref<80x128xf32, #tpu.memory_space<vmem>>, vector<1x16xf32>,
        %get3A_320 = vector.shape_cast %get3A_319 : vector<1x16xf32> to vector<16xf32>
        %get3A_321 = arith.index_cast %scan3A_233 : i32 to index
        %get3A_322 = arith.constant 80 : index
        %get3A_323 = tpu.vector_load %arg12[%get3A_321, %get3A_322] {strides = array<i32>} : memref<80x128xf32, #tpu.memory_space<vmem>>, vector<1x16xf32>,
        %get3A_324 = vector.shape_cast %get3A_323 : vector<1x16xf32> to vector<16xf32>
        %add3A_325 = arith.addf %get3A_320, %get3A_324 : vector<16xf32>
        %max3A_326 = arith.constant 0.000000e+00 : f32
        %max3A_327 = vector.broadcast %max3A_326 : f32 to vector<16xf32>
        %max3A_328 = arith.maximumf %add3A_325, %max3A_327 : vector<16xf32>
        %swap3A_329 = arith.index_cast %scan3A_233 : i32 to index
        %swap3A_330 = arith.constant 80 : index
        %swap3A_331 = tpu.vector_load %arg12[%swap3A_329, %swap3A_330] {strides = array<i32>} : memref<80x128xf32, #tpu.memory_space<vmem>>, vector<1x16xf32>,
        %swap3A_332 = vector.shape_cast %swap3A_331 : vector<1x16xf32> to vector<16xf32>
        %swap3A_333 = vector.shape_cast %max3A_328 : vector<16xf32> to vector<1x16xf32>
        tpu.vector_store %arg12[%swap3A_329, %swap3A_330], %swap3A_333 {strides = array<i32>} : memref<80x128xf32, #tpu.memory_space<vmem>>, vector<1x16xf32>,
        %get3A_334 = arith.index_cast %scan3A_233 : i32 to index
        %get3A_335 = arith.constant 96 : index
        %get3A_336 = tpu.vector_load %arg10[%get3A_334, %get3A_335] {strides = array<i32>} : memref<80x128xf32, #tpu.memory_space<vmem>>, vector<1x16xf32>,
        %get3A_337 = vector.shape_cast %get3A_336 : vector<1x16xf32> to vector<16xf32>
        %get3A_338 = arith.index_cast %scan3A_233 : i32 to index
        %get3A_339 = arith.constant 96 : index
        %get3A_340 = tpu.vector_load %arg12[%get3A_338, %get3A_339] {strides = array<i32>} : memref<80x128xf32, #tpu.memory_space<vmem>>, vector<1x16xf32>,
        %get3A_341 = vector.shape_cast %get3A_340 : vector<1x16xf32> to vector<16xf32>
        %add3A_342 = arith.addf %get3A_337, %get3A_341 : vector<16xf32>
        %max3A_343 = arith.constant 0.000000e+00 : f32
        %max3A_344 = vector.broadcast %max3A_343 : f32 to vector<16xf32>
        %max3A_345 = arith.maximumf %add3A_342, %max3A_344 : vector<16xf32>
        %swap3A_346 = arith.index_cast %scan3A_233 : i32 to index
        %swap3A_347 = arith.constant 96 : index
        %swap3A_348 = tpu.vector_load %arg12[%swap3A_346, %swap3A_347] {strides = array<i32>} : memref<80x128xf32, #tpu.memory_space<vmem>>, vector<1x16xf32>,
        %swap3A_349 = vector.shape_cast %swap3A_348 : vector<1x16xf32> to vector<16xf32>
        %swap3A_350 = vector.shape_cast %max3A_345 : vector<16xf32> to vector<1x16xf32>
        tpu.vector_store %arg12[%swap3A_346, %swap3A_347], %swap3A_350 {strides = array<i32>} : memref<80x128xf32, #tpu.memory_space<vmem>>, vector<1x16xf32>,
        %get3A_351 = arith.index_cast %scan3A_233 : i32 to index
        %get3A_352 = arith.constant 112 : index
        %get3A_353 = tpu.vector_load %arg10[%get3A_351, %get3A_352] {strides = array<i32>} : memref<80x128xf32, #tpu.memory_space<vmem>>, vector<1x16xf32>,
        %get3A_354 = vector.shape_cast %get3A_353 : vector<1x16xf32> to vector<16xf32>
        %get3A_355 = arith.index_cast %scan3A_233 : i32 to index
        %get3A_356 = arith.constant 112 : index
        %get3A_357 = tpu.vector_load %arg12[%get3A_355, %get3A_356] {strides = array<i32>} : memref<80x128xf32, #tpu.memory_space<vmem>>, vector<1x16xf32>,
        %get3A_358 = vector.shape_cast %get3A_357 : vector<1x16xf32> to vector<16xf32>
        %add3A_359 = arith.addf %get3A_354, %get3A_358 : vector<16xf32>
        %max3A_360 = arith.constant 0.000000e+00 : f32
        %max3A_361 = vector.broadcast %max3A_360 : f32 to vector<16xf32>
        %max3A_362 = arith.maximumf %add3A_359, %max3A_361 : vector<16xf32>
        %swap3A_363 = arith.index_cast %scan3A_233 : i32 to index
        %swap3A_364 = arith.constant 112 : index
        %swap3A_365 = tpu.vector_load %arg12[%swap3A_363, %swap3A_364] {strides = array<i32>} : memref<80x128xf32, #tpu.memory_space<vmem>>, vector<1x16xf32>,
        %swap3A_366 = vector.shape_cast %swap3A_365 : vector<1x16xf32> to vector<16xf32>
        %swap3A_367 = vector.shape_cast %max3A_362 : vector<16xf32> to vector<1x16xf32>
        tpu.vector_store %arg12[%swap3A_363, %swap3A_364], %swap3A_367 {strides = array<i32>} : memref<80x128xf32, #tpu.memory_space<vmem>>, vector<1x16xf32>,
        %scan3A_368 = arith.constant 0 : i32
        scf.yield %scan3A_368 : i32
      }
      %scan3A_229 = arith.constant 80 : i32
      %add3A_230 = arith.constant 1 : i32
      %add3A_231 = arith.addi %mul3A_161, %add3A_230 : i32
      "tpu.region"() ({
        %run_scoped3A_233 = tpu.sem_alloc : memref<!tpu.dma_semaphore, #tpu.memory_space<semaphore_mem>>
        %dma_start3A_234 = arith.constant 0 : i32
        %dma_start3A_235 = tpu.memref_slice %arg8[%add3A_231, %dma_start3A_234] : memref<125x80xi32, #tpu.memory_space<vmem>> -> memref<1x80xi32, #tpu.memory_space<vmem>>
        %dma_start3A_236 = tpu.memref_squeeze %dma_start3A_235 : memref<1x80xi32, #tpu.memory_space<vmem>> -> memref<80xi32, #tpu.memory_space<vmem>>
        %dma_start3A_237 = arith.constant 0 : i32
        %dma_start3A_238 = arith.constant 0 : i32
        %dma_start3A_239 = tpu.memref_slice %arg13[%dma_start3A_237, %dma_start3A_238] : memref<5200x128xf32, #tpu.memory_space<vmem_shared>> -> memref<5200x128xf32, #tpu.memory_space<vmem_shared>>
        tpu.enqueue_indirect_dma source(%arg12 : memref<80x128xf32, #tpu.memory_space<vmem>>) target(%dma_start3A_239 : memref<5200x128xf32, #tpu.memory_space<vmem_shared>>) offsets(%dma_start3A_236 : memref<80xi32, #tpu.memory_space<vmem>>) semaphore(%run_scoped3A_233 : memref<!tpu.dma_semaphore, #tpu.memory_space<semaphore_mem>>) {add = true}
        %dma_wait3A_240 = arith.constant 0 : i32
        %dma_wait3A_241 = tpu.memref_slice %arg8[%add3A_231, %dma_wait3A_240] : memref<125x80xi32, #tpu.memory_space<vmem>> -> memref<1x80xi32, #tpu.memory_space<vmem>>
        %dma_wait3A_242 = tpu.memref_squeeze %dma_wait3A_241 : memref<1x80xi32, #tpu.memory_space<vmem>> -> memref<80xi32, #tpu.memory_space<vmem>>
        %dma_wait3A_243 = arith.constant 0 : i32
        %dma_wait3A_244 = arith.constant 0 : i32
        %dma_wait3A_245 = tpu.memref_slice %arg13[%dma_wait3A_243, %dma_wait3A_244] : memref<5200x128xf32, #tpu.memory_space<vmem_shared>> -> memref<5200x128xf32, #tpu.memory_space<vmem_shared>>
        tpu.wait_indirect_dma semaphore(%run_scoped3A_233 : memref<!tpu.dma_semaphore, #tpu.memory_space<semaphore_mem>>) src(%arg12 : memref<80x128xf32, #tpu.memory_space<vmem>>) dst(%dma_wait3A_245 : memref<5200x128xf32, #tpu.memory_space<vmem_shared>>)
        tpu.yield
      }) : () -> ()
      %scan3A_232 = arith.constant 0 : i32
      scf.yield %scan3A_232 : i32
    }
    %scan3A_45 = arith.constant 62 : i32
    %dma_start3A_46 = arith.constant 124 : i32
    %dma_start3A_47 = arith.constant 0 : i32
    %dma_start3A_48 = tpu.memref_slice %arg7[%dma_start3A_46, %dma_start3A_47] : memref<125x80xi32, #tpu.memory_space<vmem>> -> memref<1x80xi32, #tpu.memory_space<vmem>>
    %dma_start3A_49 = tpu.memref_squeeze %dma_start3A_48 : memref<1x80xi32, #tpu.memory_space<vmem>> -> memref<80xi32, #tpu.memory_space<vmem>>
    %dma_start3A_50 = arith.constant 0 : i32
    %dma_start3A_51 = arith.constant 0 : i32
    %dma_start3A_52 = tpu.memref_slice %arg2[%dma_start3A_50, %dma_start3A_51] : memref<10000x128xf32, #tpu.memory_space<hbm>> -> memref<10000x128xf32, #tpu.memory_space<hbm>>
    tpu.enqueue_indirect_dma source(%dma_start3A_52 : memref<10000x128xf32, #tpu.memory_space<hbm>>) target(%arg9 : memref<80x128xf32, #tpu.memory_space<vmem>>) offsets(%dma_start3A_49 : memref<80xi32, #tpu.memory_space<vmem>>) semaphore(%arg14 : memref<!tpu.dma_semaphore, #tpu.memory_space<semaphore_mem>>)
    %dma_start3A_53 = arith.constant 124 : i32
    %dma_start3A_54 = arith.constant 0 : i32
    %dma_start3A_55 = arith.constant 0 : i32
    %dma_start3A_56 = tpu.memref_slice %arg3[%arg1, %dma_start3A_53, %dma_start3A_54, %dma_start3A_55] : memref<16x250x80x128xf32, #tpu.memory_space<hbm>> -> memref<1x1x80x128xf32, #tpu.memory_space<hbm>>
    %dma_start3A_57 = tpu.memref_squeeze %dma_start3A_56 : memref<1x1x80x128xf32, #tpu.memory_space<hbm>> -> memref<80x128xf32, #tpu.memory_space<hbm>>
    %dma_start3A_58 = arith.constant 0 : i32
    %dma_start3A_59 = arith.constant 0 : i32
    %dma_start3A_60 = tpu.memref_slice %arg3[%arg1, %dma_start3A_53, %dma_start3A_58, %dma_start3A_59] : memref<16x250x80x128xf32, #tpu.memory_space<hbm>> -> memref<1x1x80x128xf32, #tpu.memory_space<hbm>>
    %dma_start3A_61 = tpu.memref_squeeze %dma_start3A_60 : memref<1x1x80x128xf32, #tpu.memory_space<hbm>> -> memref<80x128xf32, #tpu.memory_space<hbm>>
    tpu.enqueue_dma source(%dma_start3A_61 : memref<80x128xf32, #tpu.memory_space<hbm>>) target(%arg11 : memref<80x128xf32, #tpu.memory_space<vmem>>) target_semaphore(%arg14 : memref<!tpu.dma_semaphore, #tpu.memory_space<semaphore_mem>>)
    %dma_wait3A = arith.constant 124 : i32
    %dma_wait3A_62 = arith.constant 0 : i32
    %dma_wait3A_63 = tpu.memref_slice %arg7[%dma_wait3A, %dma_wait3A_62] : memref<125x80xi32, #tpu.memory_space<vmem>> -> memref<1x80xi32, #tpu.memory_space<vmem>>
    %dma_wait3A_64 = tpu.memref_squeeze %dma_wait3A_63 : memref<1x80xi32, #tpu.memory_space<vmem>> -> memref<80xi32, #tpu.memory_space<vmem>>
    %dma_wait3A_65 = arith.constant 0 : i32
    %dma_wait3A_66 = arith.constant 0 : i32
    %dma_wait3A_67 = tpu.memref_slice %arg2[%dma_wait3A_65, %dma_wait3A_66] : memref<10000x128xf32, #tpu.memory_space<hbm>> -> memref<10000x128xf32, #tpu.memory_space<hbm>>
    tpu.wait_indirect_dma semaphore(%arg14 : memref<!tpu.dma_semaphore, #tpu.memory_space<semaphore_mem>>) src(%dma_wait3A_67 : memref<10000x128xf32, #tpu.memory_space<hbm>>) dst(%arg9 : memref<80x128xf32, #tpu.memory_space<vmem>>)
    %dma_wait3A_68 = arith.constant 124 : i32
    %dma_wait3A_69 = arith.constant 0 : i32
    %dma_wait3A_70 = arith.constant 0 : i32
    %dma_wait3A_71 = tpu.memref_slice %arg3[%arg1, %dma_wait3A_68, %dma_wait3A_69, %dma_wait3A_70] : memref<16x250x80x128xf32, #tpu.memory_space<hbm>> -> memref<1x1x80x128xf32, #tpu.memory_space<hbm>>
    %dma_wait3A_72 = tpu.memref_squeeze %dma_wait3A_71 : memref<1x1x80x128xf32, #tpu.memory_space<hbm>> -> memref<80x128xf32, #tpu.memory_space<hbm>>
    %dma_wait3A_73 = arith.constant 0 : i32
    %dma_wait3A_74 = arith.constant 0 : i32
    %dma_wait3A_75 = tpu.memref_slice %arg3[%arg1, %dma_wait3A_68, %dma_wait3A_73, %dma_wait3A_74] : memref<16x250x80x128xf32, #tpu.memory_space<hbm>> -> memref<1x1x80x128xf32, #tpu.memory_space<hbm>>
    %dma_wait3A_76 = tpu.memref_squeeze %dma_wait3A_75 : memref<1x1x80x128xf32, #tpu.memory_space<hbm>> -> memref<80x128xf32, #tpu.memory_space<hbm>>
    tpu.wait_dma2 semaphore(%arg14 : memref<!tpu.dma_semaphore, #tpu.memory_space<semaphore_mem>>) src(%dma_wait3A_76 : memref<80x128xf32, #tpu.memory_space<hbm>>) dst(%arg11 : memref<80x128xf32, #tpu.memory_space<vmem>>)
    %scan3A_77 = arith.constant 0 : i32
    %scan3A_78 = arith.constant 0 : i32
    %scan3A_79 = arith.constant 80 : i32
    %scan3A_80 = arith.addi %scan3A_78, %scan3A_79 : i32
    %scan3A_81 = arith.constant 1 : i32
    %scan3A_82 = scf.for %scan3A_158 = %scan3A_78 to %scan3A_80 step %scan3A_81 iter_args(%scan3A_159 = %scan3A_77) -> (i32)  : i32 {
      %get3A = arith.index_cast %scan3A_158 : i32 to index
      %get3A_160 = arith.constant 0 : index
      %get3A_161 = tpu.vector_load %arg9[%get3A, %get3A_160] {strides = array<i32>} : memref<80x128xf32, #tpu.memory_space<vmem>>, vector<1x16xf32>,
      %get3A_162 = vector.shape_cast %get3A_161 : vector<1x16xf32> to vector<16xf32>
      %get3A_163 = arith.index_cast %scan3A_158 : i32 to index
      %get3A_164 = arith.constant 0 : index
      %get3A_165 = tpu.vector_load %arg11[%get3A_163, %get3A_164] {strides = array<i32>} : memref<80x128xf32, #tpu.memory_space<vmem>>, vector<1x16xf32>,
      %get3A_166 = vector.shape_cast %get3A_165 : vector<1x16xf32> to vector<16xf32>
      %add3A_167 = arith.addf %get3A_162, %get3A_166 : vector<16xf32>
      %max3A = arith.constant 0.000000e+00 : f32
      %max3A_168 = vector.broadcast %max3A : f32 to vector<16xf32>
      %max3A_169 = arith.maximumf %add3A_167, %max3A_168 : vector<16xf32>
      %swap3A = arith.index_cast %scan3A_158 : i32 to index
      %swap3A_170 = arith.constant 0 : index
      %swap3A_171 = tpu.vector_load %arg11[%swap3A, %swap3A_170] {strides = array<i32>} : memref<80x128xf32, #tpu.memory_space<vmem>>, vector<1x16xf32>,
      %swap3A_172 = vector.shape_cast %swap3A_171 : vector<1x16xf32> to vector<16xf32>
      %swap3A_173 = vector.shape_cast %max3A_169 : vector<16xf32> to vector<1x16xf32>
      tpu.vector_store %arg11[%swap3A, %swap3A_170], %swap3A_173 {strides = array<i32>} : memref<80x128xf32, #tpu.memory_space<vmem>>, vector<1x16xf32>,
      %get3A_174 = arith.index_cast %scan3A_158 : i32 to index
      %get3A_175 = arith.constant 16 : index
      %get3A_176 = tpu.vector_load %arg9[%get3A_174, %get3A_175] {strides = array<i32>} : memref<80x128xf32, #tpu.memory_space<vmem>>, vector<1x16xf32>,
      %get3A_177 = vector.shape_cast %get3A_176 : vector<1x16xf32> to vector<16xf32>
      %get3A_178 = arith.index_cast %scan3A_158 : i32 to index
      %get3A_179 = arith.constant 16 : index
      %get3A_180 = tpu.vector_load %arg11[%get3A_178, %get3A_179] {strides = array<i32>} : memref<80x128xf32, #tpu.memory_space<vmem>>, vector<1x16xf32>,
      %get3A_181 = vector.shape_cast %get3A_180 : vector<1x16xf32> to vector<16xf32>
      %add3A_182 = arith.addf %get3A_177, %get3A_181 : vector<16xf32>
      %max3A_183 = arith.constant 0.000000e+00 : f32
      %max3A_184 = vector.broadcast %max3A_183 : f32 to vector<16xf32>
      %max3A_185 = arith.maximumf %add3A_182, %max3A_184 : vector<16xf32>
      %swap3A_186 = arith.index_cast %scan3A_158 : i32 to index
      %swap3A_187 = arith.constant 16 : index
      %swap3A_188 = tpu.vector_load %arg11[%swap3A_186, %swap3A_187] {strides = array<i32>} : memref<80x128xf32, #tpu.memory_space<vmem>>, vector<1x16xf32>,
      %swap3A_189 = vector.shape_cast %swap3A_188 : vector<1x16xf32> to vector<16xf32>
      %swap3A_190 = vector.shape_cast %max3A_185 : vector<16xf32> to vector<1x16xf32>
      tpu.vector_store %arg11[%swap3A_186, %swap3A_187], %swap3A_190 {strides = array<i32>} : memref<80x128xf32, #tpu.memory_space<vmem>>, vector<1x16xf32>,
      %get3A_191 = arith.index_cast %scan3A_158 : i32 to index
      %get3A_192 = arith.constant 32 : index
      %get3A_193 = tpu.vector_load %arg9[%get3A_191, %get3A_192] {strides = array<i32>} : memref<80x128xf32, #tpu.memory_space<vmem>>, vector<1x16xf32>,
      %get3A_194 = vector.shape_cast %get3A_193 : vector<1x16xf32> to vector<16xf32>
      %get3A_195 = arith.index_cast %scan3A_158 : i32 to index
      %get3A_196 = arith.constant 32 : index
      %get3A_197 = tpu.vector_load %arg11[%get3A_195, %get3A_196] {strides = array<i32>} : memref<80x128xf32, #tpu.memory_space<vmem>>, vector<1x16xf32>,
      %get3A_198 = vector.shape_cast %get3A_197 : vector<1x16xf32> to vector<16xf32>
      %add3A_199 = arith.addf %get3A_194, %get3A_198 : vector<16xf32>
      %max3A_200 = arith.constant 0.000000e+00 : f32
      %max3A_201 = vector.broadcast %max3A_200 : f32 to vector<16xf32>
      %max3A_202 = arith.maximumf %add3A_199, %max3A_201 : vector<16xf32>
      %swap3A_203 = arith.index_cast %scan3A_158 : i32 to index
      %swap3A_204 = arith.constant 32 : index
      %swap3A_205 = tpu.vector_load %arg11[%swap3A_203, %swap3A_204] {strides = array<i32>} : memref<80x128xf32, #tpu.memory_space<vmem>>, vector<1x16xf32>,
      %swap3A_206 = vector.shape_cast %swap3A_205 : vector<1x16xf32> to vector<16xf32>
      %swap3A_207 = vector.shape_cast %max3A_202 : vector<16xf32> to vector<1x16xf32>
      tpu.vector_store %arg11[%swap3A_203, %swap3A_204], %swap3A_207 {strides = array<i32>} : memref<80x128xf32, #tpu.memory_space<vmem>>, vector<1x16xf32>,
      %get3A_208 = arith.index_cast %scan3A_158 : i32 to index
      %get3A_209 = arith.constant 48 : index
      %get3A_210 = tpu.vector_load %arg9[%get3A_208, %get3A_209] {strides = array<i32>} : memref<80x128xf32, #tpu.memory_space<vmem>>, vector<1x16xf32>,
      %get3A_211 = vector.shape_cast %get3A_210 : vector<1x16xf32> to vector<16xf32>
      %get3A_212 = arith.index_cast %scan3A_158 : i32 to index
      %get3A_213 = arith.constant 48 : index
      %get3A_214 = tpu.vector_load %arg11[%get3A_212, %get3A_213] {strides = array<i32>} : memref<80x128xf32, #tpu.memory_space<vmem>>, vector<1x16xf32>,
      %get3A_215 = vector.shape_cast %get3A_214 : vector<1x16xf32> to vector<16xf32>
      %add3A_216 = arith.addf %get3A_211, %get3A_215 : vector<16xf32>
      %max3A_217 = arith.constant 0.000000e+00 : f32
      %max3A_218 = vector.broadcast %max3A_217 : f32 to vector<16xf32>
      %max3A_219 = arith.maximumf %add3A_216, %max3A_218 : vector<16xf32>
      %swap3A_220 = arith.index_cast %scan3A_158 : i32 to index
      %swap3A_221 = arith.constant 48 : index
      %swap3A_222 = tpu.vector_load %arg11[%swap3A_220, %swap3A_221] {strides = array<i32>} : memref<80x128xf32, #tpu.memory_space<vmem>>, vector<1x16xf32>,
      %swap3A_223 = vector.shape_cast %swap3A_222 : vector<1x16xf32> to vector<16xf32>
      %swap3A_224 = vector.shape_cast %max3A_219 : vector<16xf32> to vector<1x16xf32>
      tpu.vector_store %arg11[%swap3A_220, %swap3A_221], %swap3A_224 {strides = array<i32>} : memref<80x128xf32, #tpu.memory_space<vmem>>, vector<1x16xf32>,
      %get3A_225 = arith.index_cast %scan3A_158 : i32 to index
      %get3A_226 = arith.constant 64 : index
      %get3A_227 = tpu.vector_load %arg9[%get3A_225, %get3A_226] {strides = array<i32>} : memref<80x128xf32, #tpu.memory_space<vmem>>, vector<1x16xf32>,
      %get3A_228 = vector.shape_cast %get3A_227 : vector<1x16xf32> to vector<16xf32>
      %get3A_229 = arith.index_cast %scan3A_158 : i32 to index
      %get3A_230 = arith.constant 64 : index
      %get3A_231 = tpu.vector_load %arg11[%get3A_229, %get3A_230] {strides = array<i32>} : memref<80x128xf32, #tpu.memory_space<vmem>>, vector<1x16xf32>,
      %get3A_232 = vector.shape_cast %get3A_231 : vector<1x16xf32> to vector<16xf32>
      %add3A_233 = arith.addf %get3A_228, %get3A_232 : vector<16xf32>
      %max3A_234 = arith.constant 0.000000e+00 : f32
      %max3A_235 = vector.broadcast %max3A_234 : f32 to vector<16xf32>
      %max3A_236 = arith.maximumf %add3A_233, %max3A_235 : vector<16xf32>
      %swap3A_237 = arith.index_cast %scan3A_158 : i32 to index
      %swap3A_238 = arith.constant 64 : index
      %swap3A_239 = tpu.vector_load %arg11[%swap3A_237, %swap3A_238] {strides = array<i32>} : memref<80x128xf32, #tpu.memory_space<vmem>>, vector<1x16xf32>,
      %swap3A_240 = vector.shape_cast %swap3A_239 : vector<1x16xf32> to vector<16xf32>
      %swap3A_241 = vector.shape_cast %max3A_236 : vector<16xf32> to vector<1x16xf32>
      tpu.vector_store %arg11[%swap3A_237, %swap3A_238], %swap3A_241 {strides = array<i32>} : memref<80x128xf32, #tpu.memory_space<vmem>>, vector<1x16xf32>,
      %get3A_242 = arith.index_cast %scan3A_158 : i32 to index
      %get3A_243 = arith.constant 80 : index
      %get3A_244 = tpu.vector_load %arg9[%get3A_242, %get3A_243] {strides = array<i32>} : memref<80x128xf32, #tpu.memory_space<vmem>>, vector<1x16xf32>,
      %get3A_245 = vector.shape_cast %get3A_244 : vector<1x16xf32> to vector<16xf32>
      %get3A_246 = arith.index_cast %scan3A_158 : i32 to index
      %get3A_247 = arith.constant 80 : index
      %get3A_248 = tpu.vector_load %arg11[%get3A_246, %get3A_247] {strides = array<i32>} : memref<80x128xf32, #tpu.memory_space<vmem>>, vector<1x16xf32>,
      %get3A_249 = vector.shape_cast %get3A_248 : vector<1x16xf32> to vector<16xf32>
      %add3A_250 = arith.addf %get3A_245, %get3A_249 : vector<16xf32>
      %max3A_251 = arith.constant 0.000000e+00 : f32
      %max3A_252 = vector.broadcast %max3A_251 : f32 to vector<16xf32>
      %max3A_253 = arith.maximumf %add3A_250, %max3A_252 : vector<16xf32>
      %swap3A_254 = arith.index_cast %scan3A_158 : i32 to index
      %swap3A_255 = arith.constant 80 : index
      %swap3A_256 = tpu.vector_load %arg11[%swap3A_254, %swap3A_255] {strides = array<i32>} : memref<80x128xf32, #tpu.memory_space<vmem>>, vector<1x16xf32>,
      %swap3A_257 = vector.shape_cast %swap3A_256 : vector<1x16xf32> to vector<16xf32>
      %swap3A_258 = vector.shape_cast %max3A_253 : vector<16xf32> to vector<1x16xf32>
      tpu.vector_store %arg11[%swap3A_254, %swap3A_255], %swap3A_258 {strides = array<i32>} : memref<80x128xf32, #tpu.memory_space<vmem>>, vector<1x16xf32>,
      %get3A_259 = arith.index_cast %scan3A_158 : i32 to index
      %get3A_260 = arith.constant 96 : index
      %get3A_261 = tpu.vector_load %arg9[%get3A_259, %get3A_260] {strides = array<i32>} : memref<80x128xf32, #tpu.memory_space<vmem>>, vector<1x16xf32>,
      %get3A_262 = vector.shape_cast %get3A_261 : vector<1x16xf32> to vector<16xf32>
      %get3A_263 = arith.index_cast %scan3A_158 : i32 to index
      %get3A_264 = arith.constant 96 : index
      %get3A_265 = tpu.vector_load %arg11[%get3A_263, %get3A_264] {strides = array<i32>} : memref<80x128xf32, #tpu.memory_space<vmem>>, vector<1x16xf32>,
      %get3A_266 = vector.shape_cast %get3A_265 : vector<1x16xf32> to vector<16xf32>
      %add3A_267 = arith.addf %get3A_262, %get3A_266 : vector<16xf32>
      %max3A_268 = arith.constant 0.000000e+00 : f32
      %max3A_269 = vector.broadcast %max3A_268 : f32 to vector<16xf32>
      %max3A_270 = arith.maximumf %add3A_267, %max3A_269 : vector<16xf32>
      %swap3A_271 = arith.index_cast %scan3A_158 : i32 to index
      %swap3A_272 = arith.constant 96 : index
      %swap3A_273 = tpu.vector_load %arg11[%swap3A_271, %swap3A_272] {strides = array<i32>} : memref<80x128xf32, #tpu.memory_space<vmem>>, vector<1x16xf32>,
      %swap3A_274 = vector.shape_cast %swap3A_273 : vector<1x16xf32> to vector<16xf32>
      %swap3A_275 = vector.shape_cast %max3A_270 : vector<16xf32> to vector<1x16xf32>
      tpu.vector_store %arg11[%swap3A_271, %swap3A_272], %swap3A_275 {strides = array<i32>} : memref<80x128xf32, #tpu.memory_space<vmem>>, vector<1x16xf32>,
      %get3A_276 = arith.index_cast %scan3A_158 : i32 to index
      %get3A_277 = arith.constant 112 : index
      %get3A_278 = tpu.vector_load %arg9[%get3A_276, %get3A_277] {strides = array<i32>} : memref<80x128xf32, #tpu.memory_space<vmem>>, vector<1x16xf32>,
      %get3A_279 = vector.shape_cast %get3A_278 : vector<1x16xf32> to vector<16xf32>
      %get3A_280 = arith.index_cast %scan3A_158 : i32 to index
      %get3A_281 = arith.constant 112 : index
      %get3A_282 = tpu.vector_load %arg11[%get3A_280, %get3A_281] {strides = array<i32>} : memref<80x128xf32, #tpu.memory_space<vmem>>, vector<1x16xf32>,
      %get3A_283 = vector.shape_cast %get3A_282 : vector<1x16xf32> to vector<16xf32>
      %add3A_284 = arith.addf %get3A_279, %get3A_283 : vector<16xf32>
      %max3A_285 = arith.constant 0.000000e+00 : f32
      %max3A_286 = vector.broadcast %max3A_285 : f32 to vector<16xf32>
      %max3A_287 = arith.maximumf %add3A_284, %max3A_286 : vector<16xf32>
      %swap3A_288 = arith.index_cast %scan3A_158 : i32 to index
      %swap3A_289 = arith.constant 112 : index
      %swap3A_290 = tpu.vector_load %arg11[%swap3A_288, %swap3A_289] {strides = array<i32>} : memref<80x128xf32, #tpu.memory_space<vmem>>, vector<1x16xf32>,
      %swap3A_291 = vector.shape_cast %swap3A_290 : vector<1x16xf32> to vector<16xf32>
      %swap3A_292 = vector.shape_cast %max3A_287 : vector<16xf32> to vector<1x16xf32>
      tpu.vector_store %arg11[%swap3A_288, %swap3A_289], %swap3A_292 {strides = array<i32>} : memref<80x128xf32, #tpu.memory_space<vmem>>, vector<1x16xf32>,
      %scan3A_293 = arith.constant 0 : i32
      scf.yield %scan3A_293 : i32
    }
    %scan3A_83 = arith.constant 80 : i32
    %run_scoped3A_84 = arith.constant 124 : i32
    "tpu.region"() ({
      %run_scoped3A_158 = tpu.sem_alloc : memref<!tpu.dma_semaphore, #tpu.memory_space<semaphore_mem>>
      %dma_start3A_159 = arith.constant 0 : i32
      %dma_start3A_160 = tpu.memref_slice %arg8[%run_scoped3A_84, %dma_start3A_159] : memref<125x80xi32, #tpu.memory_space<vmem>> -> memref<1x80xi32, #tpu.memory_space<vmem>>
      %dma_start3A_161 = tpu.memref_squeeze %dma_start3A_160 : memref<1x80xi32, #tpu.memory_space<vmem>> -> memref<80xi32, #tpu.memory_space<vmem>>
      %dma_start3A_162 = arith.constant 0 : i32
      %dma_start3A_163 = arith.constant 0 : i32
      %dma_start3A_164 = tpu.memref_slice %arg13[%dma_start3A_162, %dma_start3A_163] : memref<5200x128xf32, #tpu.memory_space<vmem_shared>> -> memref<5200x128xf32, #tpu.memory_space<vmem_shared>>
      tpu.enqueue_indirect_dma source(%arg11 : memref<80x128xf32, #tpu.memory_space<vmem>>) target(%dma_start3A_164 : memref<5200x128xf32, #tpu.memory_space<vmem_shared>>) offsets(%dma_start3A_161 : memref<80xi32, #tpu.memory_space<vmem>>) semaphore(%run_scoped3A_158 : memref<!tpu.dma_semaphore, #tpu.memory_space<semaphore_mem>>) {add = true}
      %dma_wait3A_165 = arith.constant 0 : i32
      %dma_wait3A_166 = tpu.memref_slice %arg8[%run_scoped3A_84, %dma_wait3A_165] : memref<125x80xi32, #tpu.memory_space<vmem>> -> memref<1x80xi32, #tpu.memory_space<vmem>>
      %dma_wait3A_167 = tpu.memref_squeeze %dma_wait3A_166 : memref<1x80xi32, #tpu.memory_space<vmem>> -> memref<80xi32, #tpu.memory_space<vmem>>
      %dma_wait3A_168 = arith.constant 0 : i32
      %dma_wait3A_169 = arith.constant 0 : i32
      %dma_wait3A_170 = tpu.memref_slice %arg13[%dma_wait3A_168, %dma_wait3A_169] : memref<5200x128xf32, #tpu.memory_space<vmem_shared>> -> memref<5200x128xf32, #tpu.memory_space<vmem_shared>>
      tpu.wait_indirect_dma semaphore(%run_scoped3A_158 : memref<!tpu.dma_semaphore, #tpu.memory_space<semaphore_mem>>) src(%arg11 : memref<80x128xf32, #tpu.memory_space<vmem>>) dst(%dma_wait3A_170 : memref<5200x128xf32, #tpu.memory_space<vmem_shared>>)
      tpu.yield
    }) : () -> ()
    %run_scoped3A_85 = arith.constant 1 : i32
    "tpu.region"() ({
      %run_scoped3A_158 = tpu.sem_alloc : memref<!tpu.dma_semaphore, #tpu.memory_space<semaphore_mem>>
      %dma_start3A_159 = arith.constant 0 : i32
      %dma_start3A_160 = arith.constant 0 : i32
      %dma_start3A_161 = tpu.memref_slice %arg4[%arg1, %run_scoped3A_85, %dma_start3A_159, %dma_start3A_160] : memref<16x2x125x80xi32, #tpu.memory_space<hbm>> -> memref<1x1x125x80xi32, #tpu.memory_space<hbm>>
      %dma_start3A_162 = tpu.memref_squeeze %dma_start3A_161 : memref<1x1x125x80xi32, #tpu.memory_space<hbm>> -> memref<125x80xi32, #tpu.memory_space<hbm>>
      %dma_start3A_163 = arith.constant 0 : i32
      %dma_start3A_164 = arith.constant 0 : i32
      %dma_start3A_165 = tpu.memref_slice %arg4[%arg1, %run_scoped3A_85, %dma_start3A_163, %dma_start3A_164] : memref<16x2x125x80xi32, #tpu.memory_space<hbm>> -> memref<1x1x125x80xi32, #tpu.memory_space<hbm>>
      %dma_start3A_166 = tpu.memref_squeeze %dma_start3A_165 : memref<1x1x125x80xi32, #tpu.memory_space<hbm>> -> memref<125x80xi32, #tpu.memory_space<hbm>>
      tpu.enqueue_dma source(%dma_start3A_166 : memref<125x80xi32, #tpu.memory_space<hbm>>) target(%arg7 : memref<125x80xi32, #tpu.memory_space<vmem>>) target_semaphore(%run_scoped3A_158 : memref<!tpu.dma_semaphore, #tpu.memory_space<semaphore_mem>>)
      %dma_wait3A_167 = arith.constant 0 : i32
      %dma_wait3A_168 = arith.constant 0 : i32
      %dma_wait3A_169 = tpu.memref_slice %arg4[%arg1, %run_scoped3A_85, %dma_wait3A_167, %dma_wait3A_168] : memref<16x2x125x80xi32, #tpu.memory_space<hbm>> -> memref<1x1x125x80xi32, #tpu.memory_space<hbm>>
      %dma_wait3A_170 = tpu.memref_squeeze %dma_wait3A_169 : memref<1x1x125x80xi32, #tpu.memory_space<hbm>> -> memref<125x80xi32, #tpu.memory_space<hbm>>
      %dma_wait3A_171 = arith.constant 0 : i32
      %dma_wait3A_172 = arith.constant 0 : i32
      %dma_wait3A_173 = tpu.memref_slice %arg4[%arg1, %run_scoped3A_85, %dma_wait3A_171, %dma_wait3A_172] : memref<16x2x125x80xi32, #tpu.memory_space<hbm>> -> memref<1x1x125x80xi32, #tpu.memory_space<hbm>>
      %dma_wait3A_174 = tpu.memref_squeeze %dma_wait3A_173 : memref<1x1x125x80xi32, #tpu.memory_space<hbm>> -> memref<125x80xi32, #tpu.memory_space<hbm>>
      tpu.wait_dma2 semaphore(%run_scoped3A_158 : memref<!tpu.dma_semaphore, #tpu.memory_space<semaphore_mem>>) src(%dma_wait3A_174 : memref<125x80xi32, #tpu.memory_space<hbm>>) dst(%arg7 : memref<125x80xi32, #tpu.memory_space<vmem>>)
      tpu.yield
    }) : () -> ()
    %run_scoped3A_86 = arith.constant 1 : i32
    "tpu.region"() ({
      %run_scoped3A_158 = tpu.sem_alloc : memref<!tpu.dma_semaphore, #tpu.memory_space<semaphore_mem>>
      %dma_start3A_159 = arith.constant 0 : i32
      %dma_start3A_160 = arith.constant 0 : i32
      %dma_start3A_161 = tpu.memref_slice %arg5[%arg1, %run_scoped3A_86, %dma_start3A_159, %dma_start3A_160] : memref<16x2x125x80xi32, #tpu.memory_space<hbm>> -> memref<1x1x125x80xi32, #tpu.memory_space<hbm>>
      %dma_start3A_162 = tpu.memref_squeeze %dma_start3A_161 : memref<1x1x125x80xi32, #tpu.memory_space<hbm>> -> memref<125x80xi32, #tpu.memory_space<hbm>>
      %dma_start3A_163 = arith.constant 0 : i32
      %dma_start3A_164 = arith.constant 0 : i32
      %dma_start3A_165 = tpu.memref_slice %arg5[%arg1, %run_scoped3A_86, %dma_start3A_163, %dma_start3A_164] : memref<16x2x125x80xi32, #tpu.memory_space<hbm>> -> memref<1x1x125x80xi32, #tpu.memory_space<hbm>>
      %dma_start3A_166 = tpu.memref_squeeze %dma_start3A_165 : memref<1x1x125x80xi32, #tpu.memory_space<hbm>> -> memref<125x80xi32, #tpu.memory_space<hbm>>
      tpu.enqueue_dma source(%dma_start3A_166 : memref<125x80xi32, #tpu.memory_space<hbm>>) target(%arg8 : memref<125x80xi32, #tpu.memory_space<vmem>>) target_semaphore(%run_scoped3A_158 : memref<!tpu.dma_semaphore, #tpu.memory_space<semaphore_mem>>)
      %dma_wait3A_167 = arith.constant 0 : i32
      %dma_wait3A_168 = arith.constant 0 : i32
      %dma_wait3A_169 = tpu.memref_slice %arg5[%arg1, %run_scoped3A_86, %dma_wait3A_167, %dma_wait3A_168] : memref<16x2x125x80xi32, #tpu.memory_space<hbm>> -> memref<1x1x125x80xi32, #tpu.memory_space<hbm>>
      %dma_wait3A_170 = tpu.memref_squeeze %dma_wait3A_169 : memref<1x1x125x80xi32, #tpu.memory_space<hbm>> -> memref<125x80xi32, #tpu.memory_space<hbm>>
      %dma_wait3A_171 = arith.constant 0 : i32
      %dma_wait3A_172 = arith.constant 0 : i32
      %dma_wait3A_173 = tpu.memref_slice %arg5[%arg1, %run_scoped3A_86, %dma_wait3A_171, %dma_wait3A_172] : memref<16x2x125x80xi32, #tpu.memory_space<hbm>> -> memref<1x1x125x80xi32, #tpu.memory_space<hbm>>
      %dma_wait3A_174 = tpu.memref_squeeze %dma_wait3A_173 : memref<1x1x125x80xi32, #tpu.memory_space<hbm>> -> memref<125x80xi32, #tpu.memory_space<hbm>>
      tpu.wait_dma2 semaphore(%run_scoped3A_158 : memref<!tpu.dma_semaphore, #tpu.memory_space<semaphore_mem>>) src(%dma_wait3A_174 : memref<125x80xi32, #tpu.memory_space<hbm>>) dst(%arg8 : memref<125x80xi32, #tpu.memory_space<vmem>>)
      tpu.yield
    }) : () -> ()
    %scan3A_87 = arith.constant 0 : i32
    %scan3A_88 = arith.constant 0 : i32
    %scan3A_89 = arith.constant 125 : i32
    %scan3A_90 = arith.addi %scan3A_88, %scan3A_89 : i32
    %scan3A_91 = arith.constant 1 : i32
    %scan3A_92 = scf.for %scan3A_158 = %scan3A_88 to %scan3A_90 step %scan3A_91 iter_args(%scan3A_159 = %scan3A_87) -> (i32)  : i32 {
      %get3A = arith.index_cast %scan3A_158 : i32 to index
      %get3A_160 = arith.constant 0 : index
      %get3A_161 = tpu.vector_load %arg8[%get3A, %get3A_160] {strides = array<i32>} : memref<125x80xi32, #tpu.memory_space<vmem>>, vector<1x16xi32>,
      %get3A_162 = vector.shape_cast %get3A_161 : vector<1x16xi32> to vector<16xi32>
      %sub3A = vector.broadcast %mul3A_0 : i32 to vector<16xi32>
      %sub3A_163 = arith.subi %get3A_162, %sub3A : vector<16xi32>
      %ge3A = arith.constant 0 : i32
      %ge3A_164 = vector.broadcast %ge3A : i32 to vector<16xi32>
      %ge3A_165 = arith.cmpi sge, %sub3A_163, %ge3A_164 : vector<16xi32>
      %lt3A = arith.constant 5000 : i32
      %lt3A_166 = vector.broadcast %lt3A : i32 to vector<16xi32>
      %lt3A_167 = arith.cmpi slt, %sub3A_163, %lt3A_166 : vector<16xi32>
      %and3A = arith.andi %ge3A_165, %lt3A_167 : vector<16xi1>
      %add3A_168 = arith.constant 5120 : i32
      %add3A_169 = vector.broadcast %add3A_168 : i32 to vector<16xi32>
      %add3A_170 = arith.addi %add3A_169, %iota3A : vector<16xi32>
      %select_n3A = arith.select %and3A, %sub3A_163, %add3A_170 : vector<16xi1>, vector<16xi32>
      %swap3A = arith.index_cast %scan3A_158 : i32 to index
      %swap3A_171 = arith.constant 0 : index
      %swap3A_172 = tpu.vector_load %arg8[%swap3A, %swap3A_171] {strides = array<i32>} : memref<125x80xi32, #tpu.memory_space<vmem>>, vector<1x16xi32>,
      %swap3A_173 = vector.shape_cast %swap3A_172 : vector<1x16xi32> to vector<16xi32>
      %swap3A_174 = vector.shape_cast %select_n3A : vector<16xi32> to vector<1x16xi32>
      tpu.vector_store %arg8[%swap3A, %swap3A_171], %swap3A_174 {strides = array<i32>} : memref<125x80xi32, #tpu.memory_space<vmem>>, vector<1x16xi32>,
      %get3A_175 = arith.index_cast %scan3A_158 : i32 to index
      %get3A_176 = arith.constant 16 : index
      %get3A_177 = tpu.vector_load %arg8[%get3A_175, %get3A_176] {strides = array<i32>} : memref<125x80xi32, #tpu.memory_space<vmem>>, vector<1x16xi32>,
      %get3A_178 = vector.shape_cast %get3A_177 : vector<1x16xi32> to vector<16xi32>
      %sub3A_179 = vector.broadcast %mul3A_0 : i32 to vector<16xi32>
      %sub3A_180 = arith.subi %get3A_178, %sub3A_179 : vector<16xi32>
      %ge3A_181 = arith.constant 0 : i32
      %ge3A_182 = vector.broadcast %ge3A_181 : i32 to vector<16xi32>
      %ge3A_183 = arith.cmpi sge, %sub3A_180, %ge3A_182 : vector<16xi32>
      %lt3A_184 = arith.constant 5000 : i32
      %lt3A_185 = vector.broadcast %lt3A_184 : i32 to vector<16xi32>
      %lt3A_186 = arith.cmpi slt, %sub3A_180, %lt3A_185 : vector<16xi32>
      %and3A_187 = arith.andi %ge3A_183, %lt3A_186 : vector<16xi1>
      %add3A_188 = arith.constant 5136 : i32
      %add3A_189 = vector.broadcast %add3A_188 : i32 to vector<16xi32>
      %add3A_190 = arith.addi %add3A_189, %iota3A : vector<16xi32>
      %select_n3A_191 = arith.select %and3A_187, %sub3A_180, %add3A_190 : vector<16xi1>, vector<16xi32>
      %swap3A_192 = arith.index_cast %scan3A_158 : i32 to index
      %swap3A_193 = arith.constant 16 : index
      %swap3A_194 = tpu.vector_load %arg8[%swap3A_192, %swap3A_193] {strides = array<i32>} : memref<125x80xi32, #tpu.memory_space<vmem>>, vector<1x16xi32>,
      %swap3A_195 = vector.shape_cast %swap3A_194 : vector<1x16xi32> to vector<16xi32>
      %swap3A_196 = vector.shape_cast %select_n3A_191 : vector<16xi32> to vector<1x16xi32>
      tpu.vector_store %arg8[%swap3A_192, %swap3A_193], %swap3A_196 {strides = array<i32>} : memref<125x80xi32, #tpu.memory_space<vmem>>, vector<1x16xi32>,
      %get3A_197 = arith.index_cast %scan3A_158 : i32 to index
      %get3A_198 = arith.constant 32 : index
      %get3A_199 = tpu.vector_load %arg8[%get3A_197, %get3A_198] {strides = array<i32>} : memref<125x80xi32, #tpu.memory_space<vmem>>, vector<1x16xi32>,
      %get3A_200 = vector.shape_cast %get3A_199 : vector<1x16xi32> to vector<16xi32>
      %sub3A_201 = vector.broadcast %mul3A_0 : i32 to vector<16xi32>
      %sub3A_202 = arith.subi %get3A_200, %sub3A_201 : vector<16xi32>
      %ge3A_203 = arith.constant 0 : i32
      %ge3A_204 = vector.broadcast %ge3A_203 : i32 to vector<16xi32>
      %ge3A_205 = arith.cmpi sge, %sub3A_202, %ge3A_204 : vector<16xi32>
      %lt3A_206 = arith.constant 5000 : i32
      %lt3A_207 = vector.broadcast %lt3A_206 : i32 to vector<16xi32>
      %lt3A_208 = arith.cmpi slt, %sub3A_202, %lt3A_207 : vector<16xi32>
      %and3A_209 = arith.andi %ge3A_205, %lt3A_208 : vector<16xi1>
      %add3A_210 = arith.constant 5152 : i32
      %add3A_211 = vector.broadcast %add3A_210 : i32 to vector<16xi32>
      %add3A_212 = arith.addi %add3A_211, %iota3A : vector<16xi32>
      %select_n3A_213 = arith.select %and3A_209, %sub3A_202, %add3A_212 : vector<16xi1>, vector<16xi32>
      %swap3A_214 = arith.index_cast %scan3A_158 : i32 to index
      %swap3A_215 = arith.constant 32 : index
      %swap3A_216 = tpu.vector_load %arg8[%swap3A_214, %swap3A_215] {strides = array<i32>} : memref<125x80xi32, #tpu.memory_space<vmem>>, vector<1x16xi32>,
      %swap3A_217 = vector.shape_cast %swap3A_216 : vector<1x16xi32> to vector<16xi32>
      %swap3A_218 = vector.shape_cast %select_n3A_213 : vector<16xi32> to vector<1x16xi32>
      tpu.vector_store %arg8[%swap3A_214, %swap3A_215], %swap3A_218 {strides = array<i32>} : memref<125x80xi32, #tpu.memory_space<vmem>>, vector<1x16xi32>,
      %get3A_219 = arith.index_cast %scan3A_158 : i32 to index
      %get3A_220 = arith.constant 48 : index
      %get3A_221 = tpu.vector_load %arg8[%get3A_219, %get3A_220] {strides = array<i32>} : memref<125x80xi32, #tpu.memory_space<vmem>>, vector<1x16xi32>,
      %get3A_222 = vector.shape_cast %get3A_221 : vector<1x16xi32> to vector<16xi32>
      %sub3A_223 = vector.broadcast %mul3A_0 : i32 to vector<16xi32>
      %sub3A_224 = arith.subi %get3A_222, %sub3A_223 : vector<16xi32>
      %ge3A_225 = arith.constant 0 : i32
      %ge3A_226 = vector.broadcast %ge3A_225 : i32 to vector<16xi32>
      %ge3A_227 = arith.cmpi sge, %sub3A_224, %ge3A_226 : vector<16xi32>
      %lt3A_228 = arith.constant 5000 : i32
      %lt3A_229 = vector.broadcast %lt3A_228 : i32 to vector<16xi32>
      %lt3A_230 = arith.cmpi slt, %sub3A_224, %lt3A_229 : vector<16xi32>
      %and3A_231 = arith.andi %ge3A_227, %lt3A_230 : vector<16xi1>
      %add3A_232 = arith.constant 5168 : i32
      %add3A_233 = vector.broadcast %add3A_232 : i32 to vector<16xi32>
      %add3A_234 = arith.addi %add3A_233, %iota3A : vector<16xi32>
      %select_n3A_235 = arith.select %and3A_231, %sub3A_224, %add3A_234 : vector<16xi1>, vector<16xi32>
      %swap3A_236 = arith.index_cast %scan3A_158 : i32 to index
      %swap3A_237 = arith.constant 48 : index
      %swap3A_238 = tpu.vector_load %arg8[%swap3A_236, %swap3A_237] {strides = array<i32>} : memref<125x80xi32, #tpu.memory_space<vmem>>, vector<1x16xi32>,
      %swap3A_239 = vector.shape_cast %swap3A_238 : vector<1x16xi32> to vector<16xi32>
      %swap3A_240 = vector.shape_cast %select_n3A_235 : vector<16xi32> to vector<1x16xi32>
      tpu.vector_store %arg8[%swap3A_236, %swap3A_237], %swap3A_240 {strides = array<i32>} : memref<125x80xi32, #tpu.memory_space<vmem>>, vector<1x16xi32>,
      %get3A_241 = arith.index_cast %scan3A_158 : i32 to index
      %get3A_242 = arith.constant 64 : index
      %get3A_243 = tpu.vector_load %arg8[%get3A_241, %get3A_242] {strides = array<i32>} : memref<125x80xi32, #tpu.memory_space<vmem>>, vector<1x16xi32>,
      %get3A_244 = vector.shape_cast %get3A_243 : vector<1x16xi32> to vector<16xi32>
      %sub3A_245 = vector.broadcast %mul3A_0 : i32 to vector<16xi32>
      %sub3A_246 = arith.subi %get3A_244, %sub3A_245 : vector<16xi32>
      %ge3A_247 = arith.constant 0 : i32
      %ge3A_248 = vector.broadcast %ge3A_247 : i32 to vector<16xi32>
      %ge3A_249 = arith.cmpi sge, %sub3A_246, %ge3A_248 : vector<16xi32>
      %lt3A_250 = arith.constant 5000 : i32
      %lt3A_251 = vector.broadcast %lt3A_250 : i32 to vector<16xi32>
      %lt3A_252 = arith.cmpi slt, %sub3A_246, %lt3A_251 : vector<16xi32>
      %and3A_253 = arith.andi %ge3A_249, %lt3A_252 : vector<16xi1>
      %add3A_254 = arith.constant 5184 : i32
      %add3A_255 = vector.broadcast %add3A_254 : i32 to vector<16xi32>
      %add3A_256 = arith.addi %add3A_255, %iota3A : vector<16xi32>
      %select_n3A_257 = arith.select %and3A_253, %sub3A_246, %add3A_256 : vector<16xi1>, vector<16xi32>
      %swap3A_258 = arith.index_cast %scan3A_158 : i32 to index
      %swap3A_259 = arith.constant 64 : index
      %swap3A_260 = tpu.vector_load %arg8[%swap3A_258, %swap3A_259] {strides = array<i32>} : memref<125x80xi32, #tpu.memory_space<vmem>>, vector<1x16xi32>,
      %swap3A_261 = vector.shape_cast %swap3A_260 : vector<1x16xi32> to vector<16xi32>
      %swap3A_262 = vector.shape_cast %select_n3A_257 : vector<16xi32> to vector<1x16xi32>
      tpu.vector_store %arg8[%swap3A_258, %swap3A_259], %swap3A_262 {strides = array<i32>} : memref<125x80xi32, #tpu.memory_space<vmem>>, vector<1x16xi32>,
      %scan3A_263 = arith.constant 0 : i32
      scf.yield %scan3A_263 : i32
    }
    %scan3A_93 = arith.constant 125 : i32
    %dma_start3A_94 = arith.constant 0 : i32
    %dma_start3A_95 = arith.constant 0 : i32
    %dma_start3A_96 = tpu.memref_slice %arg7[%dma_start3A_94, %dma_start3A_95] : memref<125x80xi32, #tpu.memory_space<vmem>> -> memref<1x80xi32, #tpu.memory_space<vmem>>
    %dma_start3A_97 = tpu.memref_squeeze %dma_start3A_96 : memref<1x80xi32, #tpu.memory_space<vmem>> -> memref<80xi32, #tpu.memory_space<vmem>>
    %dma_start3A_98 = arith.constant 0 : i32
    %dma_start3A_99 = arith.constant 0 : i32
    %dma_start3A_100 = tpu.memref_slice %arg2[%dma_start3A_98, %dma_start3A_99] : memref<10000x128xf32, #tpu.memory_space<hbm>> -> memref<10000x128xf32, #tpu.memory_space<hbm>>
    tpu.enqueue_indirect_dma source(%dma_start3A_100 : memref<10000x128xf32, #tpu.memory_space<hbm>>) target(%arg9 : memref<80x128xf32, #tpu.memory_space<vmem>>) offsets(%dma_start3A_97 : memref<80xi32, #tpu.memory_space<vmem>>) semaphore(%arg14 : memref<!tpu.dma_semaphore, #tpu.memory_space<semaphore_mem>>)
    %dma_start3A_101 = arith.constant 125 : i32
    %dma_start3A_102 = arith.constant 0 : i32
    %dma_start3A_103 = arith.constant 0 : i32
    %dma_start3A_104 = tpu.memref_slice %arg3[%arg1, %dma_start3A_101, %dma_start3A_102, %dma_start3A_103] : memref<16x250x80x128xf32, #tpu.memory_space<hbm>> -> memref<1x1x80x128xf32, #tpu.memory_space<hbm>>
    %dma_start3A_105 = tpu.memref_squeeze %dma_start3A_104 : memref<1x1x80x128xf32, #tpu.memory_space<hbm>> -> memref<80x128xf32, #tpu.memory_space<hbm>>
    %dma_start3A_106 = arith.constant 0 : i32
    %dma_start3A_107 = arith.constant 0 : i32
    %dma_start3A_108 = tpu.memref_slice %arg3[%arg1, %dma_start3A_101, %dma_start3A_106, %dma_start3A_107] : memref<16x250x80x128xf32, #tpu.memory_space<hbm>> -> memref<1x1x80x128xf32, #tpu.memory_space<hbm>>
    %dma_start3A_109 = tpu.memref_squeeze %dma_start3A_108 : memref<1x1x80x128xf32, #tpu.memory_space<hbm>> -> memref<80x128xf32, #tpu.memory_space<hbm>>
    tpu.enqueue_dma source(%dma_start3A_109 : memref<80x128xf32, #tpu.memory_space<hbm>>) target(%arg11 : memref<80x128xf32, #tpu.memory_space<vmem>>) target_semaphore(%arg14 : memref<!tpu.dma_semaphore, #tpu.memory_space<semaphore_mem>>)
    %scan3A_110 = arith.constant 0 : i32
    %scan3A_111 = arith.constant 0 : i32
    %scan3A_112 = arith.constant 62 : i32
    %scan3A_113 = arith.addi %scan3A_111, %scan3A_112 : i32
    %scan3A_114 = arith.constant 1 : i32
    %scan3A_115 = scf.for %scan3A_158 = %scan3A_111 to %scan3A_113 step %scan3A_114 iter_args(%scan3A_159 = %scan3A_110) -> (i32)  : i32 {
      %mul3A_160 = arith.constant 2 : i32
      %mul3A_161 = arith.muli %mul3A_160, %scan3A_158 : i32
      %add3A_162 = arith.constant 1 : i32
      %add3A_163 = arith.addi %mul3A_161, %add3A_162 : i32
      %dma_start3A_164 = arith.constant 0 : i32
      %dma_start3A_165 = tpu.memref_slice %arg7[%add3A_163, %dma_start3A_164] : memref<125x80xi32, #tpu.memory_space<vmem>> -> memref<1x80xi32, #tpu.memory_space<vmem>>
      %dma_start3A_166 = tpu.memref_squeeze %dma_start3A_165 : memref<1x80xi32, #tpu.memory_space<vmem>> -> memref<80xi32, #tpu.memory_space<vmem>>
      %dma_start3A_167 = arith.constant 0 : i32
      %dma_start3A_168 = arith.constant 0 : i32
      %dma_start3A_169 = tpu.memref_slice %arg2[%dma_start3A_167, %dma_start3A_168] : memref<10000x128xf32, #tpu.memory_space<hbm>> -> memref<10000x128xf32, #tpu.memory_space<hbm>>
      tpu.enqueue_indirect_dma source(%dma_start3A_169 : memref<10000x128xf32, #tpu.memory_space<hbm>>) target(%arg10 : memref<80x128xf32, #tpu.memory_space<vmem>>) offsets(%dma_start3A_166 : memref<80xi32, #tpu.memory_space<vmem>>) semaphore(%arg15 : memref<!tpu.dma_semaphore, #tpu.memory_space<semaphore_mem>>)
      %add3A_170 = arith.constant 125 : i32
      %add3A_171 = arith.addi %add3A_170, %add3A_163 : i32
      %dma_start3A_172 = arith.constant 0 : i32
      %dma_start3A_173 = arith.constant 0 : i32
      %dma_start3A_174 = tpu.memref_slice %arg3[%arg1, %add3A_171, %dma_start3A_172, %dma_start3A_173] : memref<16x250x80x128xf32, #tpu.memory_space<hbm>> -> memref<1x1x80x128xf32, #tpu.memory_space<hbm>>
      %dma_start3A_175 = tpu.memref_squeeze %dma_start3A_174 : memref<1x1x80x128xf32, #tpu.memory_space<hbm>> -> memref<80x128xf32, #tpu.memory_space<hbm>>
      %dma_start3A_176 = arith.constant 0 : i32
      %dma_start3A_177 = arith.constant 0 : i32
      %dma_start3A_178 = tpu.memref_slice %arg3[%arg1, %add3A_171, %dma_start3A_176, %dma_start3A_177] : memref<16x250x80x128xf32, #tpu.memory_space<hbm>> -> memref<1x1x80x128xf32, #tpu.memory_space<hbm>>
      %dma_start3A_179 = tpu.memref_squeeze %dma_start3A_178 : memref<1x1x80x128xf32, #tpu.memory_space<hbm>> -> memref<80x128xf32, #tpu.memory_space<hbm>>
      tpu.enqueue_dma source(%dma_start3A_179 : memref<80x128xf32, #tpu.memory_space<hbm>>) target(%arg12 : memref<80x128xf32, #tpu.memory_space<vmem>>) target_semaphore(%arg15 : memref<!tpu.dma_semaphore, #tpu.memory_space<semaphore_mem>>)
      %dma_wait3A_180 = arith.constant 0 : i32
      %dma_wait3A_181 = tpu.memref_slice %arg7[%mul3A_161, %dma_wait3A_180] : memref<125x80xi32, #tpu.memory_space<vmem>> -> memref<1x80xi32, #tpu.memory_space<vmem>>
      %dma_wait3A_182 = tpu.memref_squeeze %dma_wait3A_181 : memref<1x80xi32, #tpu.memory_space<vmem>> -> memref<80xi32, #tpu.memory_space<vmem>>
      %dma_wait3A_183 = arith.constant 0 : i32
      %dma_wait3A_184 = arith.constant 0 : i32
      %dma_wait3A_185 = tpu.memref_slice %arg2[%dma_wait3A_183, %dma_wait3A_184] : memref<10000x128xf32, #tpu.memory_space<hbm>> -> memref<10000x128xf32, #tpu.memory_space<hbm>>
      tpu.wait_indirect_dma semaphore(%arg14 : memref<!tpu.dma_semaphore, #tpu.memory_space<semaphore_mem>>) src(%dma_wait3A_185 : memref<10000x128xf32, #tpu.memory_space<hbm>>) dst(%arg9 : memref<80x128xf32, #tpu.memory_space<vmem>>)
      %add3A_186 = arith.constant 125 : i32
      %add3A_187 = arith.addi %add3A_186, %mul3A_161 : i32
      %dma_wait3A_188 = arith.constant 0 : i32
      %dma_wait3A_189 = arith.constant 0 : i32
      %dma_wait3A_190 = tpu.memref_slice %arg3[%arg1, %add3A_187, %dma_wait3A_188, %dma_wait3A_189] : memref<16x250x80x128xf32, #tpu.memory_space<hbm>> -> memref<1x1x80x128xf32, #tpu.memory_space<hbm>>
      %dma_wait3A_191 = tpu.memref_squeeze %dma_wait3A_190 : memref<1x1x80x128xf32, #tpu.memory_space<hbm>> -> memref<80x128xf32, #tpu.memory_space<hbm>>
      %dma_wait3A_192 = arith.constant 0 : i32
      %dma_wait3A_193 = arith.constant 0 : i32
      %dma_wait3A_194 = tpu.memref_slice %arg3[%arg1, %add3A_187, %dma_wait3A_192, %dma_wait3A_193] : memref<16x250x80x128xf32, #tpu.memory_space<hbm>> -> memref<1x1x80x128xf32, #tpu.memory_space<hbm>>
      %dma_wait3A_195 = tpu.memref_squeeze %dma_wait3A_194 : memref<1x1x80x128xf32, #tpu.memory_space<hbm>> -> memref<80x128xf32, #tpu.memory_space<hbm>>
      tpu.wait_dma2 semaphore(%arg14 : memref<!tpu.dma_semaphore, #tpu.memory_space<semaphore_mem>>) src(%dma_wait3A_195 : memref<80x128xf32, #tpu.memory_space<hbm>>) dst(%arg11 : memref<80x128xf32, #tpu.memory_space<vmem>>)
      %scan3A_196 = arith.constant 0 : i32
      %scan3A_197 = arith.constant 0 : i32
      %scan3A_198 = arith.constant 80 : i32
      %scan3A_199 = arith.addi %scan3A_197, %scan3A_198 : i32
      %scan3A_200 = arith.constant 1 : i32
      %scan3A_201 = scf.for %scan3A_233 = %scan3A_197 to %scan3A_199 step %scan3A_200 iter_args(%scan3A_234 = %scan3A_196) -> (i32)  : i32 {
        %get3A = arith.index_cast %scan3A_233 : i32 to index
        %get3A_235 = arith.constant 0 : index
        %get3A_236 = tpu.vector_load %arg9[%get3A, %get3A_235] {strides = array<i32>} : memref<80x128xf32, #tpu.memory_space<vmem>>, vector<1x16xf32>,
        %get3A_237 = vector.shape_cast %get3A_236 : vector<1x16xf32> to vector<16xf32>
        %get3A_238 = arith.index_cast %scan3A_233 : i32 to index
        %get3A_239 = arith.constant 0 : index
        %get3A_240 = tpu.vector_load %arg11[%get3A_238, %get3A_239] {strides = array<i32>} : memref<80x128xf32, #tpu.memory_space<vmem>>, vector<1x16xf32>,
        %get3A_241 = vector.shape_cast %get3A_240 : vector<1x16xf32> to vector<16xf32>
        %add3A_242 = arith.addf %get3A_237, %get3A_241 : vector<16xf32>
        %max3A = arith.constant 0.000000e+00 : f32
        %max3A_243 = vector.broadcast %max3A : f32 to vector<16xf32>
        %max3A_244 = arith.maximumf %add3A_242, %max3A_243 : vector<16xf32>
        %swap3A = arith.index_cast %scan3A_233 : i32 to index
        %swap3A_245 = arith.constant 0 : index
        %swap3A_246 = tpu.vector_load %arg11[%swap3A, %swap3A_245] {strides = array<i32>} : memref<80x128xf32, #tpu.memory_space<vmem>>, vector<1x16xf32>,
        %swap3A_247 = vector.shape_cast %swap3A_246 : vector<1x16xf32> to vector<16xf32>
        %swap3A_248 = vector.shape_cast %max3A_244 : vector<16xf32> to vector<1x16xf32>
        tpu.vector_store %arg11[%swap3A, %swap3A_245], %swap3A_248 {strides = array<i32>} : memref<80x128xf32, #tpu.memory_space<vmem>>, vector<1x16xf32>,
        %get3A_249 = arith.index_cast %scan3A_233 : i32 to index
        %get3A_250 = arith.constant 16 : index
        %get3A_251 = tpu.vector_load %arg9[%get3A_249, %get3A_250] {strides = array<i32>} : memref<80x128xf32, #tpu.memory_space<vmem>>, vector<1x16xf32>,
        %get3A_252 = vector.shape_cast %get3A_251 : vector<1x16xf32> to vector<16xf32>
        %get3A_253 = arith.index_cast %scan3A_233 : i32 to index
        %get3A_254 = arith.constant 16 : index
        %get3A_255 = tpu.vector_load %arg11[%get3A_253, %get3A_254] {strides = array<i32>} : memref<80x128xf32, #tpu.memory_space<vmem>>, vector<1x16xf32>,
        %get3A_256 = vector.shape_cast %get3A_255 : vector<1x16xf32> to vector<16xf32>
        %add3A_257 = arith.addf %get3A_252, %get3A_256 : vector<16xf32>
        %max3A_258 = arith.constant 0.000000e+00 : f32
        %max3A_259 = vector.broadcast %max3A_258 : f32 to vector<16xf32>
        %max3A_260 = arith.maximumf %add3A_257, %max3A_259 : vector<16xf32>
        %swap3A_261 = arith.index_cast %scan3A_233 : i32 to index
        %swap3A_262 = arith.constant 16 : index
        %swap3A_263 = tpu.vector_load %arg11[%swap3A_261, %swap3A_262] {strides = array<i32>} : memref<80x128xf32, #tpu.memory_space<vmem>>, vector<1x16xf32>,
        %swap3A_264 = vector.shape_cast %swap3A_263 : vector<1x16xf32> to vector<16xf32>
        %swap3A_265 = vector.shape_cast %max3A_260 : vector<16xf32> to vector<1x16xf32>
        tpu.vector_store %arg11[%swap3A_261, %swap3A_262], %swap3A_265 {strides = array<i32>} : memref<80x128xf32, #tpu.memory_space<vmem>>, vector<1x16xf32>,
        %get3A_266 = arith.index_cast %scan3A_233 : i32 to index
        %get3A_267 = arith.constant 32 : index
        %get3A_268 = tpu.vector_load %arg9[%get3A_266, %get3A_267] {strides = array<i32>} : memref<80x128xf32, #tpu.memory_space<vmem>>, vector<1x16xf32>,
        %get3A_269 = vector.shape_cast %get3A_268 : vector<1x16xf32> to vector<16xf32>
        %get3A_270 = arith.index_cast %scan3A_233 : i32 to index
        %get3A_271 = arith.constant 32 : index
        %get3A_272 = tpu.vector_load %arg11[%get3A_270, %get3A_271] {strides = array<i32>} : memref<80x128xf32, #tpu.memory_space<vmem>>, vector<1x16xf32>,
        %get3A_273 = vector.shape_cast %get3A_272 : vector<1x16xf32> to vector<16xf32>
        %add3A_274 = arith.addf %get3A_269, %get3A_273 : vector<16xf32>
        %max3A_275 = arith.constant 0.000000e+00 : f32
        %max3A_276 = vector.broadcast %max3A_275 : f32 to vector<16xf32>
        %max3A_277 = arith.maximumf %add3A_274, %max3A_276 : vector<16xf32>
        %swap3A_278 = arith.index_cast %scan3A_233 : i32 to index
        %swap3A_279 = arith.constant 32 : index
        %swap3A_280 = tpu.vector_load %arg11[%swap3A_278, %swap3A_279] {strides = array<i32>} : memref<80x128xf32, #tpu.memory_space<vmem>>, vector<1x16xf32>,
        %swap3A_281 = vector.shape_cast %swap3A_280 : vector<1x16xf32> to vector<16xf32>
        %swap3A_282 = vector.shape_cast %max3A_277 : vector<16xf32> to vector<1x16xf32>
        tpu.vector_store %arg11[%swap3A_278, %swap3A_279], %swap3A_282 {strides = array<i32>} : memref<80x128xf32, #tpu.memory_space<vmem>>, vector<1x16xf32>,
        %get3A_283 = arith.index_cast %scan3A_233 : i32 to index
        %get3A_284 = arith.constant 48 : index
        %get3A_285 = tpu.vector_load %arg9[%get3A_283, %get3A_284] {strides = array<i32>} : memref<80x128xf32, #tpu.memory_space<vmem>>, vector<1x16xf32>,
        %get3A_286 = vector.shape_cast %get3A_285 : vector<1x16xf32> to vector<16xf32>
        %get3A_287 = arith.index_cast %scan3A_233 : i32 to index
        %get3A_288 = arith.constant 48 : index
        %get3A_289 = tpu.vector_load %arg11[%get3A_287, %get3A_288] {strides = array<i32>} : memref<80x128xf32, #tpu.memory_space<vmem>>, vector<1x16xf32>,
        %get3A_290 = vector.shape_cast %get3A_289 : vector<1x16xf32> to vector<16xf32>
        %add3A_291 = arith.addf %get3A_286, %get3A_290 : vector<16xf32>
        %max3A_292 = arith.constant 0.000000e+00 : f32
        %max3A_293 = vector.broadcast %max3A_292 : f32 to vector<16xf32>
        %max3A_294 = arith.maximumf %add3A_291, %max3A_293 : vector<16xf32>
        %swap3A_295 = arith.index_cast %scan3A_233 : i32 to index
        %swap3A_296 = arith.constant 48 : index
        %swap3A_297 = tpu.vector_load %arg11[%swap3A_295, %swap3A_296] {strides = array<i32>} : memref<80x128xf32, #tpu.memory_space<vmem>>, vector<1x16xf32>,
        %swap3A_298 = vector.shape_cast %swap3A_297 : vector<1x16xf32> to vector<16xf32>
        %swap3A_299 = vector.shape_cast %max3A_294 : vector<16xf32> to vector<1x16xf32>
        tpu.vector_store %arg11[%swap3A_295, %swap3A_296], %swap3A_299 {strides = array<i32>} : memref<80x128xf32, #tpu.memory_space<vmem>>, vector<1x16xf32>,
        %get3A_300 = arith.index_cast %scan3A_233 : i32 to index
        %get3A_301 = arith.constant 64 : index
        %get3A_302 = tpu.vector_load %arg9[%get3A_300, %get3A_301] {strides = array<i32>} : memref<80x128xf32, #tpu.memory_space<vmem>>, vector<1x16xf32>,
        %get3A_303 = vector.shape_cast %get3A_302 : vector<1x16xf32> to vector<16xf32>
        %get3A_304 = arith.index_cast %scan3A_233 : i32 to index
        %get3A_305 = arith.constant 64 : index
        %get3A_306 = tpu.vector_load %arg11[%get3A_304, %get3A_305] {strides = array<i32>} : memref<80x128xf32, #tpu.memory_space<vmem>>, vector<1x16xf32>,
        %get3A_307 = vector.shape_cast %get3A_306 : vector<1x16xf32> to vector<16xf32>
        %add3A_308 = arith.addf %get3A_303, %get3A_307 : vector<16xf32>
        %max3A_309 = arith.constant 0.000000e+00 : f32
        %max3A_310 = vector.broadcast %max3A_309 : f32 to vector<16xf32>
        %max3A_311 = arith.maximumf %add3A_308, %max3A_310 : vector<16xf32>
        %swap3A_312 = arith.index_cast %scan3A_233 : i32 to index
        %swap3A_313 = arith.constant 64 : index
        %swap3A_314 = tpu.vector_load %arg11[%swap3A_312, %swap3A_313] {strides = array<i32>} : memref<80x128xf32, #tpu.memory_space<vmem>>, vector<1x16xf32>,
        %swap3A_315 = vector.shape_cast %swap3A_314 : vector<1x16xf32> to vector<16xf32>
        %swap3A_316 = vector.shape_cast %max3A_311 : vector<16xf32> to vector<1x16xf32>
        tpu.vector_store %arg11[%swap3A_312, %swap3A_313], %swap3A_316 {strides = array<i32>} : memref<80x128xf32, #tpu.memory_space<vmem>>, vector<1x16xf32>,
        %get3A_317 = arith.index_cast %scan3A_233 : i32 to index
        %get3A_318 = arith.constant 80 : index
        %get3A_319 = tpu.vector_load %arg9[%get3A_317, %get3A_318] {strides = array<i32>} : memref<80x128xf32, #tpu.memory_space<vmem>>, vector<1x16xf32>,
        %get3A_320 = vector.shape_cast %get3A_319 : vector<1x16xf32> to vector<16xf32>
        %get3A_321 = arith.index_cast %scan3A_233 : i32 to index
        %get3A_322 = arith.constant 80 : index
        %get3A_323 = tpu.vector_load %arg11[%get3A_321, %get3A_322] {strides = array<i32>} : memref<80x128xf32, #tpu.memory_space<vmem>>, vector<1x16xf32>,
        %get3A_324 = vector.shape_cast %get3A_323 : vector<1x16xf32> to vector<16xf32>
        %add3A_325 = arith.addf %get3A_320, %get3A_324 : vector<16xf32>
        %max3A_326 = arith.constant 0.000000e+00 : f32
        %max3A_327 = vector.broadcast %max3A_326 : f32 to vector<16xf32>
        %max3A_328 = arith.maximumf %add3A_325, %max3A_327 : vector<16xf32>
        %swap3A_329 = arith.index_cast %scan3A_233 : i32 to index
        %swap3A_330 = arith.constant 80 : index
        %swap3A_331 = tpu.vector_load %arg11[%swap3A_329, %swap3A_330] {strides = array<i32>} : memref<80x128xf32, #tpu.memory_space<vmem>>, vector<1x16xf32>,
        %swap3A_332 = vector.shape_cast %swap3A_331 : vector<1x16xf32> to vector<16xf32>
        %swap3A_333 = vector.shape_cast %max3A_328 : vector<16xf32> to vector<1x16xf32>
        tpu.vector_store %arg11[%swap3A_329, %swap3A_330], %swap3A_333 {strides = array<i32>} : memref<80x128xf32, #tpu.memory_space<vmem>>, vector<1x16xf32>,
        %get3A_334 = arith.index_cast %scan3A_233 : i32 to index
        %get3A_335 = arith.constant 96 : index
        %get3A_336 = tpu.vector_load %arg9[%get3A_334, %get3A_335] {strides = array<i32>} : memref<80x128xf32, #tpu.memory_space<vmem>>, vector<1x16xf32>,
        %get3A_337 = vector.shape_cast %get3A_336 : vector<1x16xf32> to vector<16xf32>
        %get3A_338 = arith.index_cast %scan3A_233 : i32 to index
        %get3A_339 = arith.constant 96 : index
        %get3A_340 = tpu.vector_load %arg11[%get3A_338, %get3A_339] {strides = array<i32>} : memref<80x128xf32, #tpu.memory_space<vmem>>, vector<1x16xf32>,
        %get3A_341 = vector.shape_cast %get3A_340 : vector<1x16xf32> to vector<16xf32>
        %add3A_342 = arith.addf %get3A_337, %get3A_341 : vector<16xf32>
        %max3A_343 = arith.constant 0.000000e+00 : f32
        %max3A_344 = vector.broadcast %max3A_343 : f32 to vector<16xf32>
        %max3A_345 = arith.maximumf %add3A_342, %max3A_344 : vector<16xf32>
        %swap3A_346 = arith.index_cast %scan3A_233 : i32 to index
        %swap3A_347 = arith.constant 96 : index
        %swap3A_348 = tpu.vector_load %arg11[%swap3A_346, %swap3A_347] {strides = array<i32>} : memref<80x128xf32, #tpu.memory_space<vmem>>, vector<1x16xf32>,
        %swap3A_349 = vector.shape_cast %swap3A_348 : vector<1x16xf32> to vector<16xf32>
        %swap3A_350 = vector.shape_cast %max3A_345 : vector<16xf32> to vector<1x16xf32>
        tpu.vector_store %arg11[%swap3A_346, %swap3A_347], %swap3A_350 {strides = array<i32>} : memref<80x128xf32, #tpu.memory_space<vmem>>, vector<1x16xf32>,
        %get3A_351 = arith.index_cast %scan3A_233 : i32 to index
        %get3A_352 = arith.constant 112 : index
        %get3A_353 = tpu.vector_load %arg9[%get3A_351, %get3A_352] {strides = array<i32>} : memref<80x128xf32, #tpu.memory_space<vmem>>, vector<1x16xf32>,
        %get3A_354 = vector.shape_cast %get3A_353 : vector<1x16xf32> to vector<16xf32>
        %get3A_355 = arith.index_cast %scan3A_233 : i32 to index
        %get3A_356 = arith.constant 112 : index
        %get3A_357 = tpu.vector_load %arg11[%get3A_355, %get3A_356] {strides = array<i32>} : memref<80x128xf32, #tpu.memory_space<vmem>>, vector<1x16xf32>,
        %get3A_358 = vector.shape_cast %get3A_357 : vector<1x16xf32> to vector<16xf32>
        %add3A_359 = arith.addf %get3A_354, %get3A_358 : vector<16xf32>
        %max3A_360 = arith.constant 0.000000e+00 : f32
        %max3A_361 = vector.broadcast %max3A_360 : f32 to vector<16xf32>
        %max3A_362 = arith.maximumf %add3A_359, %max3A_361 : vector<16xf32>
        %swap3A_363 = arith.index_cast %scan3A_233 : i32 to index
        %swap3A_364 = arith.constant 112 : index
        %swap3A_365 = tpu.vector_load %arg11[%swap3A_363, %swap3A_364] {strides = array<i32>} : memref<80x128xf32, #tpu.memory_space<vmem>>, vector<1x16xf32>,
        %swap3A_366 = vector.shape_cast %swap3A_365 : vector<1x16xf32> to vector<16xf32>
        %swap3A_367 = vector.shape_cast %max3A_362 : vector<16xf32> to vector<1x16xf32>
        tpu.vector_store %arg11[%swap3A_363, %swap3A_364], %swap3A_367 {strides = array<i32>} : memref<80x128xf32, #tpu.memory_space<vmem>>, vector<1x16xf32>,
        %scan3A_368 = arith.constant 0 : i32
        scf.yield %scan3A_368 : i32
      }
      %scan3A_202 = arith.constant 80 : i32
      "tpu.region"() ({
        %run_scoped3A_233 = tpu.sem_alloc : memref<!tpu.dma_semaphore, #tpu.memory_space<semaphore_mem>>
        %dma_start3A_234 = arith.constant 0 : i32
        %dma_start3A_235 = tpu.memref_slice %arg8[%mul3A_161, %dma_start3A_234] : memref<125x80xi32, #tpu.memory_space<vmem>> -> memref<1x80xi32, #tpu.memory_space<vmem>>
        %dma_start3A_236 = tpu.memref_squeeze %dma_start3A_235 : memref<1x80xi32, #tpu.memory_space<vmem>> -> memref<80xi32, #tpu.memory_space<vmem>>
        %dma_start3A_237 = arith.constant 0 : i32
        %dma_start3A_238 = arith.constant 0 : i32
        %dma_start3A_239 = tpu.memref_slice %arg13[%dma_start3A_237, %dma_start3A_238] : memref<5200x128xf32, #tpu.memory_space<vmem_shared>> -> memref<5200x128xf32, #tpu.memory_space<vmem_shared>>
        tpu.enqueue_indirect_dma source(%arg11 : memref<80x128xf32, #tpu.memory_space<vmem>>) target(%dma_start3A_239 : memref<5200x128xf32, #tpu.memory_space<vmem_shared>>) offsets(%dma_start3A_236 : memref<80xi32, #tpu.memory_space<vmem>>) semaphore(%run_scoped3A_233 : memref<!tpu.dma_semaphore, #tpu.memory_space<semaphore_mem>>) {add = true}
        %dma_wait3A_240 = arith.constant 0 : i32
        %dma_wait3A_241 = tpu.memref_slice %arg8[%mul3A_161, %dma_wait3A_240] : memref<125x80xi32, #tpu.memory_space<vmem>> -> memref<1x80xi32, #tpu.memory_space<vmem>>
        %dma_wait3A_242 = tpu.memref_squeeze %dma_wait3A_241 : memref<1x80xi32, #tpu.memory_space<vmem>> -> memref<80xi32, #tpu.memory_space<vmem>>
        %dma_wait3A_243 = arith.constant 0 : i32
        %dma_wait3A_244 = arith.constant 0 : i32
        %dma_wait3A_245 = tpu.memref_slice %arg13[%dma_wait3A_243, %dma_wait3A_244] : memref<5200x128xf32, #tpu.memory_space<vmem_shared>> -> memref<5200x128xf32, #tpu.memory_space<vmem_shared>>
        tpu.wait_indirect_dma semaphore(%run_scoped3A_233 : memref<!tpu.dma_semaphore, #tpu.memory_space<semaphore_mem>>) src(%arg11 : memref<80x128xf32, #tpu.memory_space<vmem>>) dst(%dma_wait3A_245 : memref<5200x128xf32, #tpu.memory_space<vmem_shared>>)
        tpu.yield
      }) : () -> ()
      %lt3A = arith.constant 61 : i32
      %lt3A_203 = arith.cmpi slt, %scan3A_158, %lt3A : i32
      %convert_element_type3A = arith.extui %lt3A_203 : i1 to i32
      %cond3A = arith.constant 0 : i32
      %cond3A_204 = arith.cmpi ne, %convert_element_type3A, %cond3A : i32
      scf.if %cond3A_204 {
        %add3A_233 = arith.constant 2 : i32
        %add3A_234 = arith.addi %mul3A_161, %add3A_233 : i32
        %dma_start3A_235 = arith.constant 0 : i32
        %dma_start3A_236 = tpu.memref_slice %arg7[%add3A_234, %dma_start3A_235] : memref<125x80xi32, #tpu.memory_space<vmem>> -> memref<1x80xi32, #tpu.memory_space<vmem>>
        %dma_start3A_237 = tpu.memref_squeeze %dma_start3A_236 : memref<1x80xi32, #tpu.memory_space<vmem>> -> memref<80xi32, #tpu.memory_space<vmem>>
        %dma_start3A_238 = arith.constant 0 : i32
        %dma_start3A_239 = arith.constant 0 : i32
        %dma_start3A_240 = tpu.memref_slice %arg2[%dma_start3A_238, %dma_start3A_239] : memref<10000x128xf32, #tpu.memory_space<hbm>> -> memref<10000x128xf32, #tpu.memory_space<hbm>>
        tpu.enqueue_indirect_dma source(%dma_start3A_240 : memref<10000x128xf32, #tpu.memory_space<hbm>>) target(%arg9 : memref<80x128xf32, #tpu.memory_space<vmem>>) offsets(%dma_start3A_237 : memref<80xi32, #tpu.memory_space<vmem>>) semaphore(%arg14 : memref<!tpu.dma_semaphore, #tpu.memory_space<semaphore_mem>>)
        %add3A_241 = arith.constant 125 : i32
        %add3A_242 = arith.addi %add3A_241, %add3A_234 : i32
        %dma_start3A_243 = arith.constant 0 : i32
        %dma_start3A_244 = arith.constant 0 : i32
        %dma_start3A_245 = tpu.memref_slice %arg3[%arg1, %add3A_242, %dma_start3A_243, %dma_start3A_244] : memref<16x250x80x128xf32, #tpu.memory_space<hbm>> -> memref<1x1x80x128xf32, #tpu.memory_space<hbm>>
        %dma_start3A_246 = tpu.memref_squeeze %dma_start3A_245 : memref<1x1x80x128xf32, #tpu.memory_space<hbm>> -> memref<80x128xf32, #tpu.memory_space<hbm>>
        %dma_start3A_247 = arith.constant 0 : i32
        %dma_start3A_248 = arith.constant 0 : i32
        %dma_start3A_249 = tpu.memref_slice %arg3[%arg1, %add3A_242, %dma_start3A_247, %dma_start3A_248] : memref<16x250x80x128xf32, #tpu.memory_space<hbm>> -> memref<1x1x80x128xf32, #tpu.memory_space<hbm>>
        %dma_start3A_250 = tpu.memref_squeeze %dma_start3A_249 : memref<1x1x80x128xf32, #tpu.memory_space<hbm>> -> memref<80x128xf32, #tpu.memory_space<hbm>>
        tpu.enqueue_dma source(%dma_start3A_250 : memref<80x128xf32, #tpu.memory_space<hbm>>) target(%arg11 : memref<80x128xf32, #tpu.memory_space<vmem>>) target_semaphore(%arg14 : memref<!tpu.dma_semaphore, #tpu.memory_space<semaphore_mem>>)
      } else {
      }
      %add3A_205 = arith.constant 1 : i32
      %add3A_206 = arith.addi %mul3A_161, %add3A_205 : i32
      %dma_wait3A_207 = arith.constant 0 : i32
      %dma_wait3A_208 = tpu.memref_slice %arg7[%add3A_206, %dma_wait3A_207] : memref<125x80xi32, #tpu.memory_space<vmem>> -> memref<1x80xi32, #tpu.memory_space<vmem>>
      %dma_wait3A_209 = tpu.memref_squeeze %dma_wait3A_208 : memref<1x80xi32, #tpu.memory_space<vmem>> -> memref<80xi32, #tpu.memory_space<vmem>>
      %dma_wait3A_210 = arith.constant 0 : i32
      %dma_wait3A_211 = arith.constant 0 : i32
      %dma_wait3A_212 = tpu.memref_slice %arg2[%dma_wait3A_210, %dma_wait3A_211] : memref<10000x128xf32, #tpu.memory_space<hbm>> -> memref<10000x128xf32, #tpu.memory_space<hbm>>
      tpu.wait_indirect_dma semaphore(%arg15 : memref<!tpu.dma_semaphore, #tpu.memory_space<semaphore_mem>>) src(%dma_wait3A_212 : memref<10000x128xf32, #tpu.memory_space<hbm>>) dst(%arg10 : memref<80x128xf32, #tpu.memory_space<vmem>>)
      %add3A_213 = arith.constant 125 : i32
      %add3A_214 = arith.addi %add3A_213, %add3A_206 : i32
      %dma_wait3A_215 = arith.constant 0 : i32
      %dma_wait3A_216 = arith.constant 0 : i32
      %dma_wait3A_217 = tpu.memref_slice %arg3[%arg1, %add3A_214, %dma_wait3A_215, %dma_wait3A_216] : memref<16x250x80x128xf32, #tpu.memory_space<hbm>> -> memref<1x1x80x128xf32, #tpu.memory_space<hbm>>
      %dma_wait3A_218 = tpu.memref_squeeze %dma_wait3A_217 : memref<1x1x80x128xf32, #tpu.memory_space<hbm>> -> memref<80x128xf32, #tpu.memory_space<hbm>>
      %dma_wait3A_219 = arith.constant 0 : i32
      %dma_wait3A_220 = arith.constant 0 : i32
      %dma_wait3A_221 = tpu.memref_slice %arg3[%arg1, %add3A_214, %dma_wait3A_219, %dma_wait3A_220] : memref<16x250x80x128xf32, #tpu.memory_space<hbm>> -> memref<1x1x80x128xf32, #tpu.memory_space<hbm>>
      %dma_wait3A_222 = tpu.memref_squeeze %dma_wait3A_221 : memref<1x1x80x128xf32, #tpu.memory_space<hbm>> -> memref<80x128xf32, #tpu.memory_space<hbm>>
      tpu.wait_dma2 semaphore(%arg15 : memref<!tpu.dma_semaphore, #tpu.memory_space<semaphore_mem>>) src(%dma_wait3A_222 : memref<80x128xf32, #tpu.memory_space<hbm>>) dst(%arg12 : memref<80x128xf32, #tpu.memory_space<vmem>>)
      %scan3A_223 = arith.constant 0 : i32
      %scan3A_224 = arith.constant 0 : i32
      %scan3A_225 = arith.constant 80 : i32
      %scan3A_226 = arith.addi %scan3A_224, %scan3A_225 : i32
      %scan3A_227 = arith.constant 1 : i32
      %scan3A_228 = scf.for %scan3A_233 = %scan3A_224 to %scan3A_226 step %scan3A_227 iter_args(%scan3A_234 = %scan3A_223) -> (i32)  : i32 {
        %get3A = arith.index_cast %scan3A_233 : i32 to index
        %get3A_235 = arith.constant 0 : index
        %get3A_236 = tpu.vector_load %arg10[%get3A, %get3A_235] {strides = array<i32>} : memref<80x128xf32, #tpu.memory_space<vmem>>, vector<1x16xf32>,
        %get3A_237 = vector.shape_cast %get3A_236 : vector<1x16xf32> to vector<16xf32>
        %get3A_238 = arith.index_cast %scan3A_233 : i32 to index
        %get3A_239 = arith.constant 0 : index
        %get3A_240 = tpu.vector_load %arg12[%get3A_238, %get3A_239] {strides = array<i32>} : memref<80x128xf32, #tpu.memory_space<vmem>>, vector<1x16xf32>,
        %get3A_241 = vector.shape_cast %get3A_240 : vector<1x16xf32> to vector<16xf32>
        %add3A_242 = arith.addf %get3A_237, %get3A_241 : vector<16xf32>
        %max3A = arith.constant 0.000000e+00 : f32
        %max3A_243 = vector.broadcast %max3A : f32 to vector<16xf32>
        %max3A_244 = arith.maximumf %add3A_242, %max3A_243 : vector<16xf32>
        %swap3A = arith.index_cast %scan3A_233 : i32 to index
        %swap3A_245 = arith.constant 0 : index
        %swap3A_246 = tpu.vector_load %arg12[%swap3A, %swap3A_245] {strides = array<i32>} : memref<80x128xf32, #tpu.memory_space<vmem>>, vector<1x16xf32>,
        %swap3A_247 = vector.shape_cast %swap3A_246 : vector<1x16xf32> to vector<16xf32>
        %swap3A_248 = vector.shape_cast %max3A_244 : vector<16xf32> to vector<1x16xf32>
        tpu.vector_store %arg12[%swap3A, %swap3A_245], %swap3A_248 {strides = array<i32>} : memref<80x128xf32, #tpu.memory_space<vmem>>, vector<1x16xf32>,
        %get3A_249 = arith.index_cast %scan3A_233 : i32 to index
        %get3A_250 = arith.constant 16 : index
        %get3A_251 = tpu.vector_load %arg10[%get3A_249, %get3A_250] {strides = array<i32>} : memref<80x128xf32, #tpu.memory_space<vmem>>, vector<1x16xf32>,
        %get3A_252 = vector.shape_cast %get3A_251 : vector<1x16xf32> to vector<16xf32>
        %get3A_253 = arith.index_cast %scan3A_233 : i32 to index
        %get3A_254 = arith.constant 16 : index
        %get3A_255 = tpu.vector_load %arg12[%get3A_253, %get3A_254] {strides = array<i32>} : memref<80x128xf32, #tpu.memory_space<vmem>>, vector<1x16xf32>,
        %get3A_256 = vector.shape_cast %get3A_255 : vector<1x16xf32> to vector<16xf32>
        %add3A_257 = arith.addf %get3A_252, %get3A_256 : vector<16xf32>
        %max3A_258 = arith.constant 0.000000e+00 : f32
        %max3A_259 = vector.broadcast %max3A_258 : f32 to vector<16xf32>
        %max3A_260 = arith.maximumf %add3A_257, %max3A_259 : vector<16xf32>
        %swap3A_261 = arith.index_cast %scan3A_233 : i32 to index
        %swap3A_262 = arith.constant 16 : index
        %swap3A_263 = tpu.vector_load %arg12[%swap3A_261, %swap3A_262] {strides = array<i32>} : memref<80x128xf32, #tpu.memory_space<vmem>>, vector<1x16xf32>,
        %swap3A_264 = vector.shape_cast %swap3A_263 : vector<1x16xf32> to vector<16xf32>
        %swap3A_265 = vector.shape_cast %max3A_260 : vector<16xf32> to vector<1x16xf32>
        tpu.vector_store %arg12[%swap3A_261, %swap3A_262], %swap3A_265 {strides = array<i32>} : memref<80x128xf32, #tpu.memory_space<vmem>>, vector<1x16xf32>,
        %get3A_266 = arith.index_cast %scan3A_233 : i32 to index
        %get3A_267 = arith.constant 32 : index
        %get3A_268 = tpu.vector_load %arg10[%get3A_266, %get3A_267] {strides = array<i32>} : memref<80x128xf32, #tpu.memory_space<vmem>>, vector<1x16xf32>,
        %get3A_269 = vector.shape_cast %get3A_268 : vector<1x16xf32> to vector<16xf32>
        %get3A_270 = arith.index_cast %scan3A_233 : i32 to index
        %get3A_271 = arith.constant 32 : index
        %get3A_272 = tpu.vector_load %arg12[%get3A_270, %get3A_271] {strides = array<i32>} : memref<80x128xf32, #tpu.memory_space<vmem>>, vector<1x16xf32>,
        %get3A_273 = vector.shape_cast %get3A_272 : vector<1x16xf32> to vector<16xf32>
        %add3A_274 = arith.addf %get3A_269, %get3A_273 : vector<16xf32>
        %max3A_275 = arith.constant 0.000000e+00 : f32
        %max3A_276 = vector.broadcast %max3A_275 : f32 to vector<16xf32>
        %max3A_277 = arith.maximumf %add3A_274, %max3A_276 : vector<16xf32>
        %swap3A_278 = arith.index_cast %scan3A_233 : i32 to index
        %swap3A_279 = arith.constant 32 : index
        %swap3A_280 = tpu.vector_load %arg12[%swap3A_278, %swap3A_279] {strides = array<i32>} : memref<80x128xf32, #tpu.memory_space<vmem>>, vector<1x16xf32>,
        %swap3A_281 = vector.shape_cast %swap3A_280 : vector<1x16xf32> to vector<16xf32>
        %swap3A_282 = vector.shape_cast %max3A_277 : vector<16xf32> to vector<1x16xf32>
        tpu.vector_store %arg12[%swap3A_278, %swap3A_279], %swap3A_282 {strides = array<i32>} : memref<80x128xf32, #tpu.memory_space<vmem>>, vector<1x16xf32>,
        %get3A_283 = arith.index_cast %scan3A_233 : i32 to index
        %get3A_284 = arith.constant 48 : index
        %get3A_285 = tpu.vector_load %arg10[%get3A_283, %get3A_284] {strides = array<i32>} : memref<80x128xf32, #tpu.memory_space<vmem>>, vector<1x16xf32>,
        %get3A_286 = vector.shape_cast %get3A_285 : vector<1x16xf32> to vector<16xf32>
        %get3A_287 = arith.index_cast %scan3A_233 : i32 to index
        %get3A_288 = arith.constant 48 : index
        %get3A_289 = tpu.vector_load %arg12[%get3A_287, %get3A_288] {strides = array<i32>} : memref<80x128xf32, #tpu.memory_space<vmem>>, vector<1x16xf32>,
        %get3A_290 = vector.shape_cast %get3A_289 : vector<1x16xf32> to vector<16xf32>
        %add3A_291 = arith.addf %get3A_286, %get3A_290 : vector<16xf32>
        %max3A_292 = arith.constant 0.000000e+00 : f32
        %max3A_293 = vector.broadcast %max3A_292 : f32 to vector<16xf32>
        %max3A_294 = arith.maximumf %add3A_291, %max3A_293 : vector<16xf32>
        %swap3A_295 = arith.index_cast %scan3A_233 : i32 to index
        %swap3A_296 = arith.constant 48 : index
        %swap3A_297 = tpu.vector_load %arg12[%swap3A_295, %swap3A_296] {strides = array<i32>} : memref<80x128xf32, #tpu.memory_space<vmem>>, vector<1x16xf32>,
        %swap3A_298 = vector.shape_cast %swap3A_297 : vector<1x16xf32> to vector<16xf32>
        %swap3A_299 = vector.shape_cast %max3A_294 : vector<16xf32> to vector<1x16xf32>
        tpu.vector_store %arg12[%swap3A_295, %swap3A_296], %swap3A_299 {strides = array<i32>} : memref<80x128xf32, #tpu.memory_space<vmem>>, vector<1x16xf32>,
        %get3A_300 = arith.index_cast %scan3A_233 : i32 to index
        %get3A_301 = arith.constant 64 : index
        %get3A_302 = tpu.vector_load %arg10[%get3A_300, %get3A_301] {strides = array<i32>} : memref<80x128xf32, #tpu.memory_space<vmem>>, vector<1x16xf32>,
        %get3A_303 = vector.shape_cast %get3A_302 : vector<1x16xf32> to vector<16xf32>
        %get3A_304 = arith.index_cast %scan3A_233 : i32 to index
        %get3A_305 = arith.constant 64 : index
        %get3A_306 = tpu.vector_load %arg12[%get3A_304, %get3A_305] {strides = array<i32>} : memref<80x128xf32, #tpu.memory_space<vmem>>, vector<1x16xf32>,
        %get3A_307 = vector.shape_cast %get3A_306 : vector<1x16xf32> to vector<16xf32>
        %add3A_308 = arith.addf %get3A_303, %get3A_307 : vector<16xf32>
        %max3A_309 = arith.constant 0.000000e+00 : f32
        %max3A_310 = vector.broadcast %max3A_309 : f32 to vector<16xf32>
        %max3A_311 = arith.maximumf %add3A_308, %max3A_310 : vector<16xf32>
        %swap3A_312 = arith.index_cast %scan3A_233 : i32 to index
        %swap3A_313 = arith.constant 64 : index
        %swap3A_314 = tpu.vector_load %arg12[%swap3A_312, %swap3A_313] {strides = array<i32>} : memref<80x128xf32, #tpu.memory_space<vmem>>, vector<1x16xf32>,
        %swap3A_315 = vector.shape_cast %swap3A_314 : vector<1x16xf32> to vector<16xf32>
        %swap3A_316 = vector.shape_cast %max3A_311 : vector<16xf32> to vector<1x16xf32>
        tpu.vector_store %arg12[%swap3A_312, %swap3A_313], %swap3A_316 {strides = array<i32>} : memref<80x128xf32, #tpu.memory_space<vmem>>, vector<1x16xf32>,
        %get3A_317 = arith.index_cast %scan3A_233 : i32 to index
        %get3A_318 = arith.constant 80 : index
        %get3A_319 = tpu.vector_load %arg10[%get3A_317, %get3A_318] {strides = array<i32>} : memref<80x128xf32, #tpu.memory_space<vmem>>, vector<1x16xf32>,
        %get3A_320 = vector.shape_cast %get3A_319 : vector<1x16xf32> to vector<16xf32>
        %get3A_321 = arith.index_cast %scan3A_233 : i32 to index
        %get3A_322 = arith.constant 80 : index
        %get3A_323 = tpu.vector_load %arg12[%get3A_321, %get3A_322] {strides = array<i32>} : memref<80x128xf32, #tpu.memory_space<vmem>>, vector<1x16xf32>,
        %get3A_324 = vector.shape_cast %get3A_323 : vector<1x16xf32> to vector<16xf32>
        %add3A_325 = arith.addf %get3A_320, %get3A_324 : vector<16xf32>
        %max3A_326 = arith.constant 0.000000e+00 : f32
        %max3A_327 = vector.broadcast %max3A_326 : f32 to vector<16xf32>
        %max3A_328 = arith.maximumf %add3A_325, %max3A_327 : vector<16xf32>
        %swap3A_329 = arith.index_cast %scan3A_233 : i32 to index
        %swap3A_330 = arith.constant 80 : index
        %swap3A_331 = tpu.vector_load %arg12[%swap3A_329, %swap3A_330] {strides = array<i32>} : memref<80x128xf32, #tpu.memory_space<vmem>>, vector<1x16xf32>,
        %swap3A_332 = vector.shape_cast %swap3A_331 : vector<1x16xf32> to vector<16xf32>
        %swap3A_333 = vector.shape_cast %max3A_328 : vector<16xf32> to vector<1x16xf32>
        tpu.vector_store %arg12[%swap3A_329, %swap3A_330], %swap3A_333 {strides = array<i32>} : memref<80x128xf32, #tpu.memory_space<vmem>>, vector<1x16xf32>,
        %get3A_334 = arith.index_cast %scan3A_233 : i32 to index
        %get3A_335 = arith.constant 96 : index
        %get3A_336 = tpu.vector_load %arg10[%get3A_334, %get3A_335] {strides = array<i32>} : memref<80x128xf32, #tpu.memory_space<vmem>>, vector<1x16xf32>,
        %get3A_337 = vector.shape_cast %get3A_336 : vector<1x16xf32> to vector<16xf32>
        %get3A_338 = arith.index_cast %scan3A_233 : i32 to index
        %get3A_339 = arith.constant 96 : index
        %get3A_340 = tpu.vector_load %arg12[%get3A_338, %get3A_339] {strides = array<i32>} : memref<80x128xf32, #tpu.memory_space<vmem>>, vector<1x16xf32>,
        %get3A_341 = vector.shape_cast %get3A_340 : vector<1x16xf32> to vector<16xf32>
        %add3A_342 = arith.addf %get3A_337, %get3A_341 : vector<16xf32>
        %max3A_343 = arith.constant 0.000000e+00 : f32
        %max3A_344 = vector.broadcast %max3A_343 : f32 to vector<16xf32>
        %max3A_345 = arith.maximumf %add3A_342, %max3A_344 : vector<16xf32>
        %swap3A_346 = arith.index_cast %scan3A_233 : i32 to index
        %swap3A_347 = arith.constant 96 : index
        %swap3A_348 = tpu.vector_load %arg12[%swap3A_346, %swap3A_347] {strides = array<i32>} : memref<80x128xf32, #tpu.memory_space<vmem>>, vector<1x16xf32>,
        %swap3A_349 = vector.shape_cast %swap3A_348 : vector<1x16xf32> to vector<16xf32>
        %swap3A_350 = vector.shape_cast %max3A_345 : vector<16xf32> to vector<1x16xf32>
        tpu.vector_store %arg12[%swap3A_346, %swap3A_347], %swap3A_350 {strides = array<i32>} : memref<80x128xf32, #tpu.memory_space<vmem>>, vector<1x16xf32>,
        %get3A_351 = arith.index_cast %scan3A_233 : i32 to index
        %get3A_352 = arith.constant 112 : index
        %get3A_353 = tpu.vector_load %arg10[%get3A_351, %get3A_352] {strides = array<i32>} : memref<80x128xf32, #tpu.memory_space<vmem>>, vector<1x16xf32>,
        %get3A_354 = vector.shape_cast %get3A_353 : vector<1x16xf32> to vector<16xf32>
        %get3A_355 = arith.index_cast %scan3A_233 : i32 to index
        %get3A_356 = arith.constant 112 : index
        %get3A_357 = tpu.vector_load %arg12[%get3A_355, %get3A_356] {strides = array<i32>} : memref<80x128xf32, #tpu.memory_space<vmem>>, vector<1x16xf32>,
        %get3A_358 = vector.shape_cast %get3A_357 : vector<1x16xf32> to vector<16xf32>
        %add3A_359 = arith.addf %get3A_354, %get3A_358 : vector<16xf32>
        %max3A_360 = arith.constant 0.000000e+00 : f32
        %max3A_361 = vector.broadcast %max3A_360 : f32 to vector<16xf32>
        %max3A_362 = arith.maximumf %add3A_359, %max3A_361 : vector<16xf32>
        %swap3A_363 = arith.index_cast %scan3A_233 : i32 to index
        %swap3A_364 = arith.constant 112 : index
        %swap3A_365 = tpu.vector_load %arg12[%swap3A_363, %swap3A_364] {strides = array<i32>} : memref<80x128xf32, #tpu.memory_space<vmem>>, vector<1x16xf32>,
        %swap3A_366 = vector.shape_cast %swap3A_365 : vector<1x16xf32> to vector<16xf32>
        %swap3A_367 = vector.shape_cast %max3A_362 : vector<16xf32> to vector<1x16xf32>
        tpu.vector_store %arg12[%swap3A_363, %swap3A_364], %swap3A_367 {strides = array<i32>} : memref<80x128xf32, #tpu.memory_space<vmem>>, vector<1x16xf32>,
        %scan3A_368 = arith.constant 0 : i32
        scf.yield %scan3A_368 : i32
      }
      %scan3A_229 = arith.constant 80 : i32
      %add3A_230 = arith.constant 1 : i32
      %add3A_231 = arith.addi %mul3A_161, %add3A_230 : i32
      "tpu.region"() ({
        %run_scoped3A_233 = tpu.sem_alloc : memref<!tpu.dma_semaphore, #tpu.memory_space<semaphore_mem>>
        %dma_start3A_234 = arith.constant 0 : i32
        %dma_start3A_235 = tpu.memref_slice %arg8[%add3A_231, %dma_start3A_234] : memref<125x80xi32, #tpu.memory_space<vmem>> -> memref<1x80xi32, #tpu.memory_space<vmem>>
        %dma_start3A_236 = tpu.memref_squeeze %dma_start3A_235 : memref<1x80xi32, #tpu.memory_space<vmem>> -> memref<80xi32, #tpu.memory_space<vmem>>
        %dma_start3A_237 = arith.constant 0 : i32
        %dma_start3A_238 = arith.constant 0 : i32
        %dma_start3A_239 = tpu.memref_slice %arg13[%dma_start3A_237, %dma_start3A_238] : memref<5200x128xf32, #tpu.memory_space<vmem_shared>> -> memref<5200x128xf32, #tpu.memory_space<vmem_shared>>
        tpu.enqueue_indirect_dma source(%arg12 : memref<80x128xf32, #tpu.memory_space<vmem>>) target(%dma_start3A_239 : memref<5200x128xf32, #tpu.memory_space<vmem_shared>>) offsets(%dma_start3A_236 : memref<80xi32, #tpu.memory_space<vmem>>) semaphore(%run_scoped3A_233 : memref<!tpu.dma_semaphore, #tpu.memory_space<semaphore_mem>>) {add = true}
        %dma_wait3A_240 = arith.constant 0 : i32
        %dma_wait3A_241 = tpu.memref_slice %arg8[%add3A_231, %dma_wait3A_240] : memref<125x80xi32, #tpu.memory_space<vmem>> -> memref<1x80xi32, #tpu.memory_space<vmem>>
        %dma_wait3A_242 = tpu.memref_squeeze %dma_wait3A_241 : memref<1x80xi32, #tpu.memory_space<vmem>> -> memref<80xi32, #tpu.memory_space<vmem>>
        %dma_wait3A_243 = arith.constant 0 : i32
        %dma_wait3A_244 = arith.constant 0 : i32
        %dma_wait3A_245 = tpu.memref_slice %arg13[%dma_wait3A_243, %dma_wait3A_244] : memref<5200x128xf32, #tpu.memory_space<vmem_shared>> -> memref<5200x128xf32, #tpu.memory_space<vmem_shared>>
        tpu.wait_indirect_dma semaphore(%run_scoped3A_233 : memref<!tpu.dma_semaphore, #tpu.memory_space<semaphore_mem>>) src(%arg12 : memref<80x128xf32, #tpu.memory_space<vmem>>) dst(%dma_wait3A_245 : memref<5200x128xf32, #tpu.memory_space<vmem_shared>>)
        tpu.yield
      }) : () -> ()
      %scan3A_232 = arith.constant 0 : i32
      scf.yield %scan3A_232 : i32
    }
    %scan3A_116 = arith.constant 62 : i32
    %dma_start3A_117 = arith.constant 124 : i32
    %dma_start3A_118 = arith.constant 0 : i32
    %dma_start3A_119 = tpu.memref_slice %arg7[%dma_start3A_117, %dma_start3A_118] : memref<125x80xi32, #tpu.memory_space<vmem>> -> memref<1x80xi32, #tpu.memory_space<vmem>>
    %dma_start3A_120 = tpu.memref_squeeze %dma_start3A_119 : memref<1x80xi32, #tpu.memory_space<vmem>> -> memref<80xi32, #tpu.memory_space<vmem>>
    %dma_start3A_121 = arith.constant 0 : i32
    %dma_start3A_122 = arith.constant 0 : i32
    %dma_start3A_123 = tpu.memref_slice %arg2[%dma_start3A_121, %dma_start3A_122] : memref<10000x128xf32, #tpu.memory_space<hbm>> -> memref<10000x128xf32, #tpu.memory_space<hbm>>
    tpu.enqueue_indirect_dma source(%dma_start3A_123 : memref<10000x128xf32, #tpu.memory_space<hbm>>) target(%arg9 : memref<80x128xf32, #tpu.memory_space<vmem>>) offsets(%dma_start3A_120 : memref<80xi32, #tpu.memory_space<vmem>>) semaphore(%arg14 : memref<!tpu.dma_semaphore, #tpu.memory_space<semaphore_mem>>)
    %dma_start3A_124 = arith.constant 249 : i32
    %dma_start3A_125 = arith.constant 0 : i32
    %dma_start3A_126 = arith.constant 0 : i32
    %dma_start3A_127 = tpu.memref_slice %arg3[%arg1, %dma_start3A_124, %dma_start3A_125, %dma_start3A_126] : memref<16x250x80x128xf32, #tpu.memory_space<hbm>> -> memref<1x1x80x128xf32, #tpu.memory_space<hbm>>
    %dma_start3A_128 = tpu.memref_squeeze %dma_start3A_127 : memref<1x1x80x128xf32, #tpu.memory_space<hbm>> -> memref<80x128xf32, #tpu.memory_space<hbm>>
    %dma_start3A_129 = arith.constant 0 : i32
    %dma_start3A_130 = arith.constant 0 : i32
    %dma_start3A_131 = tpu.memref_slice %arg3[%arg1, %dma_start3A_124, %dma_start3A_129, %dma_start3A_130] : memref<16x250x80x128xf32, #tpu.memory_space<hbm>> -> memref<1x1x80x128xf32, #tpu.memory_space<hbm>>
    %dma_start3A_132 = tpu.memref_squeeze %dma_start3A_131 : memref<1x1x80x128xf32, #tpu.memory_space<hbm>> -> memref<80x128xf32, #tpu.memory_space<hbm>>
    tpu.enqueue_dma source(%dma_start3A_132 : memref<80x128xf32, #tpu.memory_space<hbm>>) target(%arg11 : memref<80x128xf32, #tpu.memory_space<vmem>>) target_semaphore(%arg14 : memref<!tpu.dma_semaphore, #tpu.memory_space<semaphore_mem>>)
    %dma_wait3A_133 = arith.constant 124 : i32
    %dma_wait3A_134 = arith.constant 0 : i32
    %dma_wait3A_135 = tpu.memref_slice %arg7[%dma_wait3A_133, %dma_wait3A_134] : memref<125x80xi32, #tpu.memory_space<vmem>> -> memref<1x80xi32, #tpu.memory_space<vmem>>
    %dma_wait3A_136 = tpu.memref_squeeze %dma_wait3A_135 : memref<1x80xi32, #tpu.memory_space<vmem>> -> memref<80xi32, #tpu.memory_space<vmem>>
    %dma_wait3A_137 = arith.constant 0 : i32
    %dma_wait3A_138 = arith.constant 0 : i32
    %dma_wait3A_139 = tpu.memref_slice %arg2[%dma_wait3A_137, %dma_wait3A_138] : memref<10000x128xf32, #tpu.memory_space<hbm>> -> memref<10000x128xf32, #tpu.memory_space<hbm>>
    tpu.wait_indirect_dma semaphore(%arg14 : memref<!tpu.dma_semaphore, #tpu.memory_space<semaphore_mem>>) src(%dma_wait3A_139 : memref<10000x128xf32, #tpu.memory_space<hbm>>) dst(%arg9 : memref<80x128xf32, #tpu.memory_space<vmem>>)
    %dma_wait3A_140 = arith.constant 249 : i32
    %dma_wait3A_141 = arith.constant 0 : i32
    %dma_wait3A_142 = arith.constant 0 : i32
    %dma_wait3A_143 = tpu.memref_slice %arg3[%arg1, %dma_wait3A_140, %dma_wait3A_141, %dma_wait3A_142] : memref<16x250x80x128xf32, #tpu.memory_space<hbm>> -> memref<1x1x80x128xf32, #tpu.memory_space<hbm>>
    %dma_wait3A_144 = tpu.memref_squeeze %dma_wait3A_143 : memref<1x1x80x128xf32, #tpu.memory_space<hbm>> -> memref<80x128xf32, #tpu.memory_space<hbm>>
    %dma_wait3A_145 = arith.constant 0 : i32
    %dma_wait3A_146 = arith.constant 0 : i32
    %dma_wait3A_147 = tpu.memref_slice %arg3[%arg1, %dma_wait3A_140, %dma_wait3A_145, %dma_wait3A_146] : memref<16x250x80x128xf32, #tpu.memory_space<hbm>> -> memref<1x1x80x128xf32, #tpu.memory_space<hbm>>
    %dma_wait3A_148 = tpu.memref_squeeze %dma_wait3A_147 : memref<1x1x80x128xf32, #tpu.memory_space<hbm>> -> memref<80x128xf32, #tpu.memory_space<hbm>>
    tpu.wait_dma2 semaphore(%arg14 : memref<!tpu.dma_semaphore, #tpu.memory_space<semaphore_mem>>) src(%dma_wait3A_148 : memref<80x128xf32, #tpu.memory_space<hbm>>) dst(%arg11 : memref<80x128xf32, #tpu.memory_space<vmem>>)
    %scan3A_149 = arith.constant 0 : i32
    %scan3A_150 = arith.constant 0 : i32
    %scan3A_151 = arith.constant 80 : i32
    %scan3A_152 = arith.addi %scan3A_150, %scan3A_151 : i32
    %scan3A_153 = arith.constant 1 : i32
    %scan3A_154 = scf.for %scan3A_158 = %scan3A_150 to %scan3A_152 step %scan3A_153 iter_args(%scan3A_159 = %scan3A_149) -> (i32)  : i32 {
      %get3A = arith.index_cast %scan3A_158 : i32 to index
      %get3A_160 = arith.constant 0 : index
      %get3A_161 = tpu.vector_load %arg9[%get3A, %get3A_160] {strides = array<i32>} : memref<80x128xf32, #tpu.memory_space<vmem>>, vector<1x16xf32>,
      %get3A_162 = vector.shape_cast %get3A_161 : vector<1x16xf32> to vector<16xf32>
      %get3A_163 = arith.index_cast %scan3A_158 : i32 to index
      %get3A_164 = arith.constant 0 : index
      %get3A_165 = tpu.vector_load %arg11[%get3A_163, %get3A_164] {strides = array<i32>} : memref<80x128xf32, #tpu.memory_space<vmem>>, vector<1x16xf32>,
      %get3A_166 = vector.shape_cast %get3A_165 : vector<1x16xf32> to vector<16xf32>
      %add3A_167 = arith.addf %get3A_162, %get3A_166 : vector<16xf32>
      %max3A = arith.constant 0.000000e+00 : f32
      %max3A_168 = vector.broadcast %max3A : f32 to vector<16xf32>
      %max3A_169 = arith.maximumf %add3A_167, %max3A_168 : vector<16xf32>
      %swap3A = arith.index_cast %scan3A_158 : i32 to index
      %swap3A_170 = arith.constant 0 : index
      %swap3A_171 = tpu.vector_load %arg11[%swap3A, %swap3A_170] {strides = array<i32>} : memref<80x128xf32, #tpu.memory_space<vmem>>, vector<1x16xf32>,
      %swap3A_172 = vector.shape_cast %swap3A_171 : vector<1x16xf32> to vector<16xf32>
      %swap3A_173 = vector.shape_cast %max3A_169 : vector<16xf32> to vector<1x16xf32>
      tpu.vector_store %arg11[%swap3A, %swap3A_170], %swap3A_173 {strides = array<i32>} : memref<80x128xf32, #tpu.memory_space<vmem>>, vector<1x16xf32>,
      %get3A_174 = arith.index_cast %scan3A_158 : i32 to index
      %get3A_175 = arith.constant 16 : index
      %get3A_176 = tpu.vector_load %arg9[%get3A_174, %get3A_175] {strides = array<i32>} : memref<80x128xf32, #tpu.memory_space<vmem>>, vector<1x16xf32>,
      %get3A_177 = vector.shape_cast %get3A_176 : vector<1x16xf32> to vector<16xf32>
      %get3A_178 = arith.index_cast %scan3A_158 : i32 to index
      %get3A_179 = arith.constant 16 : index
      %get3A_180 = tpu.vector_load %arg11[%get3A_178, %get3A_179] {strides = array<i32>} : memref<80x128xf32, #tpu.memory_space<vmem>>, vector<1x16xf32>,
      %get3A_181 = vector.shape_cast %get3A_180 : vector<1x16xf32> to vector<16xf32>
      %add3A_182 = arith.addf %get3A_177, %get3A_181 : vector<16xf32>
      %max3A_183 = arith.constant 0.000000e+00 : f32
      %max3A_184 = vector.broadcast %max3A_183 : f32 to vector<16xf32>
      %max3A_185 = arith.maximumf %add3A_182, %max3A_184 : vector<16xf32>
      %swap3A_186 = arith.index_cast %scan3A_158 : i32 to index
      %swap3A_187 = arith.constant 16 : index
      %swap3A_188 = tpu.vector_load %arg11[%swap3A_186, %swap3A_187] {strides = array<i32>} : memref<80x128xf32, #tpu.memory_space<vmem>>, vector<1x16xf32>,
      %swap3A_189 = vector.shape_cast %swap3A_188 : vector<1x16xf32> to vector<16xf32>
      %swap3A_190 = vector.shape_cast %max3A_185 : vector<16xf32> to vector<1x16xf32>
      tpu.vector_store %arg11[%swap3A_186, %swap3A_187], %swap3A_190 {strides = array<i32>} : memref<80x128xf32, #tpu.memory_space<vmem>>, vector<1x16xf32>,
      %get3A_191 = arith.index_cast %scan3A_158 : i32 to index
      %get3A_192 = arith.constant 32 : index
      %get3A_193 = tpu.vector_load %arg9[%get3A_191, %get3A_192] {strides = array<i32>} : memref<80x128xf32, #tpu.memory_space<vmem>>, vector<1x16xf32>,
      %get3A_194 = vector.shape_cast %get3A_193 : vector<1x16xf32> to vector<16xf32>
      %get3A_195 = arith.index_cast %scan3A_158 : i32 to index
      %get3A_196 = arith.constant 32 : index
      %get3A_197 = tpu.vector_load %arg11[%get3A_195, %get3A_196] {strides = array<i32>} : memref<80x128xf32, #tpu.memory_space<vmem>>, vector<1x16xf32>,
      %get3A_198 = vector.shape_cast %get3A_197 : vector<1x16xf32> to vector<16xf32>
      %add3A_199 = arith.addf %get3A_194, %get3A_198 : vector<16xf32>
      %max3A_200 = arith.constant 0.000000e+00 : f32
      %max3A_201 = vector.broadcast %max3A_200 : f32 to vector<16xf32>
      %max3A_202 = arith.maximumf %add3A_199, %max3A_201 : vector<16xf32>
      %swap3A_203 = arith.index_cast %scan3A_158 : i32 to index
      %swap3A_204 = arith.constant 32 : index
      %swap3A_205 = tpu.vector_load %arg11[%swap3A_203, %swap3A_204] {strides = array<i32>} : memref<80x128xf32, #tpu.memory_space<vmem>>, vector<1x16xf32>,
      %swap3A_206 = vector.shape_cast %swap3A_205 : vector<1x16xf32> to vector<16xf32>
      %swap3A_207 = vector.shape_cast %max3A_202 : vector<16xf32> to vector<1x16xf32>
      tpu.vector_store %arg11[%swap3A_203, %swap3A_204], %swap3A_207 {strides = array<i32>} : memref<80x128xf32, #tpu.memory_space<vmem>>, vector<1x16xf32>,
      %get3A_208 = arith.index_cast %scan3A_158 : i32 to index
      %get3A_209 = arith.constant 48 : index
      %get3A_210 = tpu.vector_load %arg9[%get3A_208, %get3A_209] {strides = array<i32>} : memref<80x128xf32, #tpu.memory_space<vmem>>, vector<1x16xf32>,
      %get3A_211 = vector.shape_cast %get3A_210 : vector<1x16xf32> to vector<16xf32>
      %get3A_212 = arith.index_cast %scan3A_158 : i32 to index
      %get3A_213 = arith.constant 48 : index
      %get3A_214 = tpu.vector_load %arg11[%get3A_212, %get3A_213] {strides = array<i32>} : memref<80x128xf32, #tpu.memory_space<vmem>>, vector<1x16xf32>,
      %get3A_215 = vector.shape_cast %get3A_214 : vector<1x16xf32> to vector<16xf32>
      %add3A_216 = arith.addf %get3A_211, %get3A_215 : vector<16xf32>
      %max3A_217 = arith.constant 0.000000e+00 : f32
      %max3A_218 = vector.broadcast %max3A_217 : f32 to vector<16xf32>
      %max3A_219 = arith.maximumf %add3A_216, %max3A_218 : vector<16xf32>
      %swap3A_220 = arith.index_cast %scan3A_158 : i32 to index
      %swap3A_221 = arith.constant 48 : index
      %swap3A_222 = tpu.vector_load %arg11[%swap3A_220, %swap3A_221] {strides = array<i32>} : memref<80x128xf32, #tpu.memory_space<vmem>>, vector<1x16xf32>,
      %swap3A_223 = vector.shape_cast %swap3A_222 : vector<1x16xf32> to vector<16xf32>
      %swap3A_224 = vector.shape_cast %max3A_219 : vector<16xf32> to vector<1x16xf32>
      tpu.vector_store %arg11[%swap3A_220, %swap3A_221], %swap3A_224 {strides = array<i32>} : memref<80x128xf32, #tpu.memory_space<vmem>>, vector<1x16xf32>,
      %get3A_225 = arith.index_cast %scan3A_158 : i32 to index
      %get3A_226 = arith.constant 64 : index
      %get3A_227 = tpu.vector_load %arg9[%get3A_225, %get3A_226] {strides = array<i32>} : memref<80x128xf32, #tpu.memory_space<vmem>>, vector<1x16xf32>,
      %get3A_228 = vector.shape_cast %get3A_227 : vector<1x16xf32> to vector<16xf32>
      %get3A_229 = arith.index_cast %scan3A_158 : i32 to index
      %get3A_230 = arith.constant 64 : index
      %get3A_231 = tpu.vector_load %arg11[%get3A_229, %get3A_230] {strides = array<i32>} : memref<80x128xf32, #tpu.memory_space<vmem>>, vector<1x16xf32>,
      %get3A_232 = vector.shape_cast %get3A_231 : vector<1x16xf32> to vector<16xf32>
      %add3A_233 = arith.addf %get3A_228, %get3A_232 : vector<16xf32>
      %max3A_234 = arith.constant 0.000000e+00 : f32
      %max3A_235 = vector.broadcast %max3A_234 : f32 to vector<16xf32>
      %max3A_236 = arith.maximumf %add3A_233, %max3A_235 : vector<16xf32>
      %swap3A_237 = arith.index_cast %scan3A_158 : i32 to index
      %swap3A_238 = arith.constant 64 : index
      %swap3A_239 = tpu.vector_load %arg11[%swap3A_237, %swap3A_238] {strides = array<i32>} : memref<80x128xf32, #tpu.memory_space<vmem>>, vector<1x16xf32>,
      %swap3A_240 = vector.shape_cast %swap3A_239 : vector<1x16xf32> to vector<16xf32>
      %swap3A_241 = vector.shape_cast %max3A_236 : vector<16xf32> to vector<1x16xf32>
      tpu.vector_store %arg11[%swap3A_237, %swap3A_238], %swap3A_241 {strides = array<i32>} : memref<80x128xf32, #tpu.memory_space<vmem>>, vector<1x16xf32>,
      %get3A_242 = arith.index_cast %scan3A_158 : i32 to index
      %get3A_243 = arith.constant 80 : index
      %get3A_244 = tpu.vector_load %arg9[%get3A_242, %get3A_243] {strides = array<i32>} : memref<80x128xf32, #tpu.memory_space<vmem>>, vector<1x16xf32>,
      %get3A_245 = vector.shape_cast %get3A_244 : vector<1x16xf32> to vector<16xf32>
      %get3A_246 = arith.index_cast %scan3A_158 : i32 to index
      %get3A_247 = arith.constant 80 : index
      %get3A_248 = tpu.vector_load %arg11[%get3A_246, %get3A_247] {strides = array<i32>} : memref<80x128xf32, #tpu.memory_space<vmem>>, vector<1x16xf32>,
      %get3A_249 = vector.shape_cast %get3A_248 : vector<1x16xf32> to vector<16xf32>
      %add3A_250 = arith.addf %get3A_245, %get3A_249 : vector<16xf32>
      %max3A_251 = arith.constant 0.000000e+00 : f32
      %max3A_252 = vector.broadcast %max3A_251 : f32 to vector<16xf32>
      %max3A_253 = arith.maximumf %add3A_250, %max3A_252 : vector<16xf32>
      %swap3A_254 = arith.index_cast %scan3A_158 : i32 to index
      %swap3A_255 = arith.constant 80 : index
      %swap3A_256 = tpu.vector_load %arg11[%swap3A_254, %swap3A_255] {strides = array<i32>} : memref<80x128xf32, #tpu.memory_space<vmem>>, vector<1x16xf32>,
      %swap3A_257 = vector.shape_cast %swap3A_256 : vector<1x16xf32> to vector<16xf32>
      %swap3A_258 = vector.shape_cast %max3A_253 : vector<16xf32> to vector<1x16xf32>
      tpu.vector_store %arg11[%swap3A_254, %swap3A_255], %swap3A_258 {strides = array<i32>} : memref<80x128xf32, #tpu.memory_space<vmem>>, vector<1x16xf32>,
      %get3A_259 = arith.index_cast %scan3A_158 : i32 to index
      %get3A_260 = arith.constant 96 : index
      %get3A_261 = tpu.vector_load %arg9[%get3A_259, %get3A_260] {strides = array<i32>} : memref<80x128xf32, #tpu.memory_space<vmem>>, vector<1x16xf32>,
      %get3A_262 = vector.shape_cast %get3A_261 : vector<1x16xf32> to vector<16xf32>
      %get3A_263 = arith.index_cast %scan3A_158 : i32 to index
      %get3A_264 = arith.constant 96 : index
      %get3A_265 = tpu.vector_load %arg11[%get3A_263, %get3A_264] {strides = array<i32>} : memref<80x128xf32, #tpu.memory_space<vmem>>, vector<1x16xf32>,
      %get3A_266 = vector.shape_cast %get3A_265 : vector<1x16xf32> to vector<16xf32>
      %add3A_267 = arith.addf %get3A_262, %get3A_266 : vector<16xf32>
      %max3A_268 = arith.constant 0.000000e+00 : f32
      %max3A_269 = vector.broadcast %max3A_268 : f32 to vector<16xf32>
      %max3A_270 = arith.maximumf %add3A_267, %max3A_269 : vector<16xf32>
      %swap3A_271 = arith.index_cast %scan3A_158 : i32 to index
      %swap3A_272 = arith.constant 96 : index
      %swap3A_273 = tpu.vector_load %arg11[%swap3A_271, %swap3A_272] {strides = array<i32>} : memref<80x128xf32, #tpu.memory_space<vmem>>, vector<1x16xf32>,
      %swap3A_274 = vector.shape_cast %swap3A_273 : vector<1x16xf32> to vector<16xf32>
      %swap3A_275 = vector.shape_cast %max3A_270 : vector<16xf32> to vector<1x16xf32>
      tpu.vector_store %arg11[%swap3A_271, %swap3A_272], %swap3A_275 {strides = array<i32>} : memref<80x128xf32, #tpu.memory_space<vmem>>, vector<1x16xf32>,
      %get3A_276 = arith.index_cast %scan3A_158 : i32 to index
      %get3A_277 = arith.constant 112 : index
      %get3A_278 = tpu.vector_load %arg9[%get3A_276, %get3A_277] {strides = array<i32>} : memref<80x128xf32, #tpu.memory_space<vmem>>, vector<1x16xf32>,
      %get3A_279 = vector.shape_cast %get3A_278 : vector<1x16xf32> to vector<16xf32>
      %get3A_280 = arith.index_cast %scan3A_158 : i32 to index
      %get3A_281 = arith.constant 112 : index
      %get3A_282 = tpu.vector_load %arg11[%get3A_280, %get3A_281] {strides = array<i32>} : memref<80x128xf32, #tpu.memory_space<vmem>>, vector<1x16xf32>,
      %get3A_283 = vector.shape_cast %get3A_282 : vector<1x16xf32> to vector<16xf32>
      %add3A_284 = arith.addf %get3A_279, %get3A_283 : vector<16xf32>
      %max3A_285 = arith.constant 0.000000e+00 : f32
      %max3A_286 = vector.broadcast %max3A_285 : f32 to vector<16xf32>
      %max3A_287 = arith.maximumf %add3A_284, %max3A_286 : vector<16xf32>
      %swap3A_288 = arith.index_cast %scan3A_158 : i32 to index
      %swap3A_289 = arith.constant 112 : index
      %swap3A_290 = tpu.vector_load %arg11[%swap3A_288, %swap3A_289] {strides = array<i32>} : memref<80x128xf32, #tpu.memory_space<vmem>>, vector<1x16xf32>,
      %swap3A_291 = vector.shape_cast %swap3A_290 : vector<1x16xf32> to vector<16xf32>
      %swap3A_292 = vector.shape_cast %max3A_287 : vector<16xf32> to vector<1x16xf32>
      tpu.vector_store %arg11[%swap3A_288, %swap3A_289], %swap3A_292 {strides = array<i32>} : memref<80x128xf32, #tpu.memory_space<vmem>>, vector<1x16xf32>,
      %scan3A_293 = arith.constant 0 : i32
      scf.yield %scan3A_293 : i32
    }
    %scan3A_155 = arith.constant 80 : i32
    %run_scoped3A_156 = arith.constant 124 : i32
    "tpu.region"() ({
      %run_scoped3A_158 = tpu.sem_alloc : memref<!tpu.dma_semaphore, #tpu.memory_space<semaphore_mem>>
      %dma_start3A_159 = arith.constant 0 : i32
      %dma_start3A_160 = tpu.memref_slice %arg8[%run_scoped3A_156, %dma_start3A_159] : memref<125x80xi32, #tpu.memory_space<vmem>> -> memref<1x80xi32, #tpu.memory_space<vmem>>
      %dma_start3A_161 = tpu.memref_squeeze %dma_start3A_160 : memref<1x80xi32, #tpu.memory_space<vmem>> -> memref<80xi32, #tpu.memory_space<vmem>>
      %dma_start3A_162 = arith.constant 0 : i32
      %dma_start3A_163 = arith.constant 0 : i32
      %dma_start3A_164 = tpu.memref_slice %arg13[%dma_start3A_162, %dma_start3A_163] : memref<5200x128xf32, #tpu.memory_space<vmem_shared>> -> memref<5200x128xf32, #tpu.memory_space<vmem_shared>>
      tpu.enqueue_indirect_dma source(%arg11 : memref<80x128xf32, #tpu.memory_space<vmem>>) target(%dma_start3A_164 : memref<5200x128xf32, #tpu.memory_space<vmem_shared>>) offsets(%dma_start3A_161 : memref<80xi32, #tpu.memory_space<vmem>>) semaphore(%run_scoped3A_158 : memref<!tpu.dma_semaphore, #tpu.memory_space<semaphore_mem>>) {add = true}
      %dma_wait3A_165 = arith.constant 0 : i32
      %dma_wait3A_166 = tpu.memref_slice %arg8[%run_scoped3A_156, %dma_wait3A_165] : memref<125x80xi32, #tpu.memory_space<vmem>> -> memref<1x80xi32, #tpu.memory_space<vmem>>
      %dma_wait3A_167 = tpu.memref_squeeze %dma_wait3A_166 : memref<1x80xi32, #tpu.memory_space<vmem>> -> memref<80xi32, #tpu.memory_space<vmem>>
      %dma_wait3A_168 = arith.constant 0 : i32
      %dma_wait3A_169 = arith.constant 0 : i32
      %dma_wait3A_170 = tpu.memref_slice %arg13[%dma_wait3A_168, %dma_wait3A_169] : memref<5200x128xf32, #tpu.memory_space<vmem_shared>> -> memref<5200x128xf32, #tpu.memory_space<vmem_shared>>
      tpu.wait_indirect_dma semaphore(%run_scoped3A_158 : memref<!tpu.dma_semaphore, #tpu.memory_space<semaphore_mem>>) src(%arg11 : memref<80x128xf32, #tpu.memory_space<vmem>>) dst(%dma_wait3A_170 : memref<5200x128xf32, #tpu.memory_space<vmem_shared>>)
      tpu.yield
    }) : () -> ()
    %barrier3A_157 = arith.constant 0 : index
    tpu.barrier barrier_id(%barrier3A_157)
    "tpu.region"() ({
      %run_scoped3A_158 = tpu.sem_alloc : memref<!tpu.dma_semaphore, #tpu.memory_space<semaphore_mem>>
      %dma_start3A_159 = arith.constant 0 : i32
      %dma_start3A_160 = tpu.memref_slice %arg6[%arg0, %mul3A_8, %dma_start3A_159] : memref<2x5120x128xf32, #tpu.memory_space<hbm>> -> memref<1x320x128xf32, #tpu.memory_space<hbm>>
      %dma_start3A_161 = tpu.memref_squeeze %dma_start3A_160 : memref<1x320x128xf32, #tpu.memory_space<hbm>> -> memref<320x128xf32, #tpu.memory_space<hbm>>
      %dma_start3A_162 = arith.constant 0 : i32
      %dma_start3A_163 = tpu.memref_slice %arg13[%mul3A_8, %dma_start3A_162] : memref<5200x128xf32, #tpu.memory_space<vmem_shared>> -> memref<320x128xf32, #tpu.memory_space<vmem_shared>>
      tpu.enqueue_dma source(%dma_start3A_163 : memref<320x128xf32, #tpu.memory_space<vmem_shared>>) target(%dma_start3A_161 : memref<320x128xf32, #tpu.memory_space<hbm>>) target_semaphore(%run_scoped3A_158 : memref<!tpu.dma_semaphore, #tpu.memory_space<semaphore_mem>>)
      %dma_wait3A_164 = arith.constant 0 : i32
      %dma_wait3A_165 = tpu.memref_slice %arg6[%arg0, %mul3A_8, %dma_wait3A_164] : memref<2x5120x128xf32, #tpu.memory_space<hbm>> -> memref<1x320x128xf32, #tpu.memory_space<hbm>>
      %dma_wait3A_166 = tpu.memref_squeeze %dma_wait3A_165 : memref<1x320x128xf32, #tpu.memory_space<hbm>> -> memref<320x128xf32, #tpu.memory_space<hbm>>
      %dma_wait3A_167 = arith.constant 0 : i32
      %dma_wait3A_168 = tpu.memref_slice %arg13[%mul3A_8, %dma_wait3A_167] : memref<5200x128xf32, #tpu.memory_space<vmem_shared>> -> memref<320x128xf32, #tpu.memory_space<vmem_shared>>
      tpu.wait_dma2 semaphore(%run_scoped3A_158 : memref<!tpu.dma_semaphore, #tpu.memory_space<semaphore_mem>>) src(%dma_wait3A_168 : memref<320x128xf32, #tpu.memory_space<vmem_shared>>) dst(%dma_wait3A_166 : memref<320x128xf32, #tpu.memory_space<hbm>>)
      tpu.yield
    }) : () -> ()
    return
  }
}

#map = affine_map<(d0, d1) -> (0, 0)>
#map1 = affine_map<(d0, d1) -> (0, 0, 0, 0)>
#map2 = affine_map<(d0, d1) -> (0, 0, 0)>
module attributes {stable_mosaic.version = 14 : i64} {
  func.func @k(%arg0: i32, %arg1: i32, %arg2: memref<10000x128xf32, #tpu.memory_space<hbm>>, %arg3: memref<32x125x20x128xf32, #tpu.memory_space<hbm>>, %arg4: memref<32x125x80xi32, #tpu.memory_space<hbm>>, %arg5: memref<32x125x80xi32, #tpu.memory_space<hbm>>, %arg6: memref<32x125x10x128xi32, #tpu.memory_space<hbm>>, %arg7: memref<2x2560x128xf32, #tpu.memory_space<hbm>>, %arg8: memref<125x80xi32, #tpu.memory_space<vmem>>, %arg9: memref<125x80xi32, #tpu.memory_space<vmem>>, %arg10: memref<10x128xi32, #tpu.memory_space<vmem>>, %arg11: memref<10x128xi32, #tpu.memory_space<vmem>>, %arg12: memref<80x128xf32, #tpu.memory_space<vmem>>, %arg13: memref<80x128xf32, #tpu.memory_space<vmem>>, %arg14: memref<20x128xf32, #tpu.memory_space<vmem>>, %arg15: memref<20x128xf32, #tpu.memory_space<vmem>>, %arg16: memref<2560x128xf32, #tpu.memory_space<vmem_shared>>, %arg17: memref<!tpu.dma_semaphore, #tpu.memory_space<semaphore_mem>>, %arg18: memref<!tpu.dma_semaphore, #tpu.memory_space<semaphore_mem>>) attributes {dimension_semantics = [#tpu.dimension_semantics<core_parallel>, #tpu.dimension_semantics<subcore_parallel>], iteration_bounds = array<i64: 2, 16>, scalar_prefetch = 0 : i64, scratch_operands = 11 : i64, tpu.core_type = #tpu.core_type<sc_vector_subcore>, window_params = [{transform_indices = #map}, {transform_indices = #map1}, {transform_indices = #map2}, {transform_indices = #map2}, {transform_indices = #map1}, {transform_indices = #map2}]} {
    %mul3A = arith.constant 2 : i32
    %mul3A_0 = arith.muli %arg1, %mul3A : i32
    %add3A = arith.addi %mul3A_0, %arg0 : i32
    "tpu.region"() ({
      %run_scoped3A_102 = tpu.sem_alloc : memref<!tpu.dma_semaphore, #tpu.memory_space<semaphore_mem>>
      %dma_start3A_103 = arith.constant 0 : i32
      %dma_start3A_104 = arith.constant 0 : i32
      %dma_start3A_105 = tpu.memref_slice %arg4[%add3A, %dma_start3A_103, %dma_start3A_104] : memref<32x125x80xi32, #tpu.memory_space<hbm>> -> memref<1x125x80xi32, #tpu.memory_space<hbm>>
      %dma_start3A_106 = tpu.memref_squeeze %dma_start3A_105 : memref<1x125x80xi32, #tpu.memory_space<hbm>> -> memref<125x80xi32, #tpu.memory_space<hbm>>
      %dma_start3A_107 = arith.constant 0 : i32
      %dma_start3A_108 = arith.constant 0 : i32
      %dma_start3A_109 = tpu.memref_slice %arg4[%add3A, %dma_start3A_107, %dma_start3A_108] : memref<32x125x80xi32, #tpu.memory_space<hbm>> -> memref<1x125x80xi32, #tpu.memory_space<hbm>>
      %dma_start3A_110 = tpu.memref_squeeze %dma_start3A_109 : memref<1x125x80xi32, #tpu.memory_space<hbm>> -> memref<125x80xi32, #tpu.memory_space<hbm>>
      tpu.enqueue_dma source(%dma_start3A_110 : memref<125x80xi32, #tpu.memory_space<hbm>>) target(%arg8 : memref<125x80xi32, #tpu.memory_space<vmem>>) target_semaphore(%run_scoped3A_102 : memref<!tpu.dma_semaphore, #tpu.memory_space<semaphore_mem>>)
      %dma_wait3A_111 = arith.constant 0 : i32
      %dma_wait3A_112 = arith.constant 0 : i32
      %dma_wait3A_113 = tpu.memref_slice %arg4[%add3A, %dma_wait3A_111, %dma_wait3A_112] : memref<32x125x80xi32, #tpu.memory_space<hbm>> -> memref<1x125x80xi32, #tpu.memory_space<hbm>>
      %dma_wait3A_114 = tpu.memref_squeeze %dma_wait3A_113 : memref<1x125x80xi32, #tpu.memory_space<hbm>> -> memref<125x80xi32, #tpu.memory_space<hbm>>
      %dma_wait3A_115 = arith.constant 0 : i32
      %dma_wait3A_116 = arith.constant 0 : i32
      %dma_wait3A_117 = tpu.memref_slice %arg4[%add3A, %dma_wait3A_115, %dma_wait3A_116] : memref<32x125x80xi32, #tpu.memory_space<hbm>> -> memref<1x125x80xi32, #tpu.memory_space<hbm>>
      %dma_wait3A_118 = tpu.memref_squeeze %dma_wait3A_117 : memref<1x125x80xi32, #tpu.memory_space<hbm>> -> memref<125x80xi32, #tpu.memory_space<hbm>>
      tpu.wait_dma2 semaphore(%run_scoped3A_102 : memref<!tpu.dma_semaphore, #tpu.memory_space<semaphore_mem>>) src(%dma_wait3A_118 : memref<125x80xi32, #tpu.memory_space<hbm>>) dst(%arg8 : memref<125x80xi32, #tpu.memory_space<vmem>>)
      tpu.yield
    }) : () -> ()
    "tpu.region"() ({
      %run_scoped3A_102 = tpu.sem_alloc : memref<!tpu.dma_semaphore, #tpu.memory_space<semaphore_mem>>
      %dma_start3A_103 = arith.constant 0 : i32
      %dma_start3A_104 = arith.constant 0 : i32
      %dma_start3A_105 = tpu.memref_slice %arg5[%add3A, %dma_start3A_103, %dma_start3A_104] : memref<32x125x80xi32, #tpu.memory_space<hbm>> -> memref<1x125x80xi32, #tpu.memory_space<hbm>>
      %dma_start3A_106 = tpu.memref_squeeze %dma_start3A_105 : memref<1x125x80xi32, #tpu.memory_space<hbm>> -> memref<125x80xi32, #tpu.memory_space<hbm>>
      %dma_start3A_107 = arith.constant 0 : i32
      %dma_start3A_108 = arith.constant 0 : i32
      %dma_start3A_109 = tpu.memref_slice %arg5[%add3A, %dma_start3A_107, %dma_start3A_108] : memref<32x125x80xi32, #tpu.memory_space<hbm>> -> memref<1x125x80xi32, #tpu.memory_space<hbm>>
      %dma_start3A_110 = tpu.memref_squeeze %dma_start3A_109 : memref<1x125x80xi32, #tpu.memory_space<hbm>> -> memref<125x80xi32, #tpu.memory_space<hbm>>
      tpu.enqueue_dma source(%dma_start3A_110 : memref<125x80xi32, #tpu.memory_space<hbm>>) target(%arg9 : memref<125x80xi32, #tpu.memory_space<vmem>>) target_semaphore(%run_scoped3A_102 : memref<!tpu.dma_semaphore, #tpu.memory_space<semaphore_mem>>)
      %dma_wait3A_111 = arith.constant 0 : i32
      %dma_wait3A_112 = arith.constant 0 : i32
      %dma_wait3A_113 = tpu.memref_slice %arg5[%add3A, %dma_wait3A_111, %dma_wait3A_112] : memref<32x125x80xi32, #tpu.memory_space<hbm>> -> memref<1x125x80xi32, #tpu.memory_space<hbm>>
      %dma_wait3A_114 = tpu.memref_squeeze %dma_wait3A_113 : memref<1x125x80xi32, #tpu.memory_space<hbm>> -> memref<125x80xi32, #tpu.memory_space<hbm>>
      %dma_wait3A_115 = arith.constant 0 : i32
      %dma_wait3A_116 = arith.constant 0 : i32
      %dma_wait3A_117 = tpu.memref_slice %arg5[%add3A, %dma_wait3A_115, %dma_wait3A_116] : memref<32x125x80xi32, #tpu.memory_space<hbm>> -> memref<1x125x80xi32, #tpu.memory_space<hbm>>
      %dma_wait3A_118 = tpu.memref_squeeze %dma_wait3A_117 : memref<1x125x80xi32, #tpu.memory_space<hbm>> -> memref<125x80xi32, #tpu.memory_space<hbm>>
      tpu.wait_dma2 semaphore(%run_scoped3A_102 : memref<!tpu.dma_semaphore, #tpu.memory_space<semaphore_mem>>) src(%dma_wait3A_118 : memref<125x80xi32, #tpu.memory_space<hbm>>) dst(%arg9 : memref<125x80xi32, #tpu.memory_space<vmem>>)
      tpu.yield
    }) : () -> ()
    %scan3A = arith.constant 0 : i32
    %scan3A_1 = arith.constant 0 : i32
    %scan3A_2 = arith.constant 80 : i32
    %scan3A_3 = arith.addi %scan3A_1, %scan3A_2 : i32
    %scan3A_4 = arith.constant 1 : i32
    %scan3A_5 = scf.for %scan3A_102 = %scan3A_1 to %scan3A_3 step %scan3A_4 iter_args(%scan3A_103 = %scan3A) -> (i32)  : i32 {
      %broadcast_in_dim3A_104 = arith.constant 0.000000e+00 : f32
      %broadcast_in_dim3A_105 = vector.broadcast %broadcast_in_dim3A_104 : f32 to vector<16xf32>
      %swap3A = arith.index_cast %scan3A_102 : i32 to index
      %swap3A_106 = arith.constant 0 : index
      %swap3A_107 = tpu.vector_load %arg12[%swap3A, %swap3A_106] {strides = array<i32>} : memref<80x128xf32, #tpu.memory_space<vmem>>, vector<1x16xf32>,
      %swap3A_108 = vector.shape_cast %swap3A_107 : vector<1x16xf32> to vector<16xf32>
      %swap3A_109 = vector.shape_cast %broadcast_in_dim3A_105 : vector<16xf32> to vector<1x16xf32>
      tpu.vector_store %arg12[%swap3A, %swap3A_106], %swap3A_109 {strides = array<i32>} : memref<80x128xf32, #tpu.memory_space<vmem>>, vector<1x16xf32>,
      %broadcast_in_dim3A_110 = arith.constant 0.000000e+00 : f32
      %broadcast_in_dim3A_111 = vector.broadcast %broadcast_in_dim3A_110 : f32 to vector<16xf32>
      %swap3A_112 = arith.index_cast %scan3A_102 : i32 to index
      %swap3A_113 = arith.constant 16 : index
      %swap3A_114 = tpu.vector_load %arg12[%swap3A_112, %swap3A_113] {strides = array<i32>} : memref<80x128xf32, #tpu.memory_space<vmem>>, vector<1x16xf32>,
      %swap3A_115 = vector.shape_cast %swap3A_114 : vector<1x16xf32> to vector<16xf32>
      %swap3A_116 = vector.shape_cast %broadcast_in_dim3A_111 : vector<16xf32> to vector<1x16xf32>
      tpu.vector_store %arg12[%swap3A_112, %swap3A_113], %swap3A_116 {strides = array<i32>} : memref<80x128xf32, #tpu.memory_space<vmem>>, vector<1x16xf32>,
      %broadcast_in_dim3A_117 = arith.constant 0.000000e+00 : f32
      %broadcast_in_dim3A_118 = vector.broadcast %broadcast_in_dim3A_117 : f32 to vector<16xf32>
      %swap3A_119 = arith.index_cast %scan3A_102 : i32 to index
      %swap3A_120 = arith.constant 32 : index
      %swap3A_121 = tpu.vector_load %arg12[%swap3A_119, %swap3A_120] {strides = array<i32>} : memref<80x128xf32, #tpu.memory_space<vmem>>, vector<1x16xf32>,
      %swap3A_122 = vector.shape_cast %swap3A_121 : vector<1x16xf32> to vector<16xf32>
      %swap3A_123 = vector.shape_cast %broadcast_in_dim3A_118 : vector<16xf32> to vector<1x16xf32>
      tpu.vector_store %arg12[%swap3A_119, %swap3A_120], %swap3A_123 {strides = array<i32>} : memref<80x128xf32, #tpu.memory_space<vmem>>, vector<1x16xf32>,
      %broadcast_in_dim3A_124 = arith.constant 0.000000e+00 : f32
      %broadcast_in_dim3A_125 = vector.broadcast %broadcast_in_dim3A_124 : f32 to vector<16xf32>
      %swap3A_126 = arith.index_cast %scan3A_102 : i32 to index
      %swap3A_127 = arith.constant 48 : index
      %swap3A_128 = tpu.vector_load %arg12[%swap3A_126, %swap3A_127] {strides = array<i32>} : memref<80x128xf32, #tpu.memory_space<vmem>>, vector<1x16xf32>,
      %swap3A_129 = vector.shape_cast %swap3A_128 : vector<1x16xf32> to vector<16xf32>
      %swap3A_130 = vector.shape_cast %broadcast_in_dim3A_125 : vector<16xf32> to vector<1x16xf32>
      tpu.vector_store %arg12[%swap3A_126, %swap3A_127], %swap3A_130 {strides = array<i32>} : memref<80x128xf32, #tpu.memory_space<vmem>>, vector<1x16xf32>,
      %broadcast_in_dim3A_131 = arith.constant 0.000000e+00 : f32
      %broadcast_in_dim3A_132 = vector.broadcast %broadcast_in_dim3A_131 : f32 to vector<16xf32>
      %swap3A_133 = arith.index_cast %scan3A_102 : i32 to index
      %swap3A_134 = arith.constant 64 : index
      %swap3A_135 = tpu.vector_load %arg12[%swap3A_133, %swap3A_134] {strides = array<i32>} : memref<80x128xf32, #tpu.memory_space<vmem>>, vector<1x16xf32>,
      %swap3A_136 = vector.shape_cast %swap3A_135 : vector<1x16xf32> to vector<16xf32>
      %swap3A_137 = vector.shape_cast %broadcast_in_dim3A_132 : vector<16xf32> to vector<1x16xf32>
      tpu.vector_store %arg12[%swap3A_133, %swap3A_134], %swap3A_137 {strides = array<i32>} : memref<80x128xf32, #tpu.memory_space<vmem>>, vector<1x16xf32>,
      %broadcast_in_dim3A_138 = arith.constant 0.000000e+00 : f32
      %broadcast_in_dim3A_139 = vector.broadcast %broadcast_in_dim3A_138 : f32 to vector<16xf32>
      %swap3A_140 = arith.index_cast %scan3A_102 : i32 to index
      %swap3A_141 = arith.constant 80 : index
      %swap3A_142 = tpu.vector_load %arg12[%swap3A_140, %swap3A_141] {strides = array<i32>} : memref<80x128xf32, #tpu.memory_space<vmem>>, vector<1x16xf32>,
      %swap3A_143 = vector.shape_cast %swap3A_142 : vector<1x16xf32> to vector<16xf32>
      %swap3A_144 = vector.shape_cast %broadcast_in_dim3A_139 : vector<16xf32> to vector<1x16xf32>
      tpu.vector_store %arg12[%swap3A_140, %swap3A_141], %swap3A_144 {strides = array<i32>} : memref<80x128xf32, #tpu.memory_space<vmem>>, vector<1x16xf32>,
      %broadcast_in_dim3A_145 = arith.constant 0.000000e+00 : f32
      %broadcast_in_dim3A_146 = vector.broadcast %broadcast_in_dim3A_145 : f32 to vector<16xf32>
      %swap3A_147 = arith.index_cast %scan3A_102 : i32 to index
      %swap3A_148 = arith.constant 96 : index
      %swap3A_149 = tpu.vector_load %arg12[%swap3A_147, %swap3A_148] {strides = array<i32>} : memref<80x128xf32, #tpu.memory_space<vmem>>, vector<1x16xf32>,
      %swap3A_150 = vector.shape_cast %swap3A_149 : vector<1x16xf32> to vector<16xf32>
      %swap3A_151 = vector.shape_cast %broadcast_in_dim3A_146 : vector<16xf32> to vector<1x16xf32>
      tpu.vector_store %arg12[%swap3A_147, %swap3A_148], %swap3A_151 {strides = array<i32>} : memref<80x128xf32, #tpu.memory_space<vmem>>, vector<1x16xf32>,
      %broadcast_in_dim3A_152 = arith.constant 0.000000e+00 : f32
      %broadcast_in_dim3A_153 = vector.broadcast %broadcast_in_dim3A_152 : f32 to vector<16xf32>
      %swap3A_154 = arith.index_cast %scan3A_102 : i32 to index
      %swap3A_155 = arith.constant 112 : index
      %swap3A_156 = tpu.vector_load %arg12[%swap3A_154, %swap3A_155] {strides = array<i32>} : memref<80x128xf32, #tpu.memory_space<vmem>>, vector<1x16xf32>,
      %swap3A_157 = vector.shape_cast %swap3A_156 : vector<1x16xf32> to vector<16xf32>
      %swap3A_158 = vector.shape_cast %broadcast_in_dim3A_153 : vector<16xf32> to vector<1x16xf32>
      tpu.vector_store %arg12[%swap3A_154, %swap3A_155], %swap3A_158 {strides = array<i32>} : memref<80x128xf32, #tpu.memory_space<vmem>>, vector<1x16xf32>,
      %scan3A_159 = arith.constant 0 : i32
      scf.yield %scan3A_159 : i32
    }
    %scan3A_6 = arith.constant 80 : i32
    %mul3A_7 = arith.constant 160 : i32
    %mul3A_8 = arith.muli %arg1, %mul3A_7 : i32
    %add3A_9 = arith.constant 0 : i32
    %add3A_10 = arith.addi %mul3A_8, %add3A_9 : i32
    "tpu.region"() ({
      %run_scoped3A_102 = tpu.sem_alloc : memref<!tpu.dma_semaphore, #tpu.memory_space<semaphore_mem>>
      %dma_start3A_103 = arith.constant 0 : i32
      %dma_start3A_104 = tpu.memref_slice %arg16[%add3A_10, %dma_start3A_103] : memref<2560x128xf32, #tpu.memory_space<vmem_shared>> -> memref<80x128xf32, #tpu.memory_space<vmem_shared>>
      %dma_start3A_105 = arith.constant 0 : i32
      %dma_start3A_106 = tpu.memref_slice %arg16[%add3A_10, %dma_start3A_105] : memref<2560x128xf32, #tpu.memory_space<vmem_shared>> -> memref<80x128xf32, #tpu.memory_space<vmem_shared>>
      tpu.enqueue_dma source(%arg12 : memref<80x128xf32, #tpu.memory_space<vmem>>) target(%dma_start3A_106 : memref<80x128xf32, #tpu.memory_space<vmem_shared>>) target_semaphore(%run_scoped3A_102 : memref<!tpu.dma_semaphore, #tpu.memory_space<semaphore_mem>>)
      %dma_wait3A_107 = arith.constant 0 : i32
      %dma_wait3A_108 = tpu.memref_slice %arg16[%add3A_10, %dma_wait3A_107] : memref<2560x128xf32, #tpu.memory_space<vmem_shared>> -> memref<80x128xf32, #tpu.memory_space<vmem_shared>>
      %dma_wait3A_109 = arith.constant 0 : i32
      %dma_wait3A_110 = tpu.memref_slice %arg16[%add3A_10, %dma_wait3A_109] : memref<2560x128xf32, #tpu.memory_space<vmem_shared>> -> memref<80x128xf32, #tpu.memory_space<vmem_shared>>
      tpu.wait_dma2 semaphore(%run_scoped3A_102 : memref<!tpu.dma_semaphore, #tpu.memory_space<semaphore_mem>>) src(%arg12 : memref<80x128xf32, #tpu.memory_space<vmem>>) dst(%dma_wait3A_110 : memref<80x128xf32, #tpu.memory_space<vmem_shared>>)
      tpu.yield
    }) : () -> ()
    %add3A_11 = arith.constant 80 : i32
    %add3A_12 = arith.addi %mul3A_8, %add3A_11 : i32
    "tpu.region"() ({
      %run_scoped3A_102 = tpu.sem_alloc : memref<!tpu.dma_semaphore, #tpu.memory_space<semaphore_mem>>
      %dma_start3A_103 = arith.constant 0 : i32
      %dma_start3A_104 = tpu.memref_slice %arg16[%add3A_12, %dma_start3A_103] : memref<2560x128xf32, #tpu.memory_space<vmem_shared>> -> memref<80x128xf32, #tpu.memory_space<vmem_shared>>
      %dma_start3A_105 = arith.constant 0 : i32
      %dma_start3A_106 = tpu.memref_slice %arg16[%add3A_12, %dma_start3A_105] : memref<2560x128xf32, #tpu.memory_space<vmem_shared>> -> memref<80x128xf32, #tpu.memory_space<vmem_shared>>
      tpu.enqueue_dma source(%arg12 : memref<80x128xf32, #tpu.memory_space<vmem>>) target(%dma_start3A_106 : memref<80x128xf32, #tpu.memory_space<vmem_shared>>) target_semaphore(%run_scoped3A_102 : memref<!tpu.dma_semaphore, #tpu.memory_space<semaphore_mem>>)
      %dma_wait3A_107 = arith.constant 0 : i32
      %dma_wait3A_108 = tpu.memref_slice %arg16[%add3A_12, %dma_wait3A_107] : memref<2560x128xf32, #tpu.memory_space<vmem_shared>> -> memref<80x128xf32, #tpu.memory_space<vmem_shared>>
      %dma_wait3A_109 = arith.constant 0 : i32
      %dma_wait3A_110 = tpu.memref_slice %arg16[%add3A_12, %dma_wait3A_109] : memref<2560x128xf32, #tpu.memory_space<vmem_shared>> -> memref<80x128xf32, #tpu.memory_space<vmem_shared>>
      tpu.wait_dma2 semaphore(%run_scoped3A_102 : memref<!tpu.dma_semaphore, #tpu.memory_space<semaphore_mem>>) src(%arg12 : memref<80x128xf32, #tpu.memory_space<vmem>>) dst(%dma_wait3A_110 : memref<80x128xf32, #tpu.memory_space<vmem_shared>>)
      tpu.yield
    }) : () -> ()
    %barrier3A = arith.constant 0 : index
    tpu.barrier barrier_id(%barrier3A)
    %broadcast_in_dim3A = arith.constant 0.000000e+00 : f32
    %broadcast_in_dim3A_13 = vector.broadcast %broadcast_in_dim3A : f32 to vector<16xf32>
    %dma_start3A = arith.constant 0 : i32
    %dma_start3A_14 = arith.constant 0 : i32
    %dma_start3A_15 = tpu.memref_slice %arg8[%dma_start3A, %dma_start3A_14] : memref<125x80xi32, #tpu.memory_space<vmem>> -> memref<1x80xi32, #tpu.memory_space<vmem>>
    %dma_start3A_16 = tpu.memref_squeeze %dma_start3A_15 : memref<1x80xi32, #tpu.memory_space<vmem>> -> memref<80xi32, #tpu.memory_space<vmem>>
    %dma_start3A_17 = arith.constant 0 : i32
    %dma_start3A_18 = arith.constant 0 : i32
    %dma_start3A_19 = tpu.memref_slice %arg2[%dma_start3A_17, %dma_start3A_18] : memref<10000x128xf32, #tpu.memory_space<hbm>> -> memref<10000x128xf32, #tpu.memory_space<hbm>>
    tpu.enqueue_indirect_dma source(%dma_start3A_19 : memref<10000x128xf32, #tpu.memory_space<hbm>>) target(%arg12 : memref<80x128xf32, #tpu.memory_space<vmem>>) offsets(%dma_start3A_16 : memref<80xi32, #tpu.memory_space<vmem>>) semaphore(%arg17 : memref<!tpu.dma_semaphore, #tpu.memory_space<semaphore_mem>>)
    %dma_start3A_20 = arith.constant 0 : i32
    %dma_start3A_21 = arith.constant 0 : i32
    %dma_start3A_22 = arith.constant 0 : i32
    %dma_start3A_23 = tpu.memref_slice %arg3[%add3A, %dma_start3A_20, %dma_start3A_21, %dma_start3A_22] : memref<32x125x20x128xf32, #tpu.memory_space<hbm>> -> memref<1x1x20x128xf32, #tpu.memory_space<hbm>>
    %dma_start3A_24 = tpu.memref_squeeze %dma_start3A_23 : memref<1x1x20x128xf32, #tpu.memory_space<hbm>> -> memref<20x128xf32, #tpu.memory_space<hbm>>
    %dma_start3A_25 = arith.constant 0 : i32
    %dma_start3A_26 = arith.constant 0 : i32
    %dma_start3A_27 = tpu.memref_slice %arg3[%add3A, %dma_start3A_20, %dma_start3A_25, %dma_start3A_26] : memref<32x125x20x128xf32, #tpu.memory_space<hbm>> -> memref<1x1x20x128xf32, #tpu.memory_space<hbm>>
    %dma_start3A_28 = tpu.memref_squeeze %dma_start3A_27 : memref<1x1x20x128xf32, #tpu.memory_space<hbm>> -> memref<20x128xf32, #tpu.memory_space<hbm>>
    tpu.enqueue_dma source(%dma_start3A_28 : memref<20x128xf32, #tpu.memory_space<hbm>>) target(%arg14 : memref<20x128xf32, #tpu.memory_space<vmem>>) target_semaphore(%arg17 : memref<!tpu.dma_semaphore, #tpu.memory_space<semaphore_mem>>)
    %dma_start3A_29 = arith.constant 0 : i32
    %dma_start3A_30 = arith.constant 0 : i32
    %dma_start3A_31 = arith.constant 0 : i32
    %dma_start3A_32 = tpu.memref_slice %arg6[%add3A, %dma_start3A_29, %dma_start3A_30, %dma_start3A_31] : memref<32x125x10x128xi32, #tpu.memory_space<hbm>> -> memref<1x1x10x128xi32, #tpu.memory_space<hbm>>
    %dma_start3A_33 = tpu.memref_squeeze %dma_start3A_32 : memref<1x1x10x128xi32, #tpu.memory_space<hbm>> -> memref<10x128xi32, #tpu.memory_space<hbm>>
    %dma_start3A_34 = arith.constant 0 : i32
    %dma_start3A_35 = arith.constant 0 : i32
    %dma_start3A_36 = tpu.memref_slice %arg6[%add3A, %dma_start3A_29, %dma_start3A_34, %dma_start3A_35] : memref<32x125x10x128xi32, #tpu.memory_space<hbm>> -> memref<1x1x10x128xi32, #tpu.memory_space<hbm>>
    %dma_start3A_37 = tpu.memref_squeeze %dma_start3A_36 : memref<1x1x10x128xi32, #tpu.memory_space<hbm>> -> memref<10x128xi32, #tpu.memory_space<hbm>>
    tpu.enqueue_dma source(%dma_start3A_37 : memref<10x128xi32, #tpu.memory_space<hbm>>) target(%arg10 : memref<10x128xi32, #tpu.memory_space<vmem>>) target_semaphore(%arg17 : memref<!tpu.dma_semaphore, #tpu.memory_space<semaphore_mem>>)
    %scan3A_38 = arith.constant 0 : i32
    %scan3A_39 = arith.constant 0 : i32
    %scan3A_40 = arith.constant 62 : i32
    %scan3A_41 = arith.addi %scan3A_39, %scan3A_40 : i32
    %scan3A_42 = arith.constant 1 : i32
    %scan3A_43 = scf.for %scan3A_102 = %scan3A_39 to %scan3A_41 step %scan3A_42 iter_args(%scan3A_103 = %scan3A_38) -> (i32)  : i32 {
      %mul3A_104 = arith.constant 2 : i32
      %mul3A_105 = arith.muli %mul3A_104, %scan3A_102 : i32
      %add3A_106 = arith.constant 1 : i32
      %add3A_107 = arith.addi %mul3A_105, %add3A_106 : i32
      %dma_start3A_108 = arith.constant 0 : i32
      %dma_start3A_109 = tpu.memref_slice %arg8[%add3A_107, %dma_start3A_108] : memref<125x80xi32, #tpu.memory_space<vmem>> -> memref<1x80xi32, #tpu.memory_space<vmem>>
      %dma_start3A_110 = tpu.memref_squeeze %dma_start3A_109 : memref<1x80xi32, #tpu.memory_space<vmem>> -> memref<80xi32, #tpu.memory_space<vmem>>
      %dma_start3A_111 = arith.constant 0 : i32
      %dma_start3A_112 = arith.constant 0 : i32
      %dma_start3A_113 = tpu.memref_slice %arg2[%dma_start3A_111, %dma_start3A_112] : memref<10000x128xf32, #tpu.memory_space<hbm>> -> memref<10000x128xf32, #tpu.memory_space<hbm>>
      tpu.enqueue_indirect_dma source(%dma_start3A_113 : memref<10000x128xf32, #tpu.memory_space<hbm>>) target(%arg13 : memref<80x128xf32, #tpu.memory_space<vmem>>) offsets(%dma_start3A_110 : memref<80xi32, #tpu.memory_space<vmem>>) semaphore(%arg18 : memref<!tpu.dma_semaphore, #tpu.memory_space<semaphore_mem>>)
      %dma_start3A_114 = arith.constant 0 : i32
      %dma_start3A_115 = arith.constant 0 : i32
      %dma_start3A_116 = tpu.memref_slice %arg3[%add3A, %add3A_107, %dma_start3A_114, %dma_start3A_115] : memref<32x125x20x128xf32, #tpu.memory_space<hbm>> -> memref<1x1x20x128xf32, #tpu.memory_space<hbm>>
      %dma_start3A_117 = tpu.memref_squeeze %dma_start3A_116 : memref<1x1x20x128xf32, #tpu.memory_space<hbm>> -> memref<20x128xf32, #tpu.memory_space<hbm>>
      %dma_start3A_118 = arith.constant 0 : i32
      %dma_start3A_119 = arith.constant 0 : i32
      %dma_start3A_120 = tpu.memref_slice %arg3[%add3A, %add3A_107, %dma_start3A_118, %dma_start3A_119] : memref<32x125x20x128xf32, #tpu.memory_space<hbm>> -> memref<1x1x20x128xf32, #tpu.memory_space<hbm>>
      %dma_start3A_121 = tpu.memref_squeeze %dma_start3A_120 : memref<1x1x20x128xf32, #tpu.memory_space<hbm>> -> memref<20x128xf32, #tpu.memory_space<hbm>>
      tpu.enqueue_dma source(%dma_start3A_121 : memref<20x128xf32, #tpu.memory_space<hbm>>) target(%arg15 : memref<20x128xf32, #tpu.memory_space<vmem>>) target_semaphore(%arg18 : memref<!tpu.dma_semaphore, #tpu.memory_space<semaphore_mem>>)
      %dma_start3A_122 = arith.constant 0 : i32
      %dma_start3A_123 = arith.constant 0 : i32
      %dma_start3A_124 = tpu.memref_slice %arg6[%add3A, %add3A_107, %dma_start3A_122, %dma_start3A_123] : memref<32x125x10x128xi32, #tpu.memory_space<hbm>> -> memref<1x1x10x128xi32, #tpu.memory_space<hbm>>
      %dma_start3A_125 = tpu.memref_squeeze %dma_start3A_124 : memref<1x1x10x128xi32, #tpu.memory_space<hbm>> -> memref<10x128xi32, #tpu.memory_space<hbm>>
      %dma_start3A_126 = arith.constant 0 : i32
      %dma_start3A_127 = arith.constant 0 : i32
      %dma_start3A_128 = tpu.memref_slice %arg6[%add3A, %add3A_107, %dma_start3A_126, %dma_start3A_127] : memref<32x125x10x128xi32, #tpu.memory_space<hbm>> -> memref<1x1x10x128xi32, #tpu.memory_space<hbm>>
      %dma_start3A_129 = tpu.memref_squeeze %dma_start3A_128 : memref<1x1x10x128xi32, #tpu.memory_space<hbm>> -> memref<10x128xi32, #tpu.memory_space<hbm>>
      tpu.enqueue_dma source(%dma_start3A_129 : memref<10x128xi32, #tpu.memory_space<hbm>>) target(%arg11 : memref<10x128xi32, #tpu.memory_space<vmem>>) target_semaphore(%arg18 : memref<!tpu.dma_semaphore, #tpu.memory_space<semaphore_mem>>)
      %dma_wait3A_130 = arith.constant 0 : i32
      %dma_wait3A_131 = tpu.memref_slice %arg8[%mul3A_105, %dma_wait3A_130] : memref<125x80xi32, #tpu.memory_space<vmem>> -> memref<1x80xi32, #tpu.memory_space<vmem>>
      %dma_wait3A_132 = tpu.memref_squeeze %dma_wait3A_131 : memref<1x80xi32, #tpu.memory_space<vmem>> -> memref<80xi32, #tpu.memory_space<vmem>>
      %dma_wait3A_133 = arith.constant 0 : i32
      %dma_wait3A_134 = arith.constant 0 : i32
      %dma_wait3A_135 = tpu.memref_slice %arg2[%dma_wait3A_133, %dma_wait3A_134] : memref<10000x128xf32, #tpu.memory_space<hbm>> -> memref<10000x128xf32, #tpu.memory_space<hbm>>
      tpu.wait_indirect_dma semaphore(%arg17 : memref<!tpu.dma_semaphore, #tpu.memory_space<semaphore_mem>>) src(%dma_wait3A_135 : memref<10000x128xf32, #tpu.memory_space<hbm>>) dst(%arg12 : memref<80x128xf32, #tpu.memory_space<vmem>>)
      %dma_wait3A_136 = arith.constant 0 : i32
      %dma_wait3A_137 = arith.constant 0 : i32
      %dma_wait3A_138 = tpu.memref_slice %arg3[%add3A, %mul3A_105, %dma_wait3A_136, %dma_wait3A_137] : memref<32x125x20x128xf32, #tpu.memory_space<hbm>> -> memref<1x1x20x128xf32, #tpu.memory_space<hbm>>
      %dma_wait3A_139 = tpu.memref_squeeze %dma_wait3A_138 : memref<1x1x20x128xf32, #tpu.memory_space<hbm>> -> memref<20x128xf32, #tpu.memory_space<hbm>>
      %dma_wait3A_140 = arith.constant 0 : i32
      %dma_wait3A_141 = arith.constant 0 : i32
      %dma_wait3A_142 = tpu.memref_slice %arg3[%add3A, %mul3A_105, %dma_wait3A_140, %dma_wait3A_141] : memref<32x125x20x128xf32, #tpu.memory_space<hbm>> -> memref<1x1x20x128xf32, #tpu.memory_space<hbm>>
      %dma_wait3A_143 = tpu.memref_squeeze %dma_wait3A_142 : memref<1x1x20x128xf32, #tpu.memory_space<hbm>> -> memref<20x128xf32, #tpu.memory_space<hbm>>
      tpu.wait_dma2 semaphore(%arg17 : memref<!tpu.dma_semaphore, #tpu.memory_space<semaphore_mem>>) src(%dma_wait3A_143 : memref<20x128xf32, #tpu.memory_space<hbm>>) dst(%arg14 : memref<20x128xf32, #tpu.memory_space<vmem>>)
      %dma_wait3A_144 = arith.constant 0 : i32
      %dma_wait3A_145 = arith.constant 0 : i32
      %dma_wait3A_146 = tpu.memref_slice %arg6[%add3A, %mul3A_105, %dma_wait3A_144, %dma_wait3A_145] : memref<32x125x10x128xi32, #tpu.memory_space<hbm>> -> memref<1x1x10x128xi32, #tpu.memory_space<hbm>>
      %dma_wait3A_147 = tpu.memref_squeeze %dma_wait3A_146 : memref<1x1x10x128xi32, #tpu.memory_space<hbm>> -> memref<10x128xi32, #tpu.memory_space<hbm>>
      %dma_wait3A_148 = arith.constant 0 : i32
      %dma_wait3A_149 = arith.constant 0 : i32
      %dma_wait3A_150 = tpu.memref_slice %arg6[%add3A, %mul3A_105, %dma_wait3A_148, %dma_wait3A_149] : memref<32x125x10x128xi32, #tpu.memory_space<hbm>> -> memref<1x1x10x128xi32, #tpu.memory_space<hbm>>
      %dma_wait3A_151 = tpu.memref_squeeze %dma_wait3A_150 : memref<1x1x10x128xi32, #tpu.memory_space<hbm>> -> memref<10x128xi32, #tpu.memory_space<hbm>>
      tpu.wait_dma2 semaphore(%arg17 : memref<!tpu.dma_semaphore, #tpu.memory_space<semaphore_mem>>) src(%dma_wait3A_151 : memref<10x128xi32, #tpu.memory_space<hbm>>) dst(%arg10 : memref<10x128xi32, #tpu.memory_space<vmem>>)
      %scan3A_152 = arith.constant 0 : i32
      %scan3A_153 = arith.constant 0 : i32
      %scan3A_154 = arith.constant 80 : i32
      %scan3A_155 = arith.addi %scan3A_153, %scan3A_154 : i32
      %scan3A_156 = arith.constant 1 : i32
      %scan3A_157 = scf.for %scan3A_195 = %scan3A_153 to %scan3A_155 step %scan3A_156 iter_args(%scan3A_196 = %scan3A_152) -> (i32)  : i32 {
        %jit3A = arith.constant 8 : i32
        %div3A = arith.divsi %scan3A_195, %jit3A : i32
        %sign3A = arith.constant 0 : i32
        %sign3A_197 = arith.cmpi sgt, %scan3A_195, %sign3A : i32
        %sign3A_198 = arith.extui %sign3A_197 : i1 to i32
        %sign3A_199 = arith.constant 0 : i32
        %sign3A_200 = arith.cmpi slt, %scan3A_195, %sign3A_199 : i32
        %sign3A_201 = arith.extui %sign3A_200 : i1 to i32
        %sign3A_202 = arith.subi %sign3A_198, %sign3A_201 : i32
        %sign3A_203 = arith.constant 0 : i32
        %sign3A_204 = arith.cmpi sgt, %jit3A, %sign3A_203 : i32
        %sign3A_205 = arith.extui %sign3A_204 : i1 to i32
        %sign3A_206 = arith.constant 0 : i32
        %sign3A_207 = arith.cmpi slt, %jit3A, %sign3A_206 : i32
        %sign3A_208 = arith.extui %sign3A_207 : i1 to i32
        %sign3A_209 = arith.subi %sign3A_205, %sign3A_208 : i32
        %ne3A = arith.cmpi ne, %sign3A_202, %sign3A_209 : i32
        %rem3A = arith.remsi %scan3A_195, %jit3A : i32
        %ne3A_210 = arith.constant 0 : i32
        %ne3A_211 = arith.cmpi ne, %rem3A, %ne3A_210 : i32
        %and3A = arith.andi %ne3A, %ne3A_211 : i1
        %sub3A = arith.constant 1 : i32
        %sub3A_212 = arith.subi %div3A, %sub3A : i32
        %select_n3A = arith.select %and3A, %sub3A_212, %div3A : i32
        %jit3A_213 = arith.constant 8 : i32
        %eq3A = arith.constant 0 : i32
        %eq3A_214 = arith.cmpi eq, %jit3A_213, %eq3A : i32
        %jit3A_215 = arith.constant 1 : i32
        %select_n3A_216 = arith.select %eq3A_214, %jit3A_215, %jit3A_213 : i32
        %rem3A_217 = arith.remsi %scan3A_195, %select_n3A_216 : i32
        %ne3A_218 = arith.constant 0 : i32
        %ne3A_219 = arith.cmpi ne, %rem3A_217, %ne3A_218 : i32
        %lt3A_220 = arith.constant 0 : i32
        %lt3A_221 = arith.cmpi slt, %rem3A_217, %lt3A_220 : i32
        %lt3A_222 = arith.constant 0 : i32
        %lt3A_223 = arith.cmpi slt, %select_n3A_216, %lt3A_222 : i32
        %ne3A_224 = arith.xori %lt3A_221, %lt3A_223 : i1
        %and3A_225 = arith.andi %ne3A_224, %ne3A_219 : i1
        %add3A_226 = arith.addi %rem3A_217, %select_n3A_216 : i32
        %select_n3A_227 = arith.select %and3A_225, %add3A_226, %rem3A_217 : i32
        %mul3A_228 = arith.constant 16 : i32
        %mul3A_229 = arith.muli %select_n3A_227, %mul3A_228 : i32
        %get3A = arith.index_cast %select_n3A : i32 to index
        %get3A_230 = arith.index_cast %mul3A_229 : i32 to index
        %get3A_231 = tpu.vector_load %arg10[%get3A, %get3A_230] {strides = array<i32>} : memref<10x128xi32, #tpu.memory_space<vmem>>, vector<1x16xi32>,
        %get3A_232 = vector.shape_cast %get3A_231 : vector<1x16xi32> to vector<16xi32>
        %jit3A_233 = arith.constant 4 : i32
        %div3A_234 = arith.divsi %scan3A_195, %jit3A_233 : i32
        %sign3A_235 = arith.constant 0 : i32
        %sign3A_236 = arith.cmpi sgt, %scan3A_195, %sign3A_235 : i32
        %sign3A_237 = arith.extui %sign3A_236 : i1 to i32
        %sign3A_238 = arith.constant 0 : i32
        %sign3A_239 = arith.cmpi slt, %scan3A_195, %sign3A_238 : i32
        %sign3A_240 = arith.extui %sign3A_239 : i1 to i32
        %sign3A_241 = arith.subi %sign3A_237, %sign3A_240 : i32
        %sign3A_242 = arith.constant 0 : i32
        %sign3A_243 = arith.cmpi sgt, %jit3A_233, %sign3A_242 : i32
        %sign3A_244 = arith.extui %sign3A_243 : i1 to i32
        %sign3A_245 = arith.constant 0 : i32
        %sign3A_246 = arith.cmpi slt, %jit3A_233, %sign3A_245 : i32
        %sign3A_247 = arith.extui %sign3A_246 : i1 to i32
        %sign3A_248 = arith.subi %sign3A_244, %sign3A_247 : i32
        %ne3A_249 = arith.cmpi ne, %sign3A_241, %sign3A_248 : i32
        %rem3A_250 = arith.remsi %scan3A_195, %jit3A_233 : i32
        %ne3A_251 = arith.constant 0 : i32
        %ne3A_252 = arith.cmpi ne, %rem3A_250, %ne3A_251 : i32
        %and3A_253 = arith.andi %ne3A_249, %ne3A_252 : i1
        %sub3A_254 = arith.constant 1 : i32
        %sub3A_255 = arith.subi %div3A_234, %sub3A_254 : i32
        %select_n3A_256 = arith.select %and3A_253, %sub3A_255, %div3A_234 : i32
        %jit3A_257 = arith.constant 4 : i32
        %eq3A_258 = arith.constant 0 : i32
        %eq3A_259 = arith.cmpi eq, %jit3A_257, %eq3A_258 : i32
        %jit3A_260 = arith.constant 1 : i32
        %select_n3A_261 = arith.select %eq3A_259, %jit3A_260, %jit3A_257 : i32
        %rem3A_262 = arith.remsi %scan3A_195, %select_n3A_261 : i32
        %ne3A_263 = arith.constant 0 : i32
        %ne3A_264 = arith.cmpi ne, %rem3A_262, %ne3A_263 : i32
        %lt3A_265 = arith.constant 0 : i32
        %lt3A_266 = arith.cmpi slt, %rem3A_262, %lt3A_265 : i32
        %lt3A_267 = arith.constant 0 : i32
        %lt3A_268 = arith.cmpi slt, %select_n3A_261, %lt3A_267 : i32
        %ne3A_269 = arith.xori %lt3A_266, %lt3A_268 : i1
        %and3A_270 = arith.andi %ne3A_269, %ne3A_264 : i1
        %add3A_271 = arith.addi %rem3A_262, %select_n3A_261 : i32
        %select_n3A_272 = arith.select %and3A_270, %add3A_271, %rem3A_262 : i32
        %mul3A_273 = arith.constant 32 : i32
        %mul3A_274 = arith.muli %select_n3A_272, %mul3A_273 : i32
        %get3A_275 = arith.index_cast %scan3A_195 : i32 to index
        %get3A_276 = arith.constant 0 : index
        %get3A_277 = tpu.vector_load %arg12[%get3A_275, %get3A_276] {strides = array<i32>} : memref<80x128xf32, #tpu.memory_space<vmem>>, vector<1x16xf32>,
        %get3A_278 = vector.shape_cast %get3A_277 : vector<1x16xf32> to vector<16xf32>
        %get3A_279 = arith.index_cast %select_n3A_256 : i32 to index
        %get3A_280 = arith.index_cast %mul3A_274 : i32 to index
        %get3A_281 = tpu.vector_load %arg14[%get3A_279, %get3A_280] {strides = array<i32>} : memref<20x128xf32, #tpu.memory_space<vmem>>, vector<1x16xf32>,
        %get3A_282 = vector.shape_cast %get3A_281 : vector<1x16xf32> to vector<16xf32>
        %add3A_283 = arith.addf %get3A_278, %get3A_282 : vector<16xf32>
        %max3A = arith.constant 0.000000e+00 : f32
        %max3A_284 = vector.broadcast %max3A : f32 to vector<16xf32>
        %max3A_285 = arith.maximumf %add3A_283, %max3A_284 : vector<16xf32>
        %get3A_286 = arith.index_cast %scan3A_195 : i32 to index
        %get3A_287 = arith.constant 16 : index
        %get3A_288 = tpu.vector_load %arg12[%get3A_286, %get3A_287] {strides = array<i32>} : memref<80x128xf32, #tpu.memory_space<vmem>>, vector<1x16xf32>,
        %get3A_289 = vector.shape_cast %get3A_288 : vector<1x16xf32> to vector<16xf32>
        %add3A_290 = arith.constant 16 : i32
        %add3A_291 = arith.addi %mul3A_274, %add3A_290 : i32
        %get3A_292 = arith.index_cast %select_n3A_256 : i32 to index
        %get3A_293 = arith.index_cast %add3A_291 : i32 to index
        %get3A_294 = tpu.vector_load %arg14[%get3A_292, %get3A_293] {strides = array<i32>} : memref<20x128xf32, #tpu.memory_space<vmem>>, vector<1x16xf32>,
        %get3A_295 = vector.shape_cast %get3A_294 : vector<1x16xf32> to vector<16xf32>
        %add3A_296 = arith.addf %get3A_289, %get3A_295 : vector<16xf32>
        %max3A_297 = arith.constant 0.000000e+00 : f32
        %max3A_298 = vector.broadcast %max3A_297 : f32 to vector<16xf32>
        %max3A_299 = arith.maximumf %add3A_296, %max3A_298 : vector<16xf32>
        %eq3A_300 = arith.constant 0 : i32
        %eq3A_301 = vector.broadcast %eq3A_300 : i32 to vector<16xi32>
        %eq3A_302 = arith.cmpi eq, %get3A_232, %eq3A_301 : vector<16xi32>
        %select_n3A_303 = arith.select %eq3A_302, %max3A_285, %broadcast_in_dim3A_13 : vector<16xi1>, vector<16xf32>
        %swap3A = arith.index_cast %scan3A_195 : i32 to index
        %swap3A_304 = arith.constant 0 : index
        %swap3A_305 = tpu.vector_load %arg12[%swap3A, %swap3A_304] {strides = array<i32>} : memref<80x128xf32, #tpu.memory_space<vmem>>, vector<1x16xf32>,
        %swap3A_306 = vector.shape_cast %swap3A_305 : vector<1x16xf32> to vector<16xf32>
        %swap3A_307 = vector.shape_cast %select_n3A_303 : vector<16xf32> to vector<1x16xf32>
        tpu.vector_store %arg12[%swap3A, %swap3A_304], %swap3A_307 {strides = array<i32>} : memref<80x128xf32, #tpu.memory_space<vmem>>, vector<1x16xf32>,
        %select_n3A_308 = arith.select %eq3A_302, %max3A_299, %broadcast_in_dim3A_13 : vector<16xi1>, vector<16xf32>
        %swap3A_309 = arith.index_cast %scan3A_195 : i32 to index
        %swap3A_310 = arith.constant 16 : index
        %swap3A_311 = tpu.vector_load %arg12[%swap3A_309, %swap3A_310] {strides = array<i32>} : memref<80x128xf32, #tpu.memory_space<vmem>>, vector<1x16xf32>,
        %swap3A_312 = vector.shape_cast %swap3A_311 : vector<1x16xf32> to vector<16xf32>
        %swap3A_313 = vector.shape_cast %select_n3A_308 : vector<16xf32> to vector<1x16xf32>
        tpu.vector_store %arg12[%swap3A_309, %swap3A_310], %swap3A_313 {strides = array<i32>} : memref<80x128xf32, #tpu.memory_space<vmem>>, vector<1x16xf32>,
        %eq3A_314 = arith.constant 32 : i32
        %eq3A_315 = vector.broadcast %eq3A_314 : i32 to vector<16xi32>
        %eq3A_316 = arith.cmpi eq, %get3A_232, %eq3A_315 : vector<16xi32>
        %select_n3A_317 = arith.select %eq3A_316, %max3A_285, %broadcast_in_dim3A_13 : vector<16xi1>, vector<16xf32>
        %swap3A_318 = arith.index_cast %scan3A_195 : i32 to index
        %swap3A_319 = arith.constant 32 : index
        %swap3A_320 = tpu.vector_load %arg12[%swap3A_318, %swap3A_319] {strides = array<i32>} : memref<80x128xf32, #tpu.memory_space<vmem>>, vector<1x16xf32>,
        %swap3A_321 = vector.shape_cast %swap3A_320 : vector<1x16xf32> to vector<16xf32>
        %swap3A_322 = vector.shape_cast %select_n3A_317 : vector<16xf32> to vector<1x16xf32>
        tpu.vector_store %arg12[%swap3A_318, %swap3A_319], %swap3A_322 {strides = array<i32>} : memref<80x128xf32, #tpu.memory_space<vmem>>, vector<1x16xf32>,
        %select_n3A_323 = arith.select %eq3A_316, %max3A_299, %broadcast_in_dim3A_13 : vector<16xi1>, vector<16xf32>
        %swap3A_324 = arith.index_cast %scan3A_195 : i32 to index
        %swap3A_325 = arith.constant 48 : index
        %swap3A_326 = tpu.vector_load %arg12[%swap3A_324, %swap3A_325] {strides = array<i32>} : memref<80x128xf32, #tpu.memory_space<vmem>>, vector<1x16xf32>,
        %swap3A_327 = vector.shape_cast %swap3A_326 : vector<1x16xf32> to vector<16xf32>
        %swap3A_328 = vector.shape_cast %select_n3A_323 : vector<16xf32> to vector<1x16xf32>
        tpu.vector_store %arg12[%swap3A_324, %swap3A_325], %swap3A_328 {strides = array<i32>} : memref<80x128xf32, #tpu.memory_space<vmem>>, vector<1x16xf32>,
        %eq3A_329 = arith.constant 64 : i32
        %eq3A_330 = vector.broadcast %eq3A_329 : i32 to vector<16xi32>
        %eq3A_331 = arith.cmpi eq, %get3A_232, %eq3A_330 : vector<16xi32>
        %select_n3A_332 = arith.select %eq3A_331, %max3A_285, %broadcast_in_dim3A_13 : vector<16xi1>, vector<16xf32>
        %swap3A_333 = arith.index_cast %scan3A_195 : i32 to index
        %swap3A_334 = arith.constant 64 : index
        %swap3A_335 = tpu.vector_load %arg12[%swap3A_333, %swap3A_334] {strides = array<i32>} : memref<80x128xf32, #tpu.memory_space<vmem>>, vector<1x16xf32>,
        %swap3A_336 = vector.shape_cast %swap3A_335 : vector<1x16xf32> to vector<16xf32>
        %swap3A_337 = vector.shape_cast %select_n3A_332 : vector<16xf32> to vector<1x16xf32>
        tpu.vector_store %arg12[%swap3A_333, %swap3A_334], %swap3A_337 {strides = array<i32>} : memref<80x128xf32, #tpu.memory_space<vmem>>, vector<1x16xf32>,
        %select_n3A_338 = arith.select %eq3A_331, %max3A_299, %broadcast_in_dim3A_13 : vector<16xi1>, vector<16xf32>
        %swap3A_339 = arith.index_cast %scan3A_195 : i32 to index
        %swap3A_340 = arith.constant 80 : index
        %swap3A_341 = tpu.vector_load %arg12[%swap3A_339, %swap3A_340] {strides = array<i32>} : memref<80x128xf32, #tpu.memory_space<vmem>>, vector<1x16xf32>,
        %swap3A_342 = vector.shape_cast %swap3A_341 : vector<1x16xf32> to vector<16xf32>
        %swap3A_343 = vector.shape_cast %select_n3A_338 : vector<16xf32> to vector<1x16xf32>
        tpu.vector_store %arg12[%swap3A_339, %swap3A_340], %swap3A_343 {strides = array<i32>} : memref<80x128xf32, #tpu.memory_space<vmem>>, vector<1x16xf32>,
        %eq3A_344 = arith.constant 96 : i32
        %eq3A_345 = vector.broadcast %eq3A_344 : i32 to vector<16xi32>
        %eq3A_346 = arith.cmpi eq, %get3A_232, %eq3A_345 : vector<16xi32>
        %select_n3A_347 = arith.select %eq3A_346, %max3A_285, %broadcast_in_dim3A_13 : vector<16xi1>, vector<16xf32>
        %swap3A_348 = arith.index_cast %scan3A_195 : i32 to index
        %swap3A_349 = arith.constant 96 : index
        %swap3A_350 = tpu.vector_load %arg12[%swap3A_348, %swap3A_349] {strides = array<i32>} : memref<80x128xf32, #tpu.memory_space<vmem>>, vector<1x16xf32>,
        %swap3A_351 = vector.shape_cast %swap3A_350 : vector<1x16xf32> to vector<16xf32>
        %swap3A_352 = vector.shape_cast %select_n3A_347 : vector<16xf32> to vector<1x16xf32>
        tpu.vector_store %arg12[%swap3A_348, %swap3A_349], %swap3A_352 {strides = array<i32>} : memref<80x128xf32, #tpu.memory_space<vmem>>, vector<1x16xf32>,
        %select_n3A_353 = arith.select %eq3A_346, %max3A_299, %broadcast_in_dim3A_13 : vector<16xi1>, vector<16xf32>
        %swap3A_354 = arith.index_cast %scan3A_195 : i32 to index
        %swap3A_355 = arith.constant 112 : index
        %swap3A_356 = tpu.vector_load %arg12[%swap3A_354, %swap3A_355] {strides = array<i32>} : memref<80x128xf32, #tpu.memory_space<vmem>>, vector<1x16xf32>,
        %swap3A_357 = vector.shape_cast %swap3A_356 : vector<1x16xf32> to vector<16xf32>
        %swap3A_358 = vector.shape_cast %select_n3A_353 : vector<16xf32> to vector<1x16xf32>
        tpu.vector_store %arg12[%swap3A_354, %swap3A_355], %swap3A_358 {strides = array<i32>} : memref<80x128xf32, #tpu.memory_space<vmem>>, vector<1x16xf32>,
        %scan3A_359 = arith.constant 0 : i32
        scf.yield %scan3A_359 : i32
      }
      %scan3A_158 = arith.constant 80 : i32
      "tpu.region"() ({
        %run_scoped3A_195 = tpu.sem_alloc : memref<!tpu.dma_semaphore, #tpu.memory_space<semaphore_mem>>
        %dma_start3A_196 = arith.constant 0 : i32
        %dma_start3A_197 = tpu.memref_slice %arg9[%mul3A_105, %dma_start3A_196] : memref<125x80xi32, #tpu.memory_space<vmem>> -> memref<1x80xi32, #tpu.memory_space<vmem>>
        %dma_start3A_198 = tpu.memref_squeeze %dma_start3A_197 : memref<1x80xi32, #tpu.memory_space<vmem>> -> memref<80xi32, #tpu.memory_space<vmem>>
        %dma_start3A_199 = arith.constant 0 : i32
        %dma_start3A_200 = arith.constant 0 : i32
        %dma_start3A_201 = tpu.memref_slice %arg16[%dma_start3A_199, %dma_start3A_200] : memref<2560x128xf32, #tpu.memory_space<vmem_shared>> -> memref<2560x128xf32, #tpu.memory_space<vmem_shared>>
        tpu.enqueue_indirect_dma source(%arg12 : memref<80x128xf32, #tpu.memory_space<vmem>>) target(%dma_start3A_201 : memref<2560x128xf32, #tpu.memory_space<vmem_shared>>) offsets(%dma_start3A_198 : memref<80xi32, #tpu.memory_space<vmem>>) semaphore(%run_scoped3A_195 : memref<!tpu.dma_semaphore, #tpu.memory_space<semaphore_mem>>) {add = true}
        %dma_wait3A_202 = arith.constant 0 : i32
        %dma_wait3A_203 = tpu.memref_slice %arg9[%mul3A_105, %dma_wait3A_202] : memref<125x80xi32, #tpu.memory_space<vmem>> -> memref<1x80xi32, #tpu.memory_space<vmem>>
        %dma_wait3A_204 = tpu.memref_squeeze %dma_wait3A_203 : memref<1x80xi32, #tpu.memory_space<vmem>> -> memref<80xi32, #tpu.memory_space<vmem>>
        %dma_wait3A_205 = arith.constant 0 : i32
        %dma_wait3A_206 = arith.constant 0 : i32
        %dma_wait3A_207 = tpu.memref_slice %arg16[%dma_wait3A_205, %dma_wait3A_206] : memref<2560x128xf32, #tpu.memory_space<vmem_shared>> -> memref<2560x128xf32, #tpu.memory_space<vmem_shared>>
        tpu.wait_indirect_dma semaphore(%run_scoped3A_195 : memref<!tpu.dma_semaphore, #tpu.memory_space<semaphore_mem>>) src(%arg12 : memref<80x128xf32, #tpu.memory_space<vmem>>) dst(%dma_wait3A_207 : memref<2560x128xf32, #tpu.memory_space<vmem_shared>>)
        tpu.yield
      }) : () -> ()
      %lt3A = arith.constant 61 : i32
      %lt3A_159 = arith.cmpi slt, %scan3A_102, %lt3A : i32
      %convert_element_type3A = arith.extui %lt3A_159 : i1 to i32
      %cond3A = arith.constant 0 : i32
      %cond3A_160 = arith.cmpi ne, %convert_element_type3A, %cond3A : i32
      scf.if %cond3A_160 {
        %add3A_195 = arith.constant 2 : i32
        %add3A_196 = arith.addi %mul3A_105, %add3A_195 : i32
        %dma_start3A_197 = arith.constant 0 : i32
        %dma_start3A_198 = tpu.memref_slice %arg8[%add3A_196, %dma_start3A_197] : memref<125x80xi32, #tpu.memory_space<vmem>> -> memref<1x80xi32, #tpu.memory_space<vmem>>
        %dma_start3A_199 = tpu.memref_squeeze %dma_start3A_198 : memref<1x80xi32, #tpu.memory_space<vmem>> -> memref<80xi32, #tpu.memory_space<vmem>>
        %dma_start3A_200 = arith.constant 0 : i32
        %dma_start3A_201 = arith.constant 0 : i32
        %dma_start3A_202 = tpu.memref_slice %arg2[%dma_start3A_200, %dma_start3A_201] : memref<10000x128xf32, #tpu.memory_space<hbm>> -> memref<10000x128xf32, #tpu.memory_space<hbm>>
        tpu.enqueue_indirect_dma source(%dma_start3A_202 : memref<10000x128xf32, #tpu.memory_space<hbm>>) target(%arg12 : memref<80x128xf32, #tpu.memory_space<vmem>>) offsets(%dma_start3A_199 : memref<80xi32, #tpu.memory_space<vmem>>) semaphore(%arg17 : memref<!tpu.dma_semaphore, #tpu.memory_space<semaphore_mem>>)
        %dma_start3A_203 = arith.constant 0 : i32
        %dma_start3A_204 = arith.constant 0 : i32
        %dma_start3A_205 = tpu.memref_slice %arg3[%add3A, %add3A_196, %dma_start3A_203, %dma_start3A_204] : memref<32x125x20x128xf32, #tpu.memory_space<hbm>> -> memref<1x1x20x128xf32, #tpu.memory_space<hbm>>
        %dma_start3A_206 = tpu.memref_squeeze %dma_start3A_205 : memref<1x1x20x128xf32, #tpu.memory_space<hbm>> -> memref<20x128xf32, #tpu.memory_space<hbm>>
        %dma_start3A_207 = arith.constant 0 : i32
        %dma_start3A_208 = arith.constant 0 : i32
        %dma_start3A_209 = tpu.memref_slice %arg3[%add3A, %add3A_196, %dma_start3A_207, %dma_start3A_208] : memref<32x125x20x128xf32, #tpu.memory_space<hbm>> -> memref<1x1x20x128xf32, #tpu.memory_space<hbm>>
        %dma_start3A_210 = tpu.memref_squeeze %dma_start3A_209 : memref<1x1x20x128xf32, #tpu.memory_space<hbm>> -> memref<20x128xf32, #tpu.memory_space<hbm>>
        tpu.enqueue_dma source(%dma_start3A_210 : memref<20x128xf32, #tpu.memory_space<hbm>>) target(%arg14 : memref<20x128xf32, #tpu.memory_space<vmem>>) target_semaphore(%arg17 : memref<!tpu.dma_semaphore, #tpu.memory_space<semaphore_mem>>)
        %dma_start3A_211 = arith.constant 0 : i32
        %dma_start3A_212 = arith.constant 0 : i32
        %dma_start3A_213 = tpu.memref_slice %arg6[%add3A, %add3A_196, %dma_start3A_211, %dma_start3A_212] : memref<32x125x10x128xi32, #tpu.memory_space<hbm>> -> memref<1x1x10x128xi32, #tpu.memory_space<hbm>>
        %dma_start3A_214 = tpu.memref_squeeze %dma_start3A_213 : memref<1x1x10x128xi32, #tpu.memory_space<hbm>> -> memref<10x128xi32, #tpu.memory_space<hbm>>
        %dma_start3A_215 = arith.constant 0 : i32
        %dma_start3A_216 = arith.constant 0 : i32
        %dma_start3A_217 = tpu.memref_slice %arg6[%add3A, %add3A_196, %dma_start3A_215, %dma_start3A_216] : memref<32x125x10x128xi32, #tpu.memory_space<hbm>> -> memref<1x1x10x128xi32, #tpu.memory_space<hbm>>
        %dma_start3A_218 = tpu.memref_squeeze %dma_start3A_217 : memref<1x1x10x128xi32, #tpu.memory_space<hbm>> -> memref<10x128xi32, #tpu.memory_space<hbm>>
        tpu.enqueue_dma source(%dma_start3A_218 : memref<10x128xi32, #tpu.memory_space<hbm>>) target(%arg10 : memref<10x128xi32, #tpu.memory_space<vmem>>) target_semaphore(%arg17 : memref<!tpu.dma_semaphore, #tpu.memory_space<semaphore_mem>>)
      } else {
      }
      %add3A_161 = arith.constant 1 : i32
      %add3A_162 = arith.addi %mul3A_105, %add3A_161 : i32
      %dma_wait3A_163 = arith.constant 0 : i32
      %dma_wait3A_164 = tpu.memref_slice %arg8[%add3A_162, %dma_wait3A_163] : memref<125x80xi32, #tpu.memory_space<vmem>> -> memref<1x80xi32, #tpu.memory_space<vmem>>
      %dma_wait3A_165 = tpu.memref_squeeze %dma_wait3A_164 : memref<1x80xi32, #tpu.memory_space<vmem>> -> memref<80xi32, #tpu.memory_space<vmem>>
      %dma_wait3A_166 = arith.constant 0 : i32
      %dma_wait3A_167 = arith.constant 0 : i32
      %dma_wait3A_168 = tpu.memref_slice %arg2[%dma_wait3A_166, %dma_wait3A_167] : memref<10000x128xf32, #tpu.memory_space<hbm>> -> memref<10000x128xf32, #tpu.memory_space<hbm>>
      tpu.wait_indirect_dma semaphore(%arg18 : memref<!tpu.dma_semaphore, #tpu.memory_space<semaphore_mem>>) src(%dma_wait3A_168 : memref<10000x128xf32, #tpu.memory_space<hbm>>) dst(%arg13 : memref<80x128xf32, #tpu.memory_space<vmem>>)
      %dma_wait3A_169 = arith.constant 0 : i32
      %dma_wait3A_170 = arith.constant 0 : i32
      %dma_wait3A_171 = tpu.memref_slice %arg3[%add3A, %add3A_162, %dma_wait3A_169, %dma_wait3A_170] : memref<32x125x20x128xf32, #tpu.memory_space<hbm>> -> memref<1x1x20x128xf32, #tpu.memory_space<hbm>>
      %dma_wait3A_172 = tpu.memref_squeeze %dma_wait3A_171 : memref<1x1x20x128xf32, #tpu.memory_space<hbm>> -> memref<20x128xf32, #tpu.memory_space<hbm>>
      %dma_wait3A_173 = arith.constant 0 : i32
      %dma_wait3A_174 = arith.constant 0 : i32
      %dma_wait3A_175 = tpu.memref_slice %arg3[%add3A, %add3A_162, %dma_wait3A_173, %dma_wait3A_174] : memref<32x125x20x128xf32, #tpu.memory_space<hbm>> -> memref<1x1x20x128xf32, #tpu.memory_space<hbm>>
      %dma_wait3A_176 = tpu.memref_squeeze %dma_wait3A_175 : memref<1x1x20x128xf32, #tpu.memory_space<hbm>> -> memref<20x128xf32, #tpu.memory_space<hbm>>
      tpu.wait_dma2 semaphore(%arg18 : memref<!tpu.dma_semaphore, #tpu.memory_space<semaphore_mem>>) src(%dma_wait3A_176 : memref<20x128xf32, #tpu.memory_space<hbm>>) dst(%arg15 : memref<20x128xf32, #tpu.memory_space<vmem>>)
      %dma_wait3A_177 = arith.constant 0 : i32
      %dma_wait3A_178 = arith.constant 0 : i32
      %dma_wait3A_179 = tpu.memref_slice %arg6[%add3A, %add3A_162, %dma_wait3A_177, %dma_wait3A_178] : memref<32x125x10x128xi32, #tpu.memory_space<hbm>> -> memref<1x1x10x128xi32, #tpu.memory_space<hbm>>
      %dma_wait3A_180 = tpu.memref_squeeze %dma_wait3A_179 : memref<1x1x10x128xi32, #tpu.memory_space<hbm>> -> memref<10x128xi32, #tpu.memory_space<hbm>>
      %dma_wait3A_181 = arith.constant 0 : i32
      %dma_wait3A_182 = arith.constant 0 : i32
      %dma_wait3A_183 = tpu.memref_slice %arg6[%add3A, %add3A_162, %dma_wait3A_181, %dma_wait3A_182] : memref<32x125x10x128xi32, #tpu.memory_space<hbm>> -> memref<1x1x10x128xi32, #tpu.memory_space<hbm>>
      %dma_wait3A_184 = tpu.memref_squeeze %dma_wait3A_183 : memref<1x1x10x128xi32, #tpu.memory_space<hbm>> -> memref<10x128xi32, #tpu.memory_space<hbm>>
      tpu.wait_dma2 semaphore(%arg18 : memref<!tpu.dma_semaphore, #tpu.memory_space<semaphore_mem>>) src(%dma_wait3A_184 : memref<10x128xi32, #tpu.memory_space<hbm>>) dst(%arg11 : memref<10x128xi32, #tpu.memory_space<vmem>>)
      %scan3A_185 = arith.constant 0 : i32
      %scan3A_186 = arith.constant 0 : i32
      %scan3A_187 = arith.constant 80 : i32
      %scan3A_188 = arith.addi %scan3A_186, %scan3A_187 : i32
      %scan3A_189 = arith.constant 1 : i32
      %scan3A_190 = scf.for %scan3A_195 = %scan3A_186 to %scan3A_188 step %scan3A_189 iter_args(%scan3A_196 = %scan3A_185) -> (i32)  : i32 {
        %jit3A = arith.constant 8 : i32
        %div3A = arith.divsi %scan3A_195, %jit3A : i32
        %sign3A = arith.constant 0 : i32
        %sign3A_197 = arith.cmpi sgt, %scan3A_195, %sign3A : i32
        %sign3A_198 = arith.extui %sign3A_197 : i1 to i32
        %sign3A_199 = arith.constant 0 : i32
        %sign3A_200 = arith.cmpi slt, %scan3A_195, %sign3A_199 : i32
        %sign3A_201 = arith.extui %sign3A_200 : i1 to i32
        %sign3A_202 = arith.subi %sign3A_198, %sign3A_201 : i32
        %sign3A_203 = arith.constant 0 : i32
        %sign3A_204 = arith.cmpi sgt, %jit3A, %sign3A_203 : i32
        %sign3A_205 = arith.extui %sign3A_204 : i1 to i32
        %sign3A_206 = arith.constant 0 : i32
        %sign3A_207 = arith.cmpi slt, %jit3A, %sign3A_206 : i32
        %sign3A_208 = arith.extui %sign3A_207 : i1 to i32
        %sign3A_209 = arith.subi %sign3A_205, %sign3A_208 : i32
        %ne3A = arith.cmpi ne, %sign3A_202, %sign3A_209 : i32
        %rem3A = arith.remsi %scan3A_195, %jit3A : i32
        %ne3A_210 = arith.constant 0 : i32
        %ne3A_211 = arith.cmpi ne, %rem3A, %ne3A_210 : i32
        %and3A = arith.andi %ne3A, %ne3A_211 : i1
        %sub3A = arith.constant 1 : i32
        %sub3A_212 = arith.subi %div3A, %sub3A : i32
        %select_n3A = arith.select %and3A, %sub3A_212, %div3A : i32
        %jit3A_213 = arith.constant 8 : i32
        %eq3A = arith.constant 0 : i32
        %eq3A_214 = arith.cmpi eq, %jit3A_213, %eq3A : i32
        %jit3A_215 = arith.constant 1 : i32
        %select_n3A_216 = arith.select %eq3A_214, %jit3A_215, %jit3A_213 : i32
        %rem3A_217 = arith.remsi %scan3A_195, %select_n3A_216 : i32
        %ne3A_218 = arith.constant 0 : i32
        %ne3A_219 = arith.cmpi ne, %rem3A_217, %ne3A_218 : i32
        %lt3A_220 = arith.constant 0 : i32
        %lt3A_221 = arith.cmpi slt, %rem3A_217, %lt3A_220 : i32
        %lt3A_222 = arith.constant 0 : i32
        %lt3A_223 = arith.cmpi slt, %select_n3A_216, %lt3A_222 : i32
        %ne3A_224 = arith.xori %lt3A_221, %lt3A_223 : i1
        %and3A_225 = arith.andi %ne3A_224, %ne3A_219 : i1
        %add3A_226 = arith.addi %rem3A_217, %select_n3A_216 : i32
        %select_n3A_227 = arith.select %and3A_225, %add3A_226, %rem3A_217 : i32
        %mul3A_228 = arith.constant 16 : i32
        %mul3A_229 = arith.muli %select_n3A_227, %mul3A_228 : i32
        %get3A = arith.index_cast %select_n3A : i32 to index
        %get3A_230 = arith.index_cast %mul3A_229 : i32 to index
        %get3A_231 = tpu.vector_load %arg11[%get3A, %get3A_230] {strides = array<i32>} : memref<10x128xi32, #tpu.memory_space<vmem>>, vector<1x16xi32>,
        %get3A_232 = vector.shape_cast %get3A_231 : vector<1x16xi32> to vector<16xi32>
        %jit3A_233 = arith.constant 4 : i32
        %div3A_234 = arith.divsi %scan3A_195, %jit3A_233 : i32
        %sign3A_235 = arith.constant 0 : i32
        %sign3A_236 = arith.cmpi sgt, %scan3A_195, %sign3A_235 : i32
        %sign3A_237 = arith.extui %sign3A_236 : i1 to i32
        %sign3A_238 = arith.constant 0 : i32
        %sign3A_239 = arith.cmpi slt, %scan3A_195, %sign3A_238 : i32
        %sign3A_240 = arith.extui %sign3A_239 : i1 to i32
        %sign3A_241 = arith.subi %sign3A_237, %sign3A_240 : i32
        %sign3A_242 = arith.constant 0 : i32
        %sign3A_243 = arith.cmpi sgt, %jit3A_233, %sign3A_242 : i32
        %sign3A_244 = arith.extui %sign3A_243 : i1 to i32
        %sign3A_245 = arith.constant 0 : i32
        %sign3A_246 = arith.cmpi slt, %jit3A_233, %sign3A_245 : i32
        %sign3A_247 = arith.extui %sign3A_246 : i1 to i32
        %sign3A_248 = arith.subi %sign3A_244, %sign3A_247 : i32
        %ne3A_249 = arith.cmpi ne, %sign3A_241, %sign3A_248 : i32
        %rem3A_250 = arith.remsi %scan3A_195, %jit3A_233 : i32
        %ne3A_251 = arith.constant 0 : i32
        %ne3A_252 = arith.cmpi ne, %rem3A_250, %ne3A_251 : i32
        %and3A_253 = arith.andi %ne3A_249, %ne3A_252 : i1
        %sub3A_254 = arith.constant 1 : i32
        %sub3A_255 = arith.subi %div3A_234, %sub3A_254 : i32
        %select_n3A_256 = arith.select %and3A_253, %sub3A_255, %div3A_234 : i32
        %jit3A_257 = arith.constant 4 : i32
        %eq3A_258 = arith.constant 0 : i32
        %eq3A_259 = arith.cmpi eq, %jit3A_257, %eq3A_258 : i32
        %jit3A_260 = arith.constant 1 : i32
        %select_n3A_261 = arith.select %eq3A_259, %jit3A_260, %jit3A_257 : i32
        %rem3A_262 = arith.remsi %scan3A_195, %select_n3A_261 : i32
        %ne3A_263 = arith.constant 0 : i32
        %ne3A_264 = arith.cmpi ne, %rem3A_262, %ne3A_263 : i32
        %lt3A_265 = arith.constant 0 : i32
        %lt3A_266 = arith.cmpi slt, %rem3A_262, %lt3A_265 : i32
        %lt3A_267 = arith.constant 0 : i32
        %lt3A_268 = arith.cmpi slt, %select_n3A_261, %lt3A_267 : i32
        %ne3A_269 = arith.xori %lt3A_266, %lt3A_268 : i1
        %and3A_270 = arith.andi %ne3A_269, %ne3A_264 : i1
        %add3A_271 = arith.addi %rem3A_262, %select_n3A_261 : i32
        %select_n3A_272 = arith.select %and3A_270, %add3A_271, %rem3A_262 : i32
        %mul3A_273 = arith.constant 32 : i32
        %mul3A_274 = arith.muli %select_n3A_272, %mul3A_273 : i32
        %get3A_275 = arith.index_cast %scan3A_195 : i32 to index
        %get3A_276 = arith.constant 0 : index
        %get3A_277 = tpu.vector_load %arg13[%get3A_275, %get3A_276] {strides = array<i32>} : memref<80x128xf32, #tpu.memory_space<vmem>>, vector<1x16xf32>,
        %get3A_278 = vector.shape_cast %get3A_277 : vector<1x16xf32> to vector<16xf32>
        %get3A_279 = arith.index_cast %select_n3A_256 : i32 to index
        %get3A_280 = arith.index_cast %mul3A_274 : i32 to index
        %get3A_281 = tpu.vector_load %arg15[%get3A_279, %get3A_280] {strides = array<i32>} : memref<20x128xf32, #tpu.memory_space<vmem>>, vector<1x16xf32>,
        %get3A_282 = vector.shape_cast %get3A_281 : vector<1x16xf32> to vector<16xf32>
        %add3A_283 = arith.addf %get3A_278, %get3A_282 : vector<16xf32>
        %max3A = arith.constant 0.000000e+00 : f32
        %max3A_284 = vector.broadcast %max3A : f32 to vector<16xf32>
        %max3A_285 = arith.maximumf %add3A_283, %max3A_284 : vector<16xf32>
        %get3A_286 = arith.index_cast %scan3A_195 : i32 to index
        %get3A_287 = arith.constant 16 : index
        %get3A_288 = tpu.vector_load %arg13[%get3A_286, %get3A_287] {strides = array<i32>} : memref<80x128xf32, #tpu.memory_space<vmem>>, vector<1x16xf32>,
        %get3A_289 = vector.shape_cast %get3A_288 : vector<1x16xf32> to vector<16xf32>
        %add3A_290 = arith.constant 16 : i32
        %add3A_291 = arith.addi %mul3A_274, %add3A_290 : i32
        %get3A_292 = arith.index_cast %select_n3A_256 : i32 to index
        %get3A_293 = arith.index_cast %add3A_291 : i32 to index
        %get3A_294 = tpu.vector_load %arg15[%get3A_292, %get3A_293] {strides = array<i32>} : memref<20x128xf32, #tpu.memory_space<vmem>>, vector<1x16xf32>,
        %get3A_295 = vector.shape_cast %get3A_294 : vector<1x16xf32> to vector<16xf32>
        %add3A_296 = arith.addf %get3A_289, %get3A_295 : vector<16xf32>
        %max3A_297 = arith.constant 0.000000e+00 : f32
        %max3A_298 = vector.broadcast %max3A_297 : f32 to vector<16xf32>
        %max3A_299 = arith.maximumf %add3A_296, %max3A_298 : vector<16xf32>
        %eq3A_300 = arith.constant 0 : i32
        %eq3A_301 = vector.broadcast %eq3A_300 : i32 to vector<16xi32>
        %eq3A_302 = arith.cmpi eq, %get3A_232, %eq3A_301 : vector<16xi32>
        %select_n3A_303 = arith.select %eq3A_302, %max3A_285, %broadcast_in_dim3A_13 : vector<16xi1>, vector<16xf32>
        %swap3A = arith.index_cast %scan3A_195 : i32 to index
        %swap3A_304 = arith.constant 0 : index
        %swap3A_305 = tpu.vector_load %arg13[%swap3A, %swap3A_304] {strides = array<i32>} : memref<80x128xf32, #tpu.memory_space<vmem>>, vector<1x16xf32>,
        %swap3A_306 = vector.shape_cast %swap3A_305 : vector<1x16xf32> to vector<16xf32>
        %swap3A_307 = vector.shape_cast %select_n3A_303 : vector<16xf32> to vector<1x16xf32>
        tpu.vector_store %arg13[%swap3A, %swap3A_304], %swap3A_307 {strides = array<i32>} : memref<80x128xf32, #tpu.memory_space<vmem>>, vector<1x16xf32>,
        %select_n3A_308 = arith.select %eq3A_302, %max3A_299, %broadcast_in_dim3A_13 : vector<16xi1>, vector<16xf32>
        %swap3A_309 = arith.index_cast %scan3A_195 : i32 to index
        %swap3A_310 = arith.constant 16 : index
        %swap3A_311 = tpu.vector_load %arg13[%swap3A_309, %swap3A_310] {strides = array<i32>} : memref<80x128xf32, #tpu.memory_space<vmem>>, vector<1x16xf32>,
        %swap3A_312 = vector.shape_cast %swap3A_311 : vector<1x16xf32> to vector<16xf32>
        %swap3A_313 = vector.shape_cast %select_n3A_308 : vector<16xf32> to vector<1x16xf32>
        tpu.vector_store %arg13[%swap3A_309, %swap3A_310], %swap3A_313 {strides = array<i32>} : memref<80x128xf32, #tpu.memory_space<vmem>>, vector<1x16xf32>,
        %eq3A_314 = arith.constant 32 : i32
        %eq3A_315 = vector.broadcast %eq3A_314 : i32 to vector<16xi32>
        %eq3A_316 = arith.cmpi eq, %get3A_232, %eq3A_315 : vector<16xi32>
        %select_n3A_317 = arith.select %eq3A_316, %max3A_285, %broadcast_in_dim3A_13 : vector<16xi1>, vector<16xf32>
        %swap3A_318 = arith.index_cast %scan3A_195 : i32 to index
        %swap3A_319 = arith.constant 32 : index
        %swap3A_320 = tpu.vector_load %arg13[%swap3A_318, %swap3A_319] {strides = array<i32>} : memref<80x128xf32, #tpu.memory_space<vmem>>, vector<1x16xf32>,
        %swap3A_321 = vector.shape_cast %swap3A_320 : vector<1x16xf32> to vector<16xf32>
        %swap3A_322 = vector.shape_cast %select_n3A_317 : vector<16xf32> to vector<1x16xf32>
        tpu.vector_store %arg13[%swap3A_318, %swap3A_319], %swap3A_322 {strides = array<i32>} : memref<80x128xf32, #tpu.memory_space<vmem>>, vector<1x16xf32>,
        %select_n3A_323 = arith.select %eq3A_316, %max3A_299, %broadcast_in_dim3A_13 : vector<16xi1>, vector<16xf32>
        %swap3A_324 = arith.index_cast %scan3A_195 : i32 to index
        %swap3A_325 = arith.constant 48 : index
        %swap3A_326 = tpu.vector_load %arg13[%swap3A_324, %swap3A_325] {strides = array<i32>} : memref<80x128xf32, #tpu.memory_space<vmem>>, vector<1x16xf32>,
        %swap3A_327 = vector.shape_cast %swap3A_326 : vector<1x16xf32> to vector<16xf32>
        %swap3A_328 = vector.shape_cast %select_n3A_323 : vector<16xf32> to vector<1x16xf32>
        tpu.vector_store %arg13[%swap3A_324, %swap3A_325], %swap3A_328 {strides = array<i32>} : memref<80x128xf32, #tpu.memory_space<vmem>>, vector<1x16xf32>,
        %eq3A_329 = arith.constant 64 : i32
        %eq3A_330 = vector.broadcast %eq3A_329 : i32 to vector<16xi32>
        %eq3A_331 = arith.cmpi eq, %get3A_232, %eq3A_330 : vector<16xi32>
        %select_n3A_332 = arith.select %eq3A_331, %max3A_285, %broadcast_in_dim3A_13 : vector<16xi1>, vector<16xf32>
        %swap3A_333 = arith.index_cast %scan3A_195 : i32 to index
        %swap3A_334 = arith.constant 64 : index
        %swap3A_335 = tpu.vector_load %arg13[%swap3A_333, %swap3A_334] {strides = array<i32>} : memref<80x128xf32, #tpu.memory_space<vmem>>, vector<1x16xf32>,
        %swap3A_336 = vector.shape_cast %swap3A_335 : vector<1x16xf32> to vector<16xf32>
        %swap3A_337 = vector.shape_cast %select_n3A_332 : vector<16xf32> to vector<1x16xf32>
        tpu.vector_store %arg13[%swap3A_333, %swap3A_334], %swap3A_337 {strides = array<i32>} : memref<80x128xf32, #tpu.memory_space<vmem>>, vector<1x16xf32>,
        %select_n3A_338 = arith.select %eq3A_331, %max3A_299, %broadcast_in_dim3A_13 : vector<16xi1>, vector<16xf32>
        %swap3A_339 = arith.index_cast %scan3A_195 : i32 to index
        %swap3A_340 = arith.constant 80 : index
        %swap3A_341 = tpu.vector_load %arg13[%swap3A_339, %swap3A_340] {strides = array<i32>} : memref<80x128xf32, #tpu.memory_space<vmem>>, vector<1x16xf32>,
        %swap3A_342 = vector.shape_cast %swap3A_341 : vector<1x16xf32> to vector<16xf32>
        %swap3A_343 = vector.shape_cast %select_n3A_338 : vector<16xf32> to vector<1x16xf32>
        tpu.vector_store %arg13[%swap3A_339, %swap3A_340], %swap3A_343 {strides = array<i32>} : memref<80x128xf32, #tpu.memory_space<vmem>>, vector<1x16xf32>,
        %eq3A_344 = arith.constant 96 : i32
        %eq3A_345 = vector.broadcast %eq3A_344 : i32 to vector<16xi32>
        %eq3A_346 = arith.cmpi eq, %get3A_232, %eq3A_345 : vector<16xi32>
        %select_n3A_347 = arith.select %eq3A_346, %max3A_285, %broadcast_in_dim3A_13 : vector<16xi1>, vector<16xf32>
        %swap3A_348 = arith.index_cast %scan3A_195 : i32 to index
        %swap3A_349 = arith.constant 96 : index
        %swap3A_350 = tpu.vector_load %arg13[%swap3A_348, %swap3A_349] {strides = array<i32>} : memref<80x128xf32, #tpu.memory_space<vmem>>, vector<1x16xf32>,
        %swap3A_351 = vector.shape_cast %swap3A_350 : vector<1x16xf32> to vector<16xf32>
        %swap3A_352 = vector.shape_cast %select_n3A_347 : vector<16xf32> to vector<1x16xf32>
        tpu.vector_store %arg13[%swap3A_348, %swap3A_349], %swap3A_352 {strides = array<i32>} : memref<80x128xf32, #tpu.memory_space<vmem>>, vector<1x16xf32>,
        %select_n3A_353 = arith.select %eq3A_346, %max3A_299, %broadcast_in_dim3A_13 : vector<16xi1>, vector<16xf32>
        %swap3A_354 = arith.index_cast %scan3A_195 : i32 to index
        %swap3A_355 = arith.constant 112 : index
        %swap3A_356 = tpu.vector_load %arg13[%swap3A_354, %swap3A_355] {strides = array<i32>} : memref<80x128xf32, #tpu.memory_space<vmem>>, vector<1x16xf32>,
        %swap3A_357 = vector.shape_cast %swap3A_356 : vector<1x16xf32> to vector<16xf32>
        %swap3A_358 = vector.shape_cast %select_n3A_353 : vector<16xf32> to vector<1x16xf32>
        tpu.vector_store %arg13[%swap3A_354, %swap3A_355], %swap3A_358 {strides = array<i32>} : memref<80x128xf32, #tpu.memory_space<vmem>>, vector<1x16xf32>,
        %scan3A_359 = arith.constant 0 : i32
        scf.yield %scan3A_359 : i32
      }
      %scan3A_191 = arith.constant 80 : i32
      %add3A_192 = arith.constant 1 : i32
      %add3A_193 = arith.addi %mul3A_105, %add3A_192 : i32
      "tpu.region"() ({
        %run_scoped3A_195 = tpu.sem_alloc : memref<!tpu.dma_semaphore, #tpu.memory_space<semaphore_mem>>
        %dma_start3A_196 = arith.constant 0 : i32
        %dma_start3A_197 = tpu.memref_slice %arg9[%add3A_193, %dma_start3A_196] : memref<125x80xi32, #tpu.memory_space<vmem>> -> memref<1x80xi32, #tpu.memory_space<vmem>>
        %dma_start3A_198 = tpu.memref_squeeze %dma_start3A_197 : memref<1x80xi32, #tpu.memory_space<vmem>> -> memref<80xi32, #tpu.memory_space<vmem>>
        %dma_start3A_199 = arith.constant 0 : i32
        %dma_start3A_200 = arith.constant 0 : i32
        %dma_start3A_201 = tpu.memref_slice %arg16[%dma_start3A_199, %dma_start3A_200] : memref<2560x128xf32, #tpu.memory_space<vmem_shared>> -> memref<2560x128xf32, #tpu.memory_space<vmem_shared>>
        tpu.enqueue_indirect_dma source(%arg13 : memref<80x128xf32, #tpu.memory_space<vmem>>) target(%dma_start3A_201 : memref<2560x128xf32, #tpu.memory_space<vmem_shared>>) offsets(%dma_start3A_198 : memref<80xi32, #tpu.memory_space<vmem>>) semaphore(%run_scoped3A_195 : memref<!tpu.dma_semaphore, #tpu.memory_space<semaphore_mem>>) {add = true}
        %dma_wait3A_202 = arith.constant 0 : i32
        %dma_wait3A_203 = tpu.memref_slice %arg9[%add3A_193, %dma_wait3A_202] : memref<125x80xi32, #tpu.memory_space<vmem>> -> memref<1x80xi32, #tpu.memory_space<vmem>>
        %dma_wait3A_204 = tpu.memref_squeeze %dma_wait3A_203 : memref<1x80xi32, #tpu.memory_space<vmem>> -> memref<80xi32, #tpu.memory_space<vmem>>
        %dma_wait3A_205 = arith.constant 0 : i32
        %dma_wait3A_206 = arith.constant 0 : i32
        %dma_wait3A_207 = tpu.memref_slice %arg16[%dma_wait3A_205, %dma_wait3A_206] : memref<2560x128xf32, #tpu.memory_space<vmem_shared>> -> memref<2560x128xf32, #tpu.memory_space<vmem_shared>>
        tpu.wait_indirect_dma semaphore(%run_scoped3A_195 : memref<!tpu.dma_semaphore, #tpu.memory_space<semaphore_mem>>) src(%arg13 : memref<80x128xf32, #tpu.memory_space<vmem>>) dst(%dma_wait3A_207 : memref<2560x128xf32, #tpu.memory_space<vmem_shared>>)
        tpu.yield
      }) : () -> ()
      %scan3A_194 = arith.constant 0 : i32
      scf.yield %scan3A_194 : i32
    }
    %scan3A_44 = arith.constant 62 : i32
    %dma_start3A_45 = arith.constant 124 : i32
    %dma_start3A_46 = arith.constant 0 : i32
    %dma_start3A_47 = tpu.memref_slice %arg8[%dma_start3A_45, %dma_start3A_46] : memref<125x80xi32, #tpu.memory_space<vmem>> -> memref<1x80xi32, #tpu.memory_space<vmem>>
    %dma_start3A_48 = tpu.memref_squeeze %dma_start3A_47 : memref<1x80xi32, #tpu.memory_space<vmem>> -> memref<80xi32, #tpu.memory_space<vmem>>
    %dma_start3A_49 = arith.constant 0 : i32
    %dma_start3A_50 = arith.constant 0 : i32
    %dma_start3A_51 = tpu.memref_slice %arg2[%dma_start3A_49, %dma_start3A_50] : memref<10000x128xf32, #tpu.memory_space<hbm>> -> memref<10000x128xf32, #tpu.memory_space<hbm>>
    tpu.enqueue_indirect_dma source(%dma_start3A_51 : memref<10000x128xf32, #tpu.memory_space<hbm>>) target(%arg12 : memref<80x128xf32, #tpu.memory_space<vmem>>) offsets(%dma_start3A_48 : memref<80xi32, #tpu.memory_space<vmem>>) semaphore(%arg17 : memref<!tpu.dma_semaphore, #tpu.memory_space<semaphore_mem>>)
    %dma_start3A_52 = arith.constant 124 : i32
    %dma_start3A_53 = arith.constant 0 : i32
    %dma_start3A_54 = arith.constant 0 : i32
    %dma_start3A_55 = tpu.memref_slice %arg3[%add3A, %dma_start3A_52, %dma_start3A_53, %dma_start3A_54] : memref<32x125x20x128xf32, #tpu.memory_space<hbm>> -> memref<1x1x20x128xf32, #tpu.memory_space<hbm>>
    %dma_start3A_56 = tpu.memref_squeeze %dma_start3A_55 : memref<1x1x20x128xf32, #tpu.memory_space<hbm>> -> memref<20x128xf32, #tpu.memory_space<hbm>>
    %dma_start3A_57 = arith.constant 0 : i32
    %dma_start3A_58 = arith.constant 0 : i32
    %dma_start3A_59 = tpu.memref_slice %arg3[%add3A, %dma_start3A_52, %dma_start3A_57, %dma_start3A_58] : memref<32x125x20x128xf32, #tpu.memory_space<hbm>> -> memref<1x1x20x128xf32, #tpu.memory_space<hbm>>
    %dma_start3A_60 = tpu.memref_squeeze %dma_start3A_59 : memref<1x1x20x128xf32, #tpu.memory_space<hbm>> -> memref<20x128xf32, #tpu.memory_space<hbm>>
    tpu.enqueue_dma source(%dma_start3A_60 : memref<20x128xf32, #tpu.memory_space<hbm>>) target(%arg14 : memref<20x128xf32, #tpu.memory_space<vmem>>) target_semaphore(%arg17 : memref<!tpu.dma_semaphore, #tpu.memory_space<semaphore_mem>>)
    %dma_start3A_61 = arith.constant 124 : i32
    %dma_start3A_62 = arith.constant 0 : i32
    %dma_start3A_63 = arith.constant 0 : i32
    %dma_start3A_64 = tpu.memref_slice %arg6[%add3A, %dma_start3A_61, %dma_start3A_62, %dma_start3A_63] : memref<32x125x10x128xi32, #tpu.memory_space<hbm>> -> memref<1x1x10x128xi32, #tpu.memory_space<hbm>>
    %dma_start3A_65 = tpu.memref_squeeze %dma_start3A_64 : memref<1x1x10x128xi32, #tpu.memory_space<hbm>> -> memref<10x128xi32, #tpu.memory_space<hbm>>
    %dma_start3A_66 = arith.constant 0 : i32
    %dma_start3A_67 = arith.constant 0 : i32
    %dma_start3A_68 = tpu.memref_slice %arg6[%add3A, %dma_start3A_61, %dma_start3A_66, %dma_start3A_67] : memref<32x125x10x128xi32, #tpu.memory_space<hbm>> -> memref<1x1x10x128xi32, #tpu.memory_space<hbm>>
    %dma_start3A_69 = tpu.memref_squeeze %dma_start3A_68 : memref<1x1x10x128xi32, #tpu.memory_space<hbm>> -> memref<10x128xi32, #tpu.memory_space<hbm>>
    tpu.enqueue_dma source(%dma_start3A_69 : memref<10x128xi32, #tpu.memory_space<hbm>>) target(%arg10 : memref<10x128xi32, #tpu.memory_space<vmem>>) target_semaphore(%arg17 : memref<!tpu.dma_semaphore, #tpu.memory_space<semaphore_mem>>)
    %dma_wait3A = arith.constant 124 : i32
    %dma_wait3A_70 = arith.constant 0 : i32
    %dma_wait3A_71 = tpu.memref_slice %arg8[%dma_wait3A, %dma_wait3A_70] : memref<125x80xi32, #tpu.memory_space<vmem>> -> memref<1x80xi32, #tpu.memory_space<vmem>>
    %dma_wait3A_72 = tpu.memref_squeeze %dma_wait3A_71 : memref<1x80xi32, #tpu.memory_space<vmem>> -> memref<80xi32, #tpu.memory_space<vmem>>
    %dma_wait3A_73 = arith.constant 0 : i32
    %dma_wait3A_74 = arith.constant 0 : i32
    %dma_wait3A_75 = tpu.memref_slice %arg2[%dma_wait3A_73, %dma_wait3A_74] : memref<10000x128xf32, #tpu.memory_space<hbm>> -> memref<10000x128xf32, #tpu.memory_space<hbm>>
    tpu.wait_indirect_dma semaphore(%arg17 : memref<!tpu.dma_semaphore, #tpu.memory_space<semaphore_mem>>) src(%dma_wait3A_75 : memref<10000x128xf32, #tpu.memory_space<hbm>>) dst(%arg12 : memref<80x128xf32, #tpu.memory_space<vmem>>)
    %dma_wait3A_76 = arith.constant 124 : i32
    %dma_wait3A_77 = arith.constant 0 : i32
    %dma_wait3A_78 = arith.constant 0 : i32
    %dma_wait3A_79 = tpu.memref_slice %arg3[%add3A, %dma_wait3A_76, %dma_wait3A_77, %dma_wait3A_78] : memref<32x125x20x128xf32, #tpu.memory_space<hbm>> -> memref<1x1x20x128xf32, #tpu.memory_space<hbm>>
    %dma_wait3A_80 = tpu.memref_squeeze %dma_wait3A_79 : memref<1x1x20x128xf32, #tpu.memory_space<hbm>> -> memref<20x128xf32, #tpu.memory_space<hbm>>
    %dma_wait3A_81 = arith.constant 0 : i32
    %dma_wait3A_82 = arith.constant 0 : i32
    %dma_wait3A_83 = tpu.memref_slice %arg3[%add3A, %dma_wait3A_76, %dma_wait3A_81, %dma_wait3A_82] : memref<32x125x20x128xf32, #tpu.memory_space<hbm>> -> memref<1x1x20x128xf32, #tpu.memory_space<hbm>>
    %dma_wait3A_84 = tpu.memref_squeeze %dma_wait3A_83 : memref<1x1x20x128xf32, #tpu.memory_space<hbm>> -> memref<20x128xf32, #tpu.memory_space<hbm>>
    tpu.wait_dma2 semaphore(%arg17 : memref<!tpu.dma_semaphore, #tpu.memory_space<semaphore_mem>>) src(%dma_wait3A_84 : memref<20x128xf32, #tpu.memory_space<hbm>>) dst(%arg14 : memref<20x128xf32, #tpu.memory_space<vmem>>)
    %dma_wait3A_85 = arith.constant 124 : i32
    %dma_wait3A_86 = arith.constant 0 : i32
    %dma_wait3A_87 = arith.constant 0 : i32
    %dma_wait3A_88 = tpu.memref_slice %arg6[%add3A, %dma_wait3A_85, %dma_wait3A_86, %dma_wait3A_87] : memref<32x125x10x128xi32, #tpu.memory_space<hbm>> -> memref<1x1x10x128xi32, #tpu.memory_space<hbm>>
    %dma_wait3A_89 = tpu.memref_squeeze %dma_wait3A_88 : memref<1x1x10x128xi32, #tpu.memory_space<hbm>> -> memref<10x128xi32, #tpu.memory_space<hbm>>
    %dma_wait3A_90 = arith.constant 0 : i32
    %dma_wait3A_91 = arith.constant 0 : i32
    %dma_wait3A_92 = tpu.memref_slice %arg6[%add3A, %dma_wait3A_85, %dma_wait3A_90, %dma_wait3A_91] : memref<32x125x10x128xi32, #tpu.memory_space<hbm>> -> memref<1x1x10x128xi32, #tpu.memory_space<hbm>>
    %dma_wait3A_93 = tpu.memref_squeeze %dma_wait3A_92 : memref<1x1x10x128xi32, #tpu.memory_space<hbm>> -> memref<10x128xi32, #tpu.memory_space<hbm>>
    tpu.wait_dma2 semaphore(%arg17 : memref<!tpu.dma_semaphore, #tpu.memory_space<semaphore_mem>>) src(%dma_wait3A_93 : memref<10x128xi32, #tpu.memory_space<hbm>>) dst(%arg10 : memref<10x128xi32, #tpu.memory_space<vmem>>)
    %scan3A_94 = arith.constant 0 : i32
    %scan3A_95 = arith.constant 0 : i32
    %scan3A_96 = arith.constant 80 : i32
    %scan3A_97 = arith.addi %scan3A_95, %scan3A_96 : i32
    %scan3A_98 = arith.constant 1 : i32
    %scan3A_99 = scf.for %scan3A_102 = %scan3A_95 to %scan3A_97 step %scan3A_98 iter_args(%scan3A_103 = %scan3A_94) -> (i32)  : i32 {
      %jit3A = arith.constant 8 : i32
      %div3A = arith.divsi %scan3A_102, %jit3A : i32
      %sign3A = arith.constant 0 : i32
      %sign3A_104 = arith.cmpi sgt, %scan3A_102, %sign3A : i32
      %sign3A_105 = arith.extui %sign3A_104 : i1 to i32
      %sign3A_106 = arith.constant 0 : i32
      %sign3A_107 = arith.cmpi slt, %scan3A_102, %sign3A_106 : i32
      %sign3A_108 = arith.extui %sign3A_107 : i1 to i32
      %sign3A_109 = arith.subi %sign3A_105, %sign3A_108 : i32
      %sign3A_110 = arith.constant 0 : i32
      %sign3A_111 = arith.cmpi sgt, %jit3A, %sign3A_110 : i32
      %sign3A_112 = arith.extui %sign3A_111 : i1 to i32
      %sign3A_113 = arith.constant 0 : i32
      %sign3A_114 = arith.cmpi slt, %jit3A, %sign3A_113 : i32
      %sign3A_115 = arith.extui %sign3A_114 : i1 to i32
      %sign3A_116 = arith.subi %sign3A_112, %sign3A_115 : i32
      %ne3A = arith.cmpi ne, %sign3A_109, %sign3A_116 : i32
      %rem3A = arith.remsi %scan3A_102, %jit3A : i32
      %ne3A_117 = arith.constant 0 : i32
      %ne3A_118 = arith.cmpi ne, %rem3A, %ne3A_117 : i32
      %and3A = arith.andi %ne3A, %ne3A_118 : i1
      %sub3A = arith.constant 1 : i32
      %sub3A_119 = arith.subi %div3A, %sub3A : i32
      %select_n3A = arith.select %and3A, %sub3A_119, %div3A : i32
      %jit3A_120 = arith.constant 8 : i32
      %eq3A = arith.constant 0 : i32
      %eq3A_121 = arith.cmpi eq, %jit3A_120, %eq3A : i32
      %jit3A_122 = arith.constant 1 : i32
      %select_n3A_123 = arith.select %eq3A_121, %jit3A_122, %jit3A_120 : i32
      %rem3A_124 = arith.remsi %scan3A_102, %select_n3A_123 : i32
      %ne3A_125 = arith.constant 0 : i32
      %ne3A_126 = arith.cmpi ne, %rem3A_124, %ne3A_125 : i32
      %lt3A = arith.constant 0 : i32
      %lt3A_127 = arith.cmpi slt, %rem3A_124, %lt3A : i32
      %lt3A_128 = arith.constant 0 : i32
      %lt3A_129 = arith.cmpi slt, %select_n3A_123, %lt3A_128 : i32
      %ne3A_130 = arith.xori %lt3A_127, %lt3A_129 : i1
      %and3A_131 = arith.andi %ne3A_130, %ne3A_126 : i1
      %add3A_132 = arith.addi %rem3A_124, %select_n3A_123 : i32
      %select_n3A_133 = arith.select %and3A_131, %add3A_132, %rem3A_124 : i32
      %mul3A_134 = arith.constant 16 : i32
      %mul3A_135 = arith.muli %select_n3A_133, %mul3A_134 : i32
      %get3A = arith.index_cast %select_n3A : i32 to index
      %get3A_136 = arith.index_cast %mul3A_135 : i32 to index
      %get3A_137 = tpu.vector_load %arg10[%get3A, %get3A_136] {strides = array<i32>} : memref<10x128xi32, #tpu.memory_space<vmem>>, vector<1x16xi32>,
      %get3A_138 = vector.shape_cast %get3A_137 : vector<1x16xi32> to vector<16xi32>
      %jit3A_139 = arith.constant 4 : i32
      %div3A_140 = arith.divsi %scan3A_102, %jit3A_139 : i32
      %sign3A_141 = arith.constant 0 : i32
      %sign3A_142 = arith.cmpi sgt, %scan3A_102, %sign3A_141 : i32
      %sign3A_143 = arith.extui %sign3A_142 : i1 to i32
      %sign3A_144 = arith.constant 0 : i32
      %sign3A_145 = arith.cmpi slt, %scan3A_102, %sign3A_144 : i32
      %sign3A_146 = arith.extui %sign3A_145 : i1 to i32
      %sign3A_147 = arith.subi %sign3A_143, %sign3A_146 : i32
      %sign3A_148 = arith.constant 0 : i32
      %sign3A_149 = arith.cmpi sgt, %jit3A_139, %sign3A_148 : i32
      %sign3A_150 = arith.extui %sign3A_149 : i1 to i32
      %sign3A_151 = arith.constant 0 : i32
      %sign3A_152 = arith.cmpi slt, %jit3A_139, %sign3A_151 : i32
      %sign3A_153 = arith.extui %sign3A_152 : i1 to i32
      %sign3A_154 = arith.subi %sign3A_150, %sign3A_153 : i32
      %ne3A_155 = arith.cmpi ne, %sign3A_147, %sign3A_154 : i32
      %rem3A_156 = arith.remsi %scan3A_102, %jit3A_139 : i32
      %ne3A_157 = arith.constant 0 : i32
      %ne3A_158 = arith.cmpi ne, %rem3A_156, %ne3A_157 : i32
      %and3A_159 = arith.andi %ne3A_155, %ne3A_158 : i1
      %sub3A_160 = arith.constant 1 : i32
      %sub3A_161 = arith.subi %div3A_140, %sub3A_160 : i32
      %select_n3A_162 = arith.select %and3A_159, %sub3A_161, %div3A_140 : i32
      %jit3A_163 = arith.constant 4 : i32
      %eq3A_164 = arith.constant 0 : i32
      %eq3A_165 = arith.cmpi eq, %jit3A_163, %eq3A_164 : i32
      %jit3A_166 = arith.constant 1 : i32
      %select_n3A_167 = arith.select %eq3A_165, %jit3A_166, %jit3A_163 : i32
      %rem3A_168 = arith.remsi %scan3A_102, %select_n3A_167 : i32
      %ne3A_169 = arith.constant 0 : i32
      %ne3A_170 = arith.cmpi ne, %rem3A_168, %ne3A_169 : i32
      %lt3A_171 = arith.constant 0 : i32
      %lt3A_172 = arith.cmpi slt, %rem3A_168, %lt3A_171 : i32
      %lt3A_173 = arith.constant 0 : i32
      %lt3A_174 = arith.cmpi slt, %select_n3A_167, %lt3A_173 : i32
      %ne3A_175 = arith.xori %lt3A_172, %lt3A_174 : i1
      %and3A_176 = arith.andi %ne3A_175, %ne3A_170 : i1
      %add3A_177 = arith.addi %rem3A_168, %select_n3A_167 : i32
      %select_n3A_178 = arith.select %and3A_176, %add3A_177, %rem3A_168 : i32
      %mul3A_179 = arith.constant 32 : i32
      %mul3A_180 = arith.muli %select_n3A_178, %mul3A_179 : i32
      %get3A_181 = arith.index_cast %scan3A_102 : i32 to index
      %get3A_182 = arith.constant 0 : index
      %get3A_183 = tpu.vector_load %arg12[%get3A_181, %get3A_182] {strides = array<i32>} : memref<80x128xf32, #tpu.memory_space<vmem>>, vector<1x16xf32>,
      %get3A_184 = vector.shape_cast %get3A_183 : vector<1x16xf32> to vector<16xf32>
      %get3A_185 = arith.index_cast %select_n3A_162 : i32 to index
      %get3A_186 = arith.index_cast %mul3A_180 : i32 to index
      %get3A_187 = tpu.vector_load %arg14[%get3A_185, %get3A_186] {strides = array<i32>} : memref<20x128xf32, #tpu.memory_space<vmem>>, vector<1x16xf32>,
      %get3A_188 = vector.shape_cast %get3A_187 : vector<1x16xf32> to vector<16xf32>
      %add3A_189 = arith.addf %get3A_184, %get3A_188 : vector<16xf32>
      %max3A = arith.constant 0.000000e+00 : f32
      %max3A_190 = vector.broadcast %max3A : f32 to vector<16xf32>
      %max3A_191 = arith.maximumf %add3A_189, %max3A_190 : vector<16xf32>
      %get3A_192 = arith.index_cast %scan3A_102 : i32 to index
      %get3A_193 = arith.constant 16 : index
      %get3A_194 = tpu.vector_load %arg12[%get3A_192, %get3A_193] {strides = array<i32>} : memref<80x128xf32, #tpu.memory_space<vmem>>, vector<1x16xf32>,
      %get3A_195 = vector.shape_cast %get3A_194 : vector<1x16xf32> to vector<16xf32>
      %add3A_196 = arith.constant 16 : i32
      %add3A_197 = arith.addi %mul3A_180, %add3A_196 : i32
      %get3A_198 = arith.index_cast %select_n3A_162 : i32 to index
      %get3A_199 = arith.index_cast %add3A_197 : i32 to index
      %get3A_200 = tpu.vector_load %arg14[%get3A_198, %get3A_199] {strides = array<i32>} : memref<20x128xf32, #tpu.memory_space<vmem>>, vector<1x16xf32>,
      %get3A_201 = vector.shape_cast %get3A_200 : vector<1x16xf32> to vector<16xf32>
      %add3A_202 = arith.addf %get3A_195, %get3A_201 : vector<16xf32>
      %max3A_203 = arith.constant 0.000000e+00 : f32
      %max3A_204 = vector.broadcast %max3A_203 : f32 to vector<16xf32>
      %max3A_205 = arith.maximumf %add3A_202, %max3A_204 : vector<16xf32>
      %eq3A_206 = arith.constant 0 : i32
      %eq3A_207 = vector.broadcast %eq3A_206 : i32 to vector<16xi32>
      %eq3A_208 = arith.cmpi eq, %get3A_138, %eq3A_207 : vector<16xi32>
      %select_n3A_209 = arith.select %eq3A_208, %max3A_191, %broadcast_in_dim3A_13 : vector<16xi1>, vector<16xf32>
      %swap3A = arith.index_cast %scan3A_102 : i32 to index
      %swap3A_210 = arith.constant 0 : index
      %swap3A_211 = tpu.vector_load %arg12[%swap3A, %swap3A_210] {strides = array<i32>} : memref<80x128xf32, #tpu.memory_space<vmem>>, vector<1x16xf32>,
      %swap3A_212 = vector.shape_cast %swap3A_211 : vector<1x16xf32> to vector<16xf32>
      %swap3A_213 = vector.shape_cast %select_n3A_209 : vector<16xf32> to vector<1x16xf32>
      tpu.vector_store %arg12[%swap3A, %swap3A_210], %swap3A_213 {strides = array<i32>} : memref<80x128xf32, #tpu.memory_space<vmem>>, vector<1x16xf32>,
      %select_n3A_214 = arith.select %eq3A_208, %max3A_205, %broadcast_in_dim3A_13 : vector<16xi1>, vector<16xf32>
      %swap3A_215 = arith.index_cast %scan3A_102 : i32 to index
      %swap3A_216 = arith.constant 16 : index
      %swap3A_217 = tpu.vector_load %arg12[%swap3A_215, %swap3A_216] {strides = array<i32>} : memref<80x128xf32, #tpu.memory_space<vmem>>, vector<1x16xf32>,
      %swap3A_218 = vector.shape_cast %swap3A_217 : vector<1x16xf32> to vector<16xf32>
      %swap3A_219 = vector.shape_cast %select_n3A_214 : vector<16xf32> to vector<1x16xf32>
      tpu.vector_store %arg12[%swap3A_215, %swap3A_216], %swap3A_219 {strides = array<i32>} : memref<80x128xf32, #tpu.memory_space<vmem>>, vector<1x16xf32>,
      %eq3A_220 = arith.constant 32 : i32
      %eq3A_221 = vector.broadcast %eq3A_220 : i32 to vector<16xi32>
      %eq3A_222 = arith.cmpi eq, %get3A_138, %eq3A_221 : vector<16xi32>
      %select_n3A_223 = arith.select %eq3A_222, %max3A_191, %broadcast_in_dim3A_13 : vector<16xi1>, vector<16xf32>
      %swap3A_224 = arith.index_cast %scan3A_102 : i32 to index
      %swap3A_225 = arith.constant 32 : index
      %swap3A_226 = tpu.vector_load %arg12[%swap3A_224, %swap3A_225] {strides = array<i32>} : memref<80x128xf32, #tpu.memory_space<vmem>>, vector<1x16xf32>,
      %swap3A_227 = vector.shape_cast %swap3A_226 : vector<1x16xf32> to vector<16xf32>
      %swap3A_228 = vector.shape_cast %select_n3A_223 : vector<16xf32> to vector<1x16xf32>
      tpu.vector_store %arg12[%swap3A_224, %swap3A_225], %swap3A_228 {strides = array<i32>} : memref<80x128xf32, #tpu.memory_space<vmem>>, vector<1x16xf32>,
      %select_n3A_229 = arith.select %eq3A_222, %max3A_205, %broadcast_in_dim3A_13 : vector<16xi1>, vector<16xf32>
      %swap3A_230 = arith.index_cast %scan3A_102 : i32 to index
      %swap3A_231 = arith.constant 48 : index
      %swap3A_232 = tpu.vector_load %arg12[%swap3A_230, %swap3A_231] {strides = array<i32>} : memref<80x128xf32, #tpu.memory_space<vmem>>, vector<1x16xf32>,
      %swap3A_233 = vector.shape_cast %swap3A_232 : vector<1x16xf32> to vector<16xf32>
      %swap3A_234 = vector.shape_cast %select_n3A_229 : vector<16xf32> to vector<1x16xf32>
      tpu.vector_store %arg12[%swap3A_230, %swap3A_231], %swap3A_234 {strides = array<i32>} : memref<80x128xf32, #tpu.memory_space<vmem>>, vector<1x16xf32>,
      %eq3A_235 = arith.constant 64 : i32
      %eq3A_236 = vector.broadcast %eq3A_235 : i32 to vector<16xi32>
      %eq3A_237 = arith.cmpi eq, %get3A_138, %eq3A_236 : vector<16xi32>
      %select_n3A_238 = arith.select %eq3A_237, %max3A_191, %broadcast_in_dim3A_13 : vector<16xi1>, vector<16xf32>
      %swap3A_239 = arith.index_cast %scan3A_102 : i32 to index
      %swap3A_240 = arith.constant 64 : index
      %swap3A_241 = tpu.vector_load %arg12[%swap3A_239, %swap3A_240] {strides = array<i32>} : memref<80x128xf32, #tpu.memory_space<vmem>>, vector<1x16xf32>,
      %swap3A_242 = vector.shape_cast %swap3A_241 : vector<1x16xf32> to vector<16xf32>
      %swap3A_243 = vector.shape_cast %select_n3A_238 : vector<16xf32> to vector<1x16xf32>
      tpu.vector_store %arg12[%swap3A_239, %swap3A_240], %swap3A_243 {strides = array<i32>} : memref<80x128xf32, #tpu.memory_space<vmem>>, vector<1x16xf32>,
      %select_n3A_244 = arith.select %eq3A_237, %max3A_205, %broadcast_in_dim3A_13 : vector<16xi1>, vector<16xf32>
      %swap3A_245 = arith.index_cast %scan3A_102 : i32 to index
      %swap3A_246 = arith.constant 80 : index
      %swap3A_247 = tpu.vector_load %arg12[%swap3A_245, %swap3A_246] {strides = array<i32>} : memref<80x128xf32, #tpu.memory_space<vmem>>, vector<1x16xf32>,
      %swap3A_248 = vector.shape_cast %swap3A_247 : vector<1x16xf32> to vector<16xf32>
      %swap3A_249 = vector.shape_cast %select_n3A_244 : vector<16xf32> to vector<1x16xf32>
      tpu.vector_store %arg12[%swap3A_245, %swap3A_246], %swap3A_249 {strides = array<i32>} : memref<80x128xf32, #tpu.memory_space<vmem>>, vector<1x16xf32>,
      %eq3A_250 = arith.constant 96 : i32
      %eq3A_251 = vector.broadcast %eq3A_250 : i32 to vector<16xi32>
      %eq3A_252 = arith.cmpi eq, %get3A_138, %eq3A_251 : vector<16xi32>
      %select_n3A_253 = arith.select %eq3A_252, %max3A_191, %broadcast_in_dim3A_13 : vector<16xi1>, vector<16xf32>
      %swap3A_254 = arith.index_cast %scan3A_102 : i32 to index
      %swap3A_255 = arith.constant 96 : index
      %swap3A_256 = tpu.vector_load %arg12[%swap3A_254, %swap3A_255] {strides = array<i32>} : memref<80x128xf32, #tpu.memory_space<vmem>>, vector<1x16xf32>,
      %swap3A_257 = vector.shape_cast %swap3A_256 : vector<1x16xf32> to vector<16xf32>
      %swap3A_258 = vector.shape_cast %select_n3A_253 : vector<16xf32> to vector<1x16xf32>
      tpu.vector_store %arg12[%swap3A_254, %swap3A_255], %swap3A_258 {strides = array<i32>} : memref<80x128xf32, #tpu.memory_space<vmem>>, vector<1x16xf32>,
      %select_n3A_259 = arith.select %eq3A_252, %max3A_205, %broadcast_in_dim3A_13 : vector<16xi1>, vector<16xf32>
      %swap3A_260 = arith.index_cast %scan3A_102 : i32 to index
      %swap3A_261 = arith.constant 112 : index
      %swap3A_262 = tpu.vector_load %arg12[%swap3A_260, %swap3A_261] {strides = array<i32>} : memref<80x128xf32, #tpu.memory_space<vmem>>, vector<1x16xf32>,
      %swap3A_263 = vector.shape_cast %swap3A_262 : vector<1x16xf32> to vector<16xf32>
      %swap3A_264 = vector.shape_cast %select_n3A_259 : vector<16xf32> to vector<1x16xf32>
      tpu.vector_store %arg12[%swap3A_260, %swap3A_261], %swap3A_264 {strides = array<i32>} : memref<80x128xf32, #tpu.memory_space<vmem>>, vector<1x16xf32>,
      %scan3A_265 = arith.constant 0 : i32
      scf.yield %scan3A_265 : i32
    }
    %scan3A_100 = arith.constant 80 : i32
    %run_scoped3A = arith.constant 124 : i32
    "tpu.region"() ({
      %run_scoped3A_102 = tpu.sem_alloc : memref<!tpu.dma_semaphore, #tpu.memory_space<semaphore_mem>>
      %dma_start3A_103 = arith.constant 0 : i32
      %dma_start3A_104 = tpu.memref_slice %arg9[%run_scoped3A, %dma_start3A_103] : memref<125x80xi32, #tpu.memory_space<vmem>> -> memref<1x80xi32, #tpu.memory_space<vmem>>
      %dma_start3A_105 = tpu.memref_squeeze %dma_start3A_104 : memref<1x80xi32, #tpu.memory_space<vmem>> -> memref<80xi32, #tpu.memory_space<vmem>>
      %dma_start3A_106 = arith.constant 0 : i32
      %dma_start3A_107 = arith.constant 0 : i32
      %dma_start3A_108 = tpu.memref_slice %arg16[%dma_start3A_106, %dma_start3A_107] : memref<2560x128xf32, #tpu.memory_space<vmem_shared>> -> memref<2560x128xf32, #tpu.memory_space<vmem_shared>>
      tpu.enqueue_indirect_dma source(%arg12 : memref<80x128xf32, #tpu.memory_space<vmem>>) target(%dma_start3A_108 : memref<2560x128xf32, #tpu.memory_space<vmem_shared>>) offsets(%dma_start3A_105 : memref<80xi32, #tpu.memory_space<vmem>>) semaphore(%run_scoped3A_102 : memref<!tpu.dma_semaphore, #tpu.memory_space<semaphore_mem>>) {add = true}
      %dma_wait3A_109 = arith.constant 0 : i32
      %dma_wait3A_110 = tpu.memref_slice %arg9[%run_scoped3A, %dma_wait3A_109] : memref<125x80xi32, #tpu.memory_space<vmem>> -> memref<1x80xi32, #tpu.memory_space<vmem>>
      %dma_wait3A_111 = tpu.memref_squeeze %dma_wait3A_110 : memref<1x80xi32, #tpu.memory_space<vmem>> -> memref<80xi32, #tpu.memory_space<vmem>>
      %dma_wait3A_112 = arith.constant 0 : i32
      %dma_wait3A_113 = arith.constant 0 : i32
      %dma_wait3A_114 = tpu.memref_slice %arg16[%dma_wait3A_112, %dma_wait3A_113] : memref<2560x128xf32, #tpu.memory_space<vmem_shared>> -> memref<2560x128xf32, #tpu.memory_space<vmem_shared>>
      tpu.wait_indirect_dma semaphore(%run_scoped3A_102 : memref<!tpu.dma_semaphore, #tpu.memory_space<semaphore_mem>>) src(%arg12 : memref<80x128xf32, #tpu.memory_space<vmem>>) dst(%dma_wait3A_114 : memref<2560x128xf32, #tpu.memory_space<vmem_shared>>)
      tpu.yield
    }) : () -> ()
    %barrier3A_101 = arith.constant 0 : index
    tpu.barrier barrier_id(%barrier3A_101)
    "tpu.region"() ({
      %run_scoped3A_102 = tpu.sem_alloc : memref<!tpu.dma_semaphore, #tpu.memory_space<semaphore_mem>>
      %dma_start3A_103 = arith.constant 0 : i32
      %dma_start3A_104 = tpu.memref_slice %arg7[%arg0, %mul3A_8, %dma_start3A_103] : memref<2x2560x128xf32, #tpu.memory_space<hbm>> -> memref<1x160x128xf32, #tpu.memory_space<hbm>>
      %dma_start3A_105 = tpu.memref_squeeze %dma_start3A_104 : memref<1x160x128xf32, #tpu.memory_space<hbm>> -> memref<160x128xf32, #tpu.memory_space<hbm>>
      %dma_start3A_106 = arith.constant 0 : i32
      %dma_start3A_107 = tpu.memref_slice %arg16[%mul3A_8, %dma_start3A_106] : memref<2560x128xf32, #tpu.memory_space<vmem_shared>> -> memref<160x128xf32, #tpu.memory_space<vmem_shared>>
      tpu.enqueue_dma source(%dma_start3A_107 : memref<160x128xf32, #tpu.memory_space<vmem_shared>>) target(%dma_start3A_105 : memref<160x128xf32, #tpu.memory_space<hbm>>) target_semaphore(%run_scoped3A_102 : memref<!tpu.dma_semaphore, #tpu.memory_space<semaphore_mem>>)
      %dma_wait3A_108 = arith.constant 0 : i32
      %dma_wait3A_109 = tpu.memref_slice %arg7[%arg0, %mul3A_8, %dma_wait3A_108] : memref<2x2560x128xf32, #tpu.memory_space<hbm>> -> memref<1x160x128xf32, #tpu.memory_space<hbm>>
      %dma_wait3A_110 = tpu.memref_squeeze %dma_wait3A_109 : memref<1x160x128xf32, #tpu.memory_space<hbm>> -> memref<160x128xf32, #tpu.memory_space<hbm>>
      %dma_wait3A_111 = arith.constant 0 : i32
      %dma_wait3A_112 = tpu.memref_slice %arg16[%mul3A_8, %dma_wait3A_111] : memref<2560x128xf32, #tpu.memory_space<vmem_shared>> -> memref<160x128xf32, #tpu.memory_space<vmem_shared>>
      tpu.wait_dma2 semaphore(%run_scoped3A_102 : memref<!tpu.dma_semaphore, #tpu.memory_space<semaphore_mem>>) src(%dma_wait3A_112 : memref<160x128xf32, #tpu.memory_space<vmem_shared>>) dst(%dma_wait3A_110 : memref<160x128xf32, #tpu.memory_space<hbm>>)
      tpu.yield
    }) : () -> ()
    return
  }
}

#map = affine_map<(d0, d1) -> (0, 0)>
#map1 = affine_map<(d0, d1) -> (0, 0, 0, 0)>
#map2 = affine_map<(d0, d1) -> (0, 0, 0)>
module attributes {stable_mosaic.version = 14 : i64} {
  func.func @k(%arg0: i32, %arg1: i32, %arg2: memref<10000x128xf32, #tpu.memory_space<hbm>>, %arg3: memref<32x125x20x128xf32, #tpu.memory_space<hbm>>, %arg4: memref<32x125x80xi32, #tpu.memory_space<hbm>>, %arg5: memref<32x125x80xi32, #tpu.memory_space<hbm>>, %arg6: memref<32x125x10x128xi32, #tpu.memory_space<hbm>>, %arg7: memref<2x2560x128xf32, #tpu.memory_space<hbm>>, %arg8: memref<125x80xi32, #tpu.memory_space<vmem>>, %arg9: memref<125x80xi32, #tpu.memory_space<vmem>>, %arg10: memref<10x128xi32, #tpu.memory_space<vmem>>, %arg11: memref<10x128xi32, #tpu.memory_space<vmem>>, %arg12: memref<80x128xf32, #tpu.memory_space<vmem>>, %arg13: memref<80x128xf32, #tpu.memory_space<vmem>>, %arg14: memref<20x128xf32, #tpu.memory_space<vmem>>, %arg15: memref<20x128xf32, #tpu.memory_space<vmem>>, %arg16: memref<2560x128xf32, #tpu.memory_space<vmem_shared>>, %arg17: memref<!tpu.dma_semaphore, #tpu.memory_space<semaphore_mem>>, %arg18: memref<!tpu.dma_semaphore, #tpu.memory_space<semaphore_mem>>) attributes {dimension_semantics = [#tpu.dimension_semantics<core_parallel>, #tpu.dimension_semantics<subcore_parallel>], iteration_bounds = array<i64: 2, 16>, scalar_prefetch = 0 : i64, scratch_operands = 11 : i64, tpu.core_type = #tpu.core_type<sc_vector_subcore>, window_params = [{transform_indices = #map}, {transform_indices = #map1}, {transform_indices = #map2}, {transform_indices = #map2}, {transform_indices = #map1}, {transform_indices = #map2}]} {
    %mul3A = arith.constant 2 : i32
    %mul3A_0 = arith.muli %arg1, %mul3A : i32
    %add3A = arith.addi %mul3A_0, %arg0 : i32
    "tpu.region"() ({
      %run_scoped3A_102 = tpu.sem_alloc : memref<!tpu.dma_semaphore, #tpu.memory_space<semaphore_mem>>
      %dma_start3A_103 = arith.constant 0 : i32
      %dma_start3A_104 = arith.constant 0 : i32
      %dma_start3A_105 = tpu.memref_slice %arg4[%add3A, %dma_start3A_103, %dma_start3A_104] : memref<32x125x80xi32, #tpu.memory_space<hbm>> -> memref<1x125x80xi32, #tpu.memory_space<hbm>>
      %dma_start3A_106 = tpu.memref_squeeze %dma_start3A_105 : memref<1x125x80xi32, #tpu.memory_space<hbm>> -> memref<125x80xi32, #tpu.memory_space<hbm>>
      %dma_start3A_107 = arith.constant 0 : i32
      %dma_start3A_108 = arith.constant 0 : i32
      %dma_start3A_109 = tpu.memref_slice %arg4[%add3A, %dma_start3A_107, %dma_start3A_108] : memref<32x125x80xi32, #tpu.memory_space<hbm>> -> memref<1x125x80xi32, #tpu.memory_space<hbm>>
      %dma_start3A_110 = tpu.memref_squeeze %dma_start3A_109 : memref<1x125x80xi32, #tpu.memory_space<hbm>> -> memref<125x80xi32, #tpu.memory_space<hbm>>
      tpu.enqueue_dma source(%dma_start3A_110 : memref<125x80xi32, #tpu.memory_space<hbm>>) target(%arg8 : memref<125x80xi32, #tpu.memory_space<vmem>>) target_semaphore(%run_scoped3A_102 : memref<!tpu.dma_semaphore, #tpu.memory_space<semaphore_mem>>)
      %dma_wait3A_111 = arith.constant 0 : i32
      %dma_wait3A_112 = arith.constant 0 : i32
      %dma_wait3A_113 = tpu.memref_slice %arg4[%add3A, %dma_wait3A_111, %dma_wait3A_112] : memref<32x125x80xi32, #tpu.memory_space<hbm>> -> memref<1x125x80xi32, #tpu.memory_space<hbm>>
      %dma_wait3A_114 = tpu.memref_squeeze %dma_wait3A_113 : memref<1x125x80xi32, #tpu.memory_space<hbm>> -> memref<125x80xi32, #tpu.memory_space<hbm>>
      %dma_wait3A_115 = arith.constant 0 : i32
      %dma_wait3A_116 = arith.constant 0 : i32
      %dma_wait3A_117 = tpu.memref_slice %arg4[%add3A, %dma_wait3A_115, %dma_wait3A_116] : memref<32x125x80xi32, #tpu.memory_space<hbm>> -> memref<1x125x80xi32, #tpu.memory_space<hbm>>
      %dma_wait3A_118 = tpu.memref_squeeze %dma_wait3A_117 : memref<1x125x80xi32, #tpu.memory_space<hbm>> -> memref<125x80xi32, #tpu.memory_space<hbm>>
      tpu.wait_dma2 semaphore(%run_scoped3A_102 : memref<!tpu.dma_semaphore, #tpu.memory_space<semaphore_mem>>) src(%dma_wait3A_118 : memref<125x80xi32, #tpu.memory_space<hbm>>) dst(%arg8 : memref<125x80xi32, #tpu.memory_space<vmem>>)
      tpu.yield
    }) : () -> ()
    "tpu.region"() ({
      %run_scoped3A_102 = tpu.sem_alloc : memref<!tpu.dma_semaphore, #tpu.memory_space<semaphore_mem>>
      %dma_start3A_103 = arith.constant 0 : i32
      %dma_start3A_104 = arith.constant 0 : i32
      %dma_start3A_105 = tpu.memref_slice %arg5[%add3A, %dma_start3A_103, %dma_start3A_104] : memref<32x125x80xi32, #tpu.memory_space<hbm>> -> memref<1x125x80xi32, #tpu.memory_space<hbm>>
      %dma_start3A_106 = tpu.memref_squeeze %dma_start3A_105 : memref<1x125x80xi32, #tpu.memory_space<hbm>> -> memref<125x80xi32, #tpu.memory_space<hbm>>
      %dma_start3A_107 = arith.constant 0 : i32
      %dma_start3A_108 = arith.constant 0 : i32
      %dma_start3A_109 = tpu.memref_slice %arg5[%add3A, %dma_start3A_107, %dma_start3A_108] : memref<32x125x80xi32, #tpu.memory_space<hbm>> -> memref<1x125x80xi32, #tpu.memory_space<hbm>>
      %dma_start3A_110 = tpu.memref_squeeze %dma_start3A_109 : memref<1x125x80xi32, #tpu.memory_space<hbm>> -> memref<125x80xi32, #tpu.memory_space<hbm>>
      tpu.enqueue_dma source(%dma_start3A_110 : memref<125x80xi32, #tpu.memory_space<hbm>>) target(%arg9 : memref<125x80xi32, #tpu.memory_space<vmem>>) target_semaphore(%run_scoped3A_102 : memref<!tpu.dma_semaphore, #tpu.memory_space<semaphore_mem>>)
      %dma_wait3A_111 = arith.constant 0 : i32
      %dma_wait3A_112 = arith.constant 0 : i32
      %dma_wait3A_113 = tpu.memref_slice %arg5[%add3A, %dma_wait3A_111, %dma_wait3A_112] : memref<32x125x80xi32, #tpu.memory_space<hbm>> -> memref<1x125x80xi32, #tpu.memory_space<hbm>>
      %dma_wait3A_114 = tpu.memref_squeeze %dma_wait3A_113 : memref<1x125x80xi32, #tpu.memory_space<hbm>> -> memref<125x80xi32, #tpu.memory_space<hbm>>
      %dma_wait3A_115 = arith.constant 0 : i32
      %dma_wait3A_116 = arith.constant 0 : i32
      %dma_wait3A_117 = tpu.memref_slice %arg5[%add3A, %dma_wait3A_115, %dma_wait3A_116] : memref<32x125x80xi32, #tpu.memory_space<hbm>> -> memref<1x125x80xi32, #tpu.memory_space<hbm>>
      %dma_wait3A_118 = tpu.memref_squeeze %dma_wait3A_117 : memref<1x125x80xi32, #tpu.memory_space<hbm>> -> memref<125x80xi32, #tpu.memory_space<hbm>>
      tpu.wait_dma2 semaphore(%run_scoped3A_102 : memref<!tpu.dma_semaphore, #tpu.memory_space<semaphore_mem>>) src(%dma_wait3A_118 : memref<125x80xi32, #tpu.memory_space<hbm>>) dst(%arg9 : memref<125x80xi32, #tpu.memory_space<vmem>>)
      tpu.yield
    }) : () -> ()
    %scan3A = arith.constant 0 : i32
    %scan3A_1 = arith.constant 0 : i32
    %scan3A_2 = arith.constant 80 : i32
    %scan3A_3 = arith.addi %scan3A_1, %scan3A_2 : i32
    %scan3A_4 = arith.constant 1 : i32
    %scan3A_5 = scf.for %scan3A_102 = %scan3A_1 to %scan3A_3 step %scan3A_4 iter_args(%scan3A_103 = %scan3A) -> (i32)  : i32 {
      %broadcast_in_dim3A_104 = arith.constant 0.000000e+00 : f32
      %broadcast_in_dim3A_105 = vector.broadcast %broadcast_in_dim3A_104 : f32 to vector<16xf32>
      %swap3A = arith.index_cast %scan3A_102 : i32 to index
      %swap3A_106 = arith.constant 0 : index
      %swap3A_107 = tpu.vector_load %arg12[%swap3A, %swap3A_106] {strides = array<i32>} : memref<80x128xf32, #tpu.memory_space<vmem>>, vector<1x16xf32>,
      %swap3A_108 = vector.shape_cast %swap3A_107 : vector<1x16xf32> to vector<16xf32>
      %swap3A_109 = vector.shape_cast %broadcast_in_dim3A_105 : vector<16xf32> to vector<1x16xf32>
      tpu.vector_store %arg12[%swap3A, %swap3A_106], %swap3A_109 {strides = array<i32>} : memref<80x128xf32, #tpu.memory_space<vmem>>, vector<1x16xf32>,
      %broadcast_in_dim3A_110 = arith.constant 0.000000e+00 : f32
      %broadcast_in_dim3A_111 = vector.broadcast %broadcast_in_dim3A_110 : f32 to vector<16xf32>
      %swap3A_112 = arith.index_cast %scan3A_102 : i32 to index
      %swap3A_113 = arith.constant 16 : index
      %swap3A_114 = tpu.vector_load %arg12[%swap3A_112, %swap3A_113] {strides = array<i32>} : memref<80x128xf32, #tpu.memory_space<vmem>>, vector<1x16xf32>,
      %swap3A_115 = vector.shape_cast %swap3A_114 : vector<1x16xf32> to vector<16xf32>
      %swap3A_116 = vector.shape_cast %broadcast_in_dim3A_111 : vector<16xf32> to vector<1x16xf32>
      tpu.vector_store %arg12[%swap3A_112, %swap3A_113], %swap3A_116 {strides = array<i32>} : memref<80x128xf32, #tpu.memory_space<vmem>>, vector<1x16xf32>,
      %broadcast_in_dim3A_117 = arith.constant 0.000000e+00 : f32
      %broadcast_in_dim3A_118 = vector.broadcast %broadcast_in_dim3A_117 : f32 to vector<16xf32>
      %swap3A_119 = arith.index_cast %scan3A_102 : i32 to index
      %swap3A_120 = arith.constant 32 : index
      %swap3A_121 = tpu.vector_load %arg12[%swap3A_119, %swap3A_120] {strides = array<i32>} : memref<80x128xf32, #tpu.memory_space<vmem>>, vector<1x16xf32>,
      %swap3A_122 = vector.shape_cast %swap3A_121 : vector<1x16xf32> to vector<16xf32>
      %swap3A_123 = vector.shape_cast %broadcast_in_dim3A_118 : vector<16xf32> to vector<1x16xf32>
      tpu.vector_store %arg12[%swap3A_119, %swap3A_120], %swap3A_123 {strides = array<i32>} : memref<80x128xf32, #tpu.memory_space<vmem>>, vector<1x16xf32>,
      %broadcast_in_dim3A_124 = arith.constant 0.000000e+00 : f32
      %broadcast_in_dim3A_125 = vector.broadcast %broadcast_in_dim3A_124 : f32 to vector<16xf32>
      %swap3A_126 = arith.index_cast %scan3A_102 : i32 to index
      %swap3A_127 = arith.constant 48 : index
      %swap3A_128 = tpu.vector_load %arg12[%swap3A_126, %swap3A_127] {strides = array<i32>} : memref<80x128xf32, #tpu.memory_space<vmem>>, vector<1x16xf32>,
      %swap3A_129 = vector.shape_cast %swap3A_128 : vector<1x16xf32> to vector<16xf32>
      %swap3A_130 = vector.shape_cast %broadcast_in_dim3A_125 : vector<16xf32> to vector<1x16xf32>
      tpu.vector_store %arg12[%swap3A_126, %swap3A_127], %swap3A_130 {strides = array<i32>} : memref<80x128xf32, #tpu.memory_space<vmem>>, vector<1x16xf32>,
      %broadcast_in_dim3A_131 = arith.constant 0.000000e+00 : f32
      %broadcast_in_dim3A_132 = vector.broadcast %broadcast_in_dim3A_131 : f32 to vector<16xf32>
      %swap3A_133 = arith.index_cast %scan3A_102 : i32 to index
      %swap3A_134 = arith.constant 64 : index
      %swap3A_135 = tpu.vector_load %arg12[%swap3A_133, %swap3A_134] {strides = array<i32>} : memref<80x128xf32, #tpu.memory_space<vmem>>, vector<1x16xf32>,
      %swap3A_136 = vector.shape_cast %swap3A_135 : vector<1x16xf32> to vector<16xf32>
      %swap3A_137 = vector.shape_cast %broadcast_in_dim3A_132 : vector<16xf32> to vector<1x16xf32>
      tpu.vector_store %arg12[%swap3A_133, %swap3A_134], %swap3A_137 {strides = array<i32>} : memref<80x128xf32, #tpu.memory_space<vmem>>, vector<1x16xf32>,
      %broadcast_in_dim3A_138 = arith.constant 0.000000e+00 : f32
      %broadcast_in_dim3A_139 = vector.broadcast %broadcast_in_dim3A_138 : f32 to vector<16xf32>
      %swap3A_140 = arith.index_cast %scan3A_102 : i32 to index
      %swap3A_141 = arith.constant 80 : index
      %swap3A_142 = tpu.vector_load %arg12[%swap3A_140, %swap3A_141] {strides = array<i32>} : memref<80x128xf32, #tpu.memory_space<vmem>>, vector<1x16xf32>,
      %swap3A_143 = vector.shape_cast %swap3A_142 : vector<1x16xf32> to vector<16xf32>
      %swap3A_144 = vector.shape_cast %broadcast_in_dim3A_139 : vector<16xf32> to vector<1x16xf32>
      tpu.vector_store %arg12[%swap3A_140, %swap3A_141], %swap3A_144 {strides = array<i32>} : memref<80x128xf32, #tpu.memory_space<vmem>>, vector<1x16xf32>,
      %broadcast_in_dim3A_145 = arith.constant 0.000000e+00 : f32
      %broadcast_in_dim3A_146 = vector.broadcast %broadcast_in_dim3A_145 : f32 to vector<16xf32>
      %swap3A_147 = arith.index_cast %scan3A_102 : i32 to index
      %swap3A_148 = arith.constant 96 : index
      %swap3A_149 = tpu.vector_load %arg12[%swap3A_147, %swap3A_148] {strides = array<i32>} : memref<80x128xf32, #tpu.memory_space<vmem>>, vector<1x16xf32>,
      %swap3A_150 = vector.shape_cast %swap3A_149 : vector<1x16xf32> to vector<16xf32>
      %swap3A_151 = vector.shape_cast %broadcast_in_dim3A_146 : vector<16xf32> to vector<1x16xf32>
      tpu.vector_store %arg12[%swap3A_147, %swap3A_148], %swap3A_151 {strides = array<i32>} : memref<80x128xf32, #tpu.memory_space<vmem>>, vector<1x16xf32>,
      %broadcast_in_dim3A_152 = arith.constant 0.000000e+00 : f32
      %broadcast_in_dim3A_153 = vector.broadcast %broadcast_in_dim3A_152 : f32 to vector<16xf32>
      %swap3A_154 = arith.index_cast %scan3A_102 : i32 to index
      %swap3A_155 = arith.constant 112 : index
      %swap3A_156 = tpu.vector_load %arg12[%swap3A_154, %swap3A_155] {strides = array<i32>} : memref<80x128xf32, #tpu.memory_space<vmem>>, vector<1x16xf32>,
      %swap3A_157 = vector.shape_cast %swap3A_156 : vector<1x16xf32> to vector<16xf32>
      %swap3A_158 = vector.shape_cast %broadcast_in_dim3A_153 : vector<16xf32> to vector<1x16xf32>
      tpu.vector_store %arg12[%swap3A_154, %swap3A_155], %swap3A_158 {strides = array<i32>} : memref<80x128xf32, #tpu.memory_space<vmem>>, vector<1x16xf32>,
      %scan3A_159 = arith.constant 0 : i32
      scf.yield %scan3A_159 : i32
    }
    %scan3A_6 = arith.constant 80 : i32
    %mul3A_7 = arith.constant 160 : i32
    %mul3A_8 = arith.muli %arg1, %mul3A_7 : i32
    %add3A_9 = arith.constant 0 : i32
    %add3A_10 = arith.addi %mul3A_8, %add3A_9 : i32
    "tpu.region"() ({
      %run_scoped3A_102 = tpu.sem_alloc : memref<!tpu.dma_semaphore, #tpu.memory_space<semaphore_mem>>
      %dma_start3A_103 = arith.constant 0 : i32
      %dma_start3A_104 = tpu.memref_slice %arg16[%add3A_10, %dma_start3A_103] : memref<2560x128xf32, #tpu.memory_space<vmem_shared>> -> memref<80x128xf32, #tpu.memory_space<vmem_shared>>
      %dma_start3A_105 = arith.constant 0 : i32
      %dma_start3A_106 = tpu.memref_slice %arg16[%add3A_10, %dma_start3A_105] : memref<2560x128xf32, #tpu.memory_space<vmem_shared>> -> memref<80x128xf32, #tpu.memory_space<vmem_shared>>
      tpu.enqueue_dma source(%arg12 : memref<80x128xf32, #tpu.memory_space<vmem>>) target(%dma_start3A_106 : memref<80x128xf32, #tpu.memory_space<vmem_shared>>) target_semaphore(%run_scoped3A_102 : memref<!tpu.dma_semaphore, #tpu.memory_space<semaphore_mem>>)
      %dma_wait3A_107 = arith.constant 0 : i32
      %dma_wait3A_108 = tpu.memref_slice %arg16[%add3A_10, %dma_wait3A_107] : memref<2560x128xf32, #tpu.memory_space<vmem_shared>> -> memref<80x128xf32, #tpu.memory_space<vmem_shared>>
      %dma_wait3A_109 = arith.constant 0 : i32
      %dma_wait3A_110 = tpu.memref_slice %arg16[%add3A_10, %dma_wait3A_109] : memref<2560x128xf32, #tpu.memory_space<vmem_shared>> -> memref<80x128xf32, #tpu.memory_space<vmem_shared>>
      tpu.wait_dma2 semaphore(%run_scoped3A_102 : memref<!tpu.dma_semaphore, #tpu.memory_space<semaphore_mem>>) src(%arg12 : memref<80x128xf32, #tpu.memory_space<vmem>>) dst(%dma_wait3A_110 : memref<80x128xf32, #tpu.memory_space<vmem_shared>>)
      tpu.yield
    }) : () -> ()
    %add3A_11 = arith.constant 80 : i32
    %add3A_12 = arith.addi %mul3A_8, %add3A_11 : i32
    "tpu.region"() ({
      %run_scoped3A_102 = tpu.sem_alloc : memref<!tpu.dma_semaphore, #tpu.memory_space<semaphore_mem>>
      %dma_start3A_103 = arith.constant 0 : i32
      %dma_start3A_104 = tpu.memref_slice %arg16[%add3A_12, %dma_start3A_103] : memref<2560x128xf32, #tpu.memory_space<vmem_shared>> -> memref<80x128xf32, #tpu.memory_space<vmem_shared>>
      %dma_start3A_105 = arith.constant 0 : i32
      %dma_start3A_106 = tpu.memref_slice %arg16[%add3A_12, %dma_start3A_105] : memref<2560x128xf32, #tpu.memory_space<vmem_shared>> -> memref<80x128xf32, #tpu.memory_space<vmem_shared>>
      tpu.enqueue_dma source(%arg12 : memref<80x128xf32, #tpu.memory_space<vmem>>) target(%dma_start3A_106 : memref<80x128xf32, #tpu.memory_space<vmem_shared>>) target_semaphore(%run_scoped3A_102 : memref<!tpu.dma_semaphore, #tpu.memory_space<semaphore_mem>>)
      %dma_wait3A_107 = arith.constant 0 : i32
      %dma_wait3A_108 = tpu.memref_slice %arg16[%add3A_12, %dma_wait3A_107] : memref<2560x128xf32, #tpu.memory_space<vmem_shared>> -> memref<80x128xf32, #tpu.memory_space<vmem_shared>>
      %dma_wait3A_109 = arith.constant 0 : i32
      %dma_wait3A_110 = tpu.memref_slice %arg16[%add3A_12, %dma_wait3A_109] : memref<2560x128xf32, #tpu.memory_space<vmem_shared>> -> memref<80x128xf32, #tpu.memory_space<vmem_shared>>
      tpu.wait_dma2 semaphore(%run_scoped3A_102 : memref<!tpu.dma_semaphore, #tpu.memory_space<semaphore_mem>>) src(%arg12 : memref<80x128xf32, #tpu.memory_space<vmem>>) dst(%dma_wait3A_110 : memref<80x128xf32, #tpu.memory_space<vmem_shared>>)
      tpu.yield
    }) : () -> ()
    %barrier3A = arith.constant 0 : index
    tpu.barrier barrier_id(%barrier3A)
    %broadcast_in_dim3A = arith.constant 0.000000e+00 : f32
    %broadcast_in_dim3A_13 = vector.broadcast %broadcast_in_dim3A : f32 to vector<16xf32>
    %dma_start3A = arith.constant 0 : i32
    %dma_start3A_14 = arith.constant 0 : i32
    %dma_start3A_15 = tpu.memref_slice %arg8[%dma_start3A, %dma_start3A_14] : memref<125x80xi32, #tpu.memory_space<vmem>> -> memref<1x80xi32, #tpu.memory_space<vmem>>
    %dma_start3A_16 = tpu.memref_squeeze %dma_start3A_15 : memref<1x80xi32, #tpu.memory_space<vmem>> -> memref<80xi32, #tpu.memory_space<vmem>>
    %dma_start3A_17 = arith.constant 0 : i32
    %dma_start3A_18 = arith.constant 0 : i32
    %dma_start3A_19 = tpu.memref_slice %arg2[%dma_start3A_17, %dma_start3A_18] : memref<10000x128xf32, #tpu.memory_space<hbm>> -> memref<10000x128xf32, #tpu.memory_space<hbm>>
    tpu.enqueue_indirect_dma source(%dma_start3A_19 : memref<10000x128xf32, #tpu.memory_space<hbm>>) target(%arg12 : memref<80x128xf32, #tpu.memory_space<vmem>>) offsets(%dma_start3A_16 : memref<80xi32, #tpu.memory_space<vmem>>) semaphore(%arg17 : memref<!tpu.dma_semaphore, #tpu.memory_space<semaphore_mem>>)
    %dma_start3A_20 = arith.constant 0 : i32
    %dma_start3A_21 = arith.constant 0 : i32
    %dma_start3A_22 = arith.constant 0 : i32
    %dma_start3A_23 = tpu.memref_slice %arg3[%add3A, %dma_start3A_20, %dma_start3A_21, %dma_start3A_22] : memref<32x125x20x128xf32, #tpu.memory_space<hbm>> -> memref<1x1x20x128xf32, #tpu.memory_space<hbm>>
    %dma_start3A_24 = tpu.memref_squeeze %dma_start3A_23 : memref<1x1x20x128xf32, #tpu.memory_space<hbm>> -> memref<20x128xf32, #tpu.memory_space<hbm>>
    %dma_start3A_25 = arith.constant 0 : i32
    %dma_start3A_26 = arith.constant 0 : i32
    %dma_start3A_27 = tpu.memref_slice %arg3[%add3A, %dma_start3A_20, %dma_start3A_25, %dma_start3A_26] : memref<32x125x20x128xf32, #tpu.memory_space<hbm>> -> memref<1x1x20x128xf32, #tpu.memory_space<hbm>>
    %dma_start3A_28 = tpu.memref_squeeze %dma_start3A_27 : memref<1x1x20x128xf32, #tpu.memory_space<hbm>> -> memref<20x128xf32, #tpu.memory_space<hbm>>
    tpu.enqueue_dma source(%dma_start3A_28 : memref<20x128xf32, #tpu.memory_space<hbm>>) target(%arg14 : memref<20x128xf32, #tpu.memory_space<vmem>>) target_semaphore(%arg17 : memref<!tpu.dma_semaphore, #tpu.memory_space<semaphore_mem>>)
    %dma_start3A_29 = arith.constant 0 : i32
    %dma_start3A_30 = arith.constant 0 : i32
    %dma_start3A_31 = arith.constant 0 : i32
    %dma_start3A_32 = tpu.memref_slice %arg6[%add3A, %dma_start3A_29, %dma_start3A_30, %dma_start3A_31] : memref<32x125x10x128xi32, #tpu.memory_space<hbm>> -> memref<1x1x10x128xi32, #tpu.memory_space<hbm>>
    %dma_start3A_33 = tpu.memref_squeeze %dma_start3A_32 : memref<1x1x10x128xi32, #tpu.memory_space<hbm>> -> memref<10x128xi32, #tpu.memory_space<hbm>>
    %dma_start3A_34 = arith.constant 0 : i32
    %dma_start3A_35 = arith.constant 0 : i32
    %dma_start3A_36 = tpu.memref_slice %arg6[%add3A, %dma_start3A_29, %dma_start3A_34, %dma_start3A_35] : memref<32x125x10x128xi32, #tpu.memory_space<hbm>> -> memref<1x1x10x128xi32, #tpu.memory_space<hbm>>
    %dma_start3A_37 = tpu.memref_squeeze %dma_start3A_36 : memref<1x1x10x128xi32, #tpu.memory_space<hbm>> -> memref<10x128xi32, #tpu.memory_space<hbm>>
    tpu.enqueue_dma source(%dma_start3A_37 : memref<10x128xi32, #tpu.memory_space<hbm>>) target(%arg10 : memref<10x128xi32, #tpu.memory_space<vmem>>) target_semaphore(%arg17 : memref<!tpu.dma_semaphore, #tpu.memory_space<semaphore_mem>>)
    %scan3A_38 = arith.constant 0 : i32
    %scan3A_39 = arith.constant 0 : i32
    %scan3A_40 = arith.constant 62 : i32
    %scan3A_41 = arith.addi %scan3A_39, %scan3A_40 : i32
    %scan3A_42 = arith.constant 1 : i32
    %scan3A_43 = scf.for %scan3A_102 = %scan3A_39 to %scan3A_41 step %scan3A_42 iter_args(%scan3A_103 = %scan3A_38) -> (i32)  : i32 {
      %mul3A_104 = arith.constant 2 : i32
      %mul3A_105 = arith.muli %mul3A_104, %scan3A_102 : i32
      %add3A_106 = arith.constant 1 : i32
      %add3A_107 = arith.addi %mul3A_105, %add3A_106 : i32
      %dma_start3A_108 = arith.constant 0 : i32
      %dma_start3A_109 = tpu.memref_slice %arg8[%add3A_107, %dma_start3A_108] : memref<125x80xi32, #tpu.memory_space<vmem>> -> memref<1x80xi32, #tpu.memory_space<vmem>>
      %dma_start3A_110 = tpu.memref_squeeze %dma_start3A_109 : memref<1x80xi32, #tpu.memory_space<vmem>> -> memref<80xi32, #tpu.memory_space<vmem>>
      %dma_start3A_111 = arith.constant 0 : i32
      %dma_start3A_112 = arith.constant 0 : i32
      %dma_start3A_113 = tpu.memref_slice %arg2[%dma_start3A_111, %dma_start3A_112] : memref<10000x128xf32, #tpu.memory_space<hbm>> -> memref<10000x128xf32, #tpu.memory_space<hbm>>
      tpu.enqueue_indirect_dma source(%dma_start3A_113 : memref<10000x128xf32, #tpu.memory_space<hbm>>) target(%arg13 : memref<80x128xf32, #tpu.memory_space<vmem>>) offsets(%dma_start3A_110 : memref<80xi32, #tpu.memory_space<vmem>>) semaphore(%arg18 : memref<!tpu.dma_semaphore, #tpu.memory_space<semaphore_mem>>)
      %dma_start3A_114 = arith.constant 0 : i32
      %dma_start3A_115 = arith.constant 0 : i32
      %dma_start3A_116 = tpu.memref_slice %arg3[%add3A, %add3A_107, %dma_start3A_114, %dma_start3A_115] : memref<32x125x20x128xf32, #tpu.memory_space<hbm>> -> memref<1x1x20x128xf32, #tpu.memory_space<hbm>>
      %dma_start3A_117 = tpu.memref_squeeze %dma_start3A_116 : memref<1x1x20x128xf32, #tpu.memory_space<hbm>> -> memref<20x128xf32, #tpu.memory_space<hbm>>
      %dma_start3A_118 = arith.constant 0 : i32
      %dma_start3A_119 = arith.constant 0 : i32
      %dma_start3A_120 = tpu.memref_slice %arg3[%add3A, %add3A_107, %dma_start3A_118, %dma_start3A_119] : memref<32x125x20x128xf32, #tpu.memory_space<hbm>> -> memref<1x1x20x128xf32, #tpu.memory_space<hbm>>
      %dma_start3A_121 = tpu.memref_squeeze %dma_start3A_120 : memref<1x1x20x128xf32, #tpu.memory_space<hbm>> -> memref<20x128xf32, #tpu.memory_space<hbm>>
      tpu.enqueue_dma source(%dma_start3A_121 : memref<20x128xf32, #tpu.memory_space<hbm>>) target(%arg15 : memref<20x128xf32, #tpu.memory_space<vmem>>) target_semaphore(%arg18 : memref<!tpu.dma_semaphore, #tpu.memory_space<semaphore_mem>>)
      %dma_start3A_122 = arith.constant 0 : i32
      %dma_start3A_123 = arith.constant 0 : i32
      %dma_start3A_124 = tpu.memref_slice %arg6[%add3A, %add3A_107, %dma_start3A_122, %dma_start3A_123] : memref<32x125x10x128xi32, #tpu.memory_space<hbm>> -> memref<1x1x10x128xi32, #tpu.memory_space<hbm>>
      %dma_start3A_125 = tpu.memref_squeeze %dma_start3A_124 : memref<1x1x10x128xi32, #tpu.memory_space<hbm>> -> memref<10x128xi32, #tpu.memory_space<hbm>>
      %dma_start3A_126 = arith.constant 0 : i32
      %dma_start3A_127 = arith.constant 0 : i32
      %dma_start3A_128 = tpu.memref_slice %arg6[%add3A, %add3A_107, %dma_start3A_126, %dma_start3A_127] : memref<32x125x10x128xi32, #tpu.memory_space<hbm>> -> memref<1x1x10x128xi32, #tpu.memory_space<hbm>>
      %dma_start3A_129 = tpu.memref_squeeze %dma_start3A_128 : memref<1x1x10x128xi32, #tpu.memory_space<hbm>> -> memref<10x128xi32, #tpu.memory_space<hbm>>
      tpu.enqueue_dma source(%dma_start3A_129 : memref<10x128xi32, #tpu.memory_space<hbm>>) target(%arg11 : memref<10x128xi32, #tpu.memory_space<vmem>>) target_semaphore(%arg18 : memref<!tpu.dma_semaphore, #tpu.memory_space<semaphore_mem>>)
      %dma_wait3A_130 = arith.constant 0 : i32
      %dma_wait3A_131 = tpu.memref_slice %arg8[%mul3A_105, %dma_wait3A_130] : memref<125x80xi32, #tpu.memory_space<vmem>> -> memref<1x80xi32, #tpu.memory_space<vmem>>
      %dma_wait3A_132 = tpu.memref_squeeze %dma_wait3A_131 : memref<1x80xi32, #tpu.memory_space<vmem>> -> memref<80xi32, #tpu.memory_space<vmem>>
      %dma_wait3A_133 = arith.constant 0 : i32
      %dma_wait3A_134 = arith.constant 0 : i32
      %dma_wait3A_135 = tpu.memref_slice %arg2[%dma_wait3A_133, %dma_wait3A_134] : memref<10000x128xf32, #tpu.memory_space<hbm>> -> memref<10000x128xf32, #tpu.memory_space<hbm>>
      tpu.wait_indirect_dma semaphore(%arg17 : memref<!tpu.dma_semaphore, #tpu.memory_space<semaphore_mem>>) src(%dma_wait3A_135 : memref<10000x128xf32, #tpu.memory_space<hbm>>) dst(%arg12 : memref<80x128xf32, #tpu.memory_space<vmem>>)
      %dma_wait3A_136 = arith.constant 0 : i32
      %dma_wait3A_137 = arith.constant 0 : i32
      %dma_wait3A_138 = tpu.memref_slice %arg3[%add3A, %mul3A_105, %dma_wait3A_136, %dma_wait3A_137] : memref<32x125x20x128xf32, #tpu.memory_space<hbm>> -> memref<1x1x20x128xf32, #tpu.memory_space<hbm>>
      %dma_wait3A_139 = tpu.memref_squeeze %dma_wait3A_138 : memref<1x1x20x128xf32, #tpu.memory_space<hbm>> -> memref<20x128xf32, #tpu.memory_space<hbm>>
      %dma_wait3A_140 = arith.constant 0 : i32
      %dma_wait3A_141 = arith.constant 0 : i32
      %dma_wait3A_142 = tpu.memref_slice %arg3[%add3A, %mul3A_105, %dma_wait3A_140, %dma_wait3A_141] : memref<32x125x20x128xf32, #tpu.memory_space<hbm>> -> memref<1x1x20x128xf32, #tpu.memory_space<hbm>>
      %dma_wait3A_143 = tpu.memref_squeeze %dma_wait3A_142 : memref<1x1x20x128xf32, #tpu.memory_space<hbm>> -> memref<20x128xf32, #tpu.memory_space<hbm>>
      tpu.wait_dma2 semaphore(%arg17 : memref<!tpu.dma_semaphore, #tpu.memory_space<semaphore_mem>>) src(%dma_wait3A_143 : memref<20x128xf32, #tpu.memory_space<hbm>>) dst(%arg14 : memref<20x128xf32, #tpu.memory_space<vmem>>)
      %dma_wait3A_144 = arith.constant 0 : i32
      %dma_wait3A_145 = arith.constant 0 : i32
      %dma_wait3A_146 = tpu.memref_slice %arg6[%add3A, %mul3A_105, %dma_wait3A_144, %dma_wait3A_145] : memref<32x125x10x128xi32, #tpu.memory_space<hbm>> -> memref<1x1x10x128xi32, #tpu.memory_space<hbm>>
      %dma_wait3A_147 = tpu.memref_squeeze %dma_wait3A_146 : memref<1x1x10x128xi32, #tpu.memory_space<hbm>> -> memref<10x128xi32, #tpu.memory_space<hbm>>
      %dma_wait3A_148 = arith.constant 0 : i32
      %dma_wait3A_149 = arith.constant 0 : i32
      %dma_wait3A_150 = tpu.memref_slice %arg6[%add3A, %mul3A_105, %dma_wait3A_148, %dma_wait3A_149] : memref<32x125x10x128xi32, #tpu.memory_space<hbm>> -> memref<1x1x10x128xi32, #tpu.memory_space<hbm>>
      %dma_wait3A_151 = tpu.memref_squeeze %dma_wait3A_150 : memref<1x1x10x128xi32, #tpu.memory_space<hbm>> -> memref<10x128xi32, #tpu.memory_space<hbm>>
      tpu.wait_dma2 semaphore(%arg17 : memref<!tpu.dma_semaphore, #tpu.memory_space<semaphore_mem>>) src(%dma_wait3A_151 : memref<10x128xi32, #tpu.memory_space<hbm>>) dst(%arg10 : memref<10x128xi32, #tpu.memory_space<vmem>>)
      %scan3A_152 = arith.constant 0 : i32
      %scan3A_153 = arith.constant 0 : i32
      %scan3A_154 = arith.constant 80 : i32
      %scan3A_155 = arith.addi %scan3A_153, %scan3A_154 : i32
      %scan3A_156 = arith.constant 1 : i32
      %scan3A_157 = scf.for %scan3A_195 = %scan3A_153 to %scan3A_155 step %scan3A_156 iter_args(%scan3A_196 = %scan3A_152) -> (i32)  : i32 {
        %jit3A = arith.constant 8 : i32
        %div3A = arith.divsi %scan3A_195, %jit3A : i32
        %sign3A = arith.constant 0 : i32
        %sign3A_197 = arith.cmpi sgt, %scan3A_195, %sign3A : i32
        %sign3A_198 = arith.extui %sign3A_197 : i1 to i32
        %sign3A_199 = arith.constant 0 : i32
        %sign3A_200 = arith.cmpi slt, %scan3A_195, %sign3A_199 : i32
        %sign3A_201 = arith.extui %sign3A_200 : i1 to i32
        %sign3A_202 = arith.subi %sign3A_198, %sign3A_201 : i32
        %sign3A_203 = arith.constant 0 : i32
        %sign3A_204 = arith.cmpi sgt, %jit3A, %sign3A_203 : i32
        %sign3A_205 = arith.extui %sign3A_204 : i1 to i32
        %sign3A_206 = arith.constant 0 : i32
        %sign3A_207 = arith.cmpi slt, %jit3A, %sign3A_206 : i32
        %sign3A_208 = arith.extui %sign3A_207 : i1 to i32
        %sign3A_209 = arith.subi %sign3A_205, %sign3A_208 : i32
        %ne3A = arith.cmpi ne, %sign3A_202, %sign3A_209 : i32
        %rem3A = arith.remsi %scan3A_195, %jit3A : i32
        %ne3A_210 = arith.constant 0 : i32
        %ne3A_211 = arith.cmpi ne, %rem3A, %ne3A_210 : i32
        %and3A = arith.andi %ne3A, %ne3A_211 : i1
        %sub3A = arith.constant 1 : i32
        %sub3A_212 = arith.subi %div3A, %sub3A : i32
        %select_n3A = arith.select %and3A, %sub3A_212, %div3A : i32
        %jit3A_213 = arith.constant 8 : i32
        %eq3A = arith.constant 0 : i32
        %eq3A_214 = arith.cmpi eq, %jit3A_213, %eq3A : i32
        %jit3A_215 = arith.constant 1 : i32
        %select_n3A_216 = arith.select %eq3A_214, %jit3A_215, %jit3A_213 : i32
        %rem3A_217 = arith.remsi %scan3A_195, %select_n3A_216 : i32
        %ne3A_218 = arith.constant 0 : i32
        %ne3A_219 = arith.cmpi ne, %rem3A_217, %ne3A_218 : i32
        %lt3A_220 = arith.constant 0 : i32
        %lt3A_221 = arith.cmpi slt, %rem3A_217, %lt3A_220 : i32
        %lt3A_222 = arith.constant 0 : i32
        %lt3A_223 = arith.cmpi slt, %select_n3A_216, %lt3A_222 : i32
        %ne3A_224 = arith.xori %lt3A_221, %lt3A_223 : i1
        %and3A_225 = arith.andi %ne3A_224, %ne3A_219 : i1
        %add3A_226 = arith.addi %rem3A_217, %select_n3A_216 : i32
        %select_n3A_227 = arith.select %and3A_225, %add3A_226, %rem3A_217 : i32
        %mul3A_228 = arith.constant 16 : i32
        %mul3A_229 = arith.muli %select_n3A_227, %mul3A_228 : i32
        %get3A = arith.index_cast %select_n3A : i32 to index
        %get3A_230 = arith.index_cast %mul3A_229 : i32 to index
        %get3A_231 = tpu.vector_load %arg10[%get3A, %get3A_230] {strides = array<i32>} : memref<10x128xi32, #tpu.memory_space<vmem>>, vector<1x16xi32>,
        %get3A_232 = vector.shape_cast %get3A_231 : vector<1x16xi32> to vector<16xi32>
        %jit3A_233 = arith.constant 4 : i32
        %div3A_234 = arith.divsi %scan3A_195, %jit3A_233 : i32
        %sign3A_235 = arith.constant 0 : i32
        %sign3A_236 = arith.cmpi sgt, %scan3A_195, %sign3A_235 : i32
        %sign3A_237 = arith.extui %sign3A_236 : i1 to i32
        %sign3A_238 = arith.constant 0 : i32
        %sign3A_239 = arith.cmpi slt, %scan3A_195, %sign3A_238 : i32
        %sign3A_240 = arith.extui %sign3A_239 : i1 to i32
        %sign3A_241 = arith.subi %sign3A_237, %sign3A_240 : i32
        %sign3A_242 = arith.constant 0 : i32
        %sign3A_243 = arith.cmpi sgt, %jit3A_233, %sign3A_242 : i32
        %sign3A_244 = arith.extui %sign3A_243 : i1 to i32
        %sign3A_245 = arith.constant 0 : i32
        %sign3A_246 = arith.cmpi slt, %jit3A_233, %sign3A_245 : i32
        %sign3A_247 = arith.extui %sign3A_246 : i1 to i32
        %sign3A_248 = arith.subi %sign3A_244, %sign3A_247 : i32
        %ne3A_249 = arith.cmpi ne, %sign3A_241, %sign3A_248 : i32
        %rem3A_250 = arith.remsi %scan3A_195, %jit3A_233 : i32
        %ne3A_251 = arith.constant 0 : i32
        %ne3A_252 = arith.cmpi ne, %rem3A_250, %ne3A_251 : i32
        %and3A_253 = arith.andi %ne3A_249, %ne3A_252 : i1
        %sub3A_254 = arith.constant 1 : i32
        %sub3A_255 = arith.subi %div3A_234, %sub3A_254 : i32
        %select_n3A_256 = arith.select %and3A_253, %sub3A_255, %div3A_234 : i32
        %jit3A_257 = arith.constant 4 : i32
        %eq3A_258 = arith.constant 0 : i32
        %eq3A_259 = arith.cmpi eq, %jit3A_257, %eq3A_258 : i32
        %jit3A_260 = arith.constant 1 : i32
        %select_n3A_261 = arith.select %eq3A_259, %jit3A_260, %jit3A_257 : i32
        %rem3A_262 = arith.remsi %scan3A_195, %select_n3A_261 : i32
        %ne3A_263 = arith.constant 0 : i32
        %ne3A_264 = arith.cmpi ne, %rem3A_262, %ne3A_263 : i32
        %lt3A_265 = arith.constant 0 : i32
        %lt3A_266 = arith.cmpi slt, %rem3A_262, %lt3A_265 : i32
        %lt3A_267 = arith.constant 0 : i32
        %lt3A_268 = arith.cmpi slt, %select_n3A_261, %lt3A_267 : i32
        %ne3A_269 = arith.xori %lt3A_266, %lt3A_268 : i1
        %and3A_270 = arith.andi %ne3A_269, %ne3A_264 : i1
        %add3A_271 = arith.addi %rem3A_262, %select_n3A_261 : i32
        %select_n3A_272 = arith.select %and3A_270, %add3A_271, %rem3A_262 : i32
        %mul3A_273 = arith.constant 32 : i32
        %mul3A_274 = arith.muli %select_n3A_272, %mul3A_273 : i32
        %get3A_275 = arith.index_cast %scan3A_195 : i32 to index
        %get3A_276 = arith.constant 0 : index
        %get3A_277 = tpu.vector_load %arg12[%get3A_275, %get3A_276] {strides = array<i32>} : memref<80x128xf32, #tpu.memory_space<vmem>>, vector<1x16xf32>,
        %get3A_278 = vector.shape_cast %get3A_277 : vector<1x16xf32> to vector<16xf32>
        %get3A_279 = arith.index_cast %select_n3A_256 : i32 to index
        %get3A_280 = arith.index_cast %mul3A_274 : i32 to index
        %get3A_281 = tpu.vector_load %arg14[%get3A_279, %get3A_280] {strides = array<i32>} : memref<20x128xf32, #tpu.memory_space<vmem>>, vector<1x16xf32>,
        %get3A_282 = vector.shape_cast %get3A_281 : vector<1x16xf32> to vector<16xf32>
        %add3A_283 = arith.addf %get3A_278, %get3A_282 : vector<16xf32>
        %max3A = arith.constant 0.000000e+00 : f32
        %max3A_284 = vector.broadcast %max3A : f32 to vector<16xf32>
        %max3A_285 = arith.maximumf %add3A_283, %max3A_284 : vector<16xf32>
        %get3A_286 = arith.index_cast %scan3A_195 : i32 to index
        %get3A_287 = arith.constant 16 : index
        %get3A_288 = tpu.vector_load %arg12[%get3A_286, %get3A_287] {strides = array<i32>} : memref<80x128xf32, #tpu.memory_space<vmem>>, vector<1x16xf32>,
        %get3A_289 = vector.shape_cast %get3A_288 : vector<1x16xf32> to vector<16xf32>
        %add3A_290 = arith.constant 16 : i32
        %add3A_291 = arith.addi %mul3A_274, %add3A_290 : i32
        %get3A_292 = arith.index_cast %select_n3A_256 : i32 to index
        %get3A_293 = arith.index_cast %add3A_291 : i32 to index
        %get3A_294 = tpu.vector_load %arg14[%get3A_292, %get3A_293] {strides = array<i32>} : memref<20x128xf32, #tpu.memory_space<vmem>>, vector<1x16xf32>,
        %get3A_295 = vector.shape_cast %get3A_294 : vector<1x16xf32> to vector<16xf32>
        %add3A_296 = arith.addf %get3A_289, %get3A_295 : vector<16xf32>
        %max3A_297 = arith.constant 0.000000e+00 : f32
        %max3A_298 = vector.broadcast %max3A_297 : f32 to vector<16xf32>
        %max3A_299 = arith.maximumf %add3A_296, %max3A_298 : vector<16xf32>
        %eq3A_300 = arith.constant 0 : i32
        %eq3A_301 = vector.broadcast %eq3A_300 : i32 to vector<16xi32>
        %eq3A_302 = arith.cmpi eq, %get3A_232, %eq3A_301 : vector<16xi32>
        %select_n3A_303 = arith.select %eq3A_302, %max3A_285, %broadcast_in_dim3A_13 : vector<16xi1>, vector<16xf32>
        %swap3A = arith.index_cast %scan3A_195 : i32 to index
        %swap3A_304 = arith.constant 0 : index
        %swap3A_305 = tpu.vector_load %arg12[%swap3A, %swap3A_304] {strides = array<i32>} : memref<80x128xf32, #tpu.memory_space<vmem>>, vector<1x16xf32>,
        %swap3A_306 = vector.shape_cast %swap3A_305 : vector<1x16xf32> to vector<16xf32>
        %swap3A_307 = vector.shape_cast %select_n3A_303 : vector<16xf32> to vector<1x16xf32>
        tpu.vector_store %arg12[%swap3A, %swap3A_304], %swap3A_307 {strides = array<i32>} : memref<80x128xf32, #tpu.memory_space<vmem>>, vector<1x16xf32>,
        %select_n3A_308 = arith.select %eq3A_302, %max3A_299, %broadcast_in_dim3A_13 : vector<16xi1>, vector<16xf32>
        %swap3A_309 = arith.index_cast %scan3A_195 : i32 to index
        %swap3A_310 = arith.constant 16 : index
        %swap3A_311 = tpu.vector_load %arg12[%swap3A_309, %swap3A_310] {strides = array<i32>} : memref<80x128xf32, #tpu.memory_space<vmem>>, vector<1x16xf32>,
        %swap3A_312 = vector.shape_cast %swap3A_311 : vector<1x16xf32> to vector<16xf32>
        %swap3A_313 = vector.shape_cast %select_n3A_308 : vector<16xf32> to vector<1x16xf32>
        tpu.vector_store %arg12[%swap3A_309, %swap3A_310], %swap3A_313 {strides = array<i32>} : memref<80x128xf32, #tpu.memory_space<vmem>>, vector<1x16xf32>,
        %eq3A_314 = arith.constant 32 : i32
        %eq3A_315 = vector.broadcast %eq3A_314 : i32 to vector<16xi32>
        %eq3A_316 = arith.cmpi eq, %get3A_232, %eq3A_315 : vector<16xi32>
        %select_n3A_317 = arith.select %eq3A_316, %max3A_285, %broadcast_in_dim3A_13 : vector<16xi1>, vector<16xf32>
        %swap3A_318 = arith.index_cast %scan3A_195 : i32 to index
        %swap3A_319 = arith.constant 32 : index
        %swap3A_320 = tpu.vector_load %arg12[%swap3A_318, %swap3A_319] {strides = array<i32>} : memref<80x128xf32, #tpu.memory_space<vmem>>, vector<1x16xf32>,
        %swap3A_321 = vector.shape_cast %swap3A_320 : vector<1x16xf32> to vector<16xf32>
        %swap3A_322 = vector.shape_cast %select_n3A_317 : vector<16xf32> to vector<1x16xf32>
        tpu.vector_store %arg12[%swap3A_318, %swap3A_319], %swap3A_322 {strides = array<i32>} : memref<80x128xf32, #tpu.memory_space<vmem>>, vector<1x16xf32>,
        %select_n3A_323 = arith.select %eq3A_316, %max3A_299, %broadcast_in_dim3A_13 : vector<16xi1>, vector<16xf32>
        %swap3A_324 = arith.index_cast %scan3A_195 : i32 to index
        %swap3A_325 = arith.constant 48 : index
        %swap3A_326 = tpu.vector_load %arg12[%swap3A_324, %swap3A_325] {strides = array<i32>} : memref<80x128xf32, #tpu.memory_space<vmem>>, vector<1x16xf32>,
        %swap3A_327 = vector.shape_cast %swap3A_326 : vector<1x16xf32> to vector<16xf32>
        %swap3A_328 = vector.shape_cast %select_n3A_323 : vector<16xf32> to vector<1x16xf32>
        tpu.vector_store %arg12[%swap3A_324, %swap3A_325], %swap3A_328 {strides = array<i32>} : memref<80x128xf32, #tpu.memory_space<vmem>>, vector<1x16xf32>,
        %eq3A_329 = arith.constant 64 : i32
        %eq3A_330 = vector.broadcast %eq3A_329 : i32 to vector<16xi32>
        %eq3A_331 = arith.cmpi eq, %get3A_232, %eq3A_330 : vector<16xi32>
        %select_n3A_332 = arith.select %eq3A_331, %max3A_285, %broadcast_in_dim3A_13 : vector<16xi1>, vector<16xf32>
        %swap3A_333 = arith.index_cast %scan3A_195 : i32 to index
        %swap3A_334 = arith.constant 64 : index
        %swap3A_335 = tpu.vector_load %arg12[%swap3A_333, %swap3A_334] {strides = array<i32>} : memref<80x128xf32, #tpu.memory_space<vmem>>, vector<1x16xf32>,
        %swap3A_336 = vector.shape_cast %swap3A_335 : vector<1x16xf32> to vector<16xf32>
        %swap3A_337 = vector.shape_cast %select_n3A_332 : vector<16xf32> to vector<1x16xf32>
        tpu.vector_store %arg12[%swap3A_333, %swap3A_334], %swap3A_337 {strides = array<i32>} : memref<80x128xf32, #tpu.memory_space<vmem>>, vector<1x16xf32>,
        %select_n3A_338 = arith.select %eq3A_331, %max3A_299, %broadcast_in_dim3A_13 : vector<16xi1>, vector<16xf32>
        %swap3A_339 = arith.index_cast %scan3A_195 : i32 to index
        %swap3A_340 = arith.constant 80 : index
        %swap3A_341 = tpu.vector_load %arg12[%swap3A_339, %swap3A_340] {strides = array<i32>} : memref<80x128xf32, #tpu.memory_space<vmem>>, vector<1x16xf32>,
        %swap3A_342 = vector.shape_cast %swap3A_341 : vector<1x16xf32> to vector<16xf32>
        %swap3A_343 = vector.shape_cast %select_n3A_338 : vector<16xf32> to vector<1x16xf32>
        tpu.vector_store %arg12[%swap3A_339, %swap3A_340], %swap3A_343 {strides = array<i32>} : memref<80x128xf32, #tpu.memory_space<vmem>>, vector<1x16xf32>,
        %eq3A_344 = arith.constant 96 : i32
        %eq3A_345 = vector.broadcast %eq3A_344 : i32 to vector<16xi32>
        %eq3A_346 = arith.cmpi eq, %get3A_232, %eq3A_345 : vector<16xi32>
        %select_n3A_347 = arith.select %eq3A_346, %max3A_285, %broadcast_in_dim3A_13 : vector<16xi1>, vector<16xf32>
        %swap3A_348 = arith.index_cast %scan3A_195 : i32 to index
        %swap3A_349 = arith.constant 96 : index
        %swap3A_350 = tpu.vector_load %arg12[%swap3A_348, %swap3A_349] {strides = array<i32>} : memref<80x128xf32, #tpu.memory_space<vmem>>, vector<1x16xf32>,
        %swap3A_351 = vector.shape_cast %swap3A_350 : vector<1x16xf32> to vector<16xf32>
        %swap3A_352 = vector.shape_cast %select_n3A_347 : vector<16xf32> to vector<1x16xf32>
        tpu.vector_store %arg12[%swap3A_348, %swap3A_349], %swap3A_352 {strides = array<i32>} : memref<80x128xf32, #tpu.memory_space<vmem>>, vector<1x16xf32>,
        %select_n3A_353 = arith.select %eq3A_346, %max3A_299, %broadcast_in_dim3A_13 : vector<16xi1>, vector<16xf32>
        %swap3A_354 = arith.index_cast %scan3A_195 : i32 to index
        %swap3A_355 = arith.constant 112 : index
        %swap3A_356 = tpu.vector_load %arg12[%swap3A_354, %swap3A_355] {strides = array<i32>} : memref<80x128xf32, #tpu.memory_space<vmem>>, vector<1x16xf32>,
        %swap3A_357 = vector.shape_cast %swap3A_356 : vector<1x16xf32> to vector<16xf32>
        %swap3A_358 = vector.shape_cast %select_n3A_353 : vector<16xf32> to vector<1x16xf32>
        tpu.vector_store %arg12[%swap3A_354, %swap3A_355], %swap3A_358 {strides = array<i32>} : memref<80x128xf32, #tpu.memory_space<vmem>>, vector<1x16xf32>,
        %scan3A_359 = arith.constant 0 : i32
        scf.yield %scan3A_359 : i32
      }
      %scan3A_158 = arith.constant 80 : i32
      "tpu.region"() ({
        %run_scoped3A_195 = tpu.sem_alloc : memref<!tpu.dma_semaphore, #tpu.memory_space<semaphore_mem>>
        %dma_start3A_196 = arith.constant 0 : i32
        %dma_start3A_197 = tpu.memref_slice %arg9[%mul3A_105, %dma_start3A_196] : memref<125x80xi32, #tpu.memory_space<vmem>> -> memref<1x80xi32, #tpu.memory_space<vmem>>
        %dma_start3A_198 = tpu.memref_squeeze %dma_start3A_197 : memref<1x80xi32, #tpu.memory_space<vmem>> -> memref<80xi32, #tpu.memory_space<vmem>>
        %dma_start3A_199 = arith.constant 0 : i32
        %dma_start3A_200 = arith.constant 0 : i32
        %dma_start3A_201 = tpu.memref_slice %arg16[%dma_start3A_199, %dma_start3A_200] : memref<2560x128xf32, #tpu.memory_space<vmem_shared>> -> memref<2560x128xf32, #tpu.memory_space<vmem_shared>>
        tpu.enqueue_indirect_dma source(%arg12 : memref<80x128xf32, #tpu.memory_space<vmem>>) target(%dma_start3A_201 : memref<2560x128xf32, #tpu.memory_space<vmem_shared>>) offsets(%dma_start3A_198 : memref<80xi32, #tpu.memory_space<vmem>>) semaphore(%run_scoped3A_195 : memref<!tpu.dma_semaphore, #tpu.memory_space<semaphore_mem>>) {add = true}
        %dma_wait3A_202 = arith.constant 0 : i32
        %dma_wait3A_203 = tpu.memref_slice %arg9[%mul3A_105, %dma_wait3A_202] : memref<125x80xi32, #tpu.memory_space<vmem>> -> memref<1x80xi32, #tpu.memory_space<vmem>>
        %dma_wait3A_204 = tpu.memref_squeeze %dma_wait3A_203 : memref<1x80xi32, #tpu.memory_space<vmem>> -> memref<80xi32, #tpu.memory_space<vmem>>
        %dma_wait3A_205 = arith.constant 0 : i32
        %dma_wait3A_206 = arith.constant 0 : i32
        %dma_wait3A_207 = tpu.memref_slice %arg16[%dma_wait3A_205, %dma_wait3A_206] : memref<2560x128xf32, #tpu.memory_space<vmem_shared>> -> memref<2560x128xf32, #tpu.memory_space<vmem_shared>>
        tpu.wait_indirect_dma semaphore(%run_scoped3A_195 : memref<!tpu.dma_semaphore, #tpu.memory_space<semaphore_mem>>) src(%arg12 : memref<80x128xf32, #tpu.memory_space<vmem>>) dst(%dma_wait3A_207 : memref<2560x128xf32, #tpu.memory_space<vmem_shared>>)
        tpu.yield
      }) : () -> ()
      %lt3A = arith.constant 61 : i32
      %lt3A_159 = arith.cmpi slt, %scan3A_102, %lt3A : i32
      %convert_element_type3A = arith.extui %lt3A_159 : i1 to i32
      %cond3A = arith.constant 0 : i32
      %cond3A_160 = arith.cmpi ne, %convert_element_type3A, %cond3A : i32
      scf.if %cond3A_160 {
        %add3A_195 = arith.constant 2 : i32
        %add3A_196 = arith.addi %mul3A_105, %add3A_195 : i32
        %dma_start3A_197 = arith.constant 0 : i32
        %dma_start3A_198 = tpu.memref_slice %arg8[%add3A_196, %dma_start3A_197] : memref<125x80xi32, #tpu.memory_space<vmem>> -> memref<1x80xi32, #tpu.memory_space<vmem>>
        %dma_start3A_199 = tpu.memref_squeeze %dma_start3A_198 : memref<1x80xi32, #tpu.memory_space<vmem>> -> memref<80xi32, #tpu.memory_space<vmem>>
        %dma_start3A_200 = arith.constant 0 : i32
        %dma_start3A_201 = arith.constant 0 : i32
        %dma_start3A_202 = tpu.memref_slice %arg2[%dma_start3A_200, %dma_start3A_201] : memref<10000x128xf32, #tpu.memory_space<hbm>> -> memref<10000x128xf32, #tpu.memory_space<hbm>>
        tpu.enqueue_indirect_dma source(%dma_start3A_202 : memref<10000x128xf32, #tpu.memory_space<hbm>>) target(%arg12 : memref<80x128xf32, #tpu.memory_space<vmem>>) offsets(%dma_start3A_199 : memref<80xi32, #tpu.memory_space<vmem>>) semaphore(%arg17 : memref<!tpu.dma_semaphore, #tpu.memory_space<semaphore_mem>>)
        %dma_start3A_203 = arith.constant 0 : i32
        %dma_start3A_204 = arith.constant 0 : i32
        %dma_start3A_205 = tpu.memref_slice %arg3[%add3A, %add3A_196, %dma_start3A_203, %dma_start3A_204] : memref<32x125x20x128xf32, #tpu.memory_space<hbm>> -> memref<1x1x20x128xf32, #tpu.memory_space<hbm>>
        %dma_start3A_206 = tpu.memref_squeeze %dma_start3A_205 : memref<1x1x20x128xf32, #tpu.memory_space<hbm>> -> memref<20x128xf32, #tpu.memory_space<hbm>>
        %dma_start3A_207 = arith.constant 0 : i32
        %dma_start3A_208 = arith.constant 0 : i32
        %dma_start3A_209 = tpu.memref_slice %arg3[%add3A, %add3A_196, %dma_start3A_207, %dma_start3A_208] : memref<32x125x20x128xf32, #tpu.memory_space<hbm>> -> memref<1x1x20x128xf32, #tpu.memory_space<hbm>>
        %dma_start3A_210 = tpu.memref_squeeze %dma_start3A_209 : memref<1x1x20x128xf32, #tpu.memory_space<hbm>> -> memref<20x128xf32, #tpu.memory_space<hbm>>
        tpu.enqueue_dma source(%dma_start3A_210 : memref<20x128xf32, #tpu.memory_space<hbm>>) target(%arg14 : memref<20x128xf32, #tpu.memory_space<vmem>>) target_semaphore(%arg17 : memref<!tpu.dma_semaphore, #tpu.memory_space<semaphore_mem>>)
        %dma_start3A_211 = arith.constant 0 : i32
        %dma_start3A_212 = arith.constant 0 : i32
        %dma_start3A_213 = tpu.memref_slice %arg6[%add3A, %add3A_196, %dma_start3A_211, %dma_start3A_212] : memref<32x125x10x128xi32, #tpu.memory_space<hbm>> -> memref<1x1x10x128xi32, #tpu.memory_space<hbm>>
        %dma_start3A_214 = tpu.memref_squeeze %dma_start3A_213 : memref<1x1x10x128xi32, #tpu.memory_space<hbm>> -> memref<10x128xi32, #tpu.memory_space<hbm>>
        %dma_start3A_215 = arith.constant 0 : i32
        %dma_start3A_216 = arith.constant 0 : i32
        %dma_start3A_217 = tpu.memref_slice %arg6[%add3A, %add3A_196, %dma_start3A_215, %dma_start3A_216] : memref<32x125x10x128xi32, #tpu.memory_space<hbm>> -> memref<1x1x10x128xi32, #tpu.memory_space<hbm>>
        %dma_start3A_218 = tpu.memref_squeeze %dma_start3A_217 : memref<1x1x10x128xi32, #tpu.memory_space<hbm>> -> memref<10x128xi32, #tpu.memory_space<hbm>>
        tpu.enqueue_dma source(%dma_start3A_218 : memref<10x128xi32, #tpu.memory_space<hbm>>) target(%arg10 : memref<10x128xi32, #tpu.memory_space<vmem>>) target_semaphore(%arg17 : memref<!tpu.dma_semaphore, #tpu.memory_space<semaphore_mem>>)
      } else {
      }
      %add3A_161 = arith.constant 1 : i32
      %add3A_162 = arith.addi %mul3A_105, %add3A_161 : i32
      %dma_wait3A_163 = arith.constant 0 : i32
      %dma_wait3A_164 = tpu.memref_slice %arg8[%add3A_162, %dma_wait3A_163] : memref<125x80xi32, #tpu.memory_space<vmem>> -> memref<1x80xi32, #tpu.memory_space<vmem>>
      %dma_wait3A_165 = tpu.memref_squeeze %dma_wait3A_164 : memref<1x80xi32, #tpu.memory_space<vmem>> -> memref<80xi32, #tpu.memory_space<vmem>>
      %dma_wait3A_166 = arith.constant 0 : i32
      %dma_wait3A_167 = arith.constant 0 : i32
      %dma_wait3A_168 = tpu.memref_slice %arg2[%dma_wait3A_166, %dma_wait3A_167] : memref<10000x128xf32, #tpu.memory_space<hbm>> -> memref<10000x128xf32, #tpu.memory_space<hbm>>
      tpu.wait_indirect_dma semaphore(%arg18 : memref<!tpu.dma_semaphore, #tpu.memory_space<semaphore_mem>>) src(%dma_wait3A_168 : memref<10000x128xf32, #tpu.memory_space<hbm>>) dst(%arg13 : memref<80x128xf32, #tpu.memory_space<vmem>>)
      %dma_wait3A_169 = arith.constant 0 : i32
      %dma_wait3A_170 = arith.constant 0 : i32
      %dma_wait3A_171 = tpu.memref_slice %arg3[%add3A, %add3A_162, %dma_wait3A_169, %dma_wait3A_170] : memref<32x125x20x128xf32, #tpu.memory_space<hbm>> -> memref<1x1x20x128xf32, #tpu.memory_space<hbm>>
      %dma_wait3A_172 = tpu.memref_squeeze %dma_wait3A_171 : memref<1x1x20x128xf32, #tpu.memory_space<hbm>> -> memref<20x128xf32, #tpu.memory_space<hbm>>
      %dma_wait3A_173 = arith.constant 0 : i32
      %dma_wait3A_174 = arith.constant 0 : i32
      %dma_wait3A_175 = tpu.memref_slice %arg3[%add3A, %add3A_162, %dma_wait3A_173, %dma_wait3A_174] : memref<32x125x20x128xf32, #tpu.memory_space<hbm>> -> memref<1x1x20x128xf32, #tpu.memory_space<hbm>>
      %dma_wait3A_176 = tpu.memref_squeeze %dma_wait3A_175 : memref<1x1x20x128xf32, #tpu.memory_space<hbm>> -> memref<20x128xf32, #tpu.memory_space<hbm>>
      tpu.wait_dma2 semaphore(%arg18 : memref<!tpu.dma_semaphore, #tpu.memory_space<semaphore_mem>>) src(%dma_wait3A_176 : memref<20x128xf32, #tpu.memory_space<hbm>>) dst(%arg15 : memref<20x128xf32, #tpu.memory_space<vmem>>)
      %dma_wait3A_177 = arith.constant 0 : i32
      %dma_wait3A_178 = arith.constant 0 : i32
      %dma_wait3A_179 = tpu.memref_slice %arg6[%add3A, %add3A_162, %dma_wait3A_177, %dma_wait3A_178] : memref<32x125x10x128xi32, #tpu.memory_space<hbm>> -> memref<1x1x10x128xi32, #tpu.memory_space<hbm>>
      %dma_wait3A_180 = tpu.memref_squeeze %dma_wait3A_179 : memref<1x1x10x128xi32, #tpu.memory_space<hbm>> -> memref<10x128xi32, #tpu.memory_space<hbm>>
      %dma_wait3A_181 = arith.constant 0 : i32
      %dma_wait3A_182 = arith.constant 0 : i32
      %dma_wait3A_183 = tpu.memref_slice %arg6[%add3A, %add3A_162, %dma_wait3A_181, %dma_wait3A_182] : memref<32x125x10x128xi32, #tpu.memory_space<hbm>> -> memref<1x1x10x128xi32, #tpu.memory_space<hbm>>
      %dma_wait3A_184 = tpu.memref_squeeze %dma_wait3A_183 : memref<1x1x10x128xi32, #tpu.memory_space<hbm>> -> memref<10x128xi32, #tpu.memory_space<hbm>>
      tpu.wait_dma2 semaphore(%arg18 : memref<!tpu.dma_semaphore, #tpu.memory_space<semaphore_mem>>) src(%dma_wait3A_184 : memref<10x128xi32, #tpu.memory_space<hbm>>) dst(%arg11 : memref<10x128xi32, #tpu.memory_space<vmem>>)
      %scan3A_185 = arith.constant 0 : i32
      %scan3A_186 = arith.constant 0 : i32
      %scan3A_187 = arith.constant 80 : i32
      %scan3A_188 = arith.addi %scan3A_186, %scan3A_187 : i32
      %scan3A_189 = arith.constant 1 : i32
      %scan3A_190 = scf.for %scan3A_195 = %scan3A_186 to %scan3A_188 step %scan3A_189 iter_args(%scan3A_196 = %scan3A_185) -> (i32)  : i32 {
        %jit3A = arith.constant 8 : i32
        %div3A = arith.divsi %scan3A_195, %jit3A : i32
        %sign3A = arith.constant 0 : i32
        %sign3A_197 = arith.cmpi sgt, %scan3A_195, %sign3A : i32
        %sign3A_198 = arith.extui %sign3A_197 : i1 to i32
        %sign3A_199 = arith.constant 0 : i32
        %sign3A_200 = arith.cmpi slt, %scan3A_195, %sign3A_199 : i32
        %sign3A_201 = arith.extui %sign3A_200 : i1 to i32
        %sign3A_202 = arith.subi %sign3A_198, %sign3A_201 : i32
        %sign3A_203 = arith.constant 0 : i32
        %sign3A_204 = arith.cmpi sgt, %jit3A, %sign3A_203 : i32
        %sign3A_205 = arith.extui %sign3A_204 : i1 to i32
        %sign3A_206 = arith.constant 0 : i32
        %sign3A_207 = arith.cmpi slt, %jit3A, %sign3A_206 : i32
        %sign3A_208 = arith.extui %sign3A_207 : i1 to i32
        %sign3A_209 = arith.subi %sign3A_205, %sign3A_208 : i32
        %ne3A = arith.cmpi ne, %sign3A_202, %sign3A_209 : i32
        %rem3A = arith.remsi %scan3A_195, %jit3A : i32
        %ne3A_210 = arith.constant 0 : i32
        %ne3A_211 = arith.cmpi ne, %rem3A, %ne3A_210 : i32
        %and3A = arith.andi %ne3A, %ne3A_211 : i1
        %sub3A = arith.constant 1 : i32
        %sub3A_212 = arith.subi %div3A, %sub3A : i32
        %select_n3A = arith.select %and3A, %sub3A_212, %div3A : i32
        %jit3A_213 = arith.constant 8 : i32
        %eq3A = arith.constant 0 : i32
        %eq3A_214 = arith.cmpi eq, %jit3A_213, %eq3A : i32
        %jit3A_215 = arith.constant 1 : i32
        %select_n3A_216 = arith.select %eq3A_214, %jit3A_215, %jit3A_213 : i32
        %rem3A_217 = arith.remsi %scan3A_195, %select_n3A_216 : i32
        %ne3A_218 = arith.constant 0 : i32
        %ne3A_219 = arith.cmpi ne, %rem3A_217, %ne3A_218 : i32
        %lt3A_220 = arith.constant 0 : i32
        %lt3A_221 = arith.cmpi slt, %rem3A_217, %lt3A_220 : i32
        %lt3A_222 = arith.constant 0 : i32
        %lt3A_223 = arith.cmpi slt, %select_n3A_216, %lt3A_222 : i32
        %ne3A_224 = arith.xori %lt3A_221, %lt3A_223 : i1
        %and3A_225 = arith.andi %ne3A_224, %ne3A_219 : i1
        %add3A_226 = arith.addi %rem3A_217, %select_n3A_216 : i32
        %select_n3A_227 = arith.select %and3A_225, %add3A_226, %rem3A_217 : i32
        %mul3A_228 = arith.constant 16 : i32
        %mul3A_229 = arith.muli %select_n3A_227, %mul3A_228 : i32
        %get3A = arith.index_cast %select_n3A : i32 to index
        %get3A_230 = arith.index_cast %mul3A_229 : i32 to index
        %get3A_231 = tpu.vector_load %arg11[%get3A, %get3A_230] {strides = array<i32>} : memref<10x128xi32, #tpu.memory_space<vmem>>, vector<1x16xi32>,
        %get3A_232 = vector.shape_cast %get3A_231 : vector<1x16xi32> to vector<16xi32>
        %jit3A_233 = arith.constant 4 : i32
        %div3A_234 = arith.divsi %scan3A_195, %jit3A_233 : i32
        %sign3A_235 = arith.constant 0 : i32
        %sign3A_236 = arith.cmpi sgt, %scan3A_195, %sign3A_235 : i32
        %sign3A_237 = arith.extui %sign3A_236 : i1 to i32
        %sign3A_238 = arith.constant 0 : i32
        %sign3A_239 = arith.cmpi slt, %scan3A_195, %sign3A_238 : i32
        %sign3A_240 = arith.extui %sign3A_239 : i1 to i32
        %sign3A_241 = arith.subi %sign3A_237, %sign3A_240 : i32
        %sign3A_242 = arith.constant 0 : i32
        %sign3A_243 = arith.cmpi sgt, %jit3A_233, %sign3A_242 : i32
        %sign3A_244 = arith.extui %sign3A_243 : i1 to i32
        %sign3A_245 = arith.constant 0 : i32
        %sign3A_246 = arith.cmpi slt, %jit3A_233, %sign3A_245 : i32
        %sign3A_247 = arith.extui %sign3A_246 : i1 to i32
        %sign3A_248 = arith.subi %sign3A_244, %sign3A_247 : i32
        %ne3A_249 = arith.cmpi ne, %sign3A_241, %sign3A_248 : i32
        %rem3A_250 = arith.remsi %scan3A_195, %jit3A_233 : i32
        %ne3A_251 = arith.constant 0 : i32
        %ne3A_252 = arith.cmpi ne, %rem3A_250, %ne3A_251 : i32
        %and3A_253 = arith.andi %ne3A_249, %ne3A_252 : i1
        %sub3A_254 = arith.constant 1 : i32
        %sub3A_255 = arith.subi %div3A_234, %sub3A_254 : i32
        %select_n3A_256 = arith.select %and3A_253, %sub3A_255, %div3A_234 : i32
        %jit3A_257 = arith.constant 4 : i32
        %eq3A_258 = arith.constant 0 : i32
        %eq3A_259 = arith.cmpi eq, %jit3A_257, %eq3A_258 : i32
        %jit3A_260 = arith.constant 1 : i32
        %select_n3A_261 = arith.select %eq3A_259, %jit3A_260, %jit3A_257 : i32
        %rem3A_262 = arith.remsi %scan3A_195, %select_n3A_261 : i32
        %ne3A_263 = arith.constant 0 : i32
        %ne3A_264 = arith.cmpi ne, %rem3A_262, %ne3A_263 : i32
        %lt3A_265 = arith.constant 0 : i32
        %lt3A_266 = arith.cmpi slt, %rem3A_262, %lt3A_265 : i32
        %lt3A_267 = arith.constant 0 : i32
        %lt3A_268 = arith.cmpi slt, %select_n3A_261, %lt3A_267 : i32
        %ne3A_269 = arith.xori %lt3A_266, %lt3A_268 : i1
        %and3A_270 = arith.andi %ne3A_269, %ne3A_264 : i1
        %add3A_271 = arith.addi %rem3A_262, %select_n3A_261 : i32
        %select_n3A_272 = arith.select %and3A_270, %add3A_271, %rem3A_262 : i32
        %mul3A_273 = arith.constant 32 : i32
        %mul3A_274 = arith.muli %select_n3A_272, %mul3A_273 : i32
        %get3A_275 = arith.index_cast %scan3A_195 : i32 to index
        %get3A_276 = arith.constant 0 : index
        %get3A_277 = tpu.vector_load %arg13[%get3A_275, %get3A_276] {strides = array<i32>} : memref<80x128xf32, #tpu.memory_space<vmem>>, vector<1x16xf32>,
        %get3A_278 = vector.shape_cast %get3A_277 : vector<1x16xf32> to vector<16xf32>
        %get3A_279 = arith.index_cast %select_n3A_256 : i32 to index
        %get3A_280 = arith.index_cast %mul3A_274 : i32 to index
        %get3A_281 = tpu.vector_load %arg15[%get3A_279, %get3A_280] {strides = array<i32>} : memref<20x128xf32, #tpu.memory_space<vmem>>, vector<1x16xf32>,
        %get3A_282 = vector.shape_cast %get3A_281 : vector<1x16xf32> to vector<16xf32>
        %add3A_283 = arith.addf %get3A_278, %get3A_282 : vector<16xf32>
        %max3A = arith.constant 0.000000e+00 : f32
        %max3A_284 = vector.broadcast %max3A : f32 to vector<16xf32>
        %max3A_285 = arith.maximumf %add3A_283, %max3A_284 : vector<16xf32>
        %get3A_286 = arith.index_cast %scan3A_195 : i32 to index
        %get3A_287 = arith.constant 16 : index
        %get3A_288 = tpu.vector_load %arg13[%get3A_286, %get3A_287] {strides = array<i32>} : memref<80x128xf32, #tpu.memory_space<vmem>>, vector<1x16xf32>,
        %get3A_289 = vector.shape_cast %get3A_288 : vector<1x16xf32> to vector<16xf32>
        %add3A_290 = arith.constant 16 : i32
        %add3A_291 = arith.addi %mul3A_274, %add3A_290 : i32
        %get3A_292 = arith.index_cast %select_n3A_256 : i32 to index
        %get3A_293 = arith.index_cast %add3A_291 : i32 to index
        %get3A_294 = tpu.vector_load %arg15[%get3A_292, %get3A_293] {strides = array<i32>} : memref<20x128xf32, #tpu.memory_space<vmem>>, vector<1x16xf32>,
        %get3A_295 = vector.shape_cast %get3A_294 : vector<1x16xf32> to vector<16xf32>
        %add3A_296 = arith.addf %get3A_289, %get3A_295 : vector<16xf32>
        %max3A_297 = arith.constant 0.000000e+00 : f32
        %max3A_298 = vector.broadcast %max3A_297 : f32 to vector<16xf32>
        %max3A_299 = arith.maximumf %add3A_296, %max3A_298 : vector<16xf32>
        %eq3A_300 = arith.constant 0 : i32
        %eq3A_301 = vector.broadcast %eq3A_300 : i32 to vector<16xi32>
        %eq3A_302 = arith.cmpi eq, %get3A_232, %eq3A_301 : vector<16xi32>
        %select_n3A_303 = arith.select %eq3A_302, %max3A_285, %broadcast_in_dim3A_13 : vector<16xi1>, vector<16xf32>
        %swap3A = arith.index_cast %scan3A_195 : i32 to index
        %swap3A_304 = arith.constant 0 : index
        %swap3A_305 = tpu.vector_load %arg13[%swap3A, %swap3A_304] {strides = array<i32>} : memref<80x128xf32, #tpu.memory_space<vmem>>, vector<1x16xf32>,
        %swap3A_306 = vector.shape_cast %swap3A_305 : vector<1x16xf32> to vector<16xf32>
        %swap3A_307 = vector.shape_cast %select_n3A_303 : vector<16xf32> to vector<1x16xf32>
        tpu.vector_store %arg13[%swap3A, %swap3A_304], %swap3A_307 {strides = array<i32>} : memref<80x128xf32, #tpu.memory_space<vmem>>, vector<1x16xf32>,
        %select_n3A_308 = arith.select %eq3A_302, %max3A_299, %broadcast_in_dim3A_13 : vector<16xi1>, vector<16xf32>
        %swap3A_309 = arith.index_cast %scan3A_195 : i32 to index
        %swap3A_310 = arith.constant 16 : index
        %swap3A_311 = tpu.vector_load %arg13[%swap3A_309, %swap3A_310] {strides = array<i32>} : memref<80x128xf32, #tpu.memory_space<vmem>>, vector<1x16xf32>,
        %swap3A_312 = vector.shape_cast %swap3A_311 : vector<1x16xf32> to vector<16xf32>
        %swap3A_313 = vector.shape_cast %select_n3A_308 : vector<16xf32> to vector<1x16xf32>
        tpu.vector_store %arg13[%swap3A_309, %swap3A_310], %swap3A_313 {strides = array<i32>} : memref<80x128xf32, #tpu.memory_space<vmem>>, vector<1x16xf32>,
        %eq3A_314 = arith.constant 32 : i32
        %eq3A_315 = vector.broadcast %eq3A_314 : i32 to vector<16xi32>
        %eq3A_316 = arith.cmpi eq, %get3A_232, %eq3A_315 : vector<16xi32>
        %select_n3A_317 = arith.select %eq3A_316, %max3A_285, %broadcast_in_dim3A_13 : vector<16xi1>, vector<16xf32>
        %swap3A_318 = arith.index_cast %scan3A_195 : i32 to index
        %swap3A_319 = arith.constant 32 : index
        %swap3A_320 = tpu.vector_load %arg13[%swap3A_318, %swap3A_319] {strides = array<i32>} : memref<80x128xf32, #tpu.memory_space<vmem>>, vector<1x16xf32>,
        %swap3A_321 = vector.shape_cast %swap3A_320 : vector<1x16xf32> to vector<16xf32>
        %swap3A_322 = vector.shape_cast %select_n3A_317 : vector<16xf32> to vector<1x16xf32>
        tpu.vector_store %arg13[%swap3A_318, %swap3A_319], %swap3A_322 {strides = array<i32>} : memref<80x128xf32, #tpu.memory_space<vmem>>, vector<1x16xf32>,
        %select_n3A_323 = arith.select %eq3A_316, %max3A_299, %broadcast_in_dim3A_13 : vector<16xi1>, vector<16xf32>
        %swap3A_324 = arith.index_cast %scan3A_195 : i32 to index
        %swap3A_325 = arith.constant 48 : index
        %swap3A_326 = tpu.vector_load %arg13[%swap3A_324, %swap3A_325] {strides = array<i32>} : memref<80x128xf32, #tpu.memory_space<vmem>>, vector<1x16xf32>,
        %swap3A_327 = vector.shape_cast %swap3A_326 : vector<1x16xf32> to vector<16xf32>
        %swap3A_328 = vector.shape_cast %select_n3A_323 : vector<16xf32> to vector<1x16xf32>
        tpu.vector_store %arg13[%swap3A_324, %swap3A_325], %swap3A_328 {strides = array<i32>} : memref<80x128xf32, #tpu.memory_space<vmem>>, vector<1x16xf32>,
        %eq3A_329 = arith.constant 64 : i32
        %eq3A_330 = vector.broadcast %eq3A_329 : i32 to vector<16xi32>
        %eq3A_331 = arith.cmpi eq, %get3A_232, %eq3A_330 : vector<16xi32>
        %select_n3A_332 = arith.select %eq3A_331, %max3A_285, %broadcast_in_dim3A_13 : vector<16xi1>, vector<16xf32>
        %swap3A_333 = arith.index_cast %scan3A_195 : i32 to index
        %swap3A_334 = arith.constant 64 : index
        %swap3A_335 = tpu.vector_load %arg13[%swap3A_333, %swap3A_334] {strides = array<i32>} : memref<80x128xf32, #tpu.memory_space<vmem>>, vector<1x16xf32>,
        %swap3A_336 = vector.shape_cast %swap3A_335 : vector<1x16xf32> to vector<16xf32>
        %swap3A_337 = vector.shape_cast %select_n3A_332 : vector<16xf32> to vector<1x16xf32>
        tpu.vector_store %arg13[%swap3A_333, %swap3A_334], %swap3A_337 {strides = array<i32>} : memref<80x128xf32, #tpu.memory_space<vmem>>, vector<1x16xf32>,
        %select_n3A_338 = arith.select %eq3A_331, %max3A_299, %broadcast_in_dim3A_13 : vector<16xi1>, vector<16xf32>
        %swap3A_339 = arith.index_cast %scan3A_195 : i32 to index
        %swap3A_340 = arith.constant 80 : index
        %swap3A_341 = tpu.vector_load %arg13[%swap3A_339, %swap3A_340] {strides = array<i32>} : memref<80x128xf32, #tpu.memory_space<vmem>>, vector<1x16xf32>,
        %swap3A_342 = vector.shape_cast %swap3A_341 : vector<1x16xf32> to vector<16xf32>
        %swap3A_343 = vector.shape_cast %select_n3A_338 : vector<16xf32> to vector<1x16xf32>
        tpu.vector_store %arg13[%swap3A_339, %swap3A_340], %swap3A_343 {strides = array<i32>} : memref<80x128xf32, #tpu.memory_space<vmem>>, vector<1x16xf32>,
        %eq3A_344 = arith.constant 96 : i32
        %eq3A_345 = vector.broadcast %eq3A_344 : i32 to vector<16xi32>
        %eq3A_346 = arith.cmpi eq, %get3A_232, %eq3A_345 : vector<16xi32>
        %select_n3A_347 = arith.select %eq3A_346, %max3A_285, %broadcast_in_dim3A_13 : vector<16xi1>, vector<16xf32>
        %swap3A_348 = arith.index_cast %scan3A_195 : i32 to index
        %swap3A_349 = arith.constant 96 : index
        %swap3A_350 = tpu.vector_load %arg13[%swap3A_348, %swap3A_349] {strides = array<i32>} : memref<80x128xf32, #tpu.memory_space<vmem>>, vector<1x16xf32>,
        %swap3A_351 = vector.shape_cast %swap3A_350 : vector<1x16xf32> to vector<16xf32>
        %swap3A_352 = vector.shape_cast %select_n3A_347 : vector<16xf32> to vector<1x16xf32>
        tpu.vector_store %arg13[%swap3A_348, %swap3A_349], %swap3A_352 {strides = array<i32>} : memref<80x128xf32, #tpu.memory_space<vmem>>, vector<1x16xf32>,
        %select_n3A_353 = arith.select %eq3A_346, %max3A_299, %broadcast_in_dim3A_13 : vector<16xi1>, vector<16xf32>
        %swap3A_354 = arith.index_cast %scan3A_195 : i32 to index
        %swap3A_355 = arith.constant 112 : index
        %swap3A_356 = tpu.vector_load %arg13[%swap3A_354, %swap3A_355] {strides = array<i32>} : memref<80x128xf32, #tpu.memory_space<vmem>>, vector<1x16xf32>,
        %swap3A_357 = vector.shape_cast %swap3A_356 : vector<1x16xf32> to vector<16xf32>
        %swap3A_358 = vector.shape_cast %select_n3A_353 : vector<16xf32> to vector<1x16xf32>
        tpu.vector_store %arg13[%swap3A_354, %swap3A_355], %swap3A_358 {strides = array<i32>} : memref<80x128xf32, #tpu.memory_space<vmem>>, vector<1x16xf32>,
        %scan3A_359 = arith.constant 0 : i32
        scf.yield %scan3A_359 : i32
      }
      %scan3A_191 = arith.constant 80 : i32
      %add3A_192 = arith.constant 1 : i32
      %add3A_193 = arith.addi %mul3A_105, %add3A_192 : i32
      "tpu.region"() ({
        %run_scoped3A_195 = tpu.sem_alloc : memref<!tpu.dma_semaphore, #tpu.memory_space<semaphore_mem>>
        %dma_start3A_196 = arith.constant 0 : i32
        %dma_start3A_197 = tpu.memref_slice %arg9[%add3A_193, %dma_start3A_196] : memref<125x80xi32, #tpu.memory_space<vmem>> -> memref<1x80xi32, #tpu.memory_space<vmem>>
        %dma_start3A_198 = tpu.memref_squeeze %dma_start3A_197 : memref<1x80xi32, #tpu.memory_space<vmem>> -> memref<80xi32, #tpu.memory_space<vmem>>
        %dma_start3A_199 = arith.constant 0 : i32
        %dma_start3A_200 = arith.constant 0 : i32
        %dma_start3A_201 = tpu.memref_slice %arg16[%dma_start3A_199, %dma_start3A_200] : memref<2560x128xf32, #tpu.memory_space<vmem_shared>> -> memref<2560x128xf32, #tpu.memory_space<vmem_shared>>
        tpu.enqueue_indirect_dma source(%arg13 : memref<80x128xf32, #tpu.memory_space<vmem>>) target(%dma_start3A_201 : memref<2560x128xf32, #tpu.memory_space<vmem_shared>>) offsets(%dma_start3A_198 : memref<80xi32, #tpu.memory_space<vmem>>) semaphore(%run_scoped3A_195 : memref<!tpu.dma_semaphore, #tpu.memory_space<semaphore_mem>>) {add = true}
        %dma_wait3A_202 = arith.constant 0 : i32
        %dma_wait3A_203 = tpu.memref_slice %arg9[%add3A_193, %dma_wait3A_202] : memref<125x80xi32, #tpu.memory_space<vmem>> -> memref<1x80xi32, #tpu.memory_space<vmem>>
        %dma_wait3A_204 = tpu.memref_squeeze %dma_wait3A_203 : memref<1x80xi32, #tpu.memory_space<vmem>> -> memref<80xi32, #tpu.memory_space<vmem>>
        %dma_wait3A_205 = arith.constant 0 : i32
        %dma_wait3A_206 = arith.constant 0 : i32
        %dma_wait3A_207 = tpu.memref_slice %arg16[%dma_wait3A_205, %dma_wait3A_206] : memref<2560x128xf32, #tpu.memory_space<vmem_shared>> -> memref<2560x128xf32, #tpu.memory_space<vmem_shared>>
        tpu.wait_indirect_dma semaphore(%run_scoped3A_195 : memref<!tpu.dma_semaphore, #tpu.memory_space<semaphore_mem>>) src(%arg13 : memref<80x128xf32, #tpu.memory_space<vmem>>) dst(%dma_wait3A_207 : memref<2560x128xf32, #tpu.memory_space<vmem_shared>>)
        tpu.yield
      }) : () -> ()
      %scan3A_194 = arith.constant 0 : i32
      scf.yield %scan3A_194 : i32
    }
    %scan3A_44 = arith.constant 62 : i32
    %dma_start3A_45 = arith.constant 124 : i32
    %dma_start3A_46 = arith.constant 0 : i32
    %dma_start3A_47 = tpu.memref_slice %arg8[%dma_start3A_45, %dma_start3A_46] : memref<125x80xi32, #tpu.memory_space<vmem>> -> memref<1x80xi32, #tpu.memory_space<vmem>>
    %dma_start3A_48 = tpu.memref_squeeze %dma_start3A_47 : memref<1x80xi32, #tpu.memory_space<vmem>> -> memref<80xi32, #tpu.memory_space<vmem>>
    %dma_start3A_49 = arith.constant 0 : i32
    %dma_start3A_50 = arith.constant 0 : i32
    %dma_start3A_51 = tpu.memref_slice %arg2[%dma_start3A_49, %dma_start3A_50] : memref<10000x128xf32, #tpu.memory_space<hbm>> -> memref<10000x128xf32, #tpu.memory_space<hbm>>
    tpu.enqueue_indirect_dma source(%dma_start3A_51 : memref<10000x128xf32, #tpu.memory_space<hbm>>) target(%arg12 : memref<80x128xf32, #tpu.memory_space<vmem>>) offsets(%dma_start3A_48 : memref<80xi32, #tpu.memory_space<vmem>>) semaphore(%arg17 : memref<!tpu.dma_semaphore, #tpu.memory_space<semaphore_mem>>)
    %dma_start3A_52 = arith.constant 124 : i32
    %dma_start3A_53 = arith.constant 0 : i32
    %dma_start3A_54 = arith.constant 0 : i32
    %dma_start3A_55 = tpu.memref_slice %arg3[%add3A, %dma_start3A_52, %dma_start3A_53, %dma_start3A_54] : memref<32x125x20x128xf32, #tpu.memory_space<hbm>> -> memref<1x1x20x128xf32, #tpu.memory_space<hbm>>
    %dma_start3A_56 = tpu.memref_squeeze %dma_start3A_55 : memref<1x1x20x128xf32, #tpu.memory_space<hbm>> -> memref<20x128xf32, #tpu.memory_space<hbm>>
    %dma_start3A_57 = arith.constant 0 : i32
    %dma_start3A_58 = arith.constant 0 : i32
    %dma_start3A_59 = tpu.memref_slice %arg3[%add3A, %dma_start3A_52, %dma_start3A_57, %dma_start3A_58] : memref<32x125x20x128xf32, #tpu.memory_space<hbm>> -> memref<1x1x20x128xf32, #tpu.memory_space<hbm>>
    %dma_start3A_60 = tpu.memref_squeeze %dma_start3A_59 : memref<1x1x20x128xf32, #tpu.memory_space<hbm>> -> memref<20x128xf32, #tpu.memory_space<hbm>>
    tpu.enqueue_dma source(%dma_start3A_60 : memref<20x128xf32, #tpu.memory_space<hbm>>) target(%arg14 : memref<20x128xf32, #tpu.memory_space<vmem>>) target_semaphore(%arg17 : memref<!tpu.dma_semaphore, #tpu.memory_space<semaphore_mem>>)
    %dma_start3A_61 = arith.constant 124 : i32
    %dma_start3A_62 = arith.constant 0 : i32
    %dma_start3A_63 = arith.constant 0 : i32
    %dma_start3A_64 = tpu.memref_slice %arg6[%add3A, %dma_start3A_61, %dma_start3A_62, %dma_start3A_63] : memref<32x125x10x128xi32, #tpu.memory_space<hbm>> -> memref<1x1x10x128xi32, #tpu.memory_space<hbm>>
    %dma_start3A_65 = tpu.memref_squeeze %dma_start3A_64 : memref<1x1x10x128xi32, #tpu.memory_space<hbm>> -> memref<10x128xi32, #tpu.memory_space<hbm>>
    %dma_start3A_66 = arith.constant 0 : i32
    %dma_start3A_67 = arith.constant 0 : i32
    %dma_start3A_68 = tpu.memref_slice %arg6[%add3A, %dma_start3A_61, %dma_start3A_66, %dma_start3A_67] : memref<32x125x10x128xi32, #tpu.memory_space<hbm>> -> memref<1x1x10x128xi32, #tpu.memory_space<hbm>>
    %dma_start3A_69 = tpu.memref_squeeze %dma_start3A_68 : memref<1x1x10x128xi32, #tpu.memory_space<hbm>> -> memref<10x128xi32, #tpu.memory_space<hbm>>
    tpu.enqueue_dma source(%dma_start3A_69 : memref<10x128xi32, #tpu.memory_space<hbm>>) target(%arg10 : memref<10x128xi32, #tpu.memory_space<vmem>>) target_semaphore(%arg17 : memref<!tpu.dma_semaphore, #tpu.memory_space<semaphore_mem>>)
    %dma_wait3A = arith.constant 124 : i32
    %dma_wait3A_70 = arith.constant 0 : i32
    %dma_wait3A_71 = tpu.memref_slice %arg8[%dma_wait3A, %dma_wait3A_70] : memref<125x80xi32, #tpu.memory_space<vmem>> -> memref<1x80xi32, #tpu.memory_space<vmem>>
    %dma_wait3A_72 = tpu.memref_squeeze %dma_wait3A_71 : memref<1x80xi32, #tpu.memory_space<vmem>> -> memref<80xi32, #tpu.memory_space<vmem>>
    %dma_wait3A_73 = arith.constant 0 : i32
    %dma_wait3A_74 = arith.constant 0 : i32
    %dma_wait3A_75 = tpu.memref_slice %arg2[%dma_wait3A_73, %dma_wait3A_74] : memref<10000x128xf32, #tpu.memory_space<hbm>> -> memref<10000x128xf32, #tpu.memory_space<hbm>>
    tpu.wait_indirect_dma semaphore(%arg17 : memref<!tpu.dma_semaphore, #tpu.memory_space<semaphore_mem>>) src(%dma_wait3A_75 : memref<10000x128xf32, #tpu.memory_space<hbm>>) dst(%arg12 : memref<80x128xf32, #tpu.memory_space<vmem>>)
    %dma_wait3A_76 = arith.constant 124 : i32
    %dma_wait3A_77 = arith.constant 0 : i32
    %dma_wait3A_78 = arith.constant 0 : i32
    %dma_wait3A_79 = tpu.memref_slice %arg3[%add3A, %dma_wait3A_76, %dma_wait3A_77, %dma_wait3A_78] : memref<32x125x20x128xf32, #tpu.memory_space<hbm>> -> memref<1x1x20x128xf32, #tpu.memory_space<hbm>>
    %dma_wait3A_80 = tpu.memref_squeeze %dma_wait3A_79 : memref<1x1x20x128xf32, #tpu.memory_space<hbm>> -> memref<20x128xf32, #tpu.memory_space<hbm>>
    %dma_wait3A_81 = arith.constant 0 : i32
    %dma_wait3A_82 = arith.constant 0 : i32
    %dma_wait3A_83 = tpu.memref_slice %arg3[%add3A, %dma_wait3A_76, %dma_wait3A_81, %dma_wait3A_82] : memref<32x125x20x128xf32, #tpu.memory_space<hbm>> -> memref<1x1x20x128xf32, #tpu.memory_space<hbm>>
    %dma_wait3A_84 = tpu.memref_squeeze %dma_wait3A_83 : memref<1x1x20x128xf32, #tpu.memory_space<hbm>> -> memref<20x128xf32, #tpu.memory_space<hbm>>
    tpu.wait_dma2 semaphore(%arg17 : memref<!tpu.dma_semaphore, #tpu.memory_space<semaphore_mem>>) src(%dma_wait3A_84 : memref<20x128xf32, #tpu.memory_space<hbm>>) dst(%arg14 : memref<20x128xf32, #tpu.memory_space<vmem>>)
    %dma_wait3A_85 = arith.constant 124 : i32
    %dma_wait3A_86 = arith.constant 0 : i32
    %dma_wait3A_87 = arith.constant 0 : i32
    %dma_wait3A_88 = tpu.memref_slice %arg6[%add3A, %dma_wait3A_85, %dma_wait3A_86, %dma_wait3A_87] : memref<32x125x10x128xi32, #tpu.memory_space<hbm>> -> memref<1x1x10x128xi32, #tpu.memory_space<hbm>>
    %dma_wait3A_89 = tpu.memref_squeeze %dma_wait3A_88 : memref<1x1x10x128xi32, #tpu.memory_space<hbm>> -> memref<10x128xi32, #tpu.memory_space<hbm>>
    %dma_wait3A_90 = arith.constant 0 : i32
    %dma_wait3A_91 = arith.constant 0 : i32
    %dma_wait3A_92 = tpu.memref_slice %arg6[%add3A, %dma_wait3A_85, %dma_wait3A_90, %dma_wait3A_91] : memref<32x125x10x128xi32, #tpu.memory_space<hbm>> -> memref<1x1x10x128xi32, #tpu.memory_space<hbm>>
    %dma_wait3A_93 = tpu.memref_squeeze %dma_wait3A_92 : memref<1x1x10x128xi32, #tpu.memory_space<hbm>> -> memref<10x128xi32, #tpu.memory_space<hbm>>
    tpu.wait_dma2 semaphore(%arg17 : memref<!tpu.dma_semaphore, #tpu.memory_space<semaphore_mem>>) src(%dma_wait3A_93 : memref<10x128xi32, #tpu.memory_space<hbm>>) dst(%arg10 : memref<10x128xi32, #tpu.memory_space<vmem>>)
    %scan3A_94 = arith.constant 0 : i32
    %scan3A_95 = arith.constant 0 : i32
    %scan3A_96 = arith.constant 80 : i32
    %scan3A_97 = arith.addi %scan3A_95, %scan3A_96 : i32
    %scan3A_98 = arith.constant 1 : i32
    %scan3A_99 = scf.for %scan3A_102 = %scan3A_95 to %scan3A_97 step %scan3A_98 iter_args(%scan3A_103 = %scan3A_94) -> (i32)  : i32 {
      %jit3A = arith.constant 8 : i32
      %div3A = arith.divsi %scan3A_102, %jit3A : i32
      %sign3A = arith.constant 0 : i32
      %sign3A_104 = arith.cmpi sgt, %scan3A_102, %sign3A : i32
      %sign3A_105 = arith.extui %sign3A_104 : i1 to i32
      %sign3A_106 = arith.constant 0 : i32
      %sign3A_107 = arith.cmpi slt, %scan3A_102, %sign3A_106 : i32
      %sign3A_108 = arith.extui %sign3A_107 : i1 to i32
      %sign3A_109 = arith.subi %sign3A_105, %sign3A_108 : i32
      %sign3A_110 = arith.constant 0 : i32
      %sign3A_111 = arith.cmpi sgt, %jit3A, %sign3A_110 : i32
      %sign3A_112 = arith.extui %sign3A_111 : i1 to i32
      %sign3A_113 = arith.constant 0 : i32
      %sign3A_114 = arith.cmpi slt, %jit3A, %sign3A_113 : i32
      %sign3A_115 = arith.extui %sign3A_114 : i1 to i32
      %sign3A_116 = arith.subi %sign3A_112, %sign3A_115 : i32
      %ne3A = arith.cmpi ne, %sign3A_109, %sign3A_116 : i32
      %rem3A = arith.remsi %scan3A_102, %jit3A : i32
      %ne3A_117 = arith.constant 0 : i32
      %ne3A_118 = arith.cmpi ne, %rem3A, %ne3A_117 : i32
      %and3A = arith.andi %ne3A, %ne3A_118 : i1
      %sub3A = arith.constant 1 : i32
      %sub3A_119 = arith.subi %div3A, %sub3A : i32
      %select_n3A = arith.select %and3A, %sub3A_119, %div3A : i32
      %jit3A_120 = arith.constant 8 : i32
      %eq3A = arith.constant 0 : i32
      %eq3A_121 = arith.cmpi eq, %jit3A_120, %eq3A : i32
      %jit3A_122 = arith.constant 1 : i32
      %select_n3A_123 = arith.select %eq3A_121, %jit3A_122, %jit3A_120 : i32
      %rem3A_124 = arith.remsi %scan3A_102, %select_n3A_123 : i32
      %ne3A_125 = arith.constant 0 : i32
      %ne3A_126 = arith.cmpi ne, %rem3A_124, %ne3A_125 : i32
      %lt3A = arith.constant 0 : i32
      %lt3A_127 = arith.cmpi slt, %rem3A_124, %lt3A : i32
      %lt3A_128 = arith.constant 0 : i32
      %lt3A_129 = arith.cmpi slt, %select_n3A_123, %lt3A_128 : i32
      %ne3A_130 = arith.xori %lt3A_127, %lt3A_129 : i1
      %and3A_131 = arith.andi %ne3A_130, %ne3A_126 : i1
      %add3A_132 = arith.addi %rem3A_124, %select_n3A_123 : i32
      %select_n3A_133 = arith.select %and3A_131, %add3A_132, %rem3A_124 : i32
      %mul3A_134 = arith.constant 16 : i32
      %mul3A_135 = arith.muli %select_n3A_133, %mul3A_134 : i32
      %get3A = arith.index_cast %select_n3A : i32 to index
      %get3A_136 = arith.index_cast %mul3A_135 : i32 to index
      %get3A_137 = tpu.vector_load %arg10[%get3A, %get3A_136] {strides = array<i32>} : memref<10x128xi32, #tpu.memory_space<vmem>>, vector<1x16xi32>,
      %get3A_138 = vector.shape_cast %get3A_137 : vector<1x16xi32> to vector<16xi32>
      %jit3A_139 = arith.constant 4 : i32
      %div3A_140 = arith.divsi %scan3A_102, %jit3A_139 : i32
      %sign3A_141 = arith.constant 0 : i32
      %sign3A_142 = arith.cmpi sgt, %scan3A_102, %sign3A_141 : i32
      %sign3A_143 = arith.extui %sign3A_142 : i1 to i32
      %sign3A_144 = arith.constant 0 : i32
      %sign3A_145 = arith.cmpi slt, %scan3A_102, %sign3A_144 : i32
      %sign3A_146 = arith.extui %sign3A_145 : i1 to i32
      %sign3A_147 = arith.subi %sign3A_143, %sign3A_146 : i32
      %sign3A_148 = arith.constant 0 : i32
      %sign3A_149 = arith.cmpi sgt, %jit3A_139, %sign3A_148 : i32
      %sign3A_150 = arith.extui %sign3A_149 : i1 to i32
      %sign3A_151 = arith.constant 0 : i32
      %sign3A_152 = arith.cmpi slt, %jit3A_139, %sign3A_151 : i32
      %sign3A_153 = arith.extui %sign3A_152 : i1 to i32
      %sign3A_154 = arith.subi %sign3A_150, %sign3A_153 : i32
      %ne3A_155 = arith.cmpi ne, %sign3A_147, %sign3A_154 : i32
      %rem3A_156 = arith.remsi %scan3A_102, %jit3A_139 : i32
      %ne3A_157 = arith.constant 0 : i32
      %ne3A_158 = arith.cmpi ne, %rem3A_156, %ne3A_157 : i32
      %and3A_159 = arith.andi %ne3A_155, %ne3A_158 : i1
      %sub3A_160 = arith.constant 1 : i32
      %sub3A_161 = arith.subi %div3A_140, %sub3A_160 : i32
      %select_n3A_162 = arith.select %and3A_159, %sub3A_161, %div3A_140 : i32
      %jit3A_163 = arith.constant 4 : i32
      %eq3A_164 = arith.constant 0 : i32
      %eq3A_165 = arith.cmpi eq, %jit3A_163, %eq3A_164 : i32
      %jit3A_166 = arith.constant 1 : i32
      %select_n3A_167 = arith.select %eq3A_165, %jit3A_166, %jit3A_163 : i32
      %rem3A_168 = arith.remsi %scan3A_102, %select_n3A_167 : i32
      %ne3A_169 = arith.constant 0 : i32
      %ne3A_170 = arith.cmpi ne, %rem3A_168, %ne3A_169 : i32
      %lt3A_171 = arith.constant 0 : i32
      %lt3A_172 = arith.cmpi slt, %rem3A_168, %lt3A_171 : i32
      %lt3A_173 = arith.constant 0 : i32
      %lt3A_174 = arith.cmpi slt, %select_n3A_167, %lt3A_173 : i32
      %ne3A_175 = arith.xori %lt3A_172, %lt3A_174 : i1
      %and3A_176 = arith.andi %ne3A_175, %ne3A_170 : i1
      %add3A_177 = arith.addi %rem3A_168, %select_n3A_167 : i32
      %select_n3A_178 = arith.select %and3A_176, %add3A_177, %rem3A_168 : i32
      %mul3A_179 = arith.constant 32 : i32
      %mul3A_180 = arith.muli %select_n3A_178, %mul3A_179 : i32
      %get3A_181 = arith.index_cast %scan3A_102 : i32 to index
      %get3A_182 = arith.constant 0 : index
      %get3A_183 = tpu.vector_load %arg12[%get3A_181, %get3A_182] {strides = array<i32>} : memref<80x128xf32, #tpu.memory_space<vmem>>, vector<1x16xf32>,
      %get3A_184 = vector.shape_cast %get3A_183 : vector<1x16xf32> to vector<16xf32>
      %get3A_185 = arith.index_cast %select_n3A_162 : i32 to index
      %get3A_186 = arith.index_cast %mul3A_180 : i32 to index
      %get3A_187 = tpu.vector_load %arg14[%get3A_185, %get3A_186] {strides = array<i32>} : memref<20x128xf32, #tpu.memory_space<vmem>>, vector<1x16xf32>,
      %get3A_188 = vector.shape_cast %get3A_187 : vector<1x16xf32> to vector<16xf32>
      %add3A_189 = arith.addf %get3A_184, %get3A_188 : vector<16xf32>
      %max3A = arith.constant 0.000000e+00 : f32
      %max3A_190 = vector.broadcast %max3A : f32 to vector<16xf32>
      %max3A_191 = arith.maximumf %add3A_189, %max3A_190 : vector<16xf32>
      %get3A_192 = arith.index_cast %scan3A_102 : i32 to index
      %get3A_193 = arith.constant 16 : index
      %get3A_194 = tpu.vector_load %arg12[%get3A_192, %get3A_193] {strides = array<i32>} : memref<80x128xf32, #tpu.memory_space<vmem>>, vector<1x16xf32>,
      %get3A_195 = vector.shape_cast %get3A_194 : vector<1x16xf32> to vector<16xf32>
      %add3A_196 = arith.constant 16 : i32
      %add3A_197 = arith.addi %mul3A_180, %add3A_196 : i32
      %get3A_198 = arith.index_cast %select_n3A_162 : i32 to index
      %get3A_199 = arith.index_cast %add3A_197 : i32 to index
      %get3A_200 = tpu.vector_load %arg14[%get3A_198, %get3A_199] {strides = array<i32>} : memref<20x128xf32, #tpu.memory_space<vmem>>, vector<1x16xf32>,
      %get3A_201 = vector.shape_cast %get3A_200 : vector<1x16xf32> to vector<16xf32>
      %add3A_202 = arith.addf %get3A_195, %get3A_201 : vector<16xf32>
      %max3A_203 = arith.constant 0.000000e+00 : f32
      %max3A_204 = vector.broadcast %max3A_203 : f32 to vector<16xf32>
      %max3A_205 = arith.maximumf %add3A_202, %max3A_204 : vector<16xf32>
      %eq3A_206 = arith.constant 0 : i32
      %eq3A_207 = vector.broadcast %eq3A_206 : i32 to vector<16xi32>
      %eq3A_208 = arith.cmpi eq, %get3A_138, %eq3A_207 : vector<16xi32>
      %select_n3A_209 = arith.select %eq3A_208, %max3A_191, %broadcast_in_dim3A_13 : vector<16xi1>, vector<16xf32>
      %swap3A = arith.index_cast %scan3A_102 : i32 to index
      %swap3A_210 = arith.constant 0 : index
      %swap3A_211 = tpu.vector_load %arg12[%swap3A, %swap3A_210] {strides = array<i32>} : memref<80x128xf32, #tpu.memory_space<vmem>>, vector<1x16xf32>,
      %swap3A_212 = vector.shape_cast %swap3A_211 : vector<1x16xf32> to vector<16xf32>
      %swap3A_213 = vector.shape_cast %select_n3A_209 : vector<16xf32> to vector<1x16xf32>
      tpu.vector_store %arg12[%swap3A, %swap3A_210], %swap3A_213 {strides = array<i32>} : memref<80x128xf32, #tpu.memory_space<vmem>>, vector<1x16xf32>,
      %select_n3A_214 = arith.select %eq3A_208, %max3A_205, %broadcast_in_dim3A_13 : vector<16xi1>, vector<16xf32>
      %swap3A_215 = arith.index_cast %scan3A_102 : i32 to index
      %swap3A_216 = arith.constant 16 : index
      %swap3A_217 = tpu.vector_load %arg12[%swap3A_215, %swap3A_216] {strides = array<i32>} : memref<80x128xf32, #tpu.memory_space<vmem>>, vector<1x16xf32>,
      %swap3A_218 = vector.shape_cast %swap3A_217 : vector<1x16xf32> to vector<16xf32>
      %swap3A_219 = vector.shape_cast %select_n3A_214 : vector<16xf32> to vector<1x16xf32>
      tpu.vector_store %arg12[%swap3A_215, %swap3A_216], %swap3A_219 {strides = array<i32>} : memref<80x128xf32, #tpu.memory_space<vmem>>, vector<1x16xf32>,
      %eq3A_220 = arith.constant 32 : i32
      %eq3A_221 = vector.broadcast %eq3A_220 : i32 to vector<16xi32>
      %eq3A_222 = arith.cmpi eq, %get3A_138, %eq3A_221 : vector<16xi32>
      %select_n3A_223 = arith.select %eq3A_222, %max3A_191, %broadcast_in_dim3A_13 : vector<16xi1>, vector<16xf32>
      %swap3A_224 = arith.index_cast %scan3A_102 : i32 to index
      %swap3A_225 = arith.constant 32 : index
      %swap3A_226 = tpu.vector_load %arg12[%swap3A_224, %swap3A_225] {strides = array<i32>} : memref<80x128xf32, #tpu.memory_space<vmem>>, vector<1x16xf32>,
      %swap3A_227 = vector.shape_cast %swap3A_226 : vector<1x16xf32> to vector<16xf32>
      %swap3A_228 = vector.shape_cast %select_n3A_223 : vector<16xf32> to vector<1x16xf32>
      tpu.vector_store %arg12[%swap3A_224, %swap3A_225], %swap3A_228 {strides = array<i32>} : memref<80x128xf32, #tpu.memory_space<vmem>>, vector<1x16xf32>,
      %select_n3A_229 = arith.select %eq3A_222, %max3A_205, %broadcast_in_dim3A_13 : vector<16xi1>, vector<16xf32>
      %swap3A_230 = arith.index_cast %scan3A_102 : i32 to index
      %swap3A_231 = arith.constant 48 : index
      %swap3A_232 = tpu.vector_load %arg12[%swap3A_230, %swap3A_231] {strides = array<i32>} : memref<80x128xf32, #tpu.memory_space<vmem>>, vector<1x16xf32>,
      %swap3A_233 = vector.shape_cast %swap3A_232 : vector<1x16xf32> to vector<16xf32>
      %swap3A_234 = vector.shape_cast %select_n3A_229 : vector<16xf32> to vector<1x16xf32>
      tpu.vector_store %arg12[%swap3A_230, %swap3A_231], %swap3A_234 {strides = array<i32>} : memref<80x128xf32, #tpu.memory_space<vmem>>, vector<1x16xf32>,
      %eq3A_235 = arith.constant 64 : i32
      %eq3A_236 = vector.broadcast %eq3A_235 : i32 to vector<16xi32>
      %eq3A_237 = arith.cmpi eq, %get3A_138, %eq3A_236 : vector<16xi32>
      %select_n3A_238 = arith.select %eq3A_237, %max3A_191, %broadcast_in_dim3A_13 : vector<16xi1>, vector<16xf32>
      %swap3A_239 = arith.index_cast %scan3A_102 : i32 to index
      %swap3A_240 = arith.constant 64 : index
      %swap3A_241 = tpu.vector_load %arg12[%swap3A_239, %swap3A_240] {strides = array<i32>} : memref<80x128xf32, #tpu.memory_space<vmem>>, vector<1x16xf32>,
      %swap3A_242 = vector.shape_cast %swap3A_241 : vector<1x16xf32> to vector<16xf32>
      %swap3A_243 = vector.shape_cast %select_n3A_238 : vector<16xf32> to vector<1x16xf32>
      tpu.vector_store %arg12[%swap3A_239, %swap3A_240], %swap3A_243 {strides = array<i32>} : memref<80x128xf32, #tpu.memory_space<vmem>>, vector<1x16xf32>,
      %select_n3A_244 = arith.select %eq3A_237, %max3A_205, %broadcast_in_dim3A_13 : vector<16xi1>, vector<16xf32>
      %swap3A_245 = arith.index_cast %scan3A_102 : i32 to index
      %swap3A_246 = arith.constant 80 : index
      %swap3A_247 = tpu.vector_load %arg12[%swap3A_245, %swap3A_246] {strides = array<i32>} : memref<80x128xf32, #tpu.memory_space<vmem>>, vector<1x16xf32>,
      %swap3A_248 = vector.shape_cast %swap3A_247 : vector<1x16xf32> to vector<16xf32>
      %swap3A_249 = vector.shape_cast %select_n3A_244 : vector<16xf32> to vector<1x16xf32>
      tpu.vector_store %arg12[%swap3A_245, %swap3A_246], %swap3A_249 {strides = array<i32>} : memref<80x128xf32, #tpu.memory_space<vmem>>, vector<1x16xf32>,
      %eq3A_250 = arith.constant 96 : i32
      %eq3A_251 = vector.broadcast %eq3A_250 : i32 to vector<16xi32>
      %eq3A_252 = arith.cmpi eq, %get3A_138, %eq3A_251 : vector<16xi32>
      %select_n3A_253 = arith.select %eq3A_252, %max3A_191, %broadcast_in_dim3A_13 : vector<16xi1>, vector<16xf32>
      %swap3A_254 = arith.index_cast %scan3A_102 : i32 to index
      %swap3A_255 = arith.constant 96 : index
      %swap3A_256 = tpu.vector_load %arg12[%swap3A_254, %swap3A_255] {strides = array<i32>} : memref<80x128xf32, #tpu.memory_space<vmem>>, vector<1x16xf32>,
      %swap3A_257 = vector.shape_cast %swap3A_256 : vector<1x16xf32> to vector<16xf32>
      %swap3A_258 = vector.shape_cast %select_n3A_253 : vector<16xf32> to vector<1x16xf32>
      tpu.vector_store %arg12[%swap3A_254, %swap3A_255], %swap3A_258 {strides = array<i32>} : memref<80x128xf32, #tpu.memory_space<vmem>>, vector<1x16xf32>,
      %select_n3A_259 = arith.select %eq3A_252, %max3A_205, %broadcast_in_dim3A_13 : vector<16xi1>, vector<16xf32>
      %swap3A_260 = arith.index_cast %scan3A_102 : i32 to index
      %swap3A_261 = arith.constant 112 : index
      %swap3A_262 = tpu.vector_load %arg12[%swap3A_260, %swap3A_261] {strides = array<i32>} : memref<80x128xf32, #tpu.memory_space<vmem>>, vector<1x16xf32>,
      %swap3A_263 = vector.shape_cast %swap3A_262 : vector<1x16xf32> to vector<16xf32>
      %swap3A_264 = vector.shape_cast %select_n3A_259 : vector<16xf32> to vector<1x16xf32>
      tpu.vector_store %arg12[%swap3A_260, %swap3A_261], %swap3A_264 {strides = array<i32>} : memref<80x128xf32, #tpu.memory_space<vmem>>, vector<1x16xf32>,
      %scan3A_265 = arith.constant 0 : i32
      scf.yield %scan3A_265 : i32
    }
    %scan3A_100 = arith.constant 80 : i32
    %run_scoped3A = arith.constant 124 : i32
    "tpu.region"() ({
      %run_scoped3A_102 = tpu.sem_alloc : memref<!tpu.dma_semaphore, #tpu.memory_space<semaphore_mem>>
      %dma_start3A_103 = arith.constant 0 : i32
      %dma_start3A_104 = tpu.memref_slice %arg9[%run_scoped3A, %dma_start3A_103] : memref<125x80xi32, #tpu.memory_space<vmem>> -> memref<1x80xi32, #tpu.memory_space<vmem>>
      %dma_start3A_105 = tpu.memref_squeeze %dma_start3A_104 : memref<1x80xi32, #tpu.memory_space<vmem>> -> memref<80xi32, #tpu.memory_space<vmem>>
      %dma_start3A_106 = arith.constant 0 : i32
      %dma_start3A_107 = arith.constant 0 : i32
      %dma_start3A_108 = tpu.memref_slice %arg16[%dma_start3A_106, %dma_start3A_107] : memref<2560x128xf32, #tpu.memory_space<vmem_shared>> -> memref<2560x128xf32, #tpu.memory_space<vmem_shared>>
      tpu.enqueue_indirect_dma source(%arg12 : memref<80x128xf32, #tpu.memory_space<vmem>>) target(%dma_start3A_108 : memref<2560x128xf32, #tpu.memory_space<vmem_shared>>) offsets(%dma_start3A_105 : memref<80xi32, #tpu.memory_space<vmem>>) semaphore(%run_scoped3A_102 : memref<!tpu.dma_semaphore, #tpu.memory_space<semaphore_mem>>) {add = true}
      %dma_wait3A_109 = arith.constant 0 : i32
      %dma_wait3A_110 = tpu.memref_slice %arg9[%run_scoped3A, %dma_wait3A_109] : memref<125x80xi32, #tpu.memory_space<vmem>> -> memref<1x80xi32, #tpu.memory_space<vmem>>
      %dma_wait3A_111 = tpu.memref_squeeze %dma_wait3A_110 : memref<1x80xi32, #tpu.memory_space<vmem>> -> memref<80xi32, #tpu.memory_space<vmem>>
      %dma_wait3A_112 = arith.constant 0 : i32
      %dma_wait3A_113 = arith.constant 0 : i32
      %dma_wait3A_114 = tpu.memref_slice %arg16[%dma_wait3A_112, %dma_wait3A_113] : memref<2560x128xf32, #tpu.memory_space<vmem_shared>> -> memref<2560x128xf32, #tpu.memory_space<vmem_shared>>
      tpu.wait_indirect_dma semaphore(%run_scoped3A_102 : memref<!tpu.dma_semaphore, #tpu.memory_space<semaphore_mem>>) src(%arg12 : memref<80x128xf32, #tpu.memory_space<vmem>>) dst(%dma_wait3A_114 : memref<2560x128xf32, #tpu.memory_space<vmem_shared>>)
      tpu.yield
    }) : () -> ()
    %barrier3A_101 = arith.constant 0 : index
    tpu.barrier barrier_id(%barrier3A_101)
    "tpu.region"() ({
      %run_scoped3A_102 = tpu.sem_alloc : memref<!tpu.dma_semaphore, #tpu.memory_space<semaphore_mem>>
      %dma_start3A_103 = arith.constant 0 : i32
      %dma_start3A_104 = tpu.memref_slice %arg7[%arg0, %mul3A_8, %dma_start3A_103] : memref<2x2560x128xf32, #tpu.memory_space<hbm>> -> memref<1x160x128xf32, #tpu.memory_space<hbm>>
      %dma_start3A_105 = tpu.memref_squeeze %dma_start3A_104 : memref<1x160x128xf32, #tpu.memory_space<hbm>> -> memref<160x128xf32, #tpu.memory_space<hbm>>
      %dma_start3A_106 = arith.constant 0 : i32
      %dma_start3A_107 = tpu.memref_slice %arg16[%mul3A_8, %dma_start3A_106] : memref<2560x128xf32, #tpu.memory_space<vmem_shared>> -> memref<160x128xf32, #tpu.memory_space<vmem_shared>>
      tpu.enqueue_dma source(%dma_start3A_107 : memref<160x128xf32, #tpu.memory_space<vmem_shared>>) target(%dma_start3A_105 : memref<160x128xf32, #tpu.memory_space<hbm>>) target_semaphore(%run_scoped3A_102 : memref<!tpu.dma_semaphore, #tpu.memory_space<semaphore_mem>>)
      %dma_wait3A_108 = arith.constant 0 : i32
      %dma_wait3A_109 = tpu.memref_slice %arg7[%arg0, %mul3A_8, %dma_wait3A_108] : memref<2x2560x128xf32, #tpu.memory_space<hbm>> -> memref<1x160x128xf32, #tpu.memory_space<hbm>>
      %dma_wait3A_110 = tpu.memref_squeeze %dma_wait3A_109 : memref<1x160x128xf32, #tpu.memory_space<hbm>> -> memref<160x128xf32, #tpu.memory_space<hbm>>
      %dma_wait3A_111 = arith.constant 0 : i32
      %dma_wait3A_112 = tpu.memref_slice %arg16[%mul3A_8, %dma_wait3A_111] : memref<2560x128xf32, #tpu.memory_space<vmem_shared>> -> memref<160x128xf32, #tpu.memory_space<vmem_shared>>
      tpu.wait_dma2 semaphore(%run_scoped3A_102 : memref<!tpu.dma_semaphore, #tpu.memory_space<semaphore_mem>>) src(%dma_wait3A_112 : memref<160x128xf32, #tpu.memory_space<vmem_shared>>) dst(%dma_wait3A_110 : memref<160x128xf32, #tpu.memory_space<hbm>>)
      tpu.yield
    }) : () -> ()
    return
  }
}

module attributes {stable_mosaic.version = 14 : i64} {
  func.func @_fold_body(%arg0: i32, %arg1: memref<16x128xf32, #tpu.memory_space<vmem>>, %arg2: memref<1x128xf32, #tpu.memory_space<vmem>>, %arg3: memref<128x128xf32, #tpu.memory_space<vmem>>, %arg4: memref<1x128xf32, #tpu.memory_space<vmem>>, %arg5: memref<128x32xf32, #tpu.memory_space<vmem>>, %arg6: memref<1x32xf32, #tpu.memory_space<vmem>>, %arg7: memref<128x32xf32, #tpu.memory_space<vmem>>, %arg8: memref<1x32xf32, #tpu.memory_space<vmem>>, %arg9: memref<128x16xf32, #tpu.memory_space<vmem>>, %arg10: memref<1x16xf32, #tpu.memory_space<vmem>>, %arg11: memref<16x128xf32, #tpu.memory_space<vmem>>, %arg12: memref<1x128xf32, #tpu.memory_space<vmem>>, %arg13: memref<16x32xf32, #tpu.memory_space<vmem>>, %arg14: memref<1x32xf32, #tpu.memory_space<vmem>>, %arg15: memref<16x32xf32, #tpu.memory_space<vmem>>, %arg16: memref<1x32xf32, #tpu.memory_space<vmem>>, %arg17: memref<16x16xf32, #tpu.memory_space<vmem>>, %arg18: memref<1x16xf32, #tpu.memory_space<vmem>>) attributes {dimension_semantics = [#tpu.dimension_semantics<arbitrary>], iteration_bounds = array<i64: 1>, scalar_prefetch = 0 : i64, scratch_operands = 0 : i64, tpu.core_type = #tpu.core_type<tc>, window_params = [{pipeline_mode = #tpu.pipeline_mode<synchronous>, transform_indices = @transform_0, window_bounds = array<i64: 16, 128>}, {pipeline_mode = #tpu.pipeline_mode<synchronous>, transform_indices = @transform_1, window_bounds = array<i64: 1, 128>}, {pipeline_mode = #tpu.pipeline_mode<synchronous>, transform_indices = @transform_2, window_bounds = array<i64: 128, 128>}, {pipeline_mode = #tpu.pipeline_mode<synchronous>, transform_indices = @transform_3, window_bounds = array<i64: 1, 128>}, {pipeline_mode = #tpu.pipeline_mode<synchronous>, transform_indices = @transform_4, window_bounds = array<i64: 128, 32>}, {pipeline_mode = #tpu.pipeline_mode<synchronous>, transform_indices = @transform_5, window_bounds = array<i64: 1, 32>}, {pipeline_mode = #tpu.pipeline_mode<synchronous>, transform_indices = @transform_6, window_bounds = array<i64: 128, 32>}, {pipeline_mode = #tpu.pipeline_mode<synchronous>, transform_indices = @transform_7, window_bounds = array<i64: 1, 32>}, {pipeline_mode = #tpu.pipeline_mode<synchronous>, transform_indices = @transform_8, window_bounds = array<i64: 128, 16>}, {pipeline_mode = #tpu.pipeline_mode<synchronous>, transform_indices = @transform_9, window_bounds = array<i64: 1, 16>}, {pipeline_mode = #tpu.pipeline_mode<synchronous>, transform_indices = @transform_10, window_bounds = array<i64: 16, 128>}, {pipeline_mode = #tpu.pipeline_mode<synchronous>, transform_indices = @transform_11, window_bounds = array<i64: 1, 128>}, {pipeline_mode = #tpu.pipeline_mode<synchronous>, transform_indices = @transform_12, window_bounds = array<i64: 16, 32>}, {pipeline_mode = #tpu.pipeline_mode<synchronous>, transform_indices = @transform_13, window_bounds = array<i64: 1, 32>}, {pipeline_mode = #tpu.pipeline_mode<synchronous>, transform_indices = @transform_14, window_bounds = array<i64: 16, 32>}, {pipeline_mode = #tpu.pipeline_mode<synchronous>, transform_indices = @transform_15, window_bounds = array<i64: 1, 32>}, {pipeline_mode = #tpu.pipeline_mode<synchronous>, transform_indices = @transform_16, window_bounds = array<i64: 16, 16>}, {pipeline_mode = #tpu.pipeline_mode<synchronous>, transform_indices = @transform_17, window_bounds = array<i64: 1, 16>}]} {
    %get3A = arith.constant 0 : index
    %get3A_0 = arith.constant 0 : index
    %get3A_1 = vector.load %arg1[%get3A, %get3A_0] : memref<16x128xf32, #tpu.memory_space<vmem>>, vector<16x128xf32>
    %get3A_2 = arith.constant 0 : index
    %get3A_3 = arith.constant 0 : index
    %get3A_4 = vector.load %arg2[%get3A_2, %get3A_3] : memref<1x128xf32, #tpu.memory_space<vmem>>, vector<1x128xf32>
    %get3A_5 = arith.constant 0 : index
    %get3A_6 = arith.constant 0 : index
    %get3A_7 = vector.load %arg3[%get3A_5, %get3A_6] : memref<128x128xf32, #tpu.memory_space<vmem>>, vector<128x128xf32>
    %dot_general3A = arith.constant dense<0.000000e+00> : vector<16x128xf32>
    %dot_general3A_8 = tpu.matmul %get3A_1, %get3A_7, %dot_general3A {dimension_numbers = #tpu.dot_dimension_numbers<[1], [0], [0], [1], [0, 0, 1, 1], [], []>, transpose_lhs_hint = false} : vector<16x128xf32>, vector<128x128xf32>, vector<16x128xf32> -> vector<16x128xf32>
    %swap3A = arith.constant 0 : index
    %swap3A_9 = arith.constant 0 : index
    %swap3A_10 = vector.load %arg11[%swap3A, %swap3A_9] : memref<16x128xf32, #tpu.memory_space<vmem>>, vector<16x128xf32>
    tpu.vector_store %arg11[%swap3A, %swap3A_9], %dot_general3A_8 {strides = array<i32>} : memref<16x128xf32, #tpu.memory_space<vmem>>, vector<16x128xf32>,
    %dot_general3A_11 = arith.constant dense<0.000000e+00> : vector<1x128xf32>
    %dot_general3A_12 = tpu.matmul %get3A_4, %get3A_7, %dot_general3A_11 {dimension_numbers = #tpu.dot_dimension_numbers<[1], [0], [0], [1], [0, 0, 1, 1], [], []>, transpose_lhs_hint = false} : vector<1x128xf32>, vector<128x128xf32>, vector<1x128xf32> -> vector<1x128xf32>
    %get3A_13 = arith.constant 0 : index
    %get3A_14 = arith.constant 0 : index
    %get3A_15 = vector.load %arg4[%get3A_13, %get3A_14] : memref<1x128xf32, #tpu.memory_space<vmem>>, vector<1x128xf32>
    %add3A = arith.addf %dot_general3A_12, %get3A_15 : vector<1x128xf32>
    %swap3A_16 = arith.constant 0 : index
    %swap3A_17 = arith.constant 0 : index
    %swap3A_18 = vector.load %arg12[%swap3A_16, %swap3A_17] : memref<1x128xf32, #tpu.memory_space<vmem>>, vector<1x128xf32>
    tpu.vector_store %arg12[%swap3A_16, %swap3A_17], %add3A {strides = array<i32>} : memref<1x128xf32, #tpu.memory_space<vmem>>, vector<1x128xf32>,
    %get3A_19 = arith.constant 0 : index
    %get3A_20 = arith.constant 0 : index
    %get3A_21 = vector.load %arg5[%get3A_19, %get3A_20] : memref<128x32xf32, #tpu.memory_space<vmem>>, vector<128x32xf32>
    %dot_general3A_22 = arith.constant dense<0.000000e+00> : vector<16x32xf32>
    %dot_general3A_23 = tpu.matmul %get3A_1, %get3A_21, %dot_general3A_22 {dimension_numbers = #tpu.dot_dimension_numbers<[1], [0], [0], [1], [0, 0, 1, 1], [], []>, transpose_lhs_hint = false} : vector<16x128xf32>, vector<128x32xf32>, vector<16x32xf32> -> vector<16x32xf32>
    %swap3A_24 = arith.constant 0 : index
    %swap3A_25 = arith.constant 0 : index
    %swap3A_26 = vector.load %arg13[%swap3A_24, %swap3A_25] : memref<16x32xf32, #tpu.memory_space<vmem>>, vector<16x32xf32>
    tpu.vector_store %arg13[%swap3A_24, %swap3A_25], %dot_general3A_23 {strides = array<i32>} : memref<16x32xf32, #tpu.memory_space<vmem>>, vector<16x32xf32>,
    %dot_general3A_27 = arith.constant dense<0.000000e+00> : vector<1x32xf32>
    %dot_general3A_28 = tpu.matmul %get3A_4, %get3A_21, %dot_general3A_27 {dimension_numbers = #tpu.dot_dimension_numbers<[1], [0], [0], [1], [0, 0, 1, 1], [], []>, transpose_lhs_hint = false} : vector<1x128xf32>, vector<128x32xf32>, vector<1x32xf32> -> vector<1x32xf32>
    %get3A_29 = arith.constant 0 : index
    %get3A_30 = arith.constant 0 : index
    %get3A_31 = vector.load %arg6[%get3A_29, %get3A_30] : memref<1x32xf32, #tpu.memory_space<vmem>>, vector<1x32xf32>
    %add3A_32 = arith.addf %dot_general3A_28, %get3A_31 : vector<1x32xf32>
    %swap3A_33 = arith.constant 0 : index
    %swap3A_34 = arith.constant 0 : index
    %swap3A_35 = vector.load %arg14[%swap3A_33, %swap3A_34] : memref<1x32xf32, #tpu.memory_space<vmem>>, vector<1x32xf32>
    tpu.vector_store %arg14[%swap3A_33, %swap3A_34], %add3A_32 {strides = array<i32>} : memref<1x32xf32, #tpu.memory_space<vmem>>, vector<1x32xf32>,
    %get3A_36 = arith.constant 0 : index
    %get3A_37 = arith.constant 0 : index
    %get3A_38 = vector.load %arg7[%get3A_36, %get3A_37] : memref<128x32xf32, #tpu.memory_space<vmem>>, vector<128x32xf32>
    %dot_general3A_39 = arith.constant dense<0.000000e+00> : vector<16x32xf32>
    %dot_general3A_40 = tpu.matmul %get3A_1, %get3A_38, %dot_general3A_39 {dimension_numbers = #tpu.dot_dimension_numbers<[1], [0], [0], [1], [0, 0, 1, 1], [], []>, transpose_lhs_hint = false} : vector<16x128xf32>, vector<128x32xf32>, vector<16x32xf32> -> vector<16x32xf32>
    %swap3A_41 = arith.constant 0 : index
    %swap3A_42 = arith.constant 0 : index
    %swap3A_43 = vector.load %arg15[%swap3A_41, %swap3A_42] : memref<16x32xf32, #tpu.memory_space<vmem>>, vector<16x32xf32>
    tpu.vector_store %arg15[%swap3A_41, %swap3A_42], %dot_general3A_40 {strides = array<i32>} : memref<16x32xf32, #tpu.memory_space<vmem>>, vector<16x32xf32>,
    %dot_general3A_44 = arith.constant dense<0.000000e+00> : vector<1x32xf32>
    %dot_general3A_45 = tpu.matmul %get3A_4, %get3A_38, %dot_general3A_44 {dimension_numbers = #tpu.dot_dimension_numbers<[1], [0], [0], [1], [0, 0, 1, 1], [], []>, transpose_lhs_hint = false} : vector<1x128xf32>, vector<128x32xf32>, vector<1x32xf32> -> vector<1x32xf32>
    %get3A_46 = arith.constant 0 : index
    %get3A_47 = arith.constant 0 : index
    %get3A_48 = vector.load %arg8[%get3A_46, %get3A_47] : memref<1x32xf32, #tpu.memory_space<vmem>>, vector<1x32xf32>
    %add3A_49 = arith.addf %dot_general3A_45, %get3A_48 : vector<1x32xf32>
    %swap3A_50 = arith.constant 0 : index
    %swap3A_51 = arith.constant 0 : index
    %swap3A_52 = vector.load %arg16[%swap3A_50, %swap3A_51] : memref<1x32xf32, #tpu.memory_space<vmem>>, vector<1x32xf32>
    tpu.vector_store %arg16[%swap3A_50, %swap3A_51], %add3A_49 {strides = array<i32>} : memref<1x32xf32, #tpu.memory_space<vmem>>, vector<1x32xf32>,
    %get3A_53 = arith.constant 0 : index
    %get3A_54 = arith.constant 0 : index
    %get3A_55 = vector.load %arg9[%get3A_53, %get3A_54] : memref<128x16xf32, #tpu.memory_space<vmem>>, vector<128x16xf32>
    %dot_general3A_56 = arith.constant dense<0.000000e+00> : vector<16x16xf32>
    %dot_general3A_57 = tpu.matmul %get3A_1, %get3A_55, %dot_general3A_56 {dimension_numbers = #tpu.dot_dimension_numbers<[1], [0], [0], [1], [0, 0, 1, 1], [], []>, transpose_lhs_hint = false} : vector<16x128xf32>, vector<128x16xf32>, vector<16x16xf32> -> vector<16x16xf32>
    %swap3A_58 = arith.constant 0 : index
    %swap3A_59 = arith.constant 0 : index
    %swap3A_60 = vector.load %arg17[%swap3A_58, %swap3A_59] : memref<16x16xf32, #tpu.memory_space<vmem>>, vector<16x16xf32>
    tpu.vector_store %arg17[%swap3A_58, %swap3A_59], %dot_general3A_57 {strides = array<i32>} : memref<16x16xf32, #tpu.memory_space<vmem>>, vector<16x16xf32>,
    %dot_general3A_61 = arith.constant dense<0.000000e+00> : vector<1x16xf32>
    %dot_general3A_62 = tpu.matmul %get3A_4, %get3A_55, %dot_general3A_61 {dimension_numbers = #tpu.dot_dimension_numbers<[1], [0], [0], [1], [0, 0, 1, 1], [], []>, transpose_lhs_hint = false} : vector<1x128xf32>, vector<128x16xf32>, vector<1x16xf32> -> vector<1x16xf32>
    %get3A_63 = arith.constant 0 : index
    %get3A_64 = arith.constant 0 : index
    %get3A_65 = vector.load %arg10[%get3A_63, %get3A_64] : memref<1x16xf32, #tpu.memory_space<vmem>>, vector<1x16xf32>
    %add3A_66 = arith.addf %dot_general3A_62, %get3A_65 : vector<1x16xf32>
    %swap3A_67 = arith.constant 0 : index
    %swap3A_68 = arith.constant 0 : index
    %swap3A_69 = vector.load %arg18[%swap3A_67, %swap3A_68] : memref<1x16xf32, #tpu.memory_space<vmem>>, vector<1x16xf32>
    tpu.vector_store %arg18[%swap3A_67, %swap3A_68], %add3A_66 {strides = array<i32>} : memref<1x16xf32, #tpu.memory_space<vmem>>, vector<1x16xf32>,
    return
  }
  func.func @transform_0(%arg0: i32) -> (i32, i32) {
    %c0_i32 = arith.constant 0 : i32
    %c0_i32_0 = arith.constant 0 : i32
    %c0_i32_1 = arith.constant 0 : i32
    return %c0_i32, %c0_i32_0 : i32, i32
  }
  func.func @transform_1(%arg0: i32) -> (i32, i32) {
    %c0_i32 = arith.constant 0 : i32
    %c0_i32_0 = arith.constant 0 : i32
    %c0_i32_1 = arith.constant 0 : i32
    return %c0_i32, %c0_i32_0 : i32, i32
  }
  func.func @transform_2(%arg0: i32) -> (i32, i32) {
    %c0_i32 = arith.constant 0 : i32
    %c0_i32_0 = arith.constant 0 : i32
    %c0_i32_1 = arith.constant 0 : i32
    return %c0_i32, %c0_i32_0 : i32, i32
  }
  func.func @transform_3(%arg0: i32) -> (i32, i32) {
    %c0_i32 = arith.constant 0 : i32
    %c0_i32_0 = arith.constant 0 : i32
    %c0_i32_1 = arith.constant 0 : i32
    return %c0_i32, %c0_i32_0 : i32, i32
  }
  func.func @transform_4(%arg0: i32) -> (i32, i32) {
    %c0_i32 = arith.constant 0 : i32
    %c0_i32_0 = arith.constant 0 : i32
    %c0_i32_1 = arith.constant 0 : i32
    return %c0_i32, %c0_i32_0 : i32, i32
  }
  func.func @transform_5(%arg0: i32) -> (i32, i32) {
    %c0_i32 = arith.constant 0 : i32
    %c0_i32_0 = arith.constant 0 : i32
    %c0_i32_1 = arith.constant 0 : i32
    return %c0_i32, %c0_i32_0 : i32, i32
  }
  func.func @transform_6(%arg0: i32) -> (i32, i32) {
    %c0_i32 = arith.constant 0 : i32
    %c0_i32_0 = arith.constant 0 : i32
    %c0_i32_1 = arith.constant 0 : i32
    return %c0_i32, %c0_i32_0 : i32, i32
  }
  func.func @transform_7(%arg0: i32) -> (i32, i32) {
    %c0_i32 = arith.constant 0 : i32
    %c0_i32_0 = arith.constant 0 : i32
    %c0_i32_1 = arith.constant 0 : i32
    return %c0_i32, %c0_i32_0 : i32, i32
  }
  func.func @transform_8(%arg0: i32) -> (i32, i32) {
    %c0_i32 = arith.constant 0 : i32
    %c0_i32_0 = arith.constant 0 : i32
    %c0_i32_1 = arith.constant 0 : i32
    return %c0_i32, %c0_i32_0 : i32, i32
  }
  func.func @transform_9(%arg0: i32) -> (i32, i32) {
    %c0_i32 = arith.constant 0 : i32
    %c0_i32_0 = arith.constant 0 : i32
    %c0_i32_1 = arith.constant 0 : i32
    return %c0_i32, %c0_i32_0 : i32, i32
  }
  func.func @transform_10(%arg0: i32) -> (i32, i32) {
    %c0_i32 = arith.constant 0 : i32
    %c0_i32_0 = arith.constant 0 : i32
    %c0_i32_1 = arith.constant 0 : i32
    return %c0_i32, %c0_i32_0 : i32, i32
  }
  func.func @transform_11(%arg0: i32) -> (i32, i32) {
    %c0_i32 = arith.constant 0 : i32
    %c0_i32_0 = arith.constant 0 : i32
    %c0_i32_1 = arith.constant 0 : i32
    return %c0_i32, %c0_i32_0 : i32, i32
  }
  func.func @transform_12(%arg0: i32) -> (i32, i32) {
    %c0_i32 = arith.constant 0 : i32
    %c0_i32_0 = arith.constant 0 : i32
    %c0_i32_1 = arith.constant 0 : i32
    return %c0_i32, %c0_i32_0 : i32, i32
  }
  func.func @transform_13(%arg0: i32) -> (i32, i32) {
    %c0_i32 = arith.constant 0 : i32
    %c0_i32_0 = arith.constant 0 : i32
    %c0_i32_1 = arith.constant 0 : i32
    return %c0_i32, %c0_i32_0 : i32, i32
  }
  func.func @transform_14(%arg0: i32) -> (i32, i32) {
    %c0_i32 = arith.constant 0 : i32
    %c0_i32_0 = arith.constant 0 : i32
    %c0_i32_1 = arith.constant 0 : i32
    return %c0_i32, %c0_i32_0 : i32, i32
  }
  func.func @transform_15(%arg0: i32) -> (i32, i32) {
    %c0_i32 = arith.constant 0 : i32
    %c0_i32_0 = arith.constant 0 : i32
    %c0_i32_1 = arith.constant 0 : i32
    return %c0_i32, %c0_i32_0 : i32, i32
  }
  func.func @transform_16(%arg0: i32) -> (i32, i32) {
    %c0_i32 = arith.constant 0 : i32
    %c0_i32_0 = arith.constant 0 : i32
    %c0_i32_1 = arith.constant 0 : i32
    return %c0_i32, %c0_i32_0 : i32, i32
  }
  func.func @transform_17(%arg0: i32) -> (i32, i32) {
    %c0_i32 = arith.constant 0 : i32
    %c0_i32_0 = arith.constant 0 : i32
    %c0_i32_1 = arith.constant 0 : i32
    return %c0_i32, %c0_i32_0 : i32, i32
  }
}

module attributes {stable_mosaic.version = 14 : i64} {
  func.func @_edge_body(%arg0: i32, %arg1: memref<3200x16xf32, #tpu.memory_space<vmem>>, %arg2: memref<800x64xf32, #tpu.memory_space<vmem>>, %arg3: memref<16x128xf32, #tpu.memory_space<vmem>>, %arg4: memref<1x128xf32, #tpu.memory_space<vmem>>, %arg5: memref<64x128xf32, #tpu.memory_space<vmem>>, %arg6: memref<1x128xf32, #tpu.memory_space<vmem>>, %arg7: memref<64x128xf32, #tpu.memory_space<vmem>>, %arg8: memref<1x128xf32, #tpu.memory_space<vmem>>, %arg9: memref<16x16xf32, #tpu.memory_space<vmem>>, %arg10: memref<1x16xf32, #tpu.memory_space<vmem>>, %arg11: memref<40x80x128xf32, #tpu.memory_space<vmem>>, %arg12: memref<800x128xf32, #tpu.memory_space<vmem>>, %arg13: memref<800x128xf32, #tpu.memory_space<vmem>>, %arg14: memref<3200x16xf32, #tpu.memory_space<vmem>>) attributes {dimension_semantics = [#tpu.dimension_semantics<arbitrary>], iteration_bounds = array<i64: 100>, scalar_prefetch = 0 : i64, scratch_operands = 0 : i64, tpu.core_type = #tpu.core_type<tc>, window_params = [{transform_indices = @transform_0, window_bounds = array<i64: 3200, 16>}, {transform_indices = @transform_1, window_bounds = array<i64: 800, 64>}, {pipeline_mode = #tpu.pipeline_mode<synchronous>, transform_indices = @transform_2, window_bounds = array<i64: 16, 128>}, {pipeline_mode = #tpu.pipeline_mode<synchronous>, transform_indices = @transform_3, window_bounds = array<i64: 1, 128>}, {pipeline_mode = #tpu.pipeline_mode<synchronous>, transform_indices = @transform_4, window_bounds = array<i64: 64, 128>}, {pipeline_mode = #tpu.pipeline_mode<synchronous>, transform_indices = @transform_5, window_bounds = array<i64: 1, 128>}, {pipeline_mode = #tpu.pipeline_mode<synchronous>, transform_indices = @transform_6, window_bounds = array<i64: 64, 128>}, {pipeline_mode = #tpu.pipeline_mode<synchronous>, transform_indices = @transform_7, window_bounds = array<i64: 1, 128>}, {pipeline_mode = #tpu.pipeline_mode<synchronous>, transform_indices = @transform_8, window_bounds = array<i64: 16, 16>}, {pipeline_mode = #tpu.pipeline_mode<synchronous>, transform_indices = @transform_9, window_bounds = array<i64: 1, 16>}, {transform_indices = @transform_10, window_bounds = array<i64: 40, 80, 128>}, {transform_indices = @transform_11, window_bounds = array<i64: 800, 128>}, {transform_indices = @transform_12, window_bounds = array<i64: 800, 128>}, {transform_indices = @transform_13, window_bounds = array<i64: 3200, 16>}]} {
    %get3A = arith.constant 0 : index
    %get3A_0 = arith.constant 0 : index
    %get3A_1 = vector.load %arg1[%get3A, %get3A_0] : memref<3200x16xf32, #tpu.memory_space<vmem>>, vector<3200x16xf32>
    %get3A_2 = arith.constant 0 : index
    %get3A_3 = arith.constant 0 : index
    %get3A_4 = vector.load %arg3[%get3A_2, %get3A_3] : memref<16x128xf32, #tpu.memory_space<vmem>>, vector<16x128xf32>
    %dot_general3A = arith.constant dense<0.000000e+00> : vector<3200x128xf32>
    %dot_general3A_5 = tpu.matmul %get3A_1, %get3A_4, %dot_general3A {dimension_numbers = #tpu.dot_dimension_numbers<[1], [0], [0], [1], [0, 0, 1, 1], [], []>, transpose_lhs_hint = false} : vector<3200x16xf32>, vector<16x128xf32>, vector<3200x128xf32> -> vector<3200x128xf32>
    %get3A_6 = arith.constant 0 : index
    %get3A_7 = arith.constant 0 : index
    %get3A_8 = vector.load %arg4[%get3A_6, %get3A_7] : memref<1x128xf32, #tpu.memory_space<vmem>>, vector<1x128xf32>
    %add3A = vector.broadcast %get3A_8 : vector<1x128xf32> to vector<3200x128xf32>
    %add3A_9 = arith.addf %dot_general3A_5, %add3A : vector<3200x128xf32>
    %reshape3A = vector.shape_cast %add3A_9 : vector<3200x128xf32> to vector<40x80x128xf32>
    %swap3A = arith.constant 0 : index
    %swap3A_10 = arith.constant 0 : index
    %swap3A_11 = arith.constant 0 : index
    %swap3A_12 = vector.load %arg11[%swap3A, %swap3A_10, %swap3A_11] : memref<40x80x128xf32, #tpu.memory_space<vmem>>, vector<40x80x128xf32>
    tpu.vector_store %arg11[%swap3A, %swap3A_10, %swap3A_11], %reshape3A {strides = array<i32>} : memref<40x80x128xf32, #tpu.memory_space<vmem>>, vector<40x80x128xf32>,
    %get3A_13 = arith.constant 0 : index
    %get3A_14 = arith.constant 0 : index
    %get3A_15 = vector.load %arg2[%get3A_13, %get3A_14] : memref<800x64xf32, #tpu.memory_space<vmem>>, vector<800x64xf32>
    %get3A_16 = arith.constant 0 : index
    %get3A_17 = arith.constant 0 : index
    %get3A_18 = vector.load %arg5[%get3A_16, %get3A_17] : memref<64x128xf32, #tpu.memory_space<vmem>>, vector<64x128xf32>
    %dot_general3A_19 = arith.constant dense<0.000000e+00> : vector<800x128xf32>
    %dot_general3A_20 = tpu.matmul %get3A_15, %get3A_18, %dot_general3A_19 {dimension_numbers = #tpu.dot_dimension_numbers<[1], [0], [0], [1], [0, 0, 1, 1], [], []>, transpose_lhs_hint = false} : vector<800x64xf32>, vector<64x128xf32>, vector<800x128xf32> -> vector<800x128xf32>
    %get3A_21 = arith.constant 0 : index
    %get3A_22 = arith.constant 0 : index
    %get3A_23 = vector.load %arg6[%get3A_21, %get3A_22] : memref<1x128xf32, #tpu.memory_space<vmem>>, vector<1x128xf32>
    %add3A_24 = vector.broadcast %get3A_23 : vector<1x128xf32> to vector<800x128xf32>
    %add3A_25 = arith.addf %dot_general3A_20, %add3A_24 : vector<800x128xf32>
    %swap3A_26 = arith.constant 0 : index
    %swap3A_27 = arith.constant 0 : index
    %swap3A_28 = vector.load %arg12[%swap3A_26, %swap3A_27] : memref<800x128xf32, #tpu.memory_space<vmem>>, vector<800x128xf32>
    tpu.vector_store %arg12[%swap3A_26, %swap3A_27], %add3A_25 {strides = array<i32>} : memref<800x128xf32, #tpu.memory_space<vmem>>, vector<800x128xf32>,
    %get3A_29 = arith.constant 0 : index
    %get3A_30 = arith.constant 0 : index
    %get3A_31 = vector.load %arg7[%get3A_29, %get3A_30] : memref<64x128xf32, #tpu.memory_space<vmem>>, vector<64x128xf32>
    %dot_general3A_32 = arith.constant dense<0.000000e+00> : vector<800x128xf32>
    %dot_general3A_33 = tpu.matmul %get3A_15, %get3A_31, %dot_general3A_32 {dimension_numbers = #tpu.dot_dimension_numbers<[1], [0], [0], [1], [0, 0, 1, 1], [], []>, transpose_lhs_hint = false} : vector<800x64xf32>, vector<64x128xf32>, vector<800x128xf32> -> vector<800x128xf32>
    %get3A_34 = arith.constant 0 : index
    %get3A_35 = arith.constant 0 : index
    %get3A_36 = vector.load %arg8[%get3A_34, %get3A_35] : memref<1x128xf32, #tpu.memory_space<vmem>>, vector<1x128xf32>
    %add3A_37 = vector.broadcast %get3A_36 : vector<1x128xf32> to vector<800x128xf32>
    %add3A_38 = arith.addf %dot_general3A_33, %add3A_37 : vector<800x128xf32>
    %swap3A_39 = arith.constant 0 : index
    %swap3A_40 = arith.constant 0 : index
    %swap3A_41 = vector.load %arg13[%swap3A_39, %swap3A_40] : memref<800x128xf32, #tpu.memory_space<vmem>>, vector<800x128xf32>
    tpu.vector_store %arg13[%swap3A_39, %swap3A_40], %add3A_38 {strides = array<i32>} : memref<800x128xf32, #tpu.memory_space<vmem>>, vector<800x128xf32>,
    %get3A_42 = arith.constant 0 : index
    %get3A_43 = arith.constant 0 : index
    %get3A_44 = vector.load %arg9[%get3A_42, %get3A_43] : memref<16x16xf32, #tpu.memory_space<vmem>>, vector<16x16xf32>
    %dot_general3A_45 = arith.constant dense<0.000000e+00> : vector<3200x16xf32>
    %dot_general3A_46 = tpu.matmul %get3A_1, %get3A_44, %dot_general3A_45 {dimension_numbers = #tpu.dot_dimension_numbers<[1], [0], [0], [1], [0, 0, 1, 1], [], []>, transpose_lhs_hint = false} : vector<3200x16xf32>, vector<16x16xf32>, vector<3200x16xf32> -> vector<3200x16xf32>
    %get3A_47 = arith.constant 0 : index
    %get3A_48 = arith.constant 0 : index
    %get3A_49 = vector.load %arg10[%get3A_47, %get3A_48] : memref<1x16xf32, #tpu.memory_space<vmem>>, vector<1x16xf32>
    %add3A_50 = vector.broadcast %get3A_49 : vector<1x16xf32> to vector<3200x16xf32>
    %add3A_51 = arith.addf %dot_general3A_46, %add3A_50 : vector<3200x16xf32>
    %slice3A = vector.extract_strided_slice %add3A_51 {offsets = [3199, 0], sizes = [1, 16], strides = [1, 1]} : vector<3200x16xf32> to vector<1x16xf32>
    %slice3A_52 = vector.extract_strided_slice %add3A_51 {offsets = [0, 0], sizes = [3199, 16], strides = [1, 1]} : vector<3200x16xf32> to vector<3199x16xf32>
    %concatenate3A = tpu.concatenate %slice3A, %slice3A_52 in 0 : vector<1x16xf32>, vector<3199x16xf32> -> vector<3200x16xf32>
    %slice3A_53 = vector.extract_strided_slice %add3A_51 {offsets = [1, 0], sizes = [3199, 16], strides = [1, 1]} : vector<3200x16xf32> to vector<3199x16xf32>
    %slice3A_54 = vector.extract_strided_slice %add3A_51 {offsets = [0, 0], sizes = [1, 16], strides = [1, 1]} : vector<3200x16xf32> to vector<1x16xf32>
    %concatenate3A_55 = tpu.concatenate %slice3A_53, %slice3A_54 in 0 : vector<3199x16xf32>, vector<1x16xf32> -> vector<3200x16xf32>
    %iota3A = tpu.iota {dimensions = array<i32: 0>} : vector<3200x16xi32>
    %jit3A = arith.constant 2 : i32
    %eq3A = arith.constant 0 : i32
    %eq3A_56 = arith.cmpi eq, %jit3A, %eq3A : i32
    %jit3A_57 = arith.constant 1 : i32
    %select_n3A = arith.select %eq3A_56, %jit3A_57, %jit3A : i32
    %rem3A = vector.broadcast %select_n3A : i32 to vector<3200x16xi32>
    %rem3A_58 = arith.remsi %iota3A, %rem3A : vector<3200x16xi32>
    %ne3A = arith.constant 0 : i32
    %ne3A_59 = vector.broadcast %ne3A : i32 to vector<3200x16xi32>
    %ne3A_60 = arith.cmpi ne, %rem3A_58, %ne3A_59 : vector<3200x16xi32>
    %lt3A = arith.constant 0 : i32
    %lt3A_61 = vector.broadcast %lt3A : i32 to vector<3200x16xi32>
    %lt3A_62 = arith.cmpi slt, %rem3A_58, %lt3A_61 : vector<3200x16xi32>
    %lt3A_63 = arith.constant 0 : i32
    %lt3A_64 = arith.cmpi slt, %select_n3A, %lt3A_63 : i32
    %ne3A_65 = vector.broadcast %lt3A_64 : i1 to vector<3200x16xi1>
    %ne3A_66 = vector.broadcast %ne3A_65 : vector<3200x16xi1> to vector<3200x16xi1>
    %ne3A_67 = arith.xori %lt3A_62, %ne3A_66 : vector<3200x16xi1>
    %and3A = arith.andi %ne3A_67, %ne3A_60 : vector<3200x16xi1>
    %add3A_68 = vector.broadcast %select_n3A : i32 to vector<3200x16xi32>
    %add3A_69 = arith.addi %rem3A_58, %add3A_68 : vector<3200x16xi32>
    %select_n3A_70 = arith.select %and3A, %add3A_69, %rem3A_58 : vector<3200x16xi1>, vector<3200x16xi32>
    %eq3A_71 = arith.constant 1 : i32
    %eq3A_72 = vector.broadcast %eq3A_71 : i32 to vector<3200x16xi32>
    %eq3A_73 = arith.cmpi eq, %select_n3A_70, %eq3A_72 : vector<3200x16xi32>
    %select_n3A_74 = arith.select %eq3A_73, %concatenate3A, %concatenate3A_55 : vector<3200x16xi1>, vector<3200x16xf32>
    %add3A_75 = arith.addf %add3A_51, %select_n3A_74 : vector<3200x16xf32>
    %mul3A = arith.constant 5.000000e-01 : f32
    %mul3A_76 = vector.broadcast %mul3A : f32 to vector<3200x16xf32>
    %mul3A_77 = arith.mulf %mul3A_76, %add3A_75 : vector<3200x16xf32>
    %swap3A_78 = arith.constant 0 : index
    %swap3A_79 = arith.constant 0 : index
    %swap3A_80 = vector.load %arg14[%swap3A_78, %swap3A_79] : memref<3200x16xf32, #tpu.memory_space<vmem>>, vector<3200x16xf32>
    tpu.vector_store %arg14[%swap3A_78, %swap3A_79], %mul3A_77 {strides = array<i32>} : memref<3200x16xf32, #tpu.memory_space<vmem>>, vector<3200x16xf32>,
    return
  }
  func.func @transform_0(%arg0: i32) -> (i32, i32) {
    %c0_i32 = arith.constant 0 : i32
    %c0_i32_0 = arith.constant 0 : i32
    return %arg0, %c0_i32 : i32, i32
  }
  func.func @transform_1(%arg0: i32) -> (i32, i32) {
    %c0_i32 = arith.constant 0 : i32
    %c0_i32_0 = arith.constant 0 : i32
    return %arg0, %c0_i32 : i32, i32
  }
  func.func @transform_2(%arg0: i32) -> (i32, i32) {
    %c0_i32 = arith.constant 0 : i32
    %c0_i32_0 = arith.constant 0 : i32
    %c0_i32_1 = arith.constant 0 : i32
    return %c0_i32, %c0_i32_0 : i32, i32
  }
  func.func @transform_3(%arg0: i32) -> (i32, i32) {
    %c0_i32 = arith.constant 0 : i32
    %c0_i32_0 = arith.constant 0 : i32
    %c0_i32_1 = arith.constant 0 : i32
    return %c0_i32, %c0_i32_0 : i32, i32
  }
  func.func @transform_4(%arg0: i32) -> (i32, i32) {
    %c0_i32 = arith.constant 0 : i32
    %c0_i32_0 = arith.constant 0 : i32
    %c0_i32_1 = arith.constant 0 : i32
    return %c0_i32, %c0_i32_0 : i32, i32
  }
  func.func @transform_5(%arg0: i32) -> (i32, i32) {
    %c0_i32 = arith.constant 0 : i32
    %c0_i32_0 = arith.constant 0 : i32
    %c0_i32_1 = arith.constant 0 : i32
    return %c0_i32, %c0_i32_0 : i32, i32
  }
  func.func @transform_6(%arg0: i32) -> (i32, i32) {
    %c0_i32 = arith.constant 0 : i32
    %c0_i32_0 = arith.constant 0 : i32
    %c0_i32_1 = arith.constant 0 : i32
    return %c0_i32, %c0_i32_0 : i32, i32
  }
  func.func @transform_7(%arg0: i32) -> (i32, i32) {
    %c0_i32 = arith.constant 0 : i32
    %c0_i32_0 = arith.constant 0 : i32
    %c0_i32_1 = arith.constant 0 : i32
    return %c0_i32, %c0_i32_0 : i32, i32
  }
  func.func @transform_8(%arg0: i32) -> (i32, i32) {
    %c0_i32 = arith.constant 0 : i32
    %c0_i32_0 = arith.constant 0 : i32
    %c0_i32_1 = arith.constant 0 : i32
    return %c0_i32, %c0_i32_0 : i32, i32
  }
  func.func @transform_9(%arg0: i32) -> (i32, i32) {
    %c0_i32 = arith.constant 0 : i32
    %c0_i32_0 = arith.constant 0 : i32
    %c0_i32_1 = arith.constant 0 : i32
    return %c0_i32, %c0_i32_0 : i32, i32
  }
  func.func @transform_10(%arg0: i32) -> (i32, i32, i32) {
    %c0_i32 = arith.constant 0 : i32
    %c0_i32_0 = arith.constant 0 : i32
    %c0_i32_1 = arith.constant 0 : i32
    return %arg0, %c0_i32, %c0_i32_0 : i32, i32, i32
  }
  func.func @transform_11(%arg0: i32) -> (i32, i32) {
    %c0_i32 = arith.constant 0 : i32
    %c0_i32_0 = arith.constant 0 : i32
    return %arg0, %c0_i32 : i32, i32
  }
  func.func @transform_12(%arg0: i32) -> (i32, i32) {
    %c0_i32 = arith.constant 0 : i32
    %c0_i32_0 = arith.constant 0 : i32
    return %arg0, %c0_i32 : i32, i32
  }
  func.func @transform_13(%arg0: i32) -> (i32, i32) {
    %c0_i32 = arith.constant 0 : i32
    %c0_i32_0 = arith.constant 0 : i32
    return %arg0, %c0_i32 : i32, i32
  }
}

module attributes {stable_mosaic.version = 14 : i64} {
  func.func @body(%arg0: i32, %arg1: memref<2000x128xf32, #tpu.memory_space<vmem>>, %arg2: memref<2000x128xf32, #tpu.memory_space<vmem>>, %arg3: memref<128x32xf32, #tpu.memory_space<vmem>>, %arg4: memref<1x32xf32, #tpu.memory_space<vmem>>, %arg5: memref<32x32xf32, #tpu.memory_space<vmem>>, %arg6: memref<1x32xf32, #tpu.memory_space<vmem>>, %arg7: memref<2000x32xf32, #tpu.memory_space<vmem>>) attributes {dimension_semantics = [#tpu.dimension_semantics<arbitrary>], iteration_bounds = array<i64: 5>, scalar_prefetch = 0 : i64, scratch_operands = 0 : i64, tpu.core_type = #tpu.core_type<tc>, window_params = [{transform_indices = @transform_0, window_bounds = array<i64: 2000, 128>}, {transform_indices = @transform_1, window_bounds = array<i64: 2000, 128>}, {pipeline_mode = #tpu.pipeline_mode<synchronous>, transform_indices = @transform_2, window_bounds = array<i64: 128, 32>}, {pipeline_mode = #tpu.pipeline_mode<synchronous>, transform_indices = @transform_3, window_bounds = array<i64: 1, 32>}, {pipeline_mode = #tpu.pipeline_mode<synchronous>, transform_indices = @transform_4, window_bounds = array<i64: 32, 32>}, {pipeline_mode = #tpu.pipeline_mode<synchronous>, transform_indices = @transform_5, window_bounds = array<i64: 1, 32>}, {transform_indices = @transform_6, window_bounds = array<i64: 2000, 32>}]} {
    %get3A = arith.constant 0 : index
    %get3A_0 = arith.constant 0 : index
    %get3A_1 = vector.load %arg1[%get3A, %get3A_0] : memref<2000x128xf32, #tpu.memory_space<vmem>>, vector<2000x128xf32>
    %get3A_2 = arith.constant 0 : index
    %get3A_3 = arith.constant 0 : index
    %get3A_4 = vector.load %arg2[%get3A_2, %get3A_3] : memref<2000x128xf32, #tpu.memory_space<vmem>>, vector<2000x128xf32>
    %add3A = arith.addf %get3A_1, %get3A_4 : vector<2000x128xf32>
    %get3A_5 = arith.constant 0 : index
    %get3A_6 = arith.constant 0 : index
    %get3A_7 = vector.load %arg3[%get3A_5, %get3A_6] : memref<128x32xf32, #tpu.memory_space<vmem>>, vector<128x32xf32>
    %dot_general3A = arith.constant dense<0.000000e+00> : vector<2000x32xf32>
    %dot_general3A_8 = tpu.matmul %add3A, %get3A_7, %dot_general3A {dimension_numbers = #tpu.dot_dimension_numbers<[1], [0], [0], [1], [0, 0, 1, 1], [], []>, transpose_lhs_hint = false} : vector<2000x128xf32>, vector<128x32xf32>, vector<2000x32xf32> -> vector<2000x32xf32>
    %get3A_9 = arith.constant 0 : index
    %get3A_10 = arith.constant 0 : index
    %get3A_11 = vector.load %arg4[%get3A_9, %get3A_10] : memref<1x32xf32, #tpu.memory_space<vmem>>, vector<1x32xf32>
    %add3A_12 = vector.broadcast %get3A_11 : vector<1x32xf32> to vector<2000x32xf32>
    %add3A_13 = arith.addf %dot_general3A_8, %add3A_12 : vector<2000x32xf32>
    %max3A = arith.constant 0.000000e+00 : f32
    %max3A_14 = vector.broadcast %max3A : f32 to vector<2000x32xf32>
    %max3A_15 = arith.maximumf %add3A_13, %max3A_14 : vector<2000x32xf32>
    %get3A_16 = arith.constant 0 : index
    %get3A_17 = arith.constant 0 : index
    %get3A_18 = vector.load %arg5[%get3A_16, %get3A_17] : memref<32x32xf32, #tpu.memory_space<vmem>>, vector<32x32xf32>
    %dot_general3A_19 = arith.constant dense<0.000000e+00> : vector<2000x32xf32>
    %dot_general3A_20 = tpu.matmul %max3A_15, %get3A_18, %dot_general3A_19 {dimension_numbers = #tpu.dot_dimension_numbers<[1], [0], [0], [1], [0, 0, 1, 1], [], []>, transpose_lhs_hint = false} : vector<2000x32xf32>, vector<32x32xf32>, vector<2000x32xf32> -> vector<2000x32xf32>
    %get3A_21 = arith.constant 0 : index
    %get3A_22 = arith.constant 0 : index
    %get3A_23 = vector.load %arg6[%get3A_21, %get3A_22] : memref<1x32xf32, #tpu.memory_space<vmem>>, vector<1x32xf32>
    %add3A_24 = vector.broadcast %get3A_23 : vector<1x32xf32> to vector<2000x32xf32>
    %add3A_25 = arith.addf %dot_general3A_20, %add3A_24 : vector<2000x32xf32>
    %mul3A = arith.constant 5.000000e-01 : f32
    %mul3A_26 = vector.broadcast %mul3A : f32 to vector<2000x32xf32>
    %mul3A_27 = arith.mulf %mul3A_26, %add3A_25 : vector<2000x32xf32>
    %mul3A_28 = arith.constant 0.707106769 : f32
    %mul3A_29 = vector.broadcast %mul3A_28 : f32 to vector<2000x32xf32>
    %mul3A_30 = arith.mulf %add3A_25, %mul3A_29 : vector<2000x32xf32>
    %erf3A = math.erf %mul3A_30 : vector<2000x32xf32>
    %add3A_31 = arith.constant 1.000000e+00 : f32
    %add3A_32 = vector.broadcast %add3A_31 : f32 to vector<2000x32xf32>
    %add3A_33 = arith.addf %add3A_32, %erf3A : vector<2000x32xf32>
    %mul3A_34 = arith.mulf %mul3A_27, %add3A_33 : vector<2000x32xf32>
    %swap3A = arith.constant 0 : index
    %swap3A_35 = arith.constant 0 : index
    %swap3A_36 = vector.load %arg7[%swap3A, %swap3A_35] : memref<2000x32xf32, #tpu.memory_space<vmem>>, vector<2000x32xf32>
    tpu.vector_store %arg7[%swap3A, %swap3A_35], %mul3A_34 {strides = array<i32>} : memref<2000x32xf32, #tpu.memory_space<vmem>>, vector<2000x32xf32>,
    return
  }
  func.func @transform_0(%arg0: i32) -> (i32, i32) {
    %c0_i32 = arith.constant 0 : i32
    %c0_i32_0 = arith.constant 0 : i32
    return %arg0, %c0_i32 : i32, i32
  }
  func.func @transform_1(%arg0: i32) -> (i32, i32) {
    %c0_i32 = arith.constant 0 : i32
    %c0_i32_0 = arith.constant 0 : i32
    return %arg0, %c0_i32 : i32, i32
  }
  func.func @transform_2(%arg0: i32) -> (i32, i32) {
    %c0_i32 = arith.constant 0 : i32
    %c0_i32_0 = arith.constant 0 : i32
    %c0_i32_1 = arith.constant 0 : i32
    return %c0_i32, %c0_i32_0 : i32, i32
  }
  func.func @transform_3(%arg0: i32) -> (i32, i32) {
    %c0_i32 = arith.constant 0 : i32
    %c0_i32_0 = arith.constant 0 : i32
    %c0_i32_1 = arith.constant 0 : i32
    return %c0_i32, %c0_i32_0 : i32, i32
  }
  func.func @transform_4(%arg0: i32) -> (i32, i32) {
    %c0_i32 = arith.constant 0 : i32
    %c0_i32_0 = arith.constant 0 : i32
    %c0_i32_1 = arith.constant 0 : i32
    return %c0_i32, %c0_i32_0 : i32, i32
  }
  func.func @transform_5(%arg0: i32) -> (i32, i32) {
    %c0_i32 = arith.constant 0 : i32
    %c0_i32_0 = arith.constant 0 : i32
    %c0_i32_1 = arith.constant 0 : i32
    return %c0_i32, %c0_i32_0 : i32, i32
  }
  func.func @transform_6(%arg0: i32) -> (i32, i32) {
    %c0_i32 = arith.constant 0 : i32
    %c0_i32_0 = arith.constant 0 : i32
    return %arg0, %c0_i32 : i32, i32
  }
}

module attributes {stable_mosaic.version = 14 : i64} {
  func.func @_node_body(%arg0: i32, %arg1: memref<2000x32xf32, #tpu.memory_space<vmem>>, %arg2: memref<2000x32xf32, #tpu.memory_space<vmem>>, %arg3: memref<2000x32xf32, #tpu.memory_space<vmem>>, %arg4: memref<32x32xf32, #tpu.memory_space<vmem>>, %arg5: memref<1x32xf32, #tpu.memory_space<vmem>>, %arg6: memref<32x32xf32, #tpu.memory_space<vmem>>, %arg7: memref<1x32xf32, #tpu.memory_space<vmem>>, %arg8: memref<2000x32xf32, #tpu.memory_space<vmem>>) attributes {dimension_semantics = [#tpu.dimension_semantics<arbitrary>], iteration_bounds = array<i64: 5>, scalar_prefetch = 0 : i64, scratch_operands = 0 : i64, tpu.core_type = #tpu.core_type<tc>, window_params = [{transform_indices = @transform_0, window_bounds = array<i64: 2000, 32>}, {transform_indices = @transform_1, window_bounds = array<i64: 2000, 32>}, {transform_indices = @transform_2, window_bounds = array<i64: 2000, 32>}, {pipeline_mode = #tpu.pipeline_mode<synchronous>, transform_indices = @transform_3, window_bounds = array<i64: 32, 32>}, {pipeline_mode = #tpu.pipeline_mode<synchronous>, transform_indices = @transform_4, window_bounds = array<i64: 1, 32>}, {pipeline_mode = #tpu.pipeline_mode<synchronous>, transform_indices = @transform_5, window_bounds = array<i64: 32, 32>}, {pipeline_mode = #tpu.pipeline_mode<synchronous>, transform_indices = @transform_6, window_bounds = array<i64: 1, 32>}, {transform_indices = @transform_7, window_bounds = array<i64: 2000, 32>}]} {
    %get3A = arith.constant 0 : index
    %get3A_0 = arith.constant 0 : index
    %get3A_1 = vector.load %arg1[%get3A, %get3A_0] : memref<2000x32xf32, #tpu.memory_space<vmem>>, vector<2000x32xf32>
    %get3A_2 = arith.constant 0 : index
    %get3A_3 = arith.constant 0 : index
    %get3A_4 = vector.load %arg2[%get3A_2, %get3A_3] : memref<2000x32xf32, #tpu.memory_space<vmem>>, vector<2000x32xf32>
    %add3A = arith.addf %get3A_1, %get3A_4 : vector<2000x32xf32>
    %get3A_5 = arith.constant 0 : index
    %get3A_6 = arith.constant 0 : index
    %get3A_7 = vector.load %arg3[%get3A_5, %get3A_6] : memref<2000x32xf32, #tpu.memory_space<vmem>>, vector<2000x32xf32>
    %add3A_8 = arith.addf %add3A, %get3A_7 : vector<2000x32xf32>
    %get3A_9 = arith.constant 0 : index
    %get3A_10 = arith.constant 0 : index
    %get3A_11 = vector.load %arg4[%get3A_9, %get3A_10] : memref<32x32xf32, #tpu.memory_space<vmem>>, vector<32x32xf32>
    %dot_general3A = arith.constant dense<0.000000e+00> : vector<2000x32xf32>
    %dot_general3A_12 = tpu.matmul %add3A_8, %get3A_11, %dot_general3A {dimension_numbers = #tpu.dot_dimension_numbers<[1], [0], [0], [1], [0, 0, 1, 1], [], []>, transpose_lhs_hint = false} : vector<2000x32xf32>, vector<32x32xf32>, vector<2000x32xf32> -> vector<2000x32xf32>
    %get3A_13 = arith.constant 0 : index
    %get3A_14 = arith.constant 0 : index
    %get3A_15 = vector.load %arg5[%get3A_13, %get3A_14] : memref<1x32xf32, #tpu.memory_space<vmem>>, vector<1x32xf32>
    %add3A_16 = vector.broadcast %get3A_15 : vector<1x32xf32> to vector<2000x32xf32>
    %add3A_17 = arith.addf %dot_general3A_12, %add3A_16 : vector<2000x32xf32>
    %max3A = arith.constant 0.000000e+00 : f32
    %max3A_18 = vector.broadcast %max3A : f32 to vector<2000x32xf32>
    %max3A_19 = arith.maximumf %add3A_17, %max3A_18 : vector<2000x32xf32>
    %get3A_20 = arith.constant 0 : index
    %get3A_21 = arith.constant 0 : index
    %get3A_22 = vector.load %arg6[%get3A_20, %get3A_21] : memref<32x32xf32, #tpu.memory_space<vmem>>, vector<32x32xf32>
    %dot_general3A_23 = arith.constant dense<0.000000e+00> : vector<2000x32xf32>
    %dot_general3A_24 = tpu.matmul %max3A_19, %get3A_22, %dot_general3A_23 {dimension_numbers = #tpu.dot_dimension_numbers<[1], [0], [0], [1], [0, 0, 1, 1], [], []>, transpose_lhs_hint = false} : vector<2000x32xf32>, vector<32x32xf32>, vector<2000x32xf32> -> vector<2000x32xf32>
    %get3A_25 = arith.constant 0 : index
    %get3A_26 = arith.constant 0 : index
    %get3A_27 = vector.load %arg7[%get3A_25, %get3A_26] : memref<1x32xf32, #tpu.memory_space<vmem>>, vector<1x32xf32>
    %add3A_28 = vector.broadcast %get3A_27 : vector<1x32xf32> to vector<2000x32xf32>
    %add3A_29 = arith.addf %dot_general3A_24, %add3A_28 : vector<2000x32xf32>
    %mul3A = arith.constant 5.000000e-01 : f32
    %mul3A_30 = vector.broadcast %mul3A : f32 to vector<2000x32xf32>
    %mul3A_31 = arith.mulf %mul3A_30, %add3A_29 : vector<2000x32xf32>
    %mul3A_32 = arith.constant 0.707106769 : f32
    %mul3A_33 = vector.broadcast %mul3A_32 : f32 to vector<2000x32xf32>
    %mul3A_34 = arith.mulf %add3A_29, %mul3A_33 : vector<2000x32xf32>
    %erf3A = math.erf %mul3A_34 : vector<2000x32xf32>
    %add3A_35 = arith.constant 1.000000e+00 : f32
    %add3A_36 = vector.broadcast %add3A_35 : f32 to vector<2000x32xf32>
    %add3A_37 = arith.addf %add3A_36, %erf3A : vector<2000x32xf32>
    %mul3A_38 = arith.mulf %mul3A_31, %add3A_37 : vector<2000x32xf32>
    %swap3A = arith.constant 0 : index
    %swap3A_39 = arith.constant 0 : index
    %swap3A_40 = vector.load %arg8[%swap3A, %swap3A_39] : memref<2000x32xf32, #tpu.memory_space<vmem>>, vector<2000x32xf32>
    tpu.vector_store %arg8[%swap3A, %swap3A_39], %mul3A_38 {strides = array<i32>} : memref<2000x32xf32, #tpu.memory_space<vmem>>, vector<2000x32xf32>,
    return
  }
  func.func @transform_0(%arg0: i32) -> (i32, i32) {
    %c0_i32 = arith.constant 0 : i32
    %c0_i32_0 = arith.constant 0 : i32
    return %arg0, %c0_i32 : i32, i32
  }
  func.func @transform_1(%arg0: i32) -> (i32, i32) {
    %c0_i32 = arith.constant 0 : i32
    %c0_i32_0 = arith.constant 0 : i32
    return %arg0, %c0_i32 : i32, i32
  }
  func.func @transform_2(%arg0: i32) -> (i32, i32) {
    %c0_i32 = arith.constant 0 : i32
    %c0_i32_0 = arith.constant 0 : i32
    return %arg0, %c0_i32 : i32, i32
  }
  func.func @transform_3(%arg0: i32) -> (i32, i32) {
    %c0_i32 = arith.constant 0 : i32
    %c0_i32_0 = arith.constant 0 : i32
    %c0_i32_1 = arith.constant 0 : i32
    return %c0_i32, %c0_i32_0 : i32, i32
  }
  func.func @transform_4(%arg0: i32) -> (i32, i32) {
    %c0_i32 = arith.constant 0 : i32
    %c0_i32_0 = arith.constant 0 : i32
    %c0_i32_1 = arith.constant 0 : i32
    return %c0_i32, %c0_i32_0 : i32, i32
  }
  func.func @transform_5(%arg0: i32) -> (i32, i32) {
    %c0_i32 = arith.constant 0 : i32
    %c0_i32_0 = arith.constant 0 : i32
    %c0_i32_1 = arith.constant 0 : i32
    return %c0_i32, %c0_i32_0 : i32, i32
  }
  func.func @transform_6(%arg0: i32) -> (i32, i32) {
    %c0_i32 = arith.constant 0 : i32
    %c0_i32_0 = arith.constant 0 : i32
    %c0_i32_1 = arith.constant 0 : i32
    return %c0_i32, %c0_i32_0 : i32, i32
  }
  func.func @transform_7(%arg0: i32) -> (i32, i32) {
    %c0_i32 = arith.constant 0 : i32
    %c0_i32_0 = arith.constant 0 : i32
    return %arg0, %c0_i32 : i32, i32
  }
}

module attributes {stable_mosaic.version = 14 : i64} {
  func.func @_node_body(%arg0: i32, %arg1: memref<2000x32xf32, #tpu.memory_space<vmem>>, %arg2: memref<2000x32xf32, #tpu.memory_space<vmem>>, %arg3: memref<2000x32xf32, #tpu.memory_space<vmem>>, %arg4: memref<32x128xf32, #tpu.memory_space<vmem>>, %arg5: memref<1x128xf32, #tpu.memory_space<vmem>>, %arg6: memref<128x128xf32, #tpu.memory_space<vmem>>, %arg7: memref<1x128xf32, #tpu.memory_space<vmem>>, %arg8: memref<2000x128xf32, #tpu.memory_space<vmem>>) attributes {dimension_semantics = [#tpu.dimension_semantics<arbitrary>], iteration_bounds = array<i64: 5>, scalar_prefetch = 0 : i64, scratch_operands = 0 : i64, tpu.core_type = #tpu.core_type<tc>, window_params = [{transform_indices = @transform_0, window_bounds = array<i64: 2000, 32>}, {transform_indices = @transform_1, window_bounds = array<i64: 2000, 32>}, {transform_indices = @transform_2, window_bounds = array<i64: 2000, 32>}, {pipeline_mode = #tpu.pipeline_mode<synchronous>, transform_indices = @transform_3, window_bounds = array<i64: 32, 128>}, {pipeline_mode = #tpu.pipeline_mode<synchronous>, transform_indices = @transform_4, window_bounds = array<i64: 1, 128>}, {pipeline_mode = #tpu.pipeline_mode<synchronous>, transform_indices = @transform_5, window_bounds = array<i64: 128, 128>}, {pipeline_mode = #tpu.pipeline_mode<synchronous>, transform_indices = @transform_6, window_bounds = array<i64: 1, 128>}, {transform_indices = @transform_7, window_bounds = array<i64: 2000, 128>}]} {
    %get3A = arith.constant 0 : index
    %get3A_0 = arith.constant 0 : index
    %get3A_1 = vector.load %arg1[%get3A, %get3A_0] : memref<2000x32xf32, #tpu.memory_space<vmem>>, vector<2000x32xf32>
    %get3A_2 = arith.constant 0 : index
    %get3A_3 = arith.constant 0 : index
    %get3A_4 = vector.load %arg2[%get3A_2, %get3A_3] : memref<2000x32xf32, #tpu.memory_space<vmem>>, vector<2000x32xf32>
    %add3A = arith.addf %get3A_1, %get3A_4 : vector<2000x32xf32>
    %get3A_5 = arith.constant 0 : index
    %get3A_6 = arith.constant 0 : index
    %get3A_7 = vector.load %arg3[%get3A_5, %get3A_6] : memref<2000x32xf32, #tpu.memory_space<vmem>>, vector<2000x32xf32>
    %add3A_8 = arith.addf %add3A, %get3A_7 : vector<2000x32xf32>
    %get3A_9 = arith.constant 0 : index
    %get3A_10 = arith.constant 0 : index
    %get3A_11 = vector.load %arg4[%get3A_9, %get3A_10] : memref<32x128xf32, #tpu.memory_space<vmem>>, vector<32x128xf32>
    %dot_general3A = arith.constant dense<0.000000e+00> : vector<2000x128xf32>
    %dot_general3A_12 = tpu.matmul %add3A_8, %get3A_11, %dot_general3A {dimension_numbers = #tpu.dot_dimension_numbers<[1], [0], [0], [1], [0, 0, 1, 1], [], []>, transpose_lhs_hint = false} : vector<2000x32xf32>, vector<32x128xf32>, vector<2000x128xf32> -> vector<2000x128xf32>
    %get3A_13 = arith.constant 0 : index
    %get3A_14 = arith.constant 0 : index
    %get3A_15 = vector.load %arg5[%get3A_13, %get3A_14] : memref<1x128xf32, #tpu.memory_space<vmem>>, vector<1x128xf32>
    %add3A_16 = vector.broadcast %get3A_15 : vector<1x128xf32> to vector<2000x128xf32>
    %add3A_17 = arith.addf %dot_general3A_12, %add3A_16 : vector<2000x128xf32>
    %max3A = arith.constant 0.000000e+00 : f32
    %max3A_18 = vector.broadcast %max3A : f32 to vector<2000x128xf32>
    %max3A_19 = arith.maximumf %add3A_17, %max3A_18 : vector<2000x128xf32>
    %get3A_20 = arith.constant 0 : index
    %get3A_21 = arith.constant 0 : index
    %get3A_22 = vector.load %arg6[%get3A_20, %get3A_21] : memref<128x128xf32, #tpu.memory_space<vmem>>, vector<128x128xf32>
    %dot_general3A_23 = arith.constant dense<0.000000e+00> : vector<2000x128xf32>
    %dot_general3A_24 = tpu.matmul %max3A_19, %get3A_22, %dot_general3A_23 {dimension_numbers = #tpu.dot_dimension_numbers<[1], [0], [0], [1], [0, 0, 1, 1], [], []>, transpose_lhs_hint = false} : vector<2000x128xf32>, vector<128x128xf32>, vector<2000x128xf32> -> vector<2000x128xf32>
    %get3A_25 = arith.constant 0 : index
    %get3A_26 = arith.constant 0 : index
    %get3A_27 = vector.load %arg7[%get3A_25, %get3A_26] : memref<1x128xf32, #tpu.memory_space<vmem>>, vector<1x128xf32>
    %add3A_28 = vector.broadcast %get3A_27 : vector<1x128xf32> to vector<2000x128xf32>
    %add3A_29 = arith.addf %dot_general3A_24, %add3A_28 : vector<2000x128xf32>
    %swap3A = arith.constant 0 : index
    %swap3A_30 = arith.constant 0 : index
    %swap3A_31 = vector.load %arg8[%swap3A, %swap3A_30] : memref<2000x128xf32, #tpu.memory_space<vmem>>, vector<2000x128xf32>
    tpu.vector_store %arg8[%swap3A, %swap3A_30], %add3A_29 {strides = array<i32>} : memref<2000x128xf32, #tpu.memory_space<vmem>>, vector<2000x128xf32>,
    return
  }
  func.func @transform_0(%arg0: i32) -> (i32, i32) {
    %c0_i32 = arith.constant 0 : i32
    %c0_i32_0 = arith.constant 0 : i32
    return %arg0, %c0_i32 : i32, i32
  }
  func.func @transform_1(%arg0: i32) -> (i32, i32) {
    %c0_i32 = arith.constant 0 : i32
    %c0_i32_0 = arith.constant 0 : i32
    return %arg0, %c0_i32 : i32, i32
  }
  func.func @transform_2(%arg0: i32) -> (i32, i32) {
    %c0_i32 = arith.constant 0 : i32
    %c0_i32_0 = arith.constant 0 : i32
    return %arg0, %c0_i32 : i32, i32
  }
  func.func @transform_3(%arg0: i32) -> (i32, i32) {
    %c0_i32 = arith.constant 0 : i32
    %c0_i32_0 = arith.constant 0 : i32
    %c0_i32_1 = arith.constant 0 : i32
    return %c0_i32, %c0_i32_0 : i32, i32
  }
  func.func @transform_4(%arg0: i32) -> (i32, i32) {
    %c0_i32 = arith.constant 0 : i32
    %c0_i32_0 = arith.constant 0 : i32
    %c0_i32_1 = arith.constant 0 : i32
    return %c0_i32, %c0_i32_0 : i32, i32
  }
  func.func @transform_5(%arg0: i32) -> (i32, i32) {
    %c0_i32 = arith.constant 0 : i32
    %c0_i32_0 = arith.constant 0 : i32
    %c0_i32_1 = arith.constant 0 : i32
    return %c0_i32, %c0_i32_0 : i32, i32
  }
  func.func @transform_6(%arg0: i32) -> (i32, i32) {
    %c0_i32 = arith.constant 0 : i32
    %c0_i32_0 = arith.constant 0 : i32
    %c0_i32_1 = arith.constant 0 : i32
    return %c0_i32, %c0_i32_0 : i32, i32
  }
  func.func @transform_7(%arg0: i32) -> (i32, i32) {
    %c0_i32 = arith.constant 0 : i32
    %c0_i32_0 = arith.constant 0 : i32
    return %arg0, %c0_i32 : i32, i32
  }
}

</mosaic_0001>

<sc_bundles>
// kernel: kernel.10.cloned.1.call-start
scs
__scs_entry_jumppad:
0x0: {  	(pc) =	sbr.rel $0x88, $3  }
0x1: {  	(tag) =	ssettag $0x0;
	lr =	simm.s32 $0x1  }
0x2: {  	[smem:$0x3F88] =	sst lr;
	_ =	strace $0xD0000000  }
0x3: {  	_ = 	snop  }
0x4: {  	_ = 	snop  }
0x5: {  	_ = 	snop  }
0x6: {  	_ = 	snop  }
0x7: {  	_ = 	snop  }
__scs_overlays_trampoline_lowered:
0x8: {  	[smem:$0x3F97] =	sst s0  }
0x9: {  	[smem:$0x3F98] =	sst s1  }
0xa: {  	[smem:$0x3F99] =	sst s2  }
0xb: {  	[smem:$0x3F9A] =	sst s3  }
0xc: {  	[smem:$0x3F9B] =	sst s4  }
0xd: {  	[smem:$0x3F9C] =	sst s5  }
0xe: {  	[smem:$0x3F9D] =	sst s6  }
0xf: {  	[smem:$0x3F9E] =	sst s7  }
0x10: {  	[smem:$0x3F9F] =	sst s8  }
0x11: {  	[smem:$0x3FA0] =	sst s9;
	s0 =	simm.s32 @!p0 $0x0  }
0x12: {  	s1 =	sld [smem:$0x3F86];
	s0 =	simm.s32 @p0 $0x1  }
0x13: {  	[smem:$0x3FA1] =	sst s0;
	s0 =	simm.s32 @!p1 $0x0  }
0x14: {  	s2 =	sld [smem:$0x3F85];
	s0 =	simm.s32 @p1 $0x1  }
0x15: {  	[smem:$0x3FA2] =	sst s0;
	s0 =	simm.s32 @!p2 $0x0  }
0x16: {  	s3 =	sld [smem:$0x3FDB];
	s0 =	simm.s32 @p2 $0x1  }
0x17: {  	s4 =	simm.s32 $0x1BF5;
	[smem:$0x3FA4] =	sst s0  }
0x18: {  	s0 =	sld [smem:$0x3F87];
	_ =	swait.ge [sflag:s4], $0x0  }
0x19: {  	s7 =	sld [smem:$0x3F88]  }
0x1a: {  	s8 =	sadd.s32 $0xFFFFE003, lr  }
0x1b: {  	s9 =	sadd.s32 $0xFFFFFEF7, lr;
	s5 =	simm.s32 $0xFFFFFFFF;
	p2 =	slt.u32 s8, $0xFFFFF086  }
0x1c: {  	p1 =	slt.u32 s9, $0xF7A;
	s5 =	simm.s32 @!p2 $0x0  }
0x1d: {  	s5 =	simm.s32 @p1 $0x1;
	p0 =	seq.s32 s7, s2  }
0x1e: {  	s7 =	smul.u32 @!p0 $0xF7A, s2;
	p2 =	seq.s32 @!p0 s5, $0x0  }
0x1f: {  	s9 =	smul.u32 $0xF7A, s1;
	s8 =	simm.s32 @!p0 $0x1BF5;
	p2 =	por !p2, p0  }
0x20: {  	[sflag:s8] =	ssyncset.s32 @!p0 $0xFFFFF086;
	s6 =	sadd.s32 @!p0 s3, s7;
	s7 =	simm.s32 @!p0 $0x108  }
0x21: {  	s3 =	sadd.s32 s3, s9;
	s6 =	sadd.s32 @!p0 $0x88, s6;
	s7 =	simm.s32 @p2 $0x1082  }
0x22: {  	[simem:s7], [sflag:s8] =	dma.local @!p0 [hbm:s6], $0xF7A  }
0x23: {  	s9 =	sor.u32 $0xD0000000, s2;
	s6 =	simm.s32 $0x108;
	_ =	swait.ge @!p0 [sflag:s8], $0x0  }
0x24: {  	s3 =	sadd.s32 $0x88, s3;
	s6 =	simm.s32 @!p1 $0x1082;
	[sflag:s4] =	ssyncset.s32 $0xFFFFF086  }
0x25: {  	[simem:s6], [sflag:s4] =	dma.local [hbm:s3], $0xF7A  }
0x26: {  	[smem:$0x3F88] =	sst s1;
	(tag) =	ssettag s2;
	_ =	strace s9  }
0x27: {  	s1 =	sld [smem:$0x3F98]  }
0x28: {  	s2 =	sld [smem:$0x3F99]  }
0x29: {  	s4 =	sld [smem:$0x3F9B]  }
0x2a: {  	p0 =	seq.s32 s5, $0x0;
	s5 =	sld [smem:$0x3F9C]  }
0x2b: {  	s6 =	sld [smem:$0x3F9D]  }
0x2c: {  	s7 =	sld [smem:$0x3F9E]  }
0x2d: {  	s3 =	simm.s32 $0x108;
	s8 =	sld [smem:$0x3F9F]  }
0x2e: {  	s3 =	simm.s32 @!p0 $0x1082;
	s9 =	sld [smem:$0x3FA0]  }
0x2f: {  	lr =	sadd.s32 s0, s3;
	s0 =	sld [smem:$0x3F97]  }
0x30: {  	s3 =	sld [smem:$0x3F9A]  }
0x31: {  	[smem:$0x3FA3] =	sst s10  }
0x32: {  	s10 =	sld [smem:$0x3FA1];
	_ =	sdelay $0x3  }
0x33: {  	p0 =	seq.s32 s10, $0x1;
	s10 =	sld [smem:$0x3FA3];
	_ =	sdelay $0x3  }
0x34: {  	[smem:$0x3FA3] =	sst s10  }
0x35: {  	s10 =	sld [smem:$0x3FA2];
	_ =	sdelay $0x3  }
0x36: {  	p1 =	seq.s32 s10, $0x1;
	s10 =	sld [smem:$0x3FA3];
	_ =	sdelay $0x3  }
0x37: {  	[smem:$0x3FA3] =	sst s10  }
0x38: {  	s10 =	sld [smem:$0x3FA4]  }
0x39: {  	_ = 	snop;
	(pc) =	sbr.ind lr, $3  }
0x3a: {  	_ = 	snop  }
0x3b: {  	_ = 	snop  }
0x3c: {  	p2 =	seq.s32 s10, $0x1;
	s10 =	sld [smem:$0x3FA3]  }
0x3d: {  	_ =	shalt  }
0x3e: {  	_ =	shalt  }
0x3f: {  	_ =	shalt  }
0x40: {  	_ =	shalt  }
0x41: {  	_ =	shalt  }
0x42: {  	_ =	shalt  }
0x43: {  	_ =	shalt  }
0x44: {  	_ =	shalt  }
0x45: {  	_ =	shalt  }
0x46: {  	_ =	shalt  }
0x47: {  	_ =	shalt  }
0x48: {  	_ =	shalt  }
0x49: {  	_ =	shalt  }
0x4a: {  	_ =	shalt  }
0x4b: {  	_ =	shalt  }
0x4c: {  	_ =	shalt  }
0x4d: {  	_ =	shalt  }
0x4e: {  	_ =	shalt  }
0x4f: {  	_ =	shalt  }
0x50: {  	_ =	shalt  }
0x51: {  	_ =	shalt  }
0x52: {  	_ =	shalt  }
0x53: {  	_ =	shalt  }
0x54: {  	_ =	shalt  }
0x55: {  	_ =	shalt  }
0x56: {  	_ =	shalt  }
0x57: {  	_ =	shalt  }
0x58: {  	_ =	shalt  }
0x59: {  	_ =	shalt  }
0x5a: {  	_ =	shalt  }
0x5b: {  	_ =	shalt  }
0x5c: {  	_ =	shalt  }
0x5d: {  	_ =	shalt  }
0x5e: {  	_ =	shalt  }
0x5f: {  	_ =	shalt  }
0x60: {  	_ =	shalt  }
0x61: {  	_ =	shalt  }
0x62: {  	_ =	shalt  }
0x63: {  	_ =	shalt  }
0x64: {  	_ =	shalt  }
0x65: {  	_ =	shalt  }
0x66: {  	_ =	shalt  }
0x67: {  	_ =	shalt  }
0x68: {  	_ =	shalt  }
0x69: {  	_ =	shalt  }
0x6a: {  	_ =	shalt  }
0x6b: {  	_ =	shalt  }
0x6c: {  	_ =	shalt  }
0x6d: {  	_ =	shalt  }
0x6e: {  	_ =	shalt  }
0x6f: {  	_ =	shalt  }
0x70: {  	_ =	shalt  }
0x71: {  	_ =	shalt  }
0x72: {  	_ =	shalt  }
0x73: {  	_ =	shalt  }
0x74: {  	_ =	shalt  }
0x75: {  	_ =	shalt  }
0x76: {  	_ =	shalt  }
0x77: {  	_ =	shalt  }
0x78: {  	_ =	shalt  }
0x79: {  	_ =	shalt  }
0x7a: {  	_ =	shalt  }
0x7b: {  	_ =	shalt  }
0x7c: {  	_ =	shalt  }
0x7d: {  	_ =	shalt  }
0x7e: {  	_ =	shalt  }
0x7f: {  	_ =	shalt  }
0x80: {  	_ =	shalt  }
0x81: {  	_ =	shalt  }
0x82: {  	_ =	shalt  }
0x83: {  	_ =	shalt  }
0x84: {  	_ =	shalt  }
0x85: {  	_ =	shalt  }
0x86: {  	_ =	shalt  }
0x87: {  	_ =	shalt  }
.Lfunc_end0:
.L_simem_size_0:
called_computation_lowered:
.L_overlay_start_0:
0x88: {  	s2 =	sld [smem:$0x3FD9]  }
0x89: {  	s3 =	sld [smem:$0x3FFE];
	_ =	sdelay $0x1  }
0x8a: {  	s1 =	srdreg.scid  }
0x8b: {  	s0 =	sand.u32 $0x1, s1  }
0x8c: {  	s14 =	sshll.u32 s0, $0xA;
	s2 =	sadd.s32 s3, s2  }
0x8d: {  	s2 =	sadd.s32 s2, s14  }
0x8e: {  	[smem:$0x3FAF] =	sst s2  }
0x8f: {  	_ = 	snop  }
0x90: {  	s2 =	sld [smem:$0x3FD0];
	_ =	sdelay $0x2  }
0x91: {  	s4 =	simm.s32 $0xA;
	s5 =	simm.s32 $0x10;
	s15 =	sld [smem:$0x3FC8]  }
0x92: {  	[smem:s5], [sflag:s4] =	dma.local [hbm:s2], $0x1  }
0x93: {  	_ =	swait.eq [sflag:s4], $0x1  }
0x94: {  	s16 =	sld [smem:$0x10];
	[sflag:s4] =	ssyncset.done $0x0  }
0x95: {  	s17 =	sld [smem:$0x11];
	[sflag:s4] =	ssyncadd.s32 $0xFFFFFFFF  }
0x96: {  	s18 =	sld [smem:$0x14];
	(tm) =	ssettm $0x1  }
0x97: {  	s6 =	sld [smem:$0x3FFB];
	_ =	sdelay $0x3  }
0x98: {  	_ =	strace s6  }
0x99: {  	s6 =	sld [smem:$0x3FFC];
	_ =	sdelay $0x3  }
0x9a: {  	_ =	strace s6  }
0x9b: {  	s6 =	sld [smem:$0x3FFD];
	_ =	sdelay $0x3  }
0x9c: {  	_ =	strace s6  }
0x9d: {  	_ =	strace $0x8FFFFFFF  }
0x9e: {  	s19 =	sld [smem:$0x3FDB];
	_ =	sdelay $0x1  }
0x9f: {  	s7 =	simm.s32 $_scs_section_size  }
0xa0: {  	s8 =	simm.s32 $_size__tile_overlayer_lowered;
	s9 =	simm.s32 $_tile_overlayer_lowered  }
0xa1: {  	s22 =	simm.s32 $0x1BFF;
	s21 =	sshll.u32 s9, $0x1;
	s6 =	sadd.s32 s7, s19  }
0xa2: {  	s10 =	simm.s32 $0x0;
	s20 =	sshll.u32 s8, $0x1;
	s8 =	sadd.s32 s21, s6  }
0xa3: {  	[timem:s10], [sflag:s22] =	dma.local [hbm:s8], s20  }
0xa4: {  	_ =	swait.ge [sflag:s22], s20  }
0xa5: {  	s7 =	ssub.s32 $0x0, s20;
	[sflag:s22] =	ssyncset.done $0x0  }
0xa6: {  	[sflag:s22] =	ssyncadd.s32 s7;
	_ =	sdelay $0x1  }
0xa7: {  	s23 =	simm.s32 $0x1B8B  }
0xa8: {  	_ =	swait.ge [sflag:s23], $0x1  }
0xa9: {  	[sflag:s23] =	ssyncset.done $0x0  }
0xaa: {  	s25 =	simm.s32 $0x1B8E;
	s24 =	sld [smem:$0x3FFE];
	[sflag:s23] =	ssyncadd.s32 $0xFFFFFFFF  }
0xab: {  	s26 =	simm.s32 $execute0_lowered;
	[smem:$0x3FD2] =	sst s25  }
0xac: {  	s8 =	sshll.u32 s26, $0x1;
	_ =	strace $0x80000046;
	[dreg:$0x1] =	wrdreg $0xFFFFFFFF  }
0xad: {  	s28 =	simm.s32 $_size_execute0_lowered;
	s6 =	sadd.s32 s6, s8;
	[dreg:$0x0] =	wrdreg $0x0  }
0xae: {  	s8 =	sshll.u32 s28, $0x1;
	[dreg:$0x2] =	wrdreg s6  }
0xaf: {  	[dreg:$0x3] =	wrdreg s8  }
0xb0: {  	[dreg:$0x4] =	wrdreg $0xC0  }
0xb1: {  	_ =	task [dreg:s10], $0x5FFFF  }
0xb2: {  	[dreg:$0x1] =	wrdreg $0xFFFFFFFF  }
0xb3: {  	[dreg:$0x0] =	wrdreg $0x60  }
0xb4: {  	[dreg:$0x2] =	wrdreg s15  }
0xb5: {  	[dreg:$0x3] =	wrdreg s24  }
0xb6: {  	[dreg:$0x4] =	wrdreg s18  }
0xb7: {  	[dreg:$0x5] =	wrdreg s16  }
0xb8: {  	[dreg:$0x6] =	wrdreg s17  }
0xb9: {  	[dreg:$0x7] =	wrdreg $0x120000  }
0xba: {  	[dreg:$0x8] =	wrdreg $0x9  }
0xbb: {  	_ =	task.clear_ibuf [dreg:s10], $0x9FFFF;
	_ =	strace $0x90000046  }
0xbc: {  	s29 =	simm.s32 $0x9;
	_ =	strace $0x80000048  }
0xbd: {  	_ =	swait.ge [sflag:s29], $0x1  }
0xbe: {  	[sflag:s29] =	ssyncadd.s32 $0xFFFFFFFF  }
0xbf: {  	_ =	strace $0x90000048  }
0xc0: {  	_ =	sfence  }
0xc1: {  	s30 =	sld [smem:$0x0];
	_ =	sdelay $0x2  }
0xc2: {  	s31 =	sshll.u32 s1, $0xD;
	s1 =	sshrl.u32 s1, $0x2  }
0xc3: {  	s3 =	sand.u32 $0x4000, s31;
	s1 =	sadd.s32 s1, s30  }
0xc4: {  	s0 =	sor.u32 s3, s0;
	s1 =	sshll.u32 s1, $0x11  }
0xc5: {  	s0 =	sor.u32 s1, s0  }
0xc6: {  	s0 =	sadd.s32 $0x8F2B, s0  }
0xc7: {  	[sflag:s0] =	ssyncadd.remote.s32 $0x1  }
0xc8: {  	_ =	sfence.sel $0xFFFF  }
0xc9: {  	[dreg:$0x0] =	wrdreg $0xFFFFFFFF;
	(pc) =	sbr.abs _section_cstart, $3  }
0xca: {  	[dreg:$0x1] =	wrdreg $0xFFFFFFFF  }
0xcb: {  	_ =	task.clear_ibuf [dreg:s10], $0x2FFFF;
	_ =	strace $0x9FFFFFFF  }
0xcc: {  	(tm) =	ssettm $0x7FFFFFFF  }
0xcd: {  	_ =	shalt  }
tec
execute0_lowered:
.L_overlay_start_1:
0x0: {  	(tag) =	ssettag $0x1  }
0x1: {  	s1 =	rddreg [dreg:$0x0]  }
0x2: {  	s0 =	rddreg [dreg:$0x1]  }
0x3: {  	s2 =	rddreg [dreg:$0x2]  }
0x4: {  	s8 =	rddreg [dreg:$0x3]  }
0x5: {  	s9 =	rddreg [dreg:$0x4]  }
0x6: {  	s3 =	rddreg [dreg:$0x5]  }
0x7: {  	s4 =	simm.s32 $0x0;
	s5 =	srdreg.scid;
	s14 =	stileid.u32  }
0x8: {  	s28 =	simm.s32 $0x8000;
	s29 =	simm.s32 $0xA800;
	s30 =	simm.s32 $0xF800  }
0x9: {  	s31 =	simm.s32 $0x1;
	[smem:$0x7FF] =	sst s4;
	s10 =	sand.u32 $0x1, s5  }
0xa: {  	s6 =	smul.u32 $0x28000, s14;
	s5 =	sadd.s32 $0x761400, s0;
	s13 =	sshll.u32 s14, $0xC  }
0xb: {  	_ =	strace $0x80000047;
	s20 =	ssub.s32 $0x2, s10;
	s11 =	smul.u32 $0x1388, s10  }
0xc: {  	s10 =	smul.u32 $0xA0000, s10;
	s15 =	sadd.s32 s2, s13;
	s24 =	sadd.s32 s8, s13  }
0xd: {  	s13 =	sor.u32 $0x800, s13;
	s7 =	sshrl.u32 s20, $0x1;
	[dreg:$0xa] =	wrdreg s15  }
0xe: {  	s6 =	sshrl.u32 s6, $0x2;
	[dreg:$0xb] =	wrdreg s24;
	s2 =	sadd.s32 s2, s13  }
0xf: {  	s16 =	sadd.s32 s8, s13;
	s24 =	simm.s32 $0x3;
	s6 =	sadd.s32 s6, s3  }
0x10: {  	s0 =	ssub.s32 s20, s7;
	[dreg:$0xd] =	wrdreg s2;
	s12 =	sadd.s32 $0x2800, s6  }
0x11: {  	s7 =	smul.u32 $0x271000, s14;
	s21 =	sadd.s32 $0x5000, s6;
	[dreg:$0x7] =	wrdreg s12  }
0x12: {  	s14 =	smul.u32 $0xA000, s14;
	s22 =	sadd.s32 $0x7800, s6;
	[dreg:$0x8] =	wrdreg s21  }
0x13: {  	s8 =	simm.s32 $0x7E00;
	[dreg:$0x9] =	wrdreg s22;
	s23 =	sshrl.u32 s7, $0x3  }
0x14: {  	s26 =	sadd.s32 s14, s10;
	s18 =	sadd.s32 $0x13B000, s7;
	s19 =	sadd.s32 $0x13D800, s7  }
0x15: {  	s22 =	smax.u32 s0, $0x1;
	s0 =	simm.s32 $0x2;
	s12 =	sadd.s32 s5, s23  }
0x16: {  	v6 =	vlaneseq.u32;
	v1 =	vimm.f32 $0.0e+00;
	s2 =	sshrl.u32 s26, $0x3;
	s23 =	simm.s32 $0xD000;
	s26 =	simm.s32 $0x50  }
0x17: {  	v2 =	vor.u32 $0x1400, v6;
	v3 =	vor.u32 $0x1410, v6;
	v4 =	vor.u32 $0x1420, v6;
	s25 =	sadd.s32 $0x26C00, s12;
	s17 =	sadd.s32 $0x27100, s12;
	s20 =	sadd.s32 $0x4DD00, s12  }
0x18: {  	v5 =	vor.u32 $0x1430, v6;
	v6 =	vor.u32 $0x1440, v6;
	v0 =	vmov s11;
	s21 =	sadd.s32 s9, s2;
	s2 =	simm.s32 $0x3E00;
	[dreg:$0xc] =	wrdreg s25  }
.LBB2_1:
0x19: {  	s9 =	simm.s32 $0x0;
	s10 =	simm.s32 $0x200  }
.LBB2_2:
0x1a: {  	p0 =	sne.s32 s10, $0x9E00;
	[tilespmem:s9+$0xD070] =	vst v1  }
0x1b: {  	[tilespmem:s9+$0xD000] =	vst v1  }
0x1c: {  	[tilespmem:s9+$0xD010] =	vst v1  }
.Ltmp0:
0x1d: {  	[tilespmem:s9+$0xD020] =	vst v1;
	(pc) =	sbr.rel @p0 .LBB2_2-.Ltmp0, $4  }
0x1e: {  	[tilespmem:s9+$0xD030] =	vst v1  }
0x1f: {  	[tilespmem:s9+$0xD040] =	vst v1  }
0x20: {  	[tilespmem:s9+$0xD050] =	vst v1  }
0x21: {  	[tilespmem:s9+$0xD060] =	vst v1;
	s9 =	sshra.s32 s10, $0x2;
	s10 =	sadd.s32 $0x200, s10  }
0x22: {  	[tilespmem:s9+$0xD070] =	vst v1  }
0x23: {  	[tilespmem:s9+$0xD000] =	vst v1  }
0x24: {  	[tilespmem:s9+$0xD010] =	vst v1  }
0x25: {  	[tilespmem:s9+$0xD020] =	vst v1  }
0x26: {  	[tilespmem:s9+$0xD030] =	vst v1  }
0x27: {  	[tilespmem:s9+$0xD040] =	vst v1  }
0x28: {  	[tilespmem:s9+$0xD050] =	vst v1  }
0x29: {  	[tilespmem:s9+$0xD060] =	vst v1  }
0x2a: {  	[spmem:s6] =	stream.linear.scatter [tilespmem:s23], [sflag:$0x3], $0x2800, $0x38;
	[tilespmem:$0x1C280] =	vst v63  }
0x2b: {  	_ =	swait.ge [sflag:s24], $0x2800  }
0x2c: {  	[sflag:s24] =	ssyncset.done $0x0  }
0x2d: {  	s11 =	rddreg [dreg:$0x7];
	[sflag:s24] =	ssyncadd.s32 $0xFFFFD800  }
0x2e: {  	[spmem:s11] =	stream.linear.scatter [tilespmem:s23], [sflag:$0x3], $0x2800, $0x38;
	[tilespmem:$0x1C280] =	vst v63  }
0x2f: {  	_ =	swait.ge [sflag:s24], $0x2800  }
0x30: {  	[sflag:s24] =	ssyncset.done $0x0  }
0x31: {  	s13 =	rddreg [dreg:$0x8];
	[sflag:s24] =	ssyncadd.s32 $0xFFFFD800  }
0x32: {  	[spmem:s13] =	stream.linear.scatter [tilespmem:s23], [sflag:$0x3], $0x2800, $0x38;
	[tilespmem:$0x1C280] =	vst v63  }
0x33: {  	_ =	swait.ge [sflag:s24], $0x2800  }
0x34: {  	[sflag:s24] =	ssyncset.done $0x0  }
0x35: {  	s14 =	rddreg [dreg:$0x9];
	[sflag:s24] =	ssyncadd.s32 $0xFFFFD800  }
0x36: {  	[spmem:s14] =	stream.linear.scatter [tilespmem:s23], [sflag:$0x3], $0x2800, $0x38;
	[tilespmem:$0x1C280] =	vst v63  }
0x37: {  	_ =	swait.ge [sflag:s24], $0x2800  }
0x38: {  	[sflag:s24] =	ssyncset.done $0x0  }
0x39: {  	[sflag:s24] =	ssyncadd.s32 $0xFFFFD800  }
0x3a: {  	[bflag:$0x0] =	sbarrier.arrive $0xFFFF  }
0x3b: {  	s15 =	simm.s32 $0x0;
	s10 =	rddreg [dreg:$0xa]  }
0x3c: {  	[tilespmem:s15], [sflag:$0x3] =	stream.linear.gather [hbm4b:s10+s15], $0x3E80, $0x38;
	[tilespmem:$0x1C280] =	vst v63  }
0x3d: {  	_ =	swait.ge [sflag:s24], $0x3E80  }
0x3e: {  	[sflag:s24] =	ssyncset.done $0x0  }
0x3f: {  	s11 =	simm.s32 $0x4000;
	s25 =	rddreg [dreg:$0xb];
	[sflag:s24] =	ssyncadd.s32 $0xFFFFC180  }
0x40: {  	[tilespmem:s11], [sflag:$0x3] =	stream.linear.gather [hbm4b:s25+s15], $0x3E80, $0x38;
	[tilespmem:$0x1C280] =	vst v63  }
0x41: {  	_ =	swait.ge [sflag:s24], $0x3E80  }
0x42: {  	[sflag:s24] =	ssyncset.done $0x0  }
0x43: {  	s9 =	simm.s32 $0x0;
	[sflag:s24] =	ssyncadd.s32 $0xFFFFC180  }
0x44: {  	v8 =	vld [tilespmem:s9+$0x4000]  }
0x45: {  	v10 =	vld [tilespmem:s9+$0x4010]  }
0x46: {  	v9 =	vld [tilespmem:s9+$0x4020]  }
0x47: {  	s10 =	simm.s32 $0x200;
	v7 =	vld [tilespmem:s9+$0x4030]  }
.LBB2_4:
0x48: {  	p0 =	sne.s32 s10, $0xF800;
	v11 =	vld [tilespmem:s9+$0x4040]  }
0x49: {  	v8 =	vsub.s32 v8, v0  }
0x4a: {  	vm0 =	vlt.u32 v8, $0x1388;
	v10 =	vsub.s32 v10, v0  }
0x4b: {  	v8 =	vsel vm0, v8, v2;
	vm0 =	vlt.u32 v10, $0x1388;
	v9 =	vsub.s32 v9, v0  }
.Ltmp1:
0x4c: {  	s11 =	sshra.s32 s10, $0x2;
	[tilespmem:s9+$0x4000] =	vst v8;
	v10 =	vsel vm0, v10, v3;
	vm0 =	vlt.u32 v9, $0x1388;
	v7 =	vsub.s32 v7, v0;
	(pc) =	sbr.rel @p0 .LBB2_4-.Ltmp1, $4  }
0x4d: {  	v8 =	vld [tilespmem:s11+$0x4000];
	[tilespmem:s9+$0x4010] =	vst v10;
	v9 =	vsel vm0, v9, v4;
	vm0 =	vlt.u32 v7, $0x1388;
	v11 =	vsub.s32 v11, v0  }
0x4e: {  	v10 =	vld [tilespmem:s11+$0x4010];
	[tilespmem:s9+$0x4020] =	vst v9;
	v7 =	vsel vm0, v7, v5;
	vm0 =	vlt.u32 v11, $0x1388  }
0x4f: {  	v9 =	vld [tilespmem:s11+$0x4020];
	[tilespmem:s9+$0x4030] =	vst v7;
	v11 =	vsel vm0, v11, v6  }
0x50: {  	s10 =	sadd.s32 $0x200, s10;
	v7 =	vld [tilespmem:s11+$0x4030];
	[tilespmem:s9+$0x4040] =	vst v11;
	s9 =	smov.u32 s11  }
0x51: {  	v11 =	vld [tilespmem:s9+$0x4040]  }
0x52: {  	v8 =	vsub.s32 v8, v0  }
0x53: {  	vm0 =	vlt.u32 v8, $0x1388;
	v10 =	vsub.s32 v10, v0  }
0x54: {  	v8 =	vsel vm0, v8, v2;
	vm12 =	vlt.u32 v10, $0x1388;
	v9 =	vsub.s32 v9, v0  }
0x55: {  	[tilespmem:s9+$0x4000] =	vst v8;
	v8 =	vsel vm12, v10, v3;
	vm13 =	vlt.u32 v9, $0x1388;
	v7 =	vsub.s32 v7, v0  }
0x56: {  	[tilespmem:s9+$0x4010] =	vst v8;
	v8 =	vsel vm13, v9, v4;
	vm14 =	vlt.u32 v7, $0x1388;
	v63 =	vsub.s32 v11, v0  }
0x57: {  	[tilespmem:s9+$0x4020] =	vst v8;
	v7 =	vsel vm14, v7, v5;
	vm15 =	vlt.u32 v63, $0x1388  }
0x58: {  	[tilespmem:s9+$0x4030] =	vst v7;
	v7 =	vsel vm15, v63, v6  }
0x59: {  	[tilespmem:s9+$0x4040] =	vst v7;
	s9 =	simm.s32 $0x0  }
0x5a: {  	[tilespmem:s28], [sflag:$0x1] =	stream.indirect.gather [hbm4b:s1+s26], $0x80, s9, s26, $0xb8;
	[tilespmem:$0x1C280] =	vst v63  }
0x5b: {  	s10 =	simm.s32 $0x0  }
0x5c: {  	[tilespmem:s23], [sflag:$0x1] =	stream.linear.gather [hbm4b:s12+s9], $0x2800, $0x38;
	[tilespmem:$0x1C280] =	vst v63  }
.LBB2_6:
0x5d: {  	s13 =	sshllo.u32 s10, $0x1  }
0x5e: {  	s11 =	sshll.u32 s13, $0x7;
	s13 =	smul.u32 $0x2800, s13  }
0x5f: {  	[tilespmem:s29], [sflag:$0x2] =	stream.indirect.gather [hbm4b:s1+s26], $0x80, s11, s26, $0xb8;
	[tilespmem:$0x1C280] =	vst v63  }
0x60: {  	s13 =	sadd.s32 s7, s13  }
0x61: {  	s13 =	sshrl.u32 s13, $0x3  }
0x62: {  	s13 =	sadd.s32 s5, s13  }
0x63: {  	[tilespmem:s30], [sflag:$0x2] =	stream.linear.gather [hbm4b:s13+s9], $0x2800, $0x38;
	[tilespmem:$0x1C280] =	vst v63  }
0x64: {  	_ =	swait.ge [sflag:s31], $0x2800  }
0x65: {  	[sflag:s31] =	ssyncset.done $0x0  }
0x66: {  	[sflag:s31] =	ssyncadd.s32 $0xFFFFD800  }
0x67: {  	_ =	swait.ge [sflag:s31], $0x2800  }
0x68: {  	[sflag:s31] =	ssyncset.done $0x0  }
0x69: {  	s13 =	simm.s32 $0x0;
	[sflag:s31] =	ssyncadd.s32 $0xFFFFD800  }
0x6a: {  	v13 =	vld [tilespmem:s13+$0x8000]  }
0x6b: {  	v18 =	vld [tilespmem:s13+$0x8010]  }
0x6c: {  	v12 =	vld [tilespmem:s13+$0x8020]  }
0x6d: {  	v11 =	vld [tilespmem:s13+$0x8030]  }
0x6e: {  	v10 =	vld [tilespmem:s13+$0x8040]  }
0x6f: {  	v9 =	vld [tilespmem:s13+$0x8050]  }
0x70: {  	v8 =	vld [tilespmem:s13+$0x8060]  }
0x71: {  	v7 =	vld [tilespmem:s13+$0x8070]  }
0x72: {  	v19 =	vld [tilespmem:s13+$0xD000]  }
0x73: {  	v20 =	vld [tilespmem:s13+$0xD010]  }
0x74: {  	v17 =	vld [tilespmem:s13+$0xD020]  }
0x75: {  	v16 =	vld [tilespmem:s13+$0xD030]  }
0x76: {  	v15 =	vld [tilespmem:s13+$0xD040]  }
0x77: {  	v14 =	vld [tilespmem:s13+$0xD050];
	v19 =	vadd.f32 v19, v13  }
0x78: {  	s25 =	sshll.u32 s10, $0x1;
	s14 =	simm.s32 $0x200;
	v18 =	vadd.f32 v20, v18;
	v13 =	vld [tilespmem:s13+$0xD060]  }
.LBB2_7:
0x79: {  	s15 =	sshra.s32 s14, $0x2;
	p0 =	sne.s32 s14, $0x9E00;
	v19 =	vmax.f32 v19, $0.0e+00;
	v12 =	vadd.f32 v17, v12;
	v17 =	vld [tilespmem:s13+$0xD070]  }
0x7a: {  	v20 =	vld [tilespmem:s15+$0x8000];
	[tilespmem:s13+$0xD000] =	vst v19;
	v18 =	vmax.f32 v18, $0.0e+00;
	v11 =	vadd.f32 v16, v11  }
0x7b: {  	v21 =	vld [tilespmem:s15+$0x8010];
	[tilespmem:s13+$0xD010] =	vst v18;
	v16 =	vmax.f32 v12, $0.0e+00;
	v10 =	vadd.f32 v15, v10  }
0x7c: {  	v12 =	vld [tilespmem:s15+$0x8020];
	[tilespmem:s13+$0xD020] =	vst v16;
	v15 =	vmax.f32 v11, $0.0e+00;
	v9 =	vadd.f32 v14, v9  }
0x7d: {  	v11 =	vld [tilespmem:s15+$0x8030];
	[tilespmem:s13+$0xD030] =	vst v15;
	v14 =	vmax.f32 v10, $0.0e+00;
	v8 =	vadd.f32 v13, v8  }
0x7e: {  	v10 =	vld [tilespmem:s15+$0x8040];
	[tilespmem:s13+$0xD040] =	vst v14;
	v13 =	vmax.f32 v9, $0.0e+00;
	v7 =	vadd.f32 v17, v7  }
0x7f: {  	v9 =	vld [tilespmem:s15+$0x8050];
	[tilespmem:s13+$0xD050] =	vst v13;
	v13 =	vmax.f32 v8, $0.0e+00  }
0x80: {  	v8 =	vld [tilespmem:s15+$0x8060];
	[tilespmem:s13+$0xD060] =	vst v13;
	v13 =	vmax.f32 v7, $0.0e+00  }
0x81: {  	v7 =	vld [tilespmem:s15+$0x8070];
	[tilespmem:s13+$0xD070] =	vst v13;
	s13 =	smov.u32 s15  }
0x82: {  	v13 =	vld [tilespmem:s13+$0xD000]  }
0x83: {  	v18 =	vld [tilespmem:s13+$0xD010]  }
.Ltmp2:
0x84: {  	v17 =	vld [tilespmem:s13+$0xD020];
	(pc) =	sbr.rel @p0 .LBB2_7-.Ltmp2, $4  }
0x85: {  	v16 =	vld [tilespmem:s13+$0xD030]  }
0x86: {  	v15 =	vld [tilespmem:s13+$0xD040]  }
0x87: {  	v19 =	vadd.f32 v13, v20;
	v14 =	vld [tilespmem:s13+$0xD050]  }
0x88: {  	s14 =	sadd.s32 $0x200, s14;
	v18 =	vadd.f32 v18, v21;
	v13 =	vld [tilespmem:s13+$0xD060]  }
0x89: {  	v19 =	vmax.f32 v19, $0.0e+00;
	v12 =	vadd.f32 v17, v12;
	v17 =	vld [tilespmem:s13+$0xD070]  }
0x8a: {  	[tilespmem:s13+$0xD000] =	vst v19;
	v18 =	vmax.f32 v18, $0.0e+00;
	v11 =	vadd.f32 v16, v11  }
0x8b: {  	[tilespmem:s13+$0xD010] =	vst v18;
	v12 =	vmax.f32 v12, $0.0e+00;
	v10 =	vadd.f32 v15, v10  }
0x8c: {  	[tilespmem:s13+$0xD020] =	vst v12;
	v11 =	vmax.f32 v11, $0.0e+00;
	v9 =	vadd.f32 v14, v9  }
0x8d: {  	[tilespmem:s13+$0xD030] =	vst v11;
	v10 =	vmax.f32 v10, $0.0e+00;
	v8 =	vadd.f32 v13, v8  }
0x8e: {  	[tilespmem:s13+$0xD040] =	vst v10;
	v9 =	vmax.f32 v9, $0.0e+00;
	v7 =	vadd.f32 v17, v7  }
0x8f: {  	s14 =	sshll.u32 s10, $0x8;
	[tilespmem:s13+$0xD050] =	vst v9;
	v8 =	vmax.f32 v8, $0.0e+00  }
0x90: {  	p0 =	seq.s32 s10, $0x3D;
	s14 =	sand.u32 $0x3FFFFF00, s14;
	[tilespmem:s13+$0xD060] =	vst v8;
	v7 =	vmax.f32 v7, $0.0e+00  }
0x91: {  	s15 =	sadd.s32 $0x4000, s14;
	[tilespmem:s13+$0xD070] =	vst v7;
	s13 =	sadd.s32 @!p0 $0x2, s25  }
0x92: {  	[spmem:s3] =	stream.indirect.scatter.add.f32 [tilespmem:s23], [sflag:$0x3], $0x80, s15, s26, $0xb8;
	[tilespmem:$0x1C280] =	vst v63  }
0x93: {  	s14 =	sshll.u32 @!p0 s13, $0x7;
	s13 =	smul.u32 @!p0 $0x2800, s13  }
0x94: {  	s25 =	simm.s32 @!p0 $0x8000;
	_ =	swait.ge [sflag:s24], $0x2800  }
0x95: {  	s15 =	simm.s32 @!p0 $0x50;
	[sflag:s24] =	ssyncset.done $0x0;
	s13 =	sadd.s32 @!p0 s7, s13  }
0x96: {  	s14 =	sand.u32 @!p0 $0x3FFFFF80, s14;
	[sflag:s24] =	ssyncadd.s32 $0xFFFFD800;
	s13 =	sshrl.u32 @!p0 s13, $0x3  }
0x97: {  	[tilespmem:s25], [sflag:$0x1] =	stream.indirect.gather @!p0 [hbm4b:s1+s15], $0x80, s14, s15, $0xb8;
	[tilespmem:$0x1C280] =	vst v63  }
0x98: {  	s13 =	sadd.s32 @!p0 s5, s13;
	s14 =	simm.s32 @!p0 $0x0;
	s15 =	simm.s32 @!p0 $0xD000  }
0x99: {  	[tilespmem:s15], [sflag:$0x1] =	stream.linear.gather @!p0 [hbm4b:s13+s14], $0x2800, $0x38;
	[tilespmem:$0x1C280] =	vst v63  }
0x9a: {  	_ =	swait.ge [sflag:s0], $0x2800  }
0x9b: {  	[sflag:s0] =	ssyncset.done $0x0  }
0x9c: {  	[sflag:s0] =	ssyncadd.s32 $0xFFFFD800  }
0x9d: {  	_ =	swait.ge [sflag:s0], $0x2800  }
0x9e: {  	[sflag:s0] =	ssyncset.done $0x0  }
0x9f: {  	s13 =	simm.s32 $0x0;
	[sflag:s0] =	ssyncadd.s32 $0xFFFFD800  }
0xa0: {  	v13 =	vld [tilespmem:s13+$0xA800]  }
0xa1: {  	v18 =	vld [tilespmem:s13+$0xA810]  }
0xa2: {  	v12 =	vld [tilespmem:s13+$0xA820]  }
0xa3: {  	v11 =	vld [tilespmem:s13+$0xA830]  }
0xa4: {  	v10 =	vld [tilespmem:s13+$0xA840]  }
0xa5: {  	v9 =	vld [tilespmem:s13+$0xA850]  }
0xa6: {  	v8 =	vld [tilespmem:s13+$0xA860]  }
0xa7: {  	v7 =	vld [tilespmem:s13+$0xA870]  }
0xa8: {  	v19 =	vld [tilespmem:s13+$0xF800]  }
0xa9: {  	v20 =	vld [tilespmem:s13+$0xF810]  }
0xaa: {  	v17 =	vld [tilespmem:s13+$0xF820]  }
0xab: {  	v16 =	vld [tilespmem:s13+$0xF830]  }
0xac: {  	v15 =	vld [tilespmem:s13+$0xF840]  }
0xad: {  	v14 =	vld [tilespmem:s13+$0xF850];
	v19 =	vadd.f32 v19, v13  }
0xae: {  	s14 =	simm.s32 $0x200;
	v18 =	vadd.f32 v20, v18;
	v13 =	vld [tilespmem:s13+$0xF860]  }
.LBB2_9:
0xaf: {  	s15 =	sshra.s32 s14, $0x2;
	p0 =	sne.s32 s14, $0x9E00;
	v19 =	vmax.f32 v19, $0.0e+00;
	v12 =	vadd.f32 v17, v12;
	v17 =	vld [tilespmem:s13+$0xF870]  }
0xb0: {  	v20 =	vld [tilespmem:s15+$0xA800];
	[tilespmem:s13+$0xF800] =	vst v19;
	v18 =	vmax.f32 v18, $0.0e+00;
	v11 =	vadd.f32 v16, v11  }
0xb1: {  	v21 =	vld [tilespmem:s15+$0xA810];
	[tilespmem:s13+$0xF810] =	vst v18;
	v16 =	vmax.f32 v12, $0.0e+00;
	v10 =	vadd.f32 v15, v10  }
0xb2: {  	v12 =	vld [tilespmem:s15+$0xA820];
	[tilespmem:s13+$0xF820] =	vst v16;
	v15 =	vmax.f32 v11, $0.0e+00;
	v9 =	vadd.f32 v14, v9  }
0xb3: {  	v11 =	vld [tilespmem:s15+$0xA830];
	[tilespmem:s13+$0xF830] =	vst v15;
	v14 =	vmax.f32 v10, $0.0e+00;
	v8 =	vadd.f32 v13, v8  }
0xb4: {  	v10 =	vld [tilespmem:s15+$0xA840];
	[tilespmem:s13+$0xF840] =	vst v14;
	v13 =	vmax.f32 v9, $0.0e+00;
	v7 =	vadd.f32 v17, v7  }
0xb5: {  	v9 =	vld [tilespmem:s15+$0xA850];
	[tilespmem:s13+$0xF850] =	vst v13;
	v13 =	vmax.f32 v8, $0.0e+00  }
0xb6: {  	v8 =	vld [tilespmem:s15+$0xA860];
	[tilespmem:s13+$0xF860] =	vst v13;
	v13 =	vmax.f32 v7, $0.0e+00  }
0xb7: {  	v7 =	vld [tilespmem:s15+$0xA870];
	[tilespmem:s13+$0xF870] =	vst v13;
	s13 =	smov.u32 s15  }
0xb8: {  	v13 =	vld [tilespmem:s13+$0xF800]  }
0xb9: {  	v18 =	vld [tilespmem:s13+$0xF810]  }
.Ltmp3:
0xba: {  	v17 =	vld [tilespmem:s13+$0xF820];
	(pc) =	sbr.rel @p0 .LBB2_9-.Ltmp3, $4  }
0xbb: {  	v16 =	vld [tilespmem:s13+$0xF830]  }
0xbc: {  	v15 =	vld [tilespmem:s13+$0xF840]  }
0xbd: {  	v19 =	vadd.f32 v13, v20;
	v14 =	vld [tilespmem:s13+$0xF850]  }
0xbe: {  	s14 =	sadd.s32 $0x200, s14;
	v18 =	vadd.f32 v18, v21;
	v13 =	vld [tilespmem:s13+$0xF860]  }
0xbf: {  	v19 =	vmax.f32 v19, $0.0e+00;
	v12 =	vadd.f32 v17, v12;
	v63 =	vld [tilespmem:s13+$0xF870]  }
0xc0: {  	[tilespmem:s13+$0xF800] =	vst v19;
	v18 =	vmax.f32 v18, $0.0e+00;
	v11 =	vadd.f32 v16, v11  }
0xc1: {  	[tilespmem:s13+$0xF810] =	vst v18;
	v12 =	vmax.f32 v12, $0.0e+00;
	v10 =	vadd.f32 v15, v10  }
0xc2: {  	[tilespmem:s13+$0xF820] =	vst v12;
	v11 =	vmax.f32 v11, $0.0e+00;
	v9 =	vadd.f32 v14, v9  }
0xc3: {  	[tilespmem:s13+$0xF830] =	vst v11;
	v10 =	vmax.f32 v10, $0.0e+00;
	v8 =	vadd.f32 v13, v8  }
0xc4: {  	[tilespmem:s13+$0xF840] =	vst v10;
	v9 =	vmax.f32 v9, $0.0e+00;
	v7 =	vadd.f32 v63, v7  }
0xc5: {  	s10 =	sadd.s32 $0x1, s10;
	[tilespmem:s13+$0xF850] =	vst v9;
	v8 =	vmax.f32 v8, $0.0e+00  }
0xc6: {  	p0 =	sne.s32 s10, $0x3E;
	[tilespmem:s13+$0xF860] =	vst v8;
	v7 =	vmax.f32 v7, $0.0e+00  }
.Ltmp4:
0xc7: {  	s11 =	sadd.s32 $0x4000, s11;
	[tilespmem:s13+$0xF870] =	vst v7;
	(pc) =	sbr.rel @p0 .LBB2_6-.Ltmp4, $4  }
0xc8: {  	[spmem:s3] =	stream.indirect.scatter.add.f32 [tilespmem:s30], [sflag:$0x3], $0x80, s11, s26, $0xb8;
	[tilespmem:$0x1C280] =	vst v63  }
0xc9: {  	_ =	swait.ge [sflag:s24], $0x2800  }
0xca: {  	[sflag:s24] =	ssyncset.done $0x0  }
0xcb: {  	[sflag:s24] =	ssyncadd.s32 $0xFFFFD800  }
0xcc: {  	[tilespmem:s28], [sflag:$0x1] =	stream.indirect.gather [hbm4b:s1+s26], $0x80, s2, s26, $0xb8;
	[tilespmem:$0x1C280] =	vst v63  }
0xcd: {  	s9 =	simm.s32 $0x0;
	s10 =	rddreg [dreg:$0xc]  }
0xce: {  	[tilespmem:s23], [sflag:$0x1] =	stream.linear.gather [hbm4b:s10+s9], $0x2800, $0x38;
	[tilespmem:$0x1C280] =	vst v63  }
0xcf: {  	_ =	swait.ge [sflag:s31], $0x2800  }
0xd0: {  	[sflag:s31] =	ssyncset.done $0x0  }
0xd1: {  	[sflag:s31] =	ssyncadd.s32 $0xFFFFD800  }
0xd2: {  	_ =	swait.ge [sflag:s31], $0x2800  }
0xd3: {  	[sflag:s31] =	ssyncset.done $0x0  }
0xd4: {  	s9 =	simm.s32 $0x0;
	[sflag:s31] =	ssyncadd.s32 $0xFFFFD800  }
0xd5: {  	v13 =	vld [tilespmem:s9+$0x8000]  }
0xd6: {  	v18 =	vld [tilespmem:s9+$0x8010]  }
0xd7: {  	v12 =	vld [tilespmem:s9+$0x8020]  }
0xd8: {  	v11 =	vld [tilespmem:s9+$0x8030]  }
0xd9: {  	v10 =	vld [tilespmem:s9+$0x8040]  }
0xda: {  	v9 =	vld [tilespmem:s9+$0x8050]  }
0xdb: {  	v8 =	vld [tilespmem:s9+$0x8060]  }
0xdc: {  	v7 =	vld [tilespmem:s9+$0x8070]  }
0xdd: {  	v19 =	vld [tilespmem:s9+$0xD000]  }
0xde: {  	v20 =	vld [tilespmem:s9+$0xD010]  }
0xdf: {  	v17 =	vld [tilespmem:s9+$0xD020]  }
0xe0: {  	v16 =	vld [tilespmem:s9+$0xD030]  }
0xe1: {  	v15 =	vld [tilespmem:s9+$0xD040]  }
0xe2: {  	v14 =	vld [tilespmem:s9+$0xD050];
	v19 =	vadd.f32 v19, v13  }
0xe3: {  	s10 =	simm.s32 $0x200;
	v18 =	vadd.f32 v20, v18;
	v13 =	vld [tilespmem:s9+$0xD060]  }
.LBB2_12:
0xe4: {  	s11 =	sshra.s32 s10, $0x2;
	p0 =	sne.s32 s10, $0x9E00;
	v19 =	vmax.f32 v19, $0.0e+00;
	v12 =	vadd.f32 v17, v12;
	v17 =	vld [tilespmem:s9+$0xD070]  }
0xe5: {  	v20 =	vld [tilespmem:s11+$0x8000];
	[tilespmem:s9+$0xD000] =	vst v19;
	v18 =	vmax.f32 v18, $0.0e+00;
	v11 =	vadd.f32 v16, v11  }
0xe6: {  	v21 =	vld [tilespmem:s11+$0x8010];
	[tilespmem:s9+$0xD010] =	vst v18;
	v16 =	vmax.f32 v12, $0.0e+00;
	v10 =	vadd.f32 v15, v10  }
0xe7: {  	v12 =	vld [tilespmem:s11+$0x8020];
	[tilespmem:s9+$0xD020] =	vst v16;
	v15 =	vmax.f32 v11, $0.0e+00;
	v9 =	vadd.f32 v14, v9  }
0xe8: {  	v11 =	vld [tilespmem:s11+$0x8030];
	[tilespmem:s9+$0xD030] =	vst v15;
	v14 =	vmax.f32 v10, $0.0e+00;
	v8 =	vadd.f32 v13, v8  }
0xe9: {  	v10 =	vld [tilespmem:s11+$0x8040];
	[tilespmem:s9+$0xD040] =	vst v14;
	v13 =	vmax.f32 v9, $0.0e+00;
	v7 =	vadd.f32 v17, v7  }
0xea: {  	v9 =	vld [tilespmem:s11+$0x8050];
	[tilespmem:s9+$0xD050] =	vst v13;
	v13 =	vmax.f32 v8, $0.0e+00  }
0xeb: {  	v8 =	vld [tilespmem:s11+$0x8060];
	[tilespmem:s9+$0xD060] =	vst v13;
	v13 =	vmax.f32 v7, $0.0e+00  }
0xec: {  	v7 =	vld [tilespmem:s11+$0x8070];
	[tilespmem:s9+$0xD070] =	vst v13;
	s9 =	smov.u32 s11  }
0xed: {  	v13 =	vld [tilespmem:s9+$0xD000]  }
0xee: {  	v18 =	vld [tilespmem:s9+$0xD010]  }
.Ltmp5:
0xef: {  	v17 =	vld [tilespmem:s9+$0xD020];
	(pc) =	sbr.rel @p0 .LBB2_12-.Ltmp5, $4  }
0xf0: {  	v16 =	vld [tilespmem:s9+$0xD030]  }
0xf1: {  	v15 =	vld [tilespmem:s9+$0xD040]  }
0xf2: {  	v19 =	vadd.f32 v13, v20;
	v14 =	vld [tilespmem:s9+$0xD050]  }
0xf3: {  	s10 =	sadd.s32 $0x200, s10;
	v18 =	vadd.f32 v18, v21;
	v13 =	vld [tilespmem:s9+$0xD060]  }
0xf4: {  	v19 =	vmax.f32 v19, $0.0e+00;
	v12 =	vadd.f32 v17, v12;
	v63 =	vld [tilespmem:s9+$0xD070]  }
0xf5: {  	[tilespmem:s9+$0xD000] =	vst v19;
	v18 =	vmax.f32 v18, $0.0e+00;
	v11 =	vadd.f32 v16, v11  }
0xf6: {  	[tilespmem:s9+$0xD010] =	vst v18;
	v12 =	vmax.f32 v12, $0.0e+00;
	v10 =	vadd.f32 v15, v10  }
0xf7: {  	[tilespmem:s9+$0xD020] =	vst v12;
	v11 =	vmax.f32 v11, $0.0e+00;
	v9 =	vadd.f32 v14, v9  }
0xf8: {  	[tilespmem:s9+$0xD030] =	vst v11;
	v10 =	vmax.f32 v10, $0.0e+00;
	v8 =	vadd.f32 v13, v8  }
0xf9: {  	[tilespmem:s9+$0xD040] =	vst v10;
	v9 =	vmax.f32 v9, $0.0e+00;
	v7 =	vadd.f32 v63, v7  }
0xfa: {  	[tilespmem:s9+$0xD050] =	vst v9;
	v8 =	vmax.f32 v8, $0.0e+00  }
0xfb: {  	[tilespmem:s9+$0xD060] =	vst v8;
	v7 =	vmax.f32 v7, $0.0e+00  }
0xfc: {  	[tilespmem:s9+$0xD070] =	vst v7  }
0xfd: {  	[spmem:s3] =	stream.indirect.scatter.add.f32 [tilespmem:s23], [sflag:$0x3], $0x80, s8, s26, $0xb8;
	[tilespmem:$0x1C280] =	vst v63  }
0xfe: {  	_ =	swait.ge [sflag:s24], $0x2800  }
0xff: {  	[sflag:s24] =	ssyncset.done $0x0  }
0x100: {  	s15 =	simm.s32 $0x0;
	s10 =	rddreg [dreg:$0xd];
	[sflag:s24] =	ssyncadd.s32 $0xFFFFD800  }
0x101: {  	[tilespmem:s15], [sflag:$0x3] =	stream.linear.gather [hbm4b:s10+s15], $0x3E80, $0x38;
	[tilespmem:$0x1C280] =	vst v63  }
0x102: {  	_ =	swait.ge [sflag:s24], $0x3E80  }
0x103: {  	[sflag:s24] =	ssyncset.done $0x0  }
0x104: {  	s25 =	simm.s32 $0x4000;
	[sflag:s24] =	ssyncadd.s32 $0xFFFFC180  }
0x105: {  	[tilespmem:s25], [sflag:$0x3] =	stream.linear.gather [hbm4b:s16+s15], $0x3E80, $0x38;
	[tilespmem:$0x1C280] =	vst v63  }
0x106: {  	_ =	swait.ge [sflag:s24], $0x3E80  }
0x107: {  	[sflag:s24] =	ssyncset.done $0x0  }
0x108: {  	s9 =	simm.s32 $0x0;
	[sflag:s24] =	ssyncadd.s32 $0xFFFFC180  }
0x109: {  	v8 =	vld [tilespmem:s9+$0x4000]  }
0x10a: {  	v10 =	vld [tilespmem:s9+$0x4010]  }
0x10b: {  	v9 =	vld [tilespmem:s9+$0x4020]  }
0x10c: {  	s10 =	simm.s32 $0x200;
	v7 =	vld [tilespmem:s9+$0x4030]  }
.LBB2_14:
0x10d: {  	p0 =	sne.s32 s10, $0xF800;
	v11 =	vld [tilespmem:s9+$0x4040]  }
0x10e: {  	v8 =	vsub.s32 v8, v0  }
0x10f: {  	vm0 =	vlt.u32 v8, $0x1388;
	v10 =	vsub.s32 v10, v0  }
0x110: {  	v8 =	vsel vm0, v8, v2;
	vm0 =	vlt.u32 v10, $0x1388;
	v9 =	vsub.s32 v9, v0  }
.Ltmp6:
0x111: {  	s11 =	sshra.s32 s10, $0x2;
	[tilespmem:s9+$0x4000] =	vst v8;
	v10 =	vsel vm0, v10, v3;
	vm0 =	vlt.u32 v9, $0x1388;
	v7 =	vsub.s32 v7, v0;
	(pc) =	sbr.rel @p0 .LBB2_14-.Ltmp6, $4  }
0x112: {  	v8 =	vld [tilespmem:s11+$0x4000];
	[tilespmem:s9+$0x4010] =	vst v10;
	v9 =	vsel vm0, v9, v4;
	vm0 =	vlt.u32 v7, $0x1388;
	v11 =	vsub.s32 v11, v0  }
0x113: {  	v10 =	vld [tilespmem:s11+$0x4010];
	[tilespmem:s9+$0x4020] =	vst v9;
	v7 =	vsel vm0, v7, v5;
	vm0 =	vlt.u32 v11, $0x1388  }
0x114: {  	v9 =	vld [tilespmem:s11+$0x4020];
	[tilespmem:s9+$0x4030] =	vst v7;
	v11 =	vsel vm0, v11, v6  }
0x115: {  	s10 =	sadd.s32 $0x200, s10;
	v7 =	vld [tilespmem:s11+$0x4030];
	[tilespmem:s9+$0x4040] =	vst v11;
	s9 =	smov.u32 s11  }
0x116: {  	v11 =	vld [tilespmem:s9+$0x4040]  }
0x117: {  	v8 =	vsub.s32 v8, v0  }
0x118: {  	vm0 =	vlt.u32 v8, $0x1388;
	v10 =	vsub.s32 v10, v0  }
0x119: {  	v8 =	vsel vm0, v8, v2;
	vm12 =	vlt.u32 v10, $0x1388;
	v9 =	vsub.s32 v9, v0  }
0x11a: {  	[tilespmem:s9+$0x4000] =	vst v8;
	v8 =	vsel vm12, v10, v3;
	vm13 =	vlt.u32 v9, $0x1388;
	v7 =	vsub.s32 v7, v0  }
0x11b: {  	[tilespmem:s9+$0x4010] =	vst v8;
	v8 =	vsel vm13, v9, v4;
	vm14 =	vlt.u32 v7, $0x1388;
	v63 =	vsub.s32 v11, v0  }
0x11c: {  	[tilespmem:s9+$0x4020] =	vst v8;
	v7 =	vsel vm14, v7, v5;
	vm15 =	vlt.u32 v63, $0x1388  }
0x11d: {  	[tilespmem:s9+$0x4030] =	vst v7;
	v7 =	vsel vm15, v63, v6  }
0x11e: {  	[tilespmem:s9+$0x4040] =	vst v7;
	s9 =	simm.s32 $0x0  }
0x11f: {  	[tilespmem:s28], [sflag:$0x1] =	stream.indirect.gather [hbm4b:s1+s26], $0x80, s9, s26, $0xb8;
	[tilespmem:$0x1C280] =	vst v63  }
0x120: {  	s10 =	simm.s32 $0x0  }
0x121: {  	[tilespmem:s23], [sflag:$0x1] =	stream.linear.gather [hbm4b:s17+s9], $0x2800, $0x38;
	[tilespmem:$0x1C280] =	vst v63  }
.LBB2_16:
0x122: {  	s11 =	sshll.u32 s10, $0x8  }
0x123: {  	s13 =	smul.u32 $0x5000, s10;
	s11 =	sor.u32 $0x80, s11  }
0x124: {  	[tilespmem:s29], [sflag:$0x2] =	stream.indirect.gather [hbm4b:s1+s26], $0x80, s11, s26, $0xb8;
	[tilespmem:$0x1C280] =	vst v63  }
0x125: {  	s14 =	sadd.s32 s13, s18  }
0x126: {  	s14 =	sshrl.u32 s14, $0x3  }
0x127: {  	s14 =	sadd.s32 s5, s14  }
0x128: {  	[tilespmem:s30], [sflag:$0x2] =	stream.linear.gather [hbm4b:s14+s9], $0x2800, $0x38;
	[tilespmem:$0x1C280] =	vst v63  }
0x129: {  	_ =	swait.ge [sflag:s31], $0x2800  }
0x12a: {  	[sflag:s31] =	ssyncset.done $0x0  }
0x12b: {  	[sflag:s31] =	ssyncadd.s32 $0xFFFFD800  }
0x12c: {  	_ =	swait.ge [sflag:s31], $0x2800  }
0x12d: {  	[sflag:s31] =	ssyncset.done $0x0  }
0x12e: {  	s25 =	simm.s32 $0x0;
	[sflag:s31] =	ssyncadd.s32 $0xFFFFD800  }
0x12f: {  	v13 =	vld [tilespmem:s25+$0x8000]  }
0x130: {  	v18 =	vld [tilespmem:s25+$0x8010]  }
0x131: {  	v12 =	vld [tilespmem:s25+$0x8020]  }
0x132: {  	v11 =	vld [tilespmem:s25+$0x8030]  }
0x133: {  	v10 =	vld [tilespmem:s25+$0x8040]  }
0x134: {  	v9 =	vld [tilespmem:s25+$0x8050]  }
0x135: {  	v8 =	vld [tilespmem:s25+$0x8060]  }
0x136: {  	v7 =	vld [tilespmem:s25+$0x8070]  }
0x137: {  	v19 =	vld [tilespmem:s25+$0xD000]  }
0x138: {  	v20 =	vld [tilespmem:s25+$0xD010]  }
0x139: {  	v17 =	vld [tilespmem:s25+$0xD020]  }
0x13a: {  	v16 =	vld [tilespmem:s25+$0xD030]  }
0x13b: {  	v15 =	vld [tilespmem:s25+$0xD040]  }
0x13c: {  	v14 =	vld [tilespmem:s25+$0xD050];
	v19 =	vadd.f32 v19, v13  }
0x13d: {  	s14 =	simm.s32 $0x200;
	v18 =	vadd.f32 v20, v18;
	v13 =	vld [tilespmem:s25+$0xD060]  }
.LBB2_17:
0x13e: {  	s15 =	sshra.s32 s14, $0x2;
	p0 =	sne.s32 s14, $0x9E00;
	v19 =	vmax.f32 v19, $0.0e+00;
	v12 =	vadd.f32 v17, v12;
	v17 =	vld [tilespmem:s25+$0xD070]  }
0x13f: {  	v20 =	vld [tilespmem:s15+$0x8000];
	[tilespmem:s25+$0xD000] =	vst v19;
	v18 =	vmax.f32 v18, $0.0e+00;
	v11 =	vadd.f32 v16, v11  }
0x140: {  	v21 =	vld [tilespmem:s15+$0x8010];
	[tilespmem:s25+$0xD010] =	vst v18;
	v16 =	vmax.f32 v12, $0.0e+00;
	v10 =	vadd.f32 v15, v10  }
0x141: {  	v12 =	vld [tilespmem:s15+$0x8020];
	[tilespmem:s25+$0xD020] =	vst v16;
	v15 =	vmax.f32 v11, $0.0e+00;
	v9 =	vadd.f32 v14, v9  }
0x142: {  	v11 =	vld [tilespmem:s15+$0x8030];
	[tilespmem:s25+$0xD030] =	vst v15;
	v14 =	vmax.f32 v10, $0.0e+00;
	v8 =	vadd.f32 v13, v8  }
0x143: {  	v10 =	vld [tilespmem:s15+$0x8040];
	[tilespmem:s25+$0xD040] =	vst v14;
	v13 =	vmax.f32 v9, $0.0e+00;
	v7 =	vadd.f32 v17, v7  }
0x144: {  	v9 =	vld [tilespmem:s15+$0x8050];
	[tilespmem:s25+$0xD050] =	vst v13;
	v13 =	vmax.f32 v8, $0.0e+00  }
0x145: {  	v8 =	vld [tilespmem:s15+$0x8060];
	[tilespmem:s25+$0xD060] =	vst v13;
	v13 =	vmax.f32 v7, $0.0e+00  }
0x146: {  	v7 =	vld [tilespmem:s15+$0x8070];
	[tilespmem:s25+$0xD070] =	vst v13;
	s25 =	smov.u32 s15  }
0x147: {  	v13 =	vld [tilespmem:s25+$0xD000]  }
0x148: {  	v18 =	vld [tilespmem:s25+$0xD010]  }
.Ltmp7:
0x149: {  	v17 =	vld [tilespmem:s25+$0xD020];
	(pc) =	sbr.rel @p0 .LBB2_17-.Ltmp7, $4  }
0x14a: {  	v16 =	vld [tilespmem:s25+$0xD030]  }
0x14b: {  	v15 =	vld [tilespmem:s25+$0xD040]  }
0x14c: {  	v19 =	vadd.f32 v13, v20;
	v14 =	vld [tilespmem:s25+$0xD050]  }
0x14d: {  	s14 =	sadd.s32 $0x200, s14;
	v18 =	vadd.f32 v18, v21;
	v13 =	vld [tilespmem:s25+$0xD060]  }
0x14e: {  	v19 =	vmax.f32 v19, $0.0e+00;
	v12 =	vadd.f32 v17, v12;
	v17 =	vld [tilespmem:s25+$0xD070]  }
0x14f: {  	[tilespmem:s25+$0xD000] =	vst v19;
	v18 =	vmax.f32 v18, $0.0e+00;
	v11 =	vadd.f32 v16, v11  }
0x150: {  	[tilespmem:s25+$0xD010] =	vst v18;
	v12 =	vmax.f32 v12, $0.0e+00;
	v10 =	vadd.f32 v15, v10  }
0x151: {  	[tilespmem:s25+$0xD020] =	vst v12;
	v11 =	vmax.f32 v11, $0.0e+00;
	v9 =	vadd.f32 v14, v9  }
0x152: {  	[tilespmem:s25+$0xD030] =	vst v11;
	v10 =	vmax.f32 v10, $0.0e+00;
	v8 =	vadd.f32 v13, v8  }
0x153: {  	[tilespmem:s25+$0xD040] =	vst v10;
	v9 =	vmax.f32 v9, $0.0e+00;
	v7 =	vadd.f32 v17, v7  }
0x154: {  	s14 =	sshll.u32 s10, $0xA;
	[tilespmem:s25+$0xD050] =	vst v9;
	v8 =	vmax.f32 v8, $0.0e+00  }
0x155: {  	s15 =	sshrl.u32 s14, $0x2;
	[tilespmem:s25+$0xD060] =	vst v8;
	v7 =	vmax.f32 v7, $0.0e+00  }
0x156: {  	p0 =	seq.s32 s10, $0x3D;
	s15 =	sadd.s32 $0x4000, s15;
	[tilespmem:s25+$0xD070] =	vst v7  }
0x157: {  	[spmem:s3] =	stream.indirect.scatter.add.f32 [tilespmem:s23], [sflag:$0x3], $0x80, s15, s26, $0xb8;
	[tilespmem:$0x1C280] =	vst v63  }
0x158: {  	s14 =	sshrl.u32 @!p0 s14, $0x2;
	s13 =	sadd.s32 @!p0 s13, s19;
	_ =	swait.ge [sflag:s24], $0x2800  }
0x159: {  	s14 =	sadd.s32 @!p0 $0x100, s14;
	s13 =	sshrl.u32 @!p0 s13, $0x3;
	[sflag:s24] =	ssyncset.done $0x0  }
0x15a: {  	s25 =	simm.s32 @!p0 $0x8000;
	s15 =	simm.s32 @!p0 $0x50;
	[sflag:s24] =	ssyncadd.s32 $0xFFFFD800  }
0x15b: {  	[tilespmem:s25], [sflag:$0x1] =	stream.indirect.gather @!p0 [hbm4b:s1+s15], $0x80, s14, s15, $0xb8;
	[tilespmem:$0x1C280] =	vst v63  }
0x15c: {  	s13 =	sadd.s32 @!p0 s5, s13;
	s14 =	simm.s32 @!p0 $0x0;
	s15 =	simm.s32 @!p0 $0xD000  }
0x15d: {  	[tilespmem:s15], [sflag:$0x1] =	stream.linear.gather @!p0 [hbm4b:s13+s14], $0x2800, $0x38;
	[tilespmem:$0x1C280] =	vst v63  }
0x15e: {  	_ =	swait.ge [sflag:s0], $0x2800  }
0x15f: {  	[sflag:s0] =	ssyncset.done $0x0  }
0x160: {  	[sflag:s0] =	ssyncadd.s32 $0xFFFFD800  }
0x161: {  	_ =	swait.ge [sflag:s0], $0x2800  }
0x162: {  	[sflag:s0] =	ssyncset.done $0x0  }
0x163: {  	s13 =	simm.s32 $0x0;
	[sflag:s0] =	ssyncadd.s32 $0xFFFFD800  }
0x164: {  	v13 =	vld [tilespmem:s13+$0xA800]  }
0x165: {  	v18 =	vld [tilespmem:s13+$0xA810]  }
0x166: {  	v12 =	vld [tilespmem:s13+$0xA820]  }
0x167: {  	v11 =	vld [tilespmem:s13+$0xA830]  }
0x168: {  	v10 =	vld [tilespmem:s13+$0xA840]  }
0x169: {  	v9 =	vld [tilespmem:s13+$0xA850]  }
0x16a: {  	v8 =	vld [tilespmem:s13+$0xA860]  }
0x16b: {  	v7 =	vld [tilespmem:s13+$0xA870]  }
0x16c: {  	v19 =	vld [tilespmem:s13+$0xF800]  }
0x16d: {  	v20 =	vld [tilespmem:s13+$0xF810]  }
0x16e: {  	v17 =	vld [tilespmem:s13+$0xF820]  }
0x16f: {  	v16 =	vld [tilespmem:s13+$0xF830]  }
0x170: {  	v15 =	vld [tilespmem:s13+$0xF840]  }
0x171: {  	v14 =	vld [tilespmem:s13+$0xF850];
	v19 =	vadd.f32 v19, v13  }
0x172: {  	s14 =	simm.s32 $0x200;
	v18 =	vadd.f32 v20, v18;
	v13 =	vld [tilespmem:s13+$0xF860]  }
.LBB2_19:
0x173: {  	s15 =	sshra.s32 s14, $0x2;
	p0 =	sne.s32 s14, $0x9E00;
	v19 =	vmax.f32 v19, $0.0e+00;
	v12 =	vadd.f32 v17, v12;
	v17 =	vld [tilespmem:s13+$0xF870]  }
0x174: {  	v20 =	vld [tilespmem:s15+$0xA800];
	[tilespmem:s13+$0xF800] =	vst v19;
	v18 =	vmax.f32 v18, $0.0e+00;
	v11 =	vadd.f32 v16, v11  }
0x175: {  	v21 =	vld [tilespmem:s15+$0xA810];
	[tilespmem:s13+$0xF810] =	vst v18;
	v16 =	vmax.f32 v12, $0.0e+00;
	v10 =	vadd.f32 v15, v10  }
0x176: {  	v12 =	vld [tilespmem:s15+$0xA820];
	[tilespmem:s13+$0xF820] =	vst v16;
	v15 =	vmax.f32 v11, $0.0e+00;
	v9 =	vadd.f32 v14, v9  }
0x177: {  	v11 =	vld [tilespmem:s15+$0xA830];
	[tilespmem:s13+$0xF830] =	vst v15;
	v14 =	vmax.f32 v10, $0.0e+00;
	v8 =	vadd.f32 v13, v8  }
0x178: {  	v10 =	vld [tilespmem:s15+$0xA840];
	[tilespmem:s13+$0xF840] =	vst v14;
	v13 =	vmax.f32 v9, $0.0e+00;
	v7 =	vadd.f32 v17, v7  }
0x179: {  	v9 =	vld [tilespmem:s15+$0xA850];
	[tilespmem:s13+$0xF850] =	vst v13;
	v13 =	vmax.f32 v8, $0.0e+00  }
0x17a: {  	v8 =	vld [tilespmem:s15+$0xA860];
	[tilespmem:s13+$0xF860] =	vst v13;
	v13 =	vmax.f32 v7, $0.0e+00  }
0x17b: {  	v7 =	vld [tilespmem:s15+$0xA870];
	[tilespmem:s13+$0xF870] =	vst v13;
	s13 =	smov.u32 s15  }
0x17c: {  	v13 =	vld [tilespmem:s13+$0xF800]  }
0x17d: {  	v18 =	vld [tilespmem:s13+$0xF810]  }
.Ltmp8:
0x17e: {  	v17 =	vld [tilespmem:s13+$0xF820];
	(pc) =	sbr.rel @p0 .LBB2_19-.Ltmp8, $4  }
0x17f: {  	v16 =	vld [tilespmem:s13+$0xF830]  }
0x180: {  	v15 =	vld [tilespmem:s13+$0xF840]  }
0x181: {  	v19 =	vadd.f32 v13, v20;
	v14 =	vld [tilespmem:s13+$0xF850]  }
0x182: {  	s14 =	sadd.s32 $0x200, s14;
	v18 =	vadd.f32 v18, v21;
	v13 =	vld [tilespmem:s13+$0xF860]  }
0x183: {  	v19 =	vmax.f32 v19, $0.0e+00;
	v12 =	vadd.f32 v17, v12;
	v63 =	vld [tilespmem:s13+$0xF870]  }
0x184: {  	[tilespmem:s13+$0xF800] =	vst v19;
	v18 =	vmax.f32 v18, $0.0e+00;
	v11 =	vadd.f32 v16, v11  }
0x185: {  	[tilespmem:s13+$0xF810] =	vst v18;
	v12 =	vmax.f32 v12, $0.0e+00;
	v10 =	vadd.f32 v15, v10  }
0x186: {  	[tilespmem:s13+$0xF820] =	vst v12;
	v11 =	vmax.f32 v11, $0.0e+00;
	v9 =	vadd.f32 v14, v9  }
0x187: {  	[tilespmem:s13+$0xF830] =	vst v11;
	v10 =	vmax.f32 v10, $0.0e+00;
	v8 =	vadd.f32 v13, v8  }
0x188: {  	[tilespmem:s13+$0xF840] =	vst v10;
	v9 =	vmax.f32 v9, $0.0e+00;
	v7 =	vadd.f32 v63, v7  }
0x189: {  	s10 =	sadd.s32 $0x1, s10;
	[tilespmem:s13+$0xF850] =	vst v9;
	v8 =	vmax.f32 v8, $0.0e+00  }
0x18a: {  	p0 =	sne.s32 s10, $0x3E;
	[tilespmem:s13+$0xF860] =	vst v8;
	v7 =	vmax.f32 v7, $0.0e+00  }
.Ltmp9:
0x18b: {  	s11 =	sadd.s32 $0x4000, s11;
	[tilespmem:s13+$0xF870] =	vst v7;
	(pc) =	sbr.rel @p0 .LBB2_16-.Ltmp9, $4  }
0x18c: {  	[spmem:s3] =	stream.indirect.scatter.add.f32 [tilespmem:s30], [sflag:$0x3], $0x80, s11, s26, $0xb8;
	[tilespmem:$0x1C280] =	vst v63  }
0x18d: {  	_ =	swait.ge [sflag:s24], $0x2800  }
0x18e: {  	[sflag:s24] =	ssyncset.done $0x0  }
0x18f: {  	[sflag:s24] =	ssyncadd.s32 $0xFFFFD800  }
0x190: {  	[tilespmem:s28], [sflag:$0x1] =	stream.indirect.gather [hbm4b:s1+s26], $0x80, s2, s26, $0xb8;
	[tilespmem:$0x1C280] =	vst v63  }
0x191: {  	s9 =	simm.s32 $0x0  }
0x192: {  	[tilespmem:s23], [sflag:$0x1] =	stream.linear.gather [hbm4b:s20+s9], $0x2800, $0x38;
	[tilespmem:$0x1C280] =	vst v63  }
0x193: {  	_ =	swait.ge [sflag:s31], $0x2800  }
0x194: {  	[sflag:s31] =	ssyncset.done $0x0  }
0x195: {  	[sflag:s31] =	ssyncadd.s32 $0xFFFFD800  }
0x196: {  	_ =	swait.ge [sflag:s31], $0x2800  }
0x197: {  	[sflag:s31] =	ssyncset.done $0x0  }
0x198: {  	s9 =	simm.s32 $0x0;
	[sflag:s31] =	ssyncadd.s32 $0xFFFFD800  }
0x199: {  	v13 =	vld [tilespmem:s9+$0x8000]  }
0x19a: {  	v18 =	vld [tilespmem:s9+$0x8010]  }
0x19b: {  	v12 =	vld [tilespmem:s9+$0x8020]  }
0x19c: {  	v11 =	vld [tilespmem:s9+$0x8030]  }
0x19d: {  	v10 =	vld [tilespmem:s9+$0x8040]  }
0x19e: {  	v9 =	vld [tilespmem:s9+$0x8050]  }
0x19f: {  	v8 =	vld [tilespmem:s9+$0x8060]  }
0x1a0: {  	v7 =	vld [tilespmem:s9+$0x8070]  }
0x1a1: {  	v19 =	vld [tilespmem:s9+$0xD000]  }
0x1a2: {  	v20 =	vld [tilespmem:s9+$0xD010]  }
0x1a3: {  	v17 =	vld [tilespmem:s9+$0xD020]  }
0x1a4: {  	v16 =	vld [tilespmem:s9+$0xD030]  }
0x1a5: {  	v15 =	vld [tilespmem:s9+$0xD040]  }
0x1a6: {  	v14 =	vld [tilespmem:s9+$0xD050];
	v19 =	vadd.f32 v19, v13  }
0x1a7: {  	s10 =	simm.s32 $0x200;
	v18 =	vadd.f32 v20, v18;
	v13 =	vld [tilespmem:s9+$0xD060]  }
.LBB2_22:
0x1a8: {  	s11 =	sshra.s32 s10, $0x2;
	p0 =	sne.s32 s10, $0x9E00;
	v19 =	vmax.f32 v19, $0.0e+00;
	v12 =	vadd.f32 v17, v12;
	v17 =	vld [tilespmem:s9+$0xD070]  }
0x1a9: {  	v20 =	vld [tilespmem:s11+$0x8000];
	[tilespmem:s9+$0xD000] =	vst v19;
	v18 =	vmax.f32 v18, $0.0e+00;
	v11 =	vadd.f32 v16, v11  }
0x1aa: {  	v21 =	vld [tilespmem:s11+$0x8010];
	[tilespmem:s9+$0xD010] =	vst v18;
	v16 =	vmax.f32 v12, $0.0e+00;
	v10 =	vadd.f32 v15, v10  }
0x1ab: {  	v12 =	vld [tilespmem:s11+$0x8020];
	[tilespmem:s9+$0xD020] =	vst v16;
	v15 =	vmax.f32 v11, $0.0e+00;
	v9 =	vadd.f32 v14, v9  }
0x1ac: {  	v11 =	vld [tilespmem:s11+$0x8030];
	[tilespmem:s9+$0xD030] =	vst v15;
	v14 =	vmax.f32 v10, $0.0e+00;
	v8 =	vadd.f32 v13, v8  }
0x1ad: {  	v10 =	vld [tilespmem:s11+$0x8040];
	[tilespmem:s9+$0xD040] =	vst v14;
	v13 =	vmax.f32 v9, $0.0e+00;
	v7 =	vadd.f32 v17, v7  }
0x1ae: {  	v9 =	vld [tilespmem:s11+$0x8050];
	[tilespmem:s9+$0xD050] =	vst v13;
	v13 =	vmax.f32 v8, $0.0e+00  }
0x1af: {  	v8 =	vld [tilespmem:s11+$0x8060];
	[tilespmem:s9+$0xD060] =	vst v13;
	v13 =	vmax.f32 v7, $0.0e+00  }
0x1b0: {  	v7 =	vld [tilespmem:s11+$0x8070];
	[tilespmem:s9+$0xD070] =	vst v13;
	s9 =	smov.u32 s11  }
0x1b1: {  	v13 =	vld [tilespmem:s9+$0xD000]  }
0x1b2: {  	v18 =	vld [tilespmem:s9+$0xD010]  }
.Ltmp10:
0x1b3: {  	v17 =	vld [tilespmem:s9+$0xD020];
	(pc) =	sbr.rel @p0 .LBB2_22-.Ltmp10, $4  }
0x1b4: {  	v16 =	vld [tilespmem:s9+$0xD030]  }
0x1b5: {  	v15 =	vld [tilespmem:s9+$0xD040]  }
0x1b6: {  	v19 =	vadd.f32 v13, v20;
	v14 =	vld [tilespmem:s9+$0xD050]  }
0x1b7: {  	s10 =	sadd.s32 $0x200, s10;
	v18 =	vadd.f32 v18, v21;
	v13 =	vld [tilespmem:s9+$0xD060]  }
0x1b8: {  	v19 =	vmax.f32 v19, $0.0e+00;
	v12 =	vadd.f32 v17, v12;
	v63 =	vld [tilespmem:s9+$0xD070]  }
0x1b9: {  	[tilespmem:s9+$0xD000] =	vst v19;
	v18 =	vmax.f32 v18, $0.0e+00;
	v11 =	vadd.f32 v16, v11  }
0x1ba: {  	[tilespmem:s9+$0xD010] =	vst v18;
	v12 =	vmax.f32 v12, $0.0e+00;
	v10 =	vadd.f32 v15, v10  }
0x1bb: {  	[tilespmem:s9+$0xD020] =	vst v12;
	v11 =	vmax.f32 v11, $0.0e+00;
	v9 =	vadd.f32 v14, v9  }
0x1bc: {  	[tilespmem:s9+$0xD030] =	vst v11;
	v10 =	vmax.f32 v10, $0.0e+00;
	v8 =	vadd.f32 v13, v8  }
0x1bd: {  	[tilespmem:s9+$0xD040] =	vst v10;
	v9 =	vmax.f32 v9, $0.0e+00;
	v7 =	vadd.f32 v63, v7  }
0x1be: {  	[tilespmem:s9+$0xD050] =	vst v9;
	v8 =	vmax.f32 v8, $0.0e+00  }
0x1bf: {  	[tilespmem:s9+$0xD060] =	vst v8;
	v7 =	vmax.f32 v7, $0.0e+00  }
0x1c0: {  	[tilespmem:s9+$0xD070] =	vst v7  }
0x1c1: {  	[spmem:s3] =	stream.indirect.scatter.add.f32 [tilespmem:s23], [sflag:$0x3], $0x80, s8, s26, $0xb8;
	[tilespmem:$0x1C280] =	vst v63  }
0x1c2: {  	s25 =	stileid.u32;
	_ =	swait.ge [sflag:s24], $0x2800  }
0x1c3: {  	s10 =	sshrl.u32 s6, $0x3;
	s4 =	sadd.s32 $0x1, s4;
	[sflag:s24] =	ssyncset.done $0x0  }
0x1c4: {  	p0 =	sne.s32 s4, s22;
	s9 =	sshll.u32 s25, $0x6;
	[sflag:s24] =	ssyncadd.s32 $0xFFFFD800  }
.Ltmp11:
0x1c5: {  	s9 =	sor.u32 $0x1C03, s9;
	[bflag:$0x0] =	sbarrier.arrive $0xFFFF;
	(pc) =	sbr.rel @p0 .LBB2_1-.Ltmp11, $4  }
0x1c6: {  	[hbm:s21], [sflag:s9] =	dma.local [spmem:s10], $0x1400  }
0x1c7: {  	_ =	swait.ge [sflag:s24], $0x1400  }
0x1c8: {  	[sflag:s24] =	ssyncset.done $0x0  }
0x1c9: {  	[sflag:s24] =	ssyncadd.s32 $0xFFFFEC00  }
0x1ca: {  	_ =	sfence.sel $0x180000  }
0x1cb: {  	[bflag:$0x0] =	sbarrier.arrive $0xFFFF  }
0x1cc: {  	_ =	strace $0x90000047  }
0x1cd: {  	s0 =	stileid.u32;
	[bflag:$0x2] =	sbarrier.arrive $0xFFFF  }
0x1ce: {  	p0 =	sne.s32 s0, $0x0;
	s0 =	rddreg [dreg:$0x6]  }
0x1cf: {  	s0 =	sadd.s32 @!p0 $0x100000, s0  }
0x1d0: {  	[sflag:s0] =	ssyncadd.tile.s32 @!p0 $0x1;
	_ =	shalt  }
.Lfunc_end2:
_tile_overlayer_lowered:
.L_overlay_start_2:
0x1d1: {  	(tag) =	ssettag $0x2  }
0x1d2: {  	s0 =	rddreg [dreg:$0x0];
	s2 =	stileid.u32  }
0x1d3: {  	s1 =	rddreg [dreg:$0x1];
	p0 =	sne.s32 s2, $0x0  }
0x1d4: {  	s3 =	rddreg [dreg:$0x2];
	[bflag:$0x3] =	sbarrier.arrive $0xFFFF;
	s2 =	simm.s32 @!p0 $0x1C03  }
0x1d5: {  	[timem:s3], [sflag:s2] =	dma.local @!p0 [hbm:s0], s1  }
0x1d6: {  	s0 =	simm.s32 @!p0 $0x3  }
0x1d7: {  	_ =	swait.ge @!p0 [sflag:s0], s1  }
0x1d8: {  	s1 =	ssub.s32 @!p0 $0x0, s1;
	[sflag:s0] =	ssyncset.done @!p0 $0x0  }
0x1d9: {  	[sflag:s0] =	ssyncadd.s32 @!p0 s1  }
0x1da: {  	[bflag:$0x3] =	sbarrier.arrive $0xFFFF  }
0x1db: {  	_ =	shalt  }

// kernel: kernel.13.cloned.1.call-start
scs
__scs_entry_jumppad:
0x0: {  	(pc) =	sbr.rel $0x88, $3  }
0x1: {  	(tag) =	ssettag $0x0;
	lr =	simm.s32 $0x1  }
0x2: {  	[smem:$0x3F88] =	sst lr;
	_ =	strace $0xD0000000  }
0x3: {  	_ = 	snop  }
0x4: {  	_ = 	snop  }
0x5: {  	_ = 	snop  }
0x6: {  	_ = 	snop  }
0x7: {  	_ = 	snop  }
__scs_overlays_trampoline_lowered:
0x8: {  	[smem:$0x3F97] =	sst s0  }
0x9: {  	[smem:$0x3F98] =	sst s1  }
0xa: {  	[smem:$0x3F99] =	sst s2  }
0xb: {  	[smem:$0x3F9A] =	sst s3  }
0xc: {  	[smem:$0x3F9B] =	sst s4  }
0xd: {  	[smem:$0x3F9C] =	sst s5  }
0xe: {  	[smem:$0x3F9D] =	sst s6  }
0xf: {  	[smem:$0x3F9E] =	sst s7  }
0x10: {  	[smem:$0x3F9F] =	sst s8  }
0x11: {  	[smem:$0x3FA0] =	sst s9;
	s0 =	simm.s32 @!p0 $0x0  }
0x12: {  	s1 =	sld [smem:$0x3F86];
	s0 =	simm.s32 @p0 $0x1  }
0x13: {  	[smem:$0x3FA1] =	sst s0;
	s0 =	simm.s32 @!p1 $0x0  }
0x14: {  	s2 =	sld [smem:$0x3F85];
	s0 =	simm.s32 @p1 $0x1  }
0x15: {  	[smem:$0x3FA2] =	sst s0;
	s0 =	simm.s32 @!p2 $0x0  }
0x16: {  	s3 =	sld [smem:$0x3FDB];
	s0 =	simm.s32 @p2 $0x1  }
0x17: {  	s4 =	simm.s32 $0x1BF5;
	[smem:$0x3FA4] =	sst s0  }
0x18: {  	s0 =	sld [smem:$0x3F87];
	_ =	swait.ge [sflag:s4], $0x0  }
0x19: {  	s7 =	sld [smem:$0x3F88]  }
0x1a: {  	s8 =	sadd.s32 $0xFFFFE003, lr  }
0x1b: {  	s9 =	sadd.s32 $0xFFFFFEF7, lr;
	s5 =	simm.s32 $0xFFFFFFFF;
	p2 =	slt.u32 s8, $0xFFFFF086  }
0x1c: {  	p1 =	slt.u32 s9, $0xF7A;
	s5 =	simm.s32 @!p2 $0x0  }
0x1d: {  	s5 =	simm.s32 @p1 $0x1;
	p0 =	seq.s32 s7, s2  }
0x1e: {  	s7 =	smul.u32 @!p0 $0xF7A, s2;
	p2 =	seq.s32 @!p0 s5, $0x0  }
0x1f: {  	s9 =	smul.u32 $0xF7A, s1;
	s8 =	simm.s32 @!p0 $0x1BF5;
	p2 =	por !p2, p0  }
0x20: {  	[sflag:s8] =	ssyncset.s32 @!p0 $0xFFFFF086;
	s6 =	sadd.s32 @!p0 s3, s7;
	s7 =	simm.s32 @!p0 $0x108  }
0x21: {  	s3 =	sadd.s32 s3, s9;
	s6 =	sadd.s32 @!p0 $0x88, s6;
	s7 =	simm.s32 @p2 $0x1082  }
0x22: {  	[simem:s7], [sflag:s8] =	dma.local @!p0 [hbm:s6], $0xF7A  }
0x23: {  	s9 =	sor.u32 $0xD0000000, s2;
	s6 =	simm.s32 $0x108;
	_ =	swait.ge @!p0 [sflag:s8], $0x0  }
0x24: {  	s3 =	sadd.s32 $0x88, s3;
	s6 =	simm.s32 @!p1 $0x1082;
	[sflag:s4] =	ssyncset.s32 $0xFFFFF086  }
0x25: {  	[simem:s6], [sflag:s4] =	dma.local [hbm:s3], $0xF7A  }
0x26: {  	[smem:$0x3F88] =	sst s1;
	(tag) =	ssettag s2;
	_ =	strace s9  }
0x27: {  	s1 =	sld [smem:$0x3F98]  }
0x28: {  	s2 =	sld [smem:$0x3F99]  }
0x29: {  	s4 =	sld [smem:$0x3F9B]  }
0x2a: {  	p0 =	seq.s32 s5, $0x0;
	s5 =	sld [smem:$0x3F9C]  }
0x2b: {  	s6 =	sld [smem:$0x3F9D]  }
0x2c: {  	s7 =	sld [smem:$0x3F9E]  }
0x2d: {  	s3 =	simm.s32 $0x108;
	s8 =	sld [smem:$0x3F9F]  }
0x2e: {  	s3 =	simm.s32 @!p0 $0x1082;
	s9 =	sld [smem:$0x3FA0]  }
0x2f: {  	lr =	sadd.s32 s0, s3;
	s0 =	sld [smem:$0x3F97]  }
0x30: {  	s3 =	sld [smem:$0x3F9A]  }
0x31: {  	[smem:$0x3FA3] =	sst s10  }
0x32: {  	s10 =	sld [smem:$0x3FA1];
	_ =	sdelay $0x3  }
0x33: {  	p0 =	seq.s32 s10, $0x1;
	s10 =	sld [smem:$0x3FA3];
	_ =	sdelay $0x3  }
0x34: {  	[smem:$0x3FA3] =	sst s10  }
0x35: {  	s10 =	sld [smem:$0x3FA2];
	_ =	sdelay $0x3  }
0x36: {  	p1 =	seq.s32 s10, $0x1;
	s10 =	sld [smem:$0x3FA3];
	_ =	sdelay $0x3  }
0x37: {  	[smem:$0x3FA3] =	sst s10  }
0x38: {  	s10 =	sld [smem:$0x3FA4]  }
0x39: {  	_ = 	snop;
	(pc) =	sbr.ind lr, $3  }
0x3a: {  	_ = 	snop  }
0x3b: {  	_ = 	snop  }
0x3c: {  	p2 =	seq.s32 s10, $0x1;
	s10 =	sld [smem:$0x3FA3]  }
0x3d: {  	_ =	shalt  }
0x3e: {  	_ =	shalt  }
0x3f: {  	_ =	shalt  }
0x40: {  	_ =	shalt  }
0x41: {  	_ =	shalt  }
0x42: {  	_ =	shalt  }
0x43: {  	_ =	shalt  }
0x44: {  	_ =	shalt  }
0x45: {  	_ =	shalt  }
0x46: {  	_ =	shalt  }
0x47: {  	_ =	shalt  }
0x48: {  	_ =	shalt  }
0x49: {  	_ =	shalt  }
0x4a: {  	_ =	shalt  }
0x4b: {  	_ =	shalt  }
0x4c: {  	_ =	shalt  }
0x4d: {  	_ =	shalt  }
0x4e: {  	_ =	shalt  }
0x4f: {  	_ =	shalt  }
0x50: {  	_ =	shalt  }
0x51: {  	_ =	shalt  }
0x52: {  	_ =	shalt  }
0x53: {  	_ =	shalt  }
0x54: {  	_ =	shalt  }
0x55: {  	_ =	shalt  }
0x56: {  	_ =	shalt  }
0x57: {  	_ =	shalt  }
0x58: {  	_ =	shalt  }
0x59: {  	_ =	shalt  }
0x5a: {  	_ =	shalt  }
0x5b: {  	_ =	shalt  }
0x5c: {  	_ =	shalt  }
0x5d: {  	_ =	shalt  }
0x5e: {  	_ =	shalt  }
0x5f: {  	_ =	shalt  }
0x60: {  	_ =	shalt  }
0x61: {  	_ =	shalt  }
0x62: {  	_ =	shalt  }
0x63: {  	_ =	shalt  }
0x64: {  	_ =	shalt  }
0x65: {  	_ =	shalt  }
0x66: {  	_ =	shalt  }
0x67: {  	_ =	shalt  }
0x68: {  	_ =	shalt  }
0x69: {  	_ =	shalt  }
0x6a: {  	_ =	shalt  }
0x6b: {  	_ =	shalt  }
0x6c: {  	_ =	shalt  }
0x6d: {  	_ =	shalt  }
0x6e: {  	_ =	shalt  }
0x6f: {  	_ =	shalt  }
0x70: {  	_ =	shalt  }
0x71: {  	_ =	shalt  }
0x72: {  	_ =	shalt  }
0x73: {  	_ =	shalt  }
0x74: {  	_ =	shalt  }
0x75: {  	_ =	shalt  }
0x76: {  	_ =	shalt  }
0x77: {  	_ =	shalt  }
0x78: {  	_ =	shalt  }
0x79: {  	_ =	shalt  }
0x7a: {  	_ =	shalt  }
0x7b: {  	_ =	shalt  }
0x7c: {  	_ =	shalt  }
0x7d: {  	_ =	shalt  }
0x7e: {  	_ =	shalt  }
0x7f: {  	_ =	shalt  }
0x80: {  	_ =	shalt  }
0x81: {  	_ =	shalt  }
0x82: {  	_ =	shalt  }
0x83: {  	_ =	shalt  }
0x84: {  	_ =	shalt  }
0x85: {  	_ =	shalt  }
0x86: {  	_ =	shalt  }
0x87: {  	_ =	shalt  }
.Lfunc_end0:
.L_simem_size_0:
called_computation.1_lowered:
.L_overlay_start_0:
0x88: {  	s2 =	sld [smem:$0x3FD9]  }
0x89: {  	s3 =	sld [smem:$0x3FFE];
	_ =	sdelay $0x1  }
0x8a: {  	s1 =	srdreg.scid  }
0x8b: {  	s0 =	sand.u32 $0x1, s1  }
0x8c: {  	s14 =	sshll.u32 s0, $0xA;
	s2 =	sadd.s32 s3, s2  }
0x8d: {  	s2 =	sadd.s32 s2, s14  }
0x8e: {  	[smem:$0x3FAF] =	sst s2  }
0x8f: {  	_ = 	snop  }
0x90: {  	s2 =	sld [smem:$0x3FD0];
	_ =	sdelay $0x2  }
0x91: {  	s15 =	simm.s32 $0xA;
	s4 =	simm.s32 $0x10  }
0x92: {  	[smem:s4], [sflag:s15] =	dma.local [hbm:s2], $0x1  }
0x93: {  	_ =	swait.eq [sflag:s15], $0x1  }
0x94: {  	[sflag:s15] =	ssyncset.done $0x0  }
0x95: {  	s16 =	sld [smem:$0x10];
	[sflag:s15] =	ssyncadd.s32 $0xFFFFFFFF  }
0x96: {  	s17 =	sld [smem:$0x14];
	(tm) =	ssettm $0x1  }
0x97: {  	s18 =	sld [smem:$0x3FFB];
	_ =	sdelay $0x3  }
0x98: {  	_ =	strace s18  }
0x99: {  	s4 =	sld [smem:$0x3FFC];
	_ =	sdelay $0x3  }
0x9a: {  	_ =	strace s4  }
0x9b: {  	s4 =	sld [smem:$0x3FFD];
	_ =	sdelay $0x3  }
0x9c: {  	_ =	strace s4  }
0x9d: {  	_ =	strace $0x8FFFFFFF  }
0x9e: {  	s19 =	sld [smem:$0x3FDB];
	_ =	sdelay $0x1  }
0x9f: {  	s5 =	simm.s32 $_scs_section_size  }
0xa0: {  	s6 =	simm.s32 $_size__tile_overlayer_lowered;
	s7 =	simm.s32 $_tile_overlayer_lowered  }
0xa1: {  	s22 =	simm.s32 $0x1BFF;
	s21 =	sshll.u32 s7, $0x1;
	s4 =	sadd.s32 s5, s19  }
0xa2: {  	s8 =	simm.s32 $0x0;
	s20 =	sshll.u32 s6, $0x1;
	s6 =	sadd.s32 s21, s4  }
0xa3: {  	[timem:s8], [sflag:s22] =	dma.local [hbm:s6], s20  }
0xa4: {  	_ =	swait.ge [sflag:s22], s20  }
0xa5: {  	s5 =	ssub.s32 $0x0, s20;
	[sflag:s22] =	ssyncset.done $0x0  }
0xa6: {  	[sflag:s22] =	ssyncadd.s32 s5;
	_ =	sdelay $0x1  }
0xa7: {  	s23 =	simm.s32 $0x1B8B  }
0xa8: {  	_ =	swait.ge [sflag:s23], $0x1  }
0xa9: {  	[sflag:s23] =	ssyncset.done $0x0  }
0xaa: {  	s25 =	simm.s32 $0x1B8E;
	s24 =	sld [smem:$0x3FFE];
	[sflag:s23] =	ssyncadd.s32 $0xFFFFFFFF  }
0xab: {  	s26 =	simm.s32 $execute0_lowered;
	[smem:$0x3FD2] =	sst s25  }
0xac: {  	s6 =	sshll.u32 s26, $0x1;
	_ =	strace $0x80000049;
	[dreg:$0x1] =	wrdreg $0xFFFFFFFF  }
0xad: {  	s28 =	simm.s32 $_size_execute0_lowered;
	s4 =	sadd.s32 s4, s6;
	[dreg:$0x0] =	wrdreg $0x0  }
0xae: {  	s6 =	sshll.u32 s28, $0x1;
	[dreg:$0x2] =	wrdreg s4  }
0xaf: {  	[dreg:$0x3] =	wrdreg s6  }
0xb0: {  	[dreg:$0x4] =	wrdreg $0xC0  }
0xb1: {  	_ =	task [dreg:s8], $0x5FFFF  }
0xb2: {  	[dreg:$0x1] =	wrdreg $0xFFFFFFFF  }
0xb3: {  	[dreg:$0x0] =	wrdreg $0x60  }
0xb4: {  	[dreg:$0x2] =	wrdreg s17  }
0xb5: {  	[dreg:$0x3] =	wrdreg s24  }
0xb6: {  	[dreg:$0x4] =	wrdreg s16  }
0xb7: {  	[dreg:$0x5] =	wrdreg $0xF8000  }
0xb8: {  	[dreg:$0x6] =	wrdreg $0x9  }
0xb9: {  	_ =	task.clear_ibuf [dreg:s8], $0x7FFFF;
	_ =	strace $0x90000049  }
0xba: {  	s29 =	simm.s32 $0x9;
	_ =	strace $0x8000004B  }
0xbb: {  	_ =	swait.ge [sflag:s29], $0x1  }
0xbc: {  	[sflag:s29] =	ssyncadd.s32 $0xFFFFFFFF  }
0xbd: {  	_ =	strace $0x9000004B  }
0xbe: {  	_ =	sfence  }
0xbf: {  	s30 =	sld [smem:$0x0];
	_ =	sdelay $0x2  }
0xc0: {  	s31 =	sshll.u32 s1, $0xD;
	s1 =	sshrl.u32 s1, $0x2  }
0xc1: {  	s3 =	sand.u32 $0x4000, s31;
	s1 =	sadd.s32 s1, s30  }
0xc2: {  	s0 =	sor.u32 s3, s0;
	s1 =	sshll.u32 s1, $0x11  }
0xc3: {  	s0 =	sor.u32 s1, s0  }
0xc4: {  	s0 =	sadd.s32 $0x8F2B, s0  }
0xc5: {  	[sflag:s0] =	ssyncadd.remote.s32 $0x1  }
0xc6: {  	_ =	sfence.sel $0xFFFF  }
0xc7: {  	[dreg:$0x0] =	wrdreg $0xFFFFFFFF;
	(pc) =	sbr.abs _section_cstart, $3  }
0xc8: {  	[dreg:$0x1] =	wrdreg $0xFFFFFFFF  }
0xc9: {  	_ =	task.clear_ibuf [dreg:s8], $0x2FFFF;
	_ =	strace $0x9FFFFFFF  }
0xca: {  	(tm) =	ssettm $0x7FFFFFFF  }
0xcb: {  	_ =	shalt  }
tec
execute0_lowered:
.L_overlay_start_1:
0x0: {  	(tag) =	ssettag $0x1  }
0x1: {  	s1 =	rddreg [dreg:$0x0]  }
0x2: {  	s0 =	rddreg [dreg:$0x1]  }
0x3: {  	s2 =	rddreg [dreg:$0x2]  }
0x4: {  	s3 =	rddreg [dreg:$0x3]  }
0x5: {  	s4 =	srdreg.scid;
	s12 =	stileid.u32  }
0x6: {  	s6 =	simm.s32 $0x0;
	s17 =	simm.s32 $0xE000;
	s28 =	simm.s32 $0x8800  }
0x7: {  	s29 =	simm.s32 $0x1;
	s30 =	simm.s32 $0x2;
	s31 =	simm.s32 $0x0  }
0x8: {  	s4 =	sand.u32 $0x1, s4;
	s5 =	sshll.u32 s12, $0x1;
	s9 =	smul.u32 $0x14000, s12  }
0x9: {  	[smem:$0x7FF] =	sst s6;
	s7 =	sadd.s32 $0x18B600, s0;
	s21 =	smul.u32 $0x5000, s12  }
0xa: {  	s8 =	sor.u32 s4, s5;
	s20 =	ssub.s32 $0x2, s4;
	s4 =	smul.u32 $0x50000, s4  }
0xb: {  	_ =	strace $0x8000004A;
	s5 =	sadd.s32 $0x14600, s0;
	s6 =	smul.u32 $0x5DC00, s8  }
0xc: {  	s19 =	sshll.u32 s8, $0xB;
	s8 =	smul.u32 $0x3E800, s8;
	s11 =	sshrl.u32 s20, $0x1  }
0xd: {  	s9 =	sshrl.u32 s9, $0x2;
	s10 =	sadd.s32 s19, s0;
	s0 =	ssub.s32 s20, s11  }
0xe: {  	s9 =	sadd.s32 s9, s3;
	s4 =	sadd.s32 s21, s4;
	s19 =	simm.s32 $0x3  }
0xf: {  	s21 =	simm.s32 $0x9000;
	s20 =	simm.s32 $0x0;
	s22 =	sadd.s32 $0x4600, s10  }
0x10: {  	s10 =	sadd.s32 $0x285600, s10;
	s23 =	sadd.s32 $0x2800, s9;
	[dreg:$0x5] =	wrdreg s22  }
0x11: {  	s24 =	sshrl.u32 s6, $0x3;
	s25 =	sshrl.u32 s8, $0x3;
	[dreg:$0x6] =	wrdreg s10  }
0x12: {  	s4 =	sshrl.u32 s4, $0x3;
	s18 =	smax.u32 s0, $0x1;
	[dreg:$0x7] =	wrdreg s23  }
0x13: {  	s13 =	sadd.s32 s5, s24;
	s14 =	sadd.s32 s7, s25;
	s2 =	sadd.s32 s2, s4  }
0x14: {  	s22 =	simm.s32 $0x50;
	s10 =	sadd.s32 $0xBA00, s13;
	[dreg:$0xa] =	wrdreg s2  }
0x15: {  	s23 =	simm.s32 $0x8000;
	s26 =	sadd.s32 $0x7C00, s14;
	[dreg:$0x8] =	wrdreg s10  }
0x16: {  	v0 =	vimm.f32 $0.0e+00;
	s25 =	simm.s32 $0xB800;
	[dreg:$0x9] =	wrdreg s26;
	s26 =	simm.s32 $0xEC00  }
.LBB2_1:
0x17: {  	s0 =	simm.s32 $0x0;
	s2 =	rddreg [dreg:$0x5]  }
0x18: {  	[tilespmem:s0], [sflag:$0x3] =	stream.linear.gather [hbm4b:s2+s0], $0x3E80, $0x38;
	[tilespmem:$0x14800] =	vst v63  }
0x19: {  	_ =	swait.ge [sflag:s19], $0x3E80  }
0x1a: {  	[sflag:s19] =	ssyncset.done $0x0  }
0x1b: {  	s4 =	simm.s32 $0x4000;
	s24 =	rddreg [dreg:$0x6];
	[sflag:s19] =	ssyncadd.s32 $0xFFFFC180  }
0x1c: {  	[tilespmem:s4], [sflag:$0x3] =	stream.linear.gather [hbm4b:s24+s0], $0x3E80, $0x38;
	[tilespmem:$0x14800] =	vst v63  }
0x1d: {  	_ =	swait.ge [sflag:s19], $0x3E80  }
0x1e: {  	[sflag:s19] =	ssyncset.done $0x0  }
0x1f: {  	s2 =	simm.s32 $0x200;
	s0 =	simm.s32 $0x0;
	[sflag:s19] =	ssyncadd.s32 $0xFFFFC180  }
.LBB2_2:
0x20: {  	p0 =	sne.s32 s2, $0x9E00;
	[tilespmem:s0+$0x9070] =	vst v0  }
0x21: {  	[tilespmem:s0+$0x9000] =	vst v0  }
0x22: {  	[tilespmem:s0+$0x9010] =	vst v0  }
.Ltmp0:
0x23: {  	[tilespmem:s0+$0x9020] =	vst v0;
	(pc) =	sbr.rel @p0 .LBB2_2-.Ltmp0, $4  }
0x24: {  	[tilespmem:s0+$0x9030] =	vst v0  }
0x25: {  	[tilespmem:s0+$0x9040] =	vst v0  }
0x26: {  	[tilespmem:s0+$0x9050] =	vst v0  }
0x27: {  	[tilespmem:s0+$0x9060] =	vst v0;
	s0 =	sshra.s32 s2, $0x2;
	s2 =	sadd.s32 $0x200, s2  }
0x28: {  	[tilespmem:s0+$0x9070] =	vst v0  }
0x29: {  	[tilespmem:s0+$0x9000] =	vst v0  }
0x2a: {  	[tilespmem:s0+$0x9010] =	vst v0  }
0x2b: {  	[tilespmem:s0+$0x9020] =	vst v0  }
0x2c: {  	[tilespmem:s0+$0x9030] =	vst v0  }
0x2d: {  	[tilespmem:s0+$0x9040] =	vst v0  }
0x2e: {  	[tilespmem:s0+$0x9050] =	vst v0  }
0x2f: {  	[tilespmem:s0+$0x9060] =	vst v0  }
0x30: {  	[spmem:s9] =	stream.linear.scatter [tilespmem:s21], [sflag:$0x3], $0x2800, $0x38;
	[tilespmem:$0x14800] =	vst v63  }
0x31: {  	_ =	swait.ge [sflag:s19], $0x2800  }
0x32: {  	[sflag:s19] =	ssyncset.done $0x0  }
0x33: {  	s24 =	rddreg [dreg:$0x7];
	[sflag:s19] =	ssyncadd.s32 $0xFFFFD800  }
0x34: {  	[spmem:s24] =	stream.linear.scatter [tilespmem:s21], [sflag:$0x3], $0x2800, $0x38;
	[tilespmem:$0x14800] =	vst v63  }
0x35: {  	_ =	swait.ge [sflag:s19], $0x2800  }
0x36: {  	[sflag:s19] =	ssyncset.done $0x0  }
0x37: {  	[sflag:s19] =	ssyncadd.s32 $0xFFFFD800  }
0x38: {  	[bflag:$0x0] =	sbarrier.arrive $0xFFFF  }
0x39: {  	[tilespmem:s21], [sflag:$0x1] =	stream.indirect.gather [hbm4b:s1+s22], $0x80, s31, s22, $0xb8;
	[tilespmem:$0x14800] =	vst v63  }
0x3a: {  	_ = 	snop  }
0x3b: {  	[tilespmem:s17], [sflag:$0x1] =	stream.linear.gather [hbm4b:s13+s31], $0xA00, $0x38;
	[tilespmem:$0x14800] =	vst v63  }
0x3c: {  	s0 =	simm.s32 $0x0  }
0x3d: {  	[tilespmem:s23], [sflag:$0x1] =	stream.linear.gather [hbm4b:s14+s31], $0x500, $0x38;
	[tilespmem:$0x14800] =	vst v63  }
.LBB2_4:
0x3e: {  	s4 =	sshllo.u32 s0, $0x1  }
0x3f: {  	s2 =	sshll.u32 s4, $0x7;
	s10 =	smul.u32 $0xC00, s4  }
0x40: {  	[tilespmem:s25], [sflag:$0x2] =	stream.indirect.gather [hbm4b:s1+s22], $0x80, s2, s22, $0xb8;
	[tilespmem:$0x14800] =	vst v63  }
0x41: {  	s4 =	sshll.u32 s4, $0xB;
	s10 =	sadd.s32 s6, s10  }
0x42: {  	s4 =	sadd.s32 s8, s4;
	s10 =	sshrl.u32 s10, $0x3  }
0x43: {  	s4 =	sshrl.u32 s4, $0x3;
	s10 =	sadd.s32 s5, s10  }
0x44: {  	[tilespmem:s26], [sflag:$0x2] =	stream.linear.gather [hbm4b:s10+s31], $0xA00, $0x38;
	[tilespmem:$0x14800] =	vst v63  }
0x45: {  	s4 =	sadd.s32 s7, s4  }
0x46: {  	[tilespmem:s28], [sflag:$0x2] =	stream.linear.gather [hbm4b:s4+s31], $0x500, $0x38;
	[tilespmem:$0x14800] =	vst v63  }
0x47: {  	_ =	swait.ge [sflag:s29], $0x2800  }
0x48: {  	[sflag:s29] =	ssyncset.done $0x0  }
0x49: {  	[sflag:s29] =	ssyncadd.s32 $0xFFFFD800  }
0x4a: {  	_ =	swait.ge [sflag:s29], $0xA00  }
0x4b: {  	[sflag:s29] =	ssyncset.done $0x0  }
0x4c: {  	[sflag:s29] =	ssyncadd.s32 $0xFFFFF600  }
0x4d: {  	_ =	swait.ge [sflag:s29], $0x500  }
0x4e: {  	[sflag:s29] =	ssyncset.done $0x0  }
0x4f: {  	s4 =	simm.s32 $0x9000;
	[sflag:s29] =	ssyncadd.s32 $0xFFFFFB00  }
0x50: {  	v2 =	vld [tilespmem:s4+$0x10]  }
0x51: {  	s24 =	sand.u32 $0x1E00, s31;
	s11 =	sand.u32 $0xFE0, s31;
	v3 =	vld [tilespmem:s4+$0x0]  }
0x52: {  	s12 =	sand.u32 $0x70, s31;
	s10 =	sshrl.u32 s24, $0x2;
	v4 =	vld [tilespmem:s11+$0xE000]  }
0x53: {  	s10 =	sor.u32 s12, s10;
	v5 =	vld [tilespmem:s11+$0xE010]  }
0x54: {  	v1 =	vld [tilespmem:s10+$0x8000];
	_ =	sdelay $0x2  }
0x55: {  	v3 =	vadd.f32 v4, v3  }
0x56: {  	v4 =	vadd.f32 v5, v2  }
0x57: {  	s15 =	simm.s32 $0x0;
	s23 =	simm.s32 $0x9000;
	vm1 =	veq.s32 v1, $0x0;
	vm0 =	veq.s32 v1, $0x20;
	v2 =	vmax.f32 v3, $0.0e+00  }
0x58: {  	s12 =	simm.s32 $0x0;
	s10 =	sshll.u32 s0, $0x1;
	s11 =	simm.s32 $0x20;
	v3 =	vmax.f32 v4, $0.0e+00;
	v5 =	vnsel vm1, $0x0, v2;
	v4 =	vnsel vm0, $0x0, v2  }
.LBB2_5:
0x59: {  	[tilespmem:s4+$0x0] =	vst v5;
	v5 =	vnsel vm1, $0x0, v3;
	v6 =	vnsel vm0, $0x0, v3;
	vm0 =	veq.s32 v1, $0x60;
	s12 =	sadd.s32 $0x10, s12;
	s15 =	sadd.s32 $0x40, s15;
	s23 =	sadd.s32 $0x80, s23  }
0x5a: {  	p0 =	sne.s32 s11, $0x9E0;
	vm1 =	veq.s32 v1, $0x40;
	s16 =	smov.u32 s11;
	s11 =	sadd.s32 $0x20, s11;
	[tilespmem:s4+$0x20] =	vst v4;
	v1 =	vnsel vm0, $0x0, v2  }
0x5b: {  	v2 =	vnsel vm1, $0x0, v2;
	v4 =	vnsel vm1, $0x0, v3;
	v3 =	vnsel vm0, $0x0, v3;
	[tilespmem:s4+$0x10] =	vst v5  }
0x5c: {  	[tilespmem:s4+$0x60] =	vst v1  }
0x5d: {  	[tilespmem:s4+$0x30] =	vst v6  }
0x5e: {  	[tilespmem:s4+$0x70] =	vst v3  }
0x5f: {  	v3 =	vld [tilespmem:s23+$0x10];
	[tilespmem:s4+$0x40] =	vst v2  }
0x60: {  	s24 =	sand.u32 $0x1E00, s15;
	s16 =	sand.u32 $0xFE0, s16;
	v2 =	vld [tilespmem:s23+$0x0];
	[tilespmem:s4+$0x50] =	vst v4;
	s4 =	smov.u32 s23  }
0x61: {  	s17 =	sand.u32 $0x70, s12;
	s24 =	sshrl.u32 s24, $0x2;
	v4 =	vld [tilespmem:s16+$0xE000]  }
0x62: {  	s17 =	sor.u32 s17, s24;
	v5 =	vld [tilespmem:s16+$0xE010]  }
0x63: {  	v1 =	vld [tilespmem:s17+$0x8000];
	_ =	sdelay $0x1  }
.Ltmp1:
0x64: {  	(pc) =	sbr.rel @p0 .LBB2_5-.Ltmp1, $4  }
0x65: {  	v2 =	vadd.f32 v4, v2  }
0x66: {  	v3 =	vadd.f32 v5, v3  }
0x67: {  	v2 =	vmax.f32 v2, $0.0e+00;
	vm1 =	veq.s32 v1, $0x0;
	vm0 =	veq.s32 v1, $0x20  }
0x68: {  	v3 =	vmax.f32 v3, $0.0e+00;
	v5 =	vnsel vm1, $0x0, v2;
	v4 =	vnsel vm0, $0x0, v2  }
0x69: {  	[tilespmem:s4+$0x0] =	vst v5  }
0x6a: {  	v5 =	vnsel vm1, $0x0, v3;
	vm1 =	veq.s32 v1, $0x60;
	[tilespmem:s4+$0x20] =	vst v4  }
0x6b: {  	v4 =	vnsel vm1, $0x0, v2;
	[tilespmem:s4+$0x10] =	vst v5  }
0x6c: {  	v5 =	vnsel vm0, $0x0, v3;
	[tilespmem:s4+$0x60] =	vst v4  }
0x6d: {  	vm0 =	veq.s32 v1, $0x40;
	v1 =	vnsel vm1, $0x0, v3;
	[tilespmem:s4+$0x30] =	vst v5  }
0x6e: {  	s11 =	sshll.u32 s0, $0x8;
	v2 =	vnsel vm0, $0x0, v2;
	[tilespmem:s4+$0x70] =	vst v1  }
0x6f: {  	p0 =	seq.s32 s0, $0x3D;
	s11 =	sand.u32 $0x3FFFFF00, s11;
	v1 =	vnsel vm0, $0x0, v3;
	[tilespmem:s4+$0x40] =	vst v2  }
0x70: {  	s12 =	simm.s32 @!p0 $0x9000;
	s16 =	sadd.s32 $0x4000, s11;
	[tilespmem:s4+$0x50] =	vst v1  }
0x71: {  	[spmem:s3] =	stream.indirect.scatter.add.f32 [tilespmem:s21], [sflag:$0x3], $0x80, s16, s22, $0xb8;
	[tilespmem:$0x14800] =	vst v63  }
0x72: {  	s11 =	simm.s32 @!p0 $0x50;
	s4 =	sadd.s32 @!p0 $0x2, s10;
	_ =	swait.ge [sflag:s19], $0x2800  }
0x73: {  	s10 =	sshll.u32 @!p0 s4, $0x7;
	s15 =	smul.u32 @!p0 $0xC00, s4;
	[sflag:s19] =	ssyncset.done $0x0  }
0x74: {  	s4 =	sshll.u32 @!p0 s4, $0xB;
	s10 =	sand.u32 @!p0 $0x3FFFFF80, s10;
	[sflag:s19] =	ssyncadd.s32 $0xFFFFD800  }
0x75: {  	[tilespmem:s12], [sflag:$0x1] =	stream.indirect.gather @!p0 [hbm4b:s1+s11], $0x80, s10, s11, $0xb8;
	[tilespmem:$0x14800] =	vst v63  }
0x76: {  	s4 =	sadd.s32 @!p0 s8, s4;
	s10 =	sadd.s32 @!p0 s6, s15  }
0x77: {  	s4 =	sshrl.u32 @!p0 s4, $0x3;
	s10 =	sshrl.u32 @!p0 s10, $0x3  }
0x78: {  	s11 =	simm.s32 @!p0 $0x0;
	s12 =	simm.s32 @!p0 $0xE000;
	s10 =	sadd.s32 @!p0 s5, s10  }
0x79: {  	[tilespmem:s12], [sflag:$0x1] =	stream.linear.gather @!p0 [hbm4b:s10+s11], $0xA00, $0x38;
	[tilespmem:$0x14800] =	vst v63  }
0x7a: {  	s4 =	sadd.s32 @!p0 s7, s4;
	s10 =	simm.s32 @!p0 $0x8000  }
0x7b: {  	[tilespmem:s10], [sflag:$0x1] =	stream.linear.gather @!p0 [hbm4b:s4+s11], $0x500, $0x38;
	[tilespmem:$0x14800] =	vst v63  }
0x7c: {  	_ =	swait.ge [sflag:s30], $0x2800  }
0x7d: {  	[sflag:s30] =	ssyncset.done $0x0  }
0x7e: {  	[sflag:s30] =	ssyncadd.s32 $0xFFFFD800  }
0x7f: {  	_ =	swait.ge [sflag:s30], $0xA00  }
0x80: {  	[sflag:s30] =	ssyncset.done $0x0  }
0x81: {  	[sflag:s30] =	ssyncadd.s32 $0xFFFFF600  }
0x82: {  	_ =	swait.ge [sflag:s30], $0x500  }
0x83: {  	[sflag:s30] =	ssyncset.done $0x0  }
0x84: {  	s4 =	simm.s32 $0xB800;
	[sflag:s30] =	ssyncadd.s32 $0xFFFFFB00  }
0x85: {  	s10 =	simm.s32 $0x0;
	v2 =	vld [tilespmem:s4+$0x10]  }
0x86: {  	s17 =	sand.u32 $0x1E00, s10;
	s23 =	sand.u32 $0xFE0, s10;
	v3 =	vld [tilespmem:s4+$0x0]  }
0x87: {  	s24 =	sand.u32 $0x70, s10;
	s11 =	sshrl.u32 s17, $0x2;
	v4 =	vld [tilespmem:s23+$0xEC00]  }
0x88: {  	s11 =	sor.u32 s24, s11;
	v5 =	vld [tilespmem:s23+$0xEC10]  }
0x89: {  	v1 =	vld [tilespmem:s11+$0x8800];
	_ =	sdelay $0x2  }
0x8a: {  	v3 =	vadd.f32 v4, v3  }
0x8b: {  	v4 =	vadd.f32 v5, v2  }
0x8c: {  	vm1 =	veq.s32 v1, $0x0;
	vm0 =	veq.s32 v1, $0x20;
	v2 =	vmax.f32 v3, $0.0e+00  }
0x8d: {  	s15 =	simm.s32 $0xB800;
	s12 =	simm.s32 $0x0;
	s11 =	simm.s32 $0x20;
	v3 =	vmax.f32 v4, $0.0e+00;
	v5 =	vnsel vm1, $0x0, v2;
	v4 =	vnsel vm0, $0x0, v2  }
.LBB2_7:
0x8e: {  	[tilespmem:s4+$0x0] =	vst v5;
	v5 =	vnsel vm1, $0x0, v3;
	v6 =	vnsel vm0, $0x0, v3;
	vm0 =	veq.s32 v1, $0x60;
	s10 =	sadd.s32 $0x10, s10;
	s12 =	sadd.s32 $0x40, s12;
	s15 =	sadd.s32 $0x80, s15  }
0x8f: {  	p0 =	sne.s32 s11, $0x9E0;
	vm1 =	veq.s32 v1, $0x40;
	s16 =	smov.u32 s11;
	s11 =	sadd.s32 $0x20, s11;
	[tilespmem:s4+$0x20] =	vst v4;
	v1 =	vnsel vm0, $0x0, v2  }
0x90: {  	v2 =	vnsel vm1, $0x0, v2;
	v4 =	vnsel vm1, $0x0, v3;
	v3 =	vnsel vm0, $0x0, v3;
	[tilespmem:s4+$0x10] =	vst v5  }
0x91: {  	[tilespmem:s4+$0x60] =	vst v1  }
0x92: {  	[tilespmem:s4+$0x30] =	vst v6  }
0x93: {  	[tilespmem:s4+$0x70] =	vst v3  }
0x94: {  	v3 =	vld [tilespmem:s15+$0x10];
	[tilespmem:s4+$0x40] =	vst v2  }
0x95: {  	s17 =	sand.u32 $0x1E00, s12;
	s16 =	sand.u32 $0xFE0, s16;
	v2 =	vld [tilespmem:s15+$0x0];
	[tilespmem:s4+$0x50] =	vst v4;
	s4 =	smov.u32 s15  }
0x96: {  	s23 =	sand.u32 $0x70, s10;
	s17 =	sshrl.u32 s17, $0x2;
	v4 =	vld [tilespmem:s16+$0xEC00]  }
0x97: {  	s17 =	sor.u32 s23, s17;
	v5 =	vld [tilespmem:s16+$0xEC10]  }
0x98: {  	v1 =	vld [tilespmem:s17+$0x8800];
	_ =	sdelay $0x1  }
.Ltmp2:
0x99: {  	(pc) =	sbr.rel @p0 .LBB2_7-.Ltmp2, $4  }
0x9a: {  	v2 =	vadd.f32 v4, v2  }
0x9b: {  	v3 =	vadd.f32 v5, v3  }
0x9c: {  	v2 =	vmax.f32 v2, $0.0e+00;
	vm1 =	veq.s32 v1, $0x0;
	vm0 =	veq.s32 v1, $0x20  }
0x9d: {  	v3 =	vmax.f32 v3, $0.0e+00;
	v5 =	vnsel vm1, $0x0, v2;
	v4 =	vnsel vm0, $0x0, v2  }
0x9e: {  	[tilespmem:s4+$0x0] =	vst v5  }
0x9f: {  	v61 =	vnsel vm1, $0x0, v3;
	[tilespmem:s4+$0x20] =	vst v4  }
0xa0: {  	vm14 =	veq.s32 v1, $0x60;
	v63 =	vnsel vm0, $0x0, v3;
	[tilespmem:s4+$0x10] =	vst v61  }
0xa1: {  	v62 =	vnsel vm14, $0x0, v2;
	[tilespmem:s4+$0x30] =	vst v63  }
0xa2: {  	vm15 =	veq.s32 v1, $0x40;
	v1 =	vnsel vm14, $0x0, v3;
	[tilespmem:s4+$0x60] =	vst v62  }
0xa3: {  	s0 =	sadd.s32 $0x1, s0;
	v2 =	vnsel vm15, $0x0, v2;
	[tilespmem:s4+$0x70] =	vst v1  }
0xa4: {  	p0 =	sne.s32 s0, $0x3E;
	v1 =	vnsel vm15, $0x0, v3;
	[tilespmem:s4+$0x40] =	vst v2  }
.Ltmp3:
0xa5: {  	s2 =	sadd.s32 $0x4000, s2;
	[tilespmem:s4+$0x50] =	vst v1;
	(pc) =	sbr.rel @p0 .LBB2_4-.Ltmp3, $4  }
0xa6: {  	[spmem:s3] =	stream.indirect.scatter.add.f32 [tilespmem:s25], [sflag:$0x3], $0x80, s2, s22, $0xb8;
	[tilespmem:$0x14800] =	vst v63  }
0xa7: {  	_ =	swait.ge [sflag:s19], $0x2800  }
0xa8: {  	[sflag:s19] =	ssyncset.done $0x0  }
0xa9: {  	[sflag:s19] =	ssyncadd.s32 $0xFFFFD800  }
0xaa: {  	s0 =	simm.s32 $0x9000;
	s2 =	simm.s32 $0x3E00  }
0xab: {  	[tilespmem:s0], [sflag:$0x1] =	stream.indirect.gather [hbm4b:s1+s22], $0x80, s2, s22, $0xb8;
	[tilespmem:$0x14800] =	vst v63  }
0xac: {  	s4 =	rddreg [dreg:$0x8];
	s17 =	simm.s32 $0xE000;
	s2 =	simm.s32 $0x0  }
0xad: {  	[tilespmem:s17], [sflag:$0x1] =	stream.linear.gather [hbm4b:s4+s2], $0xA00, $0x38;
	[tilespmem:$0x14800] =	vst v63  }
0xae: {  	s16 =	rddreg [dreg:$0x9];
	s23 =	simm.s32 $0x8000  }
0xaf: {  	[tilespmem:s23], [sflag:$0x1] =	stream.linear.gather [hbm4b:s16+s2], $0x500, $0x38;
	[tilespmem:$0x14800] =	vst v63  }
0xb0: {  	_ =	swait.ge [sflag:s29], $0x2800  }
0xb1: {  	[sflag:s29] =	ssyncset.done $0x0  }
0xb2: {  	[sflag:s29] =	ssyncadd.s32 $0xFFFFD800  }
0xb3: {  	_ =	swait.ge [sflag:s29], $0xA00  }
0xb4: {  	[sflag:s29] =	ssyncset.done $0x0  }
0xb5: {  	[sflag:s29] =	ssyncadd.s32 $0xFFFFF600  }
0xb6: {  	_ =	swait.ge [sflag:s29], $0x500  }
0xb7: {  	[sflag:s29] =	ssyncset.done $0x0  }
0xb8: {  	[sflag:s29] =	ssyncadd.s32 $0xFFFFFB00  }
0xb9: {  	v2 =	vld [tilespmem:s0+$0x10]  }
0xba: {  	s24 =	sand.u32 $0x1E00, s2;
	s10 =	sand.u32 $0xFE0, s2;
	v3 =	vld [tilespmem:s0+$0x0]  }
0xbb: {  	s11 =	sand.u32 $0x70, s2;
	s4 =	sshrl.u32 s24, $0x2;
	v4 =	vld [tilespmem:s10+$0xE000]  }
0xbc: {  	s4 =	sor.u32 s11, s4;
	v5 =	vld [tilespmem:s10+$0xE010]  }
0xbd: {  	v1 =	vld [tilespmem:s4+$0x8000];
	_ =	sdelay $0x2  }
0xbe: {  	v3 =	vadd.f32 v4, v3  }
0xbf: {  	v4 =	vadd.f32 v5, v2  }
0xc0: {  	vm1 =	veq.s32 v1, $0x0;
	vm0 =	veq.s32 v1, $0x20;
	v2 =	vmax.f32 v3, $0.0e+00  }
0xc1: {  	s11 =	simm.s32 $0x9000;
	s4 =	simm.s32 $0x20;
	s10 =	simm.s32 $0x0;
	v3 =	vmax.f32 v4, $0.0e+00;
	v5 =	vnsel vm1, $0x0, v2;
	v4 =	vnsel vm0, $0x0, v2  }
.LBB2_10:
0xc2: {  	[tilespmem:s0+$0x0] =	vst v5;
	v5 =	vnsel vm1, $0x0, v3;
	v6 =	vnsel vm0, $0x0, v3;
	vm0 =	veq.s32 v1, $0x60;
	s2 =	sadd.s32 $0x10, s2;
	s10 =	sadd.s32 $0x40, s10;
	s11 =	sadd.s32 $0x80, s11  }
0xc3: {  	p0 =	sne.s32 s4, $0x9E0;
	vm1 =	veq.s32 v1, $0x40;
	s12 =	smov.u32 s4;
	s4 =	sadd.s32 $0x20, s4;
	[tilespmem:s0+$0x20] =	vst v4;
	v1 =	vnsel vm0, $0x0, v2  }
0xc4: {  	v2 =	vnsel vm1, $0x0, v2;
	v4 =	vnsel vm1, $0x0, v3;
	v3 =	vnsel vm0, $0x0, v3;
	[tilespmem:s0+$0x10] =	vst v5  }
0xc5: {  	[tilespmem:s0+$0x60] =	vst v1  }
0xc6: {  	[tilespmem:s0+$0x30] =	vst v6  }
0xc7: {  	[tilespmem:s0+$0x70] =	vst v3  }
0xc8: {  	v3 =	vld [tilespmem:s11+$0x10];
	[tilespmem:s0+$0x40] =	vst v2  }
0xc9: {  	s15 =	sand.u32 $0x1E00, s10;
	s12 =	sand.u32 $0xFE0, s12;
	v2 =	vld [tilespmem:s11+$0x0];
	[tilespmem:s0+$0x50] =	vst v4;
	s0 =	smov.u32 s11  }
0xca: {  	s16 =	sand.u32 $0x70, s2;
	s15 =	sshrl.u32 s15, $0x2;
	v4 =	vld [tilespmem:s12+$0xE000]  }
0xcb: {  	s15 =	sor.u32 s16, s15;
	v5 =	vld [tilespmem:s12+$0xE010]  }
0xcc: {  	v1 =	vld [tilespmem:s15+$0x8000];
	_ =	sdelay $0x1  }
.Ltmp4:
0xcd: {  	(pc) =	sbr.rel @p0 .LBB2_10-.Ltmp4, $4  }
0xce: {  	v2 =	vadd.f32 v4, v2  }
0xcf: {  	v3 =	vadd.f32 v5, v3  }
0xd0: {  	v2 =	vmax.f32 v2, $0.0e+00;
	vm1 =	veq.s32 v1, $0x0;
	vm0 =	veq.s32 v1, $0x20  }
0xd1: {  	v3 =	vmax.f32 v3, $0.0e+00;
	v5 =	vnsel vm1, $0x0, v2;
	v4 =	vnsel vm0, $0x0, v2  }
0xd2: {  	[tilespmem:s0+$0x0] =	vst v5  }
0xd3: {  	v61 =	vnsel vm1, $0x0, v3;
	[tilespmem:s0+$0x20] =	vst v4  }
0xd4: {  	vm14 =	veq.s32 v1, $0x60;
	v63 =	vnsel vm0, $0x0, v3;
	[tilespmem:s0+$0x10] =	vst v61  }
0xd5: {  	v62 =	vnsel vm14, $0x0, v2;
	[tilespmem:s0+$0x30] =	vst v63  }
0xd6: {  	vm15 =	veq.s32 v1, $0x40;
	v1 =	vnsel vm14, $0x0, v3;
	[tilespmem:s0+$0x60] =	vst v62  }
0xd7: {  	v2 =	vnsel vm15, $0x0, v2;
	[tilespmem:s0+$0x70] =	vst v1  }
0xd8: {  	v1 =	vnsel vm15, $0x0, v3;
	[tilespmem:s0+$0x40] =	vst v2  }
0xd9: {  	s16 =	simm.s32 $0x7E00;
	[tilespmem:s0+$0x50] =	vst v1  }
0xda: {  	[spmem:s3] =	stream.indirect.scatter.add.f32 [tilespmem:s21], [sflag:$0x3], $0x80, s16, s22, $0xb8;
	[tilespmem:$0x14800] =	vst v63  }
0xdb: {  	_ =	swait.ge [sflag:s19], $0x2800  }
0xdc: {  	s24 =	stileid.u32;
	[sflag:s19] =	ssyncset.done $0x0  }
0xdd: {  	s2 =	sshrl.u32 s9, $0x3;
	s20 =	sadd.s32 $0x1, s20;
	[sflag:s19] =	ssyncadd.s32 $0xFFFFD800  }
0xde: {  	p0 =	sne.s32 s20, s18;
	s0 =	sshll.u32 s24, $0x6;
	[bflag:$0x0] =	sbarrier.arrive $0xFFFF  }
.Ltmp5:
0xdf: {  	s0 =	sor.u32 $0x1C03, s0;
	s4 =	rddreg [dreg:$0xa];
	(pc) =	sbr.rel @p0 .LBB2_1-.Ltmp5, $4  }
0xe0: {  	[hbm:s4], [sflag:s0] =	dma.local [spmem:s2], $0xA00  }
0xe1: {  	_ =	swait.ge [sflag:s19], $0xA00  }
0xe2: {  	[sflag:s19] =	ssyncset.done $0x0  }
0xe3: {  	[sflag:s19] =	ssyncadd.s32 $0xFFFFF600  }
0xe4: {  	_ =	sfence.sel $0x180000  }
0xe5: {  	[bflag:$0x0] =	sbarrier.arrive $0xFFFF  }
0xe6: {  	_ =	strace $0x9000004A  }
0xe7: {  	s0 =	stileid.u32;
	[bflag:$0x2] =	sbarrier.arrive $0xFFFF  }
0xe8: {  	p0 =	sne.s32 s0, $0x0;
	s0 =	rddreg [dreg:$0x4]  }
0xe9: {  	s0 =	sadd.s32 @!p0 $0x100000, s0  }
0xea: {  	[sflag:s0] =	ssyncadd.tile.s32 @!p0 $0x1;
	_ =	shalt  }
.Lfunc_end2:
_tile_overlayer_lowered:
.L_overlay_start_2:
0xeb: {  	(tag) =	ssettag $0x2  }
0xec: {  	s0 =	rddreg [dreg:$0x0];
	s2 =	stileid.u32  }
0xed: {  	s1 =	rddreg [dreg:$0x1];
	p0 =	sne.s32 s2, $0x0  }
0xee: {  	s3 =	rddreg [dreg:$0x2];
	[bflag:$0x3] =	sbarrier.arrive $0xFFFF;
	s2 =	simm.s32 @!p0 $0x1C03  }
0xef: {  	[timem:s3], [sflag:s2] =	dma.local @!p0 [hbm:s0], s1  }
0xf0: {  	s0 =	simm.s32 @!p0 $0x3  }
0xf1: {  	_ =	swait.ge @!p0 [sflag:s0], s1  }
0xf2: {  	s1 =	ssub.s32 @!p0 $0x0, s1;
	[sflag:s0] =	ssyncset.done @!p0 $0x0  }
0xf3: {  	[sflag:s0] =	ssyncadd.s32 @!p0 s1  }
0xf4: {  	[bflag:$0x3] =	sbarrier.arrive $0xFFFF  }
0xf5: {  	_ =	shalt  }

// kernel: kernel.16.cloned.1.call-start
scs
__scs_entry_jumppad:
0x0: {  	(pc) =	sbr.rel $0x88, $3  }
0x1: {  	(tag) =	ssettag $0x0;
	lr =	simm.s32 $0x1  }
0x2: {  	[smem:$0x3F88] =	sst lr;
	_ =	strace $0xD0000000  }
0x3: {  	_ = 	snop  }
0x4: {  	_ = 	snop  }
0x5: {  	_ = 	snop  }
0x6: {  	_ = 	snop  }
0x7: {  	_ = 	snop  }
__scs_overlays_trampoline_lowered:
0x8: {  	[smem:$0x3F97] =	sst s0  }
0x9: {  	[smem:$0x3F98] =	sst s1  }
0xa: {  	[smem:$0x3F99] =	sst s2  }
0xb: {  	[smem:$0x3F9A] =	sst s3  }
0xc: {  	[smem:$0x3F9B] =	sst s4  }
0xd: {  	[smem:$0x3F9C] =	sst s5  }
0xe: {  	[smem:$0x3F9D] =	sst s6  }
0xf: {  	[smem:$0x3F9E] =	sst s7  }
0x10: {  	[smem:$0x3F9F] =	sst s8  }
0x11: {  	[smem:$0x3FA0] =	sst s9;
	s0 =	simm.s32 @!p0 $0x0  }
0x12: {  	s1 =	sld [smem:$0x3F86];
	s0 =	simm.s32 @p0 $0x1  }
0x13: {  	[smem:$0x3FA1] =	sst s0;
	s0 =	simm.s32 @!p1 $0x0  }
0x14: {  	s2 =	sld [smem:$0x3F85];
	s0 =	simm.s32 @p1 $0x1  }
0x15: {  	[smem:$0x3FA2] =	sst s0;
	s0 =	simm.s32 @!p2 $0x0  }
0x16: {  	s3 =	sld [smem:$0x3FDB];
	s0 =	simm.s32 @p2 $0x1  }
0x17: {  	s4 =	simm.s32 $0x1BF5;
	[smem:$0x3FA4] =	sst s0  }
0x18: {  	s0 =	sld [smem:$0x3F87];
	_ =	swait.ge [sflag:s4], $0x0  }
0x19: {  	s7 =	sld [smem:$0x3F88]  }
0x1a: {  	s8 =	sadd.s32 $0xFFFFE003, lr  }
0x1b: {  	s9 =	sadd.s32 $0xFFFFFEF7, lr;
	s5 =	simm.s32 $0xFFFFFFFF;
	p2 =	slt.u32 s8, $0xFFFFF086  }
0x1c: {  	p1 =	slt.u32 s9, $0xF7A;
	s5 =	simm.s32 @!p2 $0x0  }
0x1d: {  	s5 =	simm.s32 @p1 $0x1;
	p0 =	seq.s32 s7, s2  }
0x1e: {  	s7 =	smul.u32 @!p0 $0xF7A, s2;
	p2 =	seq.s32 @!p0 s5, $0x0  }
0x1f: {  	s9 =	smul.u32 $0xF7A, s1;
	s8 =	simm.s32 @!p0 $0x1BF5;
	p2 =	por !p2, p0  }
0x20: {  	[sflag:s8] =	ssyncset.s32 @!p0 $0xFFFFF086;
	s6 =	sadd.s32 @!p0 s3, s7;
	s7 =	simm.s32 @!p0 $0x108  }
0x21: {  	s3 =	sadd.s32 s3, s9;
	s6 =	sadd.s32 @!p0 $0x88, s6;
	s7 =	simm.s32 @p2 $0x1082  }
0x22: {  	[simem:s7], [sflag:s8] =	dma.local @!p0 [hbm:s6], $0xF7A  }
0x23: {  	s9 =	sor.u32 $0xD0000000, s2;
	s6 =	simm.s32 $0x108;
	_ =	swait.ge @!p0 [sflag:s8], $0x0  }
0x24: {  	s3 =	sadd.s32 $0x88, s3;
	s6 =	simm.s32 @!p1 $0x1082;
	[sflag:s4] =	ssyncset.s32 $0xFFFFF086  }
0x25: {  	[simem:s6], [sflag:s4] =	dma.local [hbm:s3], $0xF7A  }
0x26: {  	[smem:$0x3F88] =	sst s1;
	(tag) =	ssettag s2;
	_ =	strace s9  }
0x27: {  	s1 =	sld [smem:$0x3F98]  }
0x28: {  	s2 =	sld [smem:$0x3F99]  }
0x29: {  	s4 =	sld [smem:$0x3F9B]  }
0x2a: {  	p0 =	seq.s32 s5, $0x0;
	s5 =	sld [smem:$0x3F9C]  }
0x2b: {  	s6 =	sld [smem:$0x3F9D]  }
0x2c: {  	s7 =	sld [smem:$0x3F9E]  }
0x2d: {  	s3 =	simm.s32 $0x108;
	s8 =	sld [smem:$0x3F9F]  }
0x2e: {  	s3 =	simm.s32 @!p0 $0x1082;
	s9 =	sld [smem:$0x3FA0]  }
0x2f: {  	lr =	sadd.s32 s0, s3;
	s0 =	sld [smem:$0x3F97]  }
0x30: {  	s3 =	sld [smem:$0x3F9A]  }
0x31: {  	[smem:$0x3FA3] =	sst s10  }
0x32: {  	s10 =	sld [smem:$0x3FA1];
	_ =	sdelay $0x3  }
0x33: {  	p0 =	seq.s32 s10, $0x1;
	s10 =	sld [smem:$0x3FA3];
	_ =	sdelay $0x3  }
0x34: {  	[smem:$0x3FA3] =	sst s10  }
0x35: {  	s10 =	sld [smem:$0x3FA2];
	_ =	sdelay $0x3  }
0x36: {  	p1 =	seq.s32 s10, $0x1;
	s10 =	sld [smem:$0x3FA3];
	_ =	sdelay $0x3  }
0x37: {  	[smem:$0x3FA3] =	sst s10  }
0x38: {  	s10 =	sld [smem:$0x3FA4]  }
0x39: {  	_ = 	snop;
	(pc) =	sbr.ind lr, $3  }
0x3a: {  	_ = 	snop  }
0x3b: {  	_ = 	snop  }
0x3c: {  	p2 =	seq.s32 s10, $0x1;
	s10 =	sld [smem:$0x3FA3]  }
0x3d: {  	_ =	shalt  }
0x3e: {  	_ =	shalt  }
0x3f: {  	_ =	shalt  }
0x40: {  	_ =	shalt  }
0x41: {  	_ =	shalt  }
0x42: {  	_ =	shalt  }
0x43: {  	_ =	shalt  }
0x44: {  	_ =	shalt  }
0x45: {  	_ =	shalt  }
0x46: {  	_ =	shalt  }
0x47: {  	_ =	shalt  }
0x48: {  	_ =	shalt  }
0x49: {  	_ =	shalt  }
0x4a: {  	_ =	shalt  }
0x4b: {  	_ =	shalt  }
0x4c: {  	_ =	shalt  }
0x4d: {  	_ =	shalt  }
0x4e: {  	_ =	shalt  }
0x4f: {  	_ =	shalt  }
0x50: {  	_ =	shalt  }
0x51: {  	_ =	shalt  }
0x52: {  	_ =	shalt  }
0x53: {  	_ =	shalt  }
0x54: {  	_ =	shalt  }
0x55: {  	_ =	shalt  }
0x56: {  	_ =	shalt  }
0x57: {  	_ =	shalt  }
0x58: {  	_ =	shalt  }
0x59: {  	_ =	shalt  }
0x5a: {  	_ =	shalt  }
0x5b: {  	_ =	shalt  }
0x5c: {  	_ =	shalt  }
0x5d: {  	_ =	shalt  }
0x5e: {  	_ =	shalt  }
0x5f: {  	_ =	shalt  }
0x60: {  	_ =	shalt  }
0x61: {  	_ =	shalt  }
0x62: {  	_ =	shalt  }
0x63: {  	_ =	shalt  }
0x64: {  	_ =	shalt  }
0x65: {  	_ =	shalt  }
0x66: {  	_ =	shalt  }
0x67: {  	_ =	shalt  }
0x68: {  	_ =	shalt  }
0x69: {  	_ =	shalt  }
0x6a: {  	_ =	shalt  }
0x6b: {  	_ =	shalt  }
0x6c: {  	_ =	shalt  }
0x6d: {  	_ =	shalt  }
0x6e: {  	_ =	shalt  }
0x6f: {  	_ =	shalt  }
0x70: {  	_ =	shalt  }
0x71: {  	_ =	shalt  }
0x72: {  	_ =	shalt  }
0x73: {  	_ =	shalt  }
0x74: {  	_ =	shalt  }
0x75: {  	_ =	shalt  }
0x76: {  	_ =	shalt  }
0x77: {  	_ =	shalt  }
0x78: {  	_ =	shalt  }
0x79: {  	_ =	shalt  }
0x7a: {  	_ =	shalt  }
0x7b: {  	_ =	shalt  }
0x7c: {  	_ =	shalt  }
0x7d: {  	_ =	shalt  }
0x7e: {  	_ =	shalt  }
0x7f: {  	_ =	shalt  }
0x80: {  	_ =	shalt  }
0x81: {  	_ =	shalt  }
0x82: {  	_ =	shalt  }
0x83: {  	_ =	shalt  }
0x84: {  	_ =	shalt  }
0x85: {  	_ =	shalt  }
0x86: {  	_ =	shalt  }
0x87: {  	_ =	shalt  }
.Lfunc_end0:
.L_simem_size_0:
called_computation.2_lowered:
.L_overlay_start_0:
0x88: {  	s2 =	sld [smem:$0x3FD9]  }
0x89: {  	s3 =	sld [smem:$0x3FFE];
	_ =	sdelay $0x1  }
0x8a: {  	s1 =	srdreg.scid  }
0x8b: {  	s0 =	sand.u32 $0x1, s1  }
0x8c: {  	s14 =	sshll.u32 s0, $0xA;
	s2 =	sadd.s32 s3, s2  }
0x8d: {  	s2 =	sadd.s32 s2, s14  }
0x8e: {  	[smem:$0x3FAF] =	sst s2  }
0x8f: {  	_ = 	snop  }
0x90: {  	s2 =	sld [smem:$0x3FD0];
	_ =	sdelay $0x2  }
0x91: {  	s15 =	simm.s32 $0xA;
	s4 =	simm.s32 $0x10  }
0x92: {  	[smem:s4], [sflag:s15] =	dma.local [hbm:s2], $0x1  }
0x93: {  	_ =	swait.eq [sflag:s15], $0x1  }
0x94: {  	[sflag:s15] =	ssyncset.done $0x0  }
0x95: {  	s16 =	sld [smem:$0x10];
	[sflag:s15] =	ssyncadd.s32 $0xFFFFFFFF  }
0x96: {  	s17 =	sld [smem:$0x14];
	(tm) =	ssettm $0x1  }
0x97: {  	s18 =	sld [smem:$0x3FFB];
	_ =	sdelay $0x3  }
0x98: {  	_ =	strace s18  }
0x99: {  	s4 =	sld [smem:$0x3FFC];
	_ =	sdelay $0x3  }
0x9a: {  	_ =	strace s4  }
0x9b: {  	s4 =	sld [smem:$0x3FFD];
	_ =	sdelay $0x3  }
0x9c: {  	_ =	strace s4  }
0x9d: {  	_ =	strace $0x8FFFFFFF  }
0x9e: {  	s19 =	sld [smem:$0x3FDB];
	_ =	sdelay $0x1  }
0x9f: {  	s5 =	simm.s32 $_scs_section_size  }
0xa0: {  	s6 =	simm.s32 $_size__tile_overlayer_lowered;
	s7 =	simm.s32 $_tile_overlayer_lowered  }
0xa1: {  	s22 =	simm.s32 $0x1BFF;
	s21 =	sshll.u32 s7, $0x1;
	s4 =	sadd.s32 s5, s19  }
0xa2: {  	s8 =	simm.s32 $0x0;
	s20 =	sshll.u32 s6, $0x1;
	s6 =	sadd.s32 s21, s4  }
0xa3: {  	[timem:s8], [sflag:s22] =	dma.local [hbm:s6], s20  }
0xa4: {  	_ =	swait.ge [sflag:s22], s20  }
0xa5: {  	s5 =	ssub.s32 $0x0, s20;
	[sflag:s22] =	ssyncset.done $0x0  }
0xa6: {  	[sflag:s22] =	ssyncadd.s32 s5;
	_ =	sdelay $0x1  }
0xa7: {  	s23 =	simm.s32 $0x1B8B  }
0xa8: {  	_ =	swait.ge [sflag:s23], $0x1  }
0xa9: {  	[sflag:s23] =	ssyncset.done $0x0  }
0xaa: {  	s25 =	simm.s32 $0x1B8E;
	s24 =	sld [smem:$0x3FFE];
	[sflag:s23] =	ssyncadd.s32 $0xFFFFFFFF  }
0xab: {  	s26 =	simm.s32 $execute0_lowered;
	[smem:$0x3FD2] =	sst s25  }
0xac: {  	s6 =	sshll.u32 s26, $0x1;
	_ =	strace $0x8000004C;
	[dreg:$0x1] =	wrdreg $0xFFFFFFFF  }
0xad: {  	s28 =	simm.s32 $_size_execute0_lowered;
	s4 =	sadd.s32 s4, s6;
	[dreg:$0x0] =	wrdreg $0x0  }
0xae: {  	s6 =	sshll.u32 s28, $0x1;
	[dreg:$0x2] =	wrdreg s4  }
0xaf: {  	[dreg:$0x3] =	wrdreg s6  }
0xb0: {  	[dreg:$0x4] =	wrdreg $0xC0  }
0xb1: {  	_ =	task [dreg:s8], $0x5FFFF  }
0xb2: {  	[dreg:$0x1] =	wrdreg $0xFFFFFFFF  }
0xb3: {  	[dreg:$0x0] =	wrdreg $0x60  }
0xb4: {  	[dreg:$0x2] =	wrdreg s17  }
0xb5: {  	[dreg:$0x3] =	wrdreg s24  }
0xb6: {  	[dreg:$0x4] =	wrdreg s16  }
0xb7: {  	[dreg:$0x5] =	wrdreg $0xF8000  }
0xb8: {  	[dreg:$0x6] =	wrdreg $0x9  }
0xb9: {  	_ =	task.clear_ibuf [dreg:s8], $0x7FFFF;
	_ =	strace $0x9000004C  }
0xba: {  	s29 =	simm.s32 $0x9;
	_ =	strace $0x8000004E  }
0xbb: {  	_ =	swait.ge [sflag:s29], $0x1  }
0xbc: {  	[sflag:s29] =	ssyncadd.s32 $0xFFFFFFFF  }
0xbd: {  	_ =	strace $0x9000004E  }
0xbe: {  	_ =	sfence  }
0xbf: {  	s30 =	sld [smem:$0x0];
	_ =	sdelay $0x2  }
0xc0: {  	s31 =	sshll.u32 s1, $0xD;
	s1 =	sshrl.u32 s1, $0x2  }
0xc1: {  	s3 =	sand.u32 $0x4000, s31;
	s1 =	sadd.s32 s1, s30  }
0xc2: {  	s0 =	sor.u32 s3, s0;
	s1 =	sshll.u32 s1, $0x11  }
0xc3: {  	s0 =	sor.u32 s1, s0  }
0xc4: {  	s0 =	sadd.s32 $0x8F2B, s0  }
0xc5: {  	[sflag:s0] =	ssyncadd.remote.s32 $0x1  }
0xc6: {  	_ =	sfence.sel $0xFFFF  }
0xc7: {  	[dreg:$0x0] =	wrdreg $0xFFFFFFFF;
	(pc) =	sbr.abs _section_cstart, $3  }
0xc8: {  	[dreg:$0x1] =	wrdreg $0xFFFFFFFF  }
0xc9: {  	_ =	task.clear_ibuf [dreg:s8], $0x2FFFF;
	_ =	strace $0x9FFFFFFF  }
0xca: {  	(tm) =	ssettm $0x7FFFFFFF  }
0xcb: {  	_ =	shalt  }
tec
execute0_lowered:
.L_overlay_start_1:
0x0: {  	(tag) =	ssettag $0x1  }
0x1: {  	s1 =	rddreg [dreg:$0x0]  }
0x2: {  	s0 =	rddreg [dreg:$0x1]  }
0x3: {  	s2 =	rddreg [dreg:$0x2]  }
0x4: {  	s3 =	rddreg [dreg:$0x3]  }
0x5: {  	s4 =	srdreg.scid;
	s12 =	stileid.u32  }
0x6: {  	s6 =	simm.s32 $0x0;
	s17 =	simm.s32 $0xE000;
	s28 =	simm.s32 $0x8800  }
0x7: {  	s29 =	simm.s32 $0x1;
	s30 =	simm.s32 $0x2;
	s4 =	sand.u32 $0x1, s4  }
0x8: {  	s5 =	sshll.u32 s12, $0x1;
	[smem:$0x7FF] =	sst s6;
	s9 =	smul.u32 $0x14000, s12  }
0x9: {  	s7 =	sadd.s32 $0x18B600, s0;
	s21 =	smul.u32 $0x5000, s12;
	s8 =	sor.u32 s4, s5  }
0xa: {  	_ =	strace $0x8000004D;
	s20 =	ssub.s32 $0x2, s4;
	s4 =	smul.u32 $0x50000, s4  }
0xb: {  	s31 =	simm.s32 $0x0;
	s5 =	sadd.s32 $0x295600, s0;
	s6 =	smul.u32 $0x5DC00, s8  }
0xc: {  	s19 =	sshll.u32 s8, $0xB;
	s8 =	smul.u32 $0x3E800, s8;
	s11 =	sshrl.u32 s20, $0x1  }
0xd: {  	s9 =	sshrl.u32 s9, $0x2;
	s10 =	sadd.s32 s19, s0;
	s0 =	ssub.s32 s20, s11  }
0xe: {  	s9 =	sadd.s32 s9, s3;
	s4 =	sadd.s32 s21, s4;
	s19 =	simm.s32 $0x3  }
0xf: {  	s21 =	simm.s32 $0x9000;
	s20 =	simm.s32 $0x0;
	s22 =	sadd.s32 $0x4600, s10  }
0x10: {  	s10 =	sadd.s32 $0x285600, s10;
	s23 =	sadd.s32 $0x2800, s9;
	[dreg:$0x5] =	wrdreg s22  }
0x11: {  	s24 =	sshrl.u32 s6, $0x3;
	s25 =	sshrl.u32 s8, $0x3;
	[dreg:$0x6] =	wrdreg s10  }
0x12: {  	s4 =	sshrl.u32 s4, $0x3;
	s18 =	smax.u32 s0, $0x1;
	[dreg:$0x7] =	wrdreg s23  }
0x13: {  	s13 =	sadd.s32 s5, s24;
	s14 =	sadd.s32 s7, s25;
	s2 =	sadd.s32 s2, s4  }
0x14: {  	s22 =	simm.s32 $0x50;
	s10 =	sadd.s32 $0xBA00, s13;
	[dreg:$0xa] =	wrdreg s2  }
0x15: {  	s23 =	simm.s32 $0x8000;
	s26 =	sadd.s32 $0x7C00, s14;
	[dreg:$0x8] =	wrdreg s10  }
0x16: {  	v0 =	vimm.f32 $0.0e+00;
	s25 =	simm.s32 $0xB800;
	[dreg:$0x9] =	wrdreg s26;
	s26 =	simm.s32 $0xEC00  }
.LBB2_1:
0x17: {  	s0 =	simm.s32 $0x0;
	s2 =	rddreg [dreg:$0x5]  }
0x18: {  	[tilespmem:s0], [sflag:$0x3] =	stream.linear.gather [hbm4b:s2+s0], $0x3E80, $0x38;
	[tilespmem:$0x14800] =	vst v63  }
0x19: {  	_ =	swait.ge [sflag:s19], $0x3E80  }
0x1a: {  	[sflag:s19] =	ssyncset.done $0x0  }
0x1b: {  	s4 =	simm.s32 $0x4000;
	s24 =	rddreg [dreg:$0x6];
	[sflag:s19] =	ssyncadd.s32 $0xFFFFC180  }
0x1c: {  	[tilespmem:s4], [sflag:$0x3] =	stream.linear.gather [hbm4b:s24+s0], $0x3E80, $0x38;
	[tilespmem:$0x14800] =	vst v63  }
0x1d: {  	_ =	swait.ge [sflag:s19], $0x3E80  }
0x1e: {  	[sflag:s19] =	ssyncset.done $0x0  }
0x1f: {  	s2 =	simm.s32 $0x200;
	s0 =	simm.s32 $0x0;
	[sflag:s19] =	ssyncadd.s32 $0xFFFFC180  }
.LBB2_2:
0x20: {  	p0 =	sne.s32 s2, $0x9E00;
	[tilespmem:s0+$0x9070] =	vst v0  }
0x21: {  	[tilespmem:s0+$0x9000] =	vst v0  }
0x22: {  	[tilespmem:s0+$0x9010] =	vst v0  }
.Ltmp0:
0x23: {  	[tilespmem:s0+$0x9020] =	vst v0;
	(pc) =	sbr.rel @p0 .LBB2_2-.Ltmp0, $4  }
0x24: {  	[tilespmem:s0+$0x9030] =	vst v0  }
0x25: {  	[tilespmem:s0+$0x9040] =	vst v0  }
0x26: {  	[tilespmem:s0+$0x9050] =	vst v0  }
0x27: {  	[tilespmem:s0+$0x9060] =	vst v0;
	s0 =	sshra.s32 s2, $0x2;
	s2 =	sadd.s32 $0x200, s2  }
0x28: {  	[tilespmem:s0+$0x9070] =	vst v0  }
0x29: {  	[tilespmem:s0+$0x9000] =	vst v0  }
0x2a: {  	[tilespmem:s0+$0x9010] =	vst v0  }
0x2b: {  	[tilespmem:s0+$0x9020] =	vst v0  }
0x2c: {  	[tilespmem:s0+$0x9030] =	vst v0  }
0x2d: {  	[tilespmem:s0+$0x9040] =	vst v0  }
0x2e: {  	[tilespmem:s0+$0x9050] =	vst v0  }
0x2f: {  	[tilespmem:s0+$0x9060] =	vst v0  }
0x30: {  	[spmem:s9] =	stream.linear.scatter [tilespmem:s21], [sflag:$0x3], $0x2800, $0x38;
	[tilespmem:$0x14800] =	vst v63  }
0x31: {  	_ =	swait.ge [sflag:s19], $0x2800  }
0x32: {  	[sflag:s19] =	ssyncset.done $0x0  }
0x33: {  	s24 =	rddreg [dreg:$0x7];
	[sflag:s19] =	ssyncadd.s32 $0xFFFFD800  }
0x34: {  	[spmem:s24] =	stream.linear.scatter [tilespmem:s21], [sflag:$0x3], $0x2800, $0x38;
	[tilespmem:$0x14800] =	vst v63  }
0x35: {  	_ =	swait.ge [sflag:s19], $0x2800  }
0x36: {  	[sflag:s19] =	ssyncset.done $0x0  }
0x37: {  	[sflag:s19] =	ssyncadd.s32 $0xFFFFD800  }
0x38: {  	[bflag:$0x0] =	sbarrier.arrive $0xFFFF  }
0x39: {  	[tilespmem:s21], [sflag:$0x1] =	stream.indirect.gather [hbm4b:s1+s22], $0x80, s31, s22, $0xb8;
	[tilespmem:$0x14800] =	vst v63  }
0x3a: {  	_ = 	snop  }
0x3b: {  	[tilespmem:s17], [sflag:$0x1] =	stream.linear.gather [hbm4b:s13+s31], $0xA00, $0x38;
	[tilespmem:$0x14800] =	vst v63  }
0x3c: {  	s0 =	simm.s32 $0x0  }
0x3d: {  	[tilespmem:s23], [sflag:$0x1] =	stream.linear.gather [hbm4b:s14+s31], $0x500, $0x38;
	[tilespmem:$0x14800] =	vst v63  }
.LBB2_4:
0x3e: {  	s4 =	sshllo.u32 s0, $0x1  }
0x3f: {  	s2 =	sshll.u32 s4, $0x7;
	s10 =	smul.u32 $0xC00, s4  }
0x40: {  	[tilespmem:s25], [sflag:$0x2] =	stream.indirect.gather [hbm4b:s1+s22], $0x80, s2, s22, $0xb8;
	[tilespmem:$0x14800] =	vst v63  }
0x41: {  	s4 =	sshll.u32 s4, $0xB;
	s10 =	sadd.s32 s6, s10  }
0x42: {  	s4 =	sadd.s32 s8, s4;
	s10 =	sshrl.u32 s10, $0x3  }
0x43: {  	s4 =	sshrl.u32 s4, $0x3;
	s10 =	sadd.s32 s5, s10  }
0x44: {  	[tilespmem:s26], [sflag:$0x2] =	stream.linear.gather [hbm4b:s10+s31], $0xA00, $0x38;
	[tilespmem:$0x14800] =	vst v63  }
0x45: {  	s4 =	sadd.s32 s7, s4  }
0x46: {  	[tilespmem:s28], [sflag:$0x2] =	stream.linear.gather [hbm4b:s4+s31], $0x500, $0x38;
	[tilespmem:$0x14800] =	vst v63  }
0x47: {  	_ =	swait.ge [sflag:s29], $0x2800  }
0x48: {  	[sflag:s29] =	ssyncset.done $0x0  }
0x49: {  	[sflag:s29] =	ssyncadd.s32 $0xFFFFD800  }
0x4a: {  	_ =	swait.ge [sflag:s29], $0xA00  }
0x4b: {  	[sflag:s29] =	ssyncset.done $0x0  }
0x4c: {  	[sflag:s29] =	ssyncadd.s32 $0xFFFFF600  }
0x4d: {  	_ =	swait.ge [sflag:s29], $0x500  }
0x4e: {  	[sflag:s29] =	ssyncset.done $0x0  }
0x4f: {  	s4 =	simm.s32 $0x9000;
	[sflag:s29] =	ssyncadd.s32 $0xFFFFFB00  }
0x50: {  	v2 =	vld [tilespmem:s4+$0x10]  }
0x51: {  	s24 =	sand.u32 $0x1E00, s31;
	s11 =	sand.u32 $0xFE0, s31;
	v3 =	vld [tilespmem:s4+$0x0]  }
0x52: {  	s12 =	sand.u32 $0x70, s31;
	s10 =	sshrl.u32 s24, $0x2;
	v4 =	vld [tilespmem:s11+$0xE000]  }
0x53: {  	s10 =	sor.u32 s12, s10;
	v5 =	vld [tilespmem:s11+$0xE010]  }
0x54: {  	v1 =	vld [tilespmem:s10+$0x8000];
	_ =	sdelay $0x2  }
0x55: {  	v3 =	vadd.f32 v4, v3  }
0x56: {  	v4 =	vadd.f32 v5, v2  }
0x57: {  	s15 =	simm.s32 $0x0;
	s23 =	simm.s32 $0x9000;
	vm1 =	veq.s32 v1, $0x0;
	vm0 =	veq.s32 v1, $0x20;
	v2 =	vmax.f32 v3, $0.0e+00  }
0x58: {  	s12 =	simm.s32 $0x0;
	s10 =	sshll.u32 s0, $0x1;
	s11 =	simm.s32 $0x20;
	v3 =	vmax.f32 v4, $0.0e+00;
	v5 =	vnsel vm1, $0x0, v2;
	v4 =	vnsel vm0, $0x0, v2  }
.LBB2_5:
0x59: {  	[tilespmem:s4+$0x0] =	vst v5;
	v5 =	vnsel vm1, $0x0, v3;
	v6 =	vnsel vm0, $0x0, v3;
	vm0 =	veq.s32 v1, $0x60;
	s12 =	sadd.s32 $0x10, s12;
	s15 =	sadd.s32 $0x40, s15;
	s23 =	sadd.s32 $0x80, s23  }
0x5a: {  	p0 =	sne.s32 s11, $0x9E0;
	vm1 =	veq.s32 v1, $0x40;
	s16 =	smov.u32 s11;
	s11 =	sadd.s32 $0x20, s11;
	[tilespmem:s4+$0x20] =	vst v4;
	v1 =	vnsel vm0, $0x0, v2  }
0x5b: {  	v2 =	vnsel vm1, $0x0, v2;
	v4 =	vnsel vm1, $0x0, v3;
	v3 =	vnsel vm0, $0x0, v3;
	[tilespmem:s4+$0x10] =	vst v5  }
0x5c: {  	[tilespmem:s4+$0x60] =	vst v1  }
0x5d: {  	[tilespmem:s4+$0x30] =	vst v6  }
0x5e: {  	[tilespmem:s4+$0x70] =	vst v3  }
0x5f: {  	v3 =	vld [tilespmem:s23+$0x10];
	[tilespmem:s4+$0x40] =	vst v2  }
0x60: {  	s24 =	sand.u32 $0x1E00, s15;
	s16 =	sand.u32 $0xFE0, s16;
	v2 =	vld [tilespmem:s23+$0x0];
	[tilespmem:s4+$0x50] =	vst v4;
	s4 =	smov.u32 s23  }
0x61: {  	s17 =	sand.u32 $0x70, s12;
	s24 =	sshrl.u32 s24, $0x2;
	v4 =	vld [tilespmem:s16+$0xE000]  }
0x62: {  	s17 =	sor.u32 s17, s24;
	v5 =	vld [tilespmem:s16+$0xE010]  }
0x63: {  	v1 =	vld [tilespmem:s17+$0x8000];
	_ =	sdelay $0x1  }
.Ltmp1:
0x64: {  	(pc) =	sbr.rel @p0 .LBB2_5-.Ltmp1, $4  }
0x65: {  	v2 =	vadd.f32 v4, v2  }
0x66: {  	v3 =	vadd.f32 v5, v3  }
0x67: {  	v2 =	vmax.f32 v2, $0.0e+00;
	vm1 =	veq.s32 v1, $0x0;
	vm0 =	veq.s32 v1, $0x20  }
0x68: {  	v3 =	vmax.f32 v3, $0.0e+00;
	v5 =	vnsel vm1, $0x0, v2;
	v4 =	vnsel vm0, $0x0, v2  }
0x69: {  	[tilespmem:s4+$0x0] =	vst v5  }
0x6a: {  	v5 =	vnsel vm1, $0x0, v3;
	vm1 =	veq.s32 v1, $0x60;
	[tilespmem:s4+$0x20] =	vst v4  }
0x6b: {  	v4 =	vnsel vm1, $0x0, v2;
	[tilespmem:s4+$0x10] =	vst v5  }
0x6c: {  	v5 =	vnsel vm0, $0x0, v3;
	[tilespmem:s4+$0x60] =	vst v4  }
0x6d: {  	vm0 =	veq.s32 v1, $0x40;
	v1 =	vnsel vm1, $0x0, v3;
	[tilespmem:s4+$0x30] =	vst v5  }
0x6e: {  	s11 =	sshll.u32 s0, $0x8;
	v2 =	vnsel vm0, $0x0, v2;
	[tilespmem:s4+$0x70] =	vst v1  }
0x6f: {  	p0 =	seq.s32 s0, $0x3D;
	s11 =	sand.u32 $0x3FFFFF00, s11;
	v1 =	vnsel vm0, $0x0, v3;
	[tilespmem:s4+$0x40] =	vst v2  }
0x70: {  	s12 =	simm.s32 @!p0 $0x9000;
	s16 =	sadd.s32 $0x4000, s11;
	[tilespmem:s4+$0x50] =	vst v1  }
0x71: {  	[spmem:s3] =	stream.indirect.scatter.add.f32 [tilespmem:s21], [sflag:$0x3], $0x80, s16, s22, $0xb8;
	[tilespmem:$0x14800] =	vst v63  }
0x72: {  	s11 =	simm.s32 @!p0 $0x50;
	s4 =	sadd.s32 @!p0 $0x2, s10;
	_ =	swait.ge [sflag:s19], $0x2800  }
0x73: {  	s10 =	sshll.u32 @!p0 s4, $0x7;
	s15 =	smul.u32 @!p0 $0xC00, s4;
	[sflag:s19] =	ssyncset.done $0x0  }
0x74: {  	s4 =	sshll.u32 @!p0 s4, $0xB;
	s10 =	sand.u32 @!p0 $0x3FFFFF80, s10;
	[sflag:s19] =	ssyncadd.s32 $0xFFFFD800  }
0x75: {  	[tilespmem:s12], [sflag:$0x1] =	stream.indirect.gather @!p0 [hbm4b:s1+s11], $0x80, s10, s11, $0xb8;
	[tilespmem:$0x14800] =	vst v63  }
0x76: {  	s4 =	sadd.s32 @!p0 s8, s4;
	s10 =	sadd.s32 @!p0 s6, s15  }
0x77: {  	s4 =	sshrl.u32 @!p0 s4, $0x3;
	s10 =	sshrl.u32 @!p0 s10, $0x3  }
0x78: {  	s11 =	simm.s32 @!p0 $0x0;
	s12 =	simm.s32 @!p0 $0xE000;
	s10 =	sadd.s32 @!p0 s5, s10  }
0x79: {  	[tilespmem:s12], [sflag:$0x1] =	stream.linear.gather @!p0 [hbm4b:s10+s11], $0xA00, $0x38;
	[tilespmem:$0x14800] =	vst v63  }
0x7a: {  	s4 =	sadd.s32 @!p0 s7, s4;
	s10 =	simm.s32 @!p0 $0x8000  }
0x7b: {  	[tilespmem:s10], [sflag:$0x1] =	stream.linear.gather @!p0 [hbm4b:s4+s11], $0x500, $0x38;
	[tilespmem:$0x14800] =	vst v63  }
0x7c: {  	_ =	swait.ge [sflag:s30], $0x2800  }
0x7d: {  	[sflag:s30] =	ssyncset.done $0x0  }
0x7e: {  	[sflag:s30] =	ssyncadd.s32 $0xFFFFD800  }
0x7f: {  	_ =	swait.ge [sflag:s30], $0xA00  }
0x80: {  	[sflag:s30] =	ssyncset.done $0x0  }
0x81: {  	[sflag:s30] =	ssyncadd.s32 $0xFFFFF600  }
0x82: {  	_ =	swait.ge [sflag:s30], $0x500  }
0x83: {  	[sflag:s30] =	ssyncset.done $0x0  }
0x84: {  	s4 =	simm.s32 $0xB800;
	[sflag:s30] =	ssyncadd.s32 $0xFFFFFB00  }
0x85: {  	s10 =	simm.s32 $0x0;
	v2 =	vld [tilespmem:s4+$0x10]  }
0x86: {  	s17 =	sand.u32 $0x1E00, s10;
	s23 =	sand.u32 $0xFE0, s10;
	v3 =	vld [tilespmem:s4+$0x0]  }
0x87: {  	s24 =	sand.u32 $0x70, s10;
	s11 =	sshrl.u32 s17, $0x2;
	v4 =	vld [tilespmem:s23+$0xEC00]  }
0x88: {  	s11 =	sor.u32 s24, s11;
	v5 =	vld [tilespmem:s23+$0xEC10]  }
0x89: {  	v1 =	vld [tilespmem:s11+$0x8800];
	_ =	sdelay $0x2  }
0x8a: {  	v3 =	vadd.f32 v4, v3  }
0x8b: {  	v4 =	vadd.f32 v5, v2  }
0x8c: {  	vm1 =	veq.s32 v1, $0x0;
	vm0 =	veq.s32 v1, $0x20;
	v2 =	vmax.f32 v3, $0.0e+00  }
0x8d: {  	s15 =	simm.s32 $0xB800;
	s12 =	simm.s32 $0x0;
	s11 =	simm.s32 $0x20;
	v3 =	vmax.f32 v4, $0.0e+00;
	v5 =	vnsel vm1, $0x0, v2;
	v4 =	vnsel vm0, $0x0, v2  }
.LBB2_7:
0x8e: {  	[tilespmem:s4+$0x0] =	vst v5;
	v5 =	vnsel vm1, $0x0, v3;
	v6 =	vnsel vm0, $0x0, v3;
	vm0 =	veq.s32 v1, $0x60;
	s10 =	sadd.s32 $0x10, s10;
	s12 =	sadd.s32 $0x40, s12;
	s15 =	sadd.s32 $0x80, s15  }
0x8f: {  	p0 =	sne.s32 s11, $0x9E0;
	vm1 =	veq.s32 v1, $0x40;
	s16 =	smov.u32 s11;
	s11 =	sadd.s32 $0x20, s11;
	[tilespmem:s4+$0x20] =	vst v4;
	v1 =	vnsel vm0, $0x0, v2  }
0x90: {  	v2 =	vnsel vm1, $0x0, v2;
	v4 =	vnsel vm1, $0x0, v3;
	v3 =	vnsel vm0, $0x0, v3;
	[tilespmem:s4+$0x10] =	vst v5  }
0x91: {  	[tilespmem:s4+$0x60] =	vst v1  }
0x92: {  	[tilespmem:s4+$0x30] =	vst v6  }
0x93: {  	[tilespmem:s4+$0x70] =	vst v3  }
0x94: {  	v3 =	vld [tilespmem:s15+$0x10];
	[tilespmem:s4+$0x40] =	vst v2  }
0x95: {  	s17 =	sand.u32 $0x1E00, s12;
	s16 =	sand.u32 $0xFE0, s16;
	v2 =	vld [tilespmem:s15+$0x0];
	[tilespmem:s4+$0x50] =	vst v4;
	s4 =	smov.u32 s15  }
0x96: {  	s23 =	sand.u32 $0x70, s10;
	s17 =	sshrl.u32 s17, $0x2;
	v4 =	vld [tilespmem:s16+$0xEC00]  }
0x97: {  	s17 =	sor.u32 s23, s17;
	v5 =	vld [tilespmem:s16+$0xEC10]  }
0x98: {  	v1 =	vld [tilespmem:s17+$0x8800];
	_ =	sdelay $0x1  }
.Ltmp2:
0x99: {  	(pc) =	sbr.rel @p0 .LBB2_7-.Ltmp2, $4  }
0x9a: {  	v2 =	vadd.f32 v4, v2  }
0x9b: {  	v3 =	vadd.f32 v5, v3  }
0x9c: {  	v2 =	vmax.f32 v2, $0.0e+00;
	vm1 =	veq.s32 v1, $0x0;
	vm0 =	veq.s32 v1, $0x20  }
0x9d: {  	v3 =	vmax.f32 v3, $0.0e+00;
	v5 =	vnsel vm1, $0x0, v2;
	v4 =	vnsel vm0, $0x0, v2  }
0x9e: {  	[tilespmem:s4+$0x0] =	vst v5  }
0x9f: {  	v61 =	vnsel vm1, $0x0, v3;
	[tilespmem:s4+$0x20] =	vst v4  }
0xa0: {  	vm14 =	veq.s32 v1, $0x60;
	v63 =	vnsel vm0, $0x0, v3;
	[tilespmem:s4+$0x10] =	vst v61  }
0xa1: {  	v62 =	vnsel vm14, $0x0, v2;
	[tilespmem:s4+$0x30] =	vst v63  }
0xa2: {  	vm15 =	veq.s32 v1, $0x40;
	v1 =	vnsel vm14, $0x0, v3;
	[tilespmem:s4+$0x60] =	vst v62  }
0xa3: {  	s0 =	sadd.s32 $0x1, s0;
	v2 =	vnsel vm15, $0x0, v2;
	[tilespmem:s4+$0x70] =	vst v1  }
0xa4: {  	p0 =	sne.s32 s0, $0x3E;
	v1 =	vnsel vm15, $0x0, v3;
	[tilespmem:s4+$0x40] =	vst v2  }
.Ltmp3:
0xa5: {  	s2 =	sadd.s32 $0x4000, s2;
	[tilespmem:s4+$0x50] =	vst v1;
	(pc) =	sbr.rel @p0 .LBB2_4-.Ltmp3, $4  }
0xa6: {  	[spmem:s3] =	stream.indirect.scatter.add.f32 [tilespmem:s25], [sflag:$0x3], $0x80, s2, s22, $0xb8;
	[tilespmem:$0x14800] =	vst v63  }
0xa7: {  	_ =	swait.ge [sflag:s19], $0x2800  }
0xa8: {  	[sflag:s19] =	ssyncset.done $0x0  }
0xa9: {  	[sflag:s19] =	ssyncadd.s32 $0xFFFFD800  }
0xaa: {  	s0 =	simm.s32 $0x9000;
	s2 =	simm.s32 $0x3E00  }
0xab: {  	[tilespmem:s0], [sflag:$0x1] =	stream.indirect.gather [hbm4b:s1+s22], $0x80, s2, s22, $0xb8;
	[tilespmem:$0x14800] =	vst v63  }
0xac: {  	s4 =	rddreg [dreg:$0x8];
	s17 =	simm.s32 $0xE000;
	s2 =	simm.s32 $0x0  }
0xad: {  	[tilespmem:s17], [sflag:$0x1] =	stream.linear.gather [hbm4b:s4+s2], $0xA00, $0x38;
	[tilespmem:$0x14800] =	vst v63  }
0xae: {  	s16 =	rddreg [dreg:$0x9];
	s23 =	simm.s32 $0x8000  }
0xaf: {  	[tilespmem:s23], [sflag:$0x1] =	stream.linear.gather [hbm4b:s16+s2], $0x500, $0x38;
	[tilespmem:$0x14800] =	vst v63  }
0xb0: {  	_ =	swait.ge [sflag:s29], $0x2800  }
0xb1: {  	[sflag:s29] =	ssyncset.done $0x0  }
0xb2: {  	[sflag:s29] =	ssyncadd.s32 $0xFFFFD800  }
0xb3: {  	_ =	swait.ge [sflag:s29], $0xA00  }
0xb4: {  	[sflag:s29] =	ssyncset.done $0x0  }
0xb5: {  	[sflag:s29] =	ssyncadd.s32 $0xFFFFF600  }
0xb6: {  	_ =	swait.ge [sflag:s29], $0x500  }
0xb7: {  	[sflag:s29] =	ssyncset.done $0x0  }
0xb8: {  	[sflag:s29] =	ssyncadd.s32 $0xFFFFFB00  }
0xb9: {  	v2 =	vld [tilespmem:s0+$0x10]  }
0xba: {  	s24 =	sand.u32 $0x1E00, s2;
	s10 =	sand.u32 $0xFE0, s2;
	v3 =	vld [tilespmem:s0+$0x0]  }
0xbb: {  	s11 =	sand.u32 $0x70, s2;
	s4 =	sshrl.u32 s24, $0x2;
	v4 =	vld [tilespmem:s10+$0xE000]  }
0xbc: {  	s4 =	sor.u32 s11, s4;
	v5 =	vld [tilespmem:s10+$0xE010]  }
0xbd: {  	v1 =	vld [tilespmem:s4+$0x8000];
	_ =	sdelay $0x2  }
0xbe: {  	v3 =	vadd.f32 v4, v3  }
0xbf: {  	v4 =	vadd.f32 v5, v2  }
0xc0: {  	vm1 =	veq.s32 v1, $0x0;
	vm0 =	veq.s32 v1, $0x20;
	v2 =	vmax.f32 v3, $0.0e+00  }
0xc1: {  	s11 =	simm.s32 $0x9000;
	s4 =	simm.s32 $0x20;
	s10 =	simm.s32 $0x0;
	v3 =	vmax.f32 v4, $0.0e+00;
	v5 =	vnsel vm1, $0x0, v2;
	v4 =	vnsel vm0, $0x0, v2  }
.LBB2_10:
0xc2: {  	[tilespmem:s0+$0x0] =	vst v5;
	v5 =	vnsel vm1, $0x0, v3;
	v6 =	vnsel vm0, $0x0, v3;
	vm0 =	veq.s32 v1, $0x60;
	s2 =	sadd.s32 $0x10, s2;
	s10 =	sadd.s32 $0x40, s10;
	s11 =	sadd.s32 $0x80, s11  }
0xc3: {  	p0 =	sne.s32 s4, $0x9E0;
	vm1 =	veq.s32 v1, $0x40;
	s12 =	smov.u32 s4;
	s4 =	sadd.s32 $0x20, s4;
	[tilespmem:s0+$0x20] =	vst v4;
	v1 =	vnsel vm0, $0x0, v2  }
0xc4: {  	v2 =	vnsel vm1, $0x0, v2;
	v4 =	vnsel vm1, $0x0, v3;
	v3 =	vnsel vm0, $0x0, v3;
	[tilespmem:s0+$0x10] =	vst v5  }
0xc5: {  	[tilespmem:s0+$0x60] =	vst v1  }
0xc6: {  	[tilespmem:s0+$0x30] =	vst v6  }
0xc7: {  	[tilespmem:s0+$0x70] =	vst v3  }
0xc8: {  	v3 =	vld [tilespmem:s11+$0x10];
	[tilespmem:s0+$0x40] =	vst v2  }
0xc9: {  	s15 =	sand.u32 $0x1E00, s10;
	s12 =	sand.u32 $0xFE0, s12;
	v2 =	vld [tilespmem:s11+$0x0];
	[tilespmem:s0+$0x50] =	vst v4;
	s0 =	smov.u32 s11  }
0xca: {  	s16 =	sand.u32 $0x70, s2;
	s15 =	sshrl.u32 s15, $0x2;
	v4 =	vld [tilespmem:s12+$0xE000]  }
0xcb: {  	s15 =	sor.u32 s16, s15;
	v5 =	vld [tilespmem:s12+$0xE010]  }
0xcc: {  	v1 =	vld [tilespmem:s15+$0x8000];
	_ =	sdelay $0x1  }
.Ltmp4:
0xcd: {  	(pc) =	sbr.rel @p0 .LBB2_10-.Ltmp4, $4  }
0xce: {  	v2 =	vadd.f32 v4, v2  }
0xcf: {  	v3 =	vadd.f32 v5, v3  }
0xd0: {  	v2 =	vmax.f32 v2, $0.0e+00;
	vm1 =	veq.s32 v1, $0x0;
	vm0 =	veq.s32 v1, $0x20  }
0xd1: {  	v3 =	vmax.f32 v3, $0.0e+00;
	v5 =	vnsel vm1, $0x0, v2;
	v4 =	vnsel vm0, $0x0, v2  }
0xd2: {  	[tilespmem:s0+$0x0] =	vst v5  }
0xd3: {  	v61 =	vnsel vm1, $0x0, v3;
	[tilespmem:s0+$0x20] =	vst v4  }
0xd4: {  	vm14 =	veq.s32 v1, $0x60;
	v63 =	vnsel vm0, $0x0, v3;
	[tilespmem:s0+$0x10] =	vst v61  }
0xd5: {  	v62 =	vnsel vm14, $0x0, v2;
	[tilespmem:s0+$0x30] =	vst v63  }
0xd6: {  	vm15 =	veq.s32 v1, $0x40;
	v1 =	vnsel vm14, $0x0, v3;
	[tilespmem:s0+$0x60] =	vst v62  }
0xd7: {  	v2 =	vnsel vm15, $0x0, v2;
	[tilespmem:s0+$0x70] =	vst v1  }
0xd8: {  	v1 =	vnsel vm15, $0x0, v3;
	[tilespmem:s0+$0x40] =	vst v2  }
0xd9: {  	s16 =	simm.s32 $0x7E00;
	[tilespmem:s0+$0x50] =	vst v1  }
0xda: {  	[spmem:s3] =	stream.indirect.scatter.add.f32 [tilespmem:s21], [sflag:$0x3], $0x80, s16, s22, $0xb8;
	[tilespmem:$0x14800] =	vst v63  }
0xdb: {  	_ =	swait.ge [sflag:s19], $0x2800  }
0xdc: {  	s24 =	stileid.u32;
	[sflag:s19] =	ssyncset.done $0x0  }
0xdd: {  	s2 =	sshrl.u32 s9, $0x3;
	s20 =	sadd.s32 $0x1, s20;
	[sflag:s19] =	ssyncadd.s32 $0xFFFFD800  }
0xde: {  	p0 =	sne.s32 s20, s18;
	s0 =	sshll.u32 s24, $0x6;
	[bflag:$0x0] =	sbarrier.arrive $0xFFFF  }
.Ltmp5:
0xdf: {  	s0 =	sor.u32 $0x1C03, s0;
	s4 =	rddreg [dreg:$0xa];
	(pc) =	sbr.rel @p0 .LBB2_1-.Ltmp5, $4  }
0xe0: {  	[hbm:s4], [sflag:s0] =	dma.local [spmem:s2], $0xA00  }
0xe1: {  	_ =	swait.ge [sflag:s19], $0xA00  }
0xe2: {  	[sflag:s19] =	ssyncset.done $0x0  }
0xe3: {  	[sflag:s19] =	ssyncadd.s32 $0xFFFFF600  }
0xe4: {  	_ =	sfence.sel $0x180000  }
0xe5: {  	[bflag:$0x0] =	sbarrier.arrive $0xFFFF  }
0xe6: {  	_ =	strace $0x9000004D  }
0xe7: {  	s0 =	stileid.u32;
	[bflag:$0x2] =	sbarrier.arrive $0xFFFF  }
0xe8: {  	p0 =	sne.s32 s0, $0x0;
	s0 =	rddreg [dreg:$0x4]  }
0xe9: {  	s0 =	sadd.s32 @!p0 $0x100000, s0  }
0xea: {  	[sflag:s0] =	ssyncadd.tile.s32 @!p0 $0x1;
	_ =	shalt  }
.Lfunc_end2:
_tile_overlayer_lowered:
.L_overlay_start_2:
0xeb: {  	(tag) =	ssettag $0x2  }
0xec: {  	s0 =	rddreg [dreg:$0x0];
	s2 =	stileid.u32  }
0xed: {  	s1 =	rddreg [dreg:$0x1];
	p0 =	sne.s32 s2, $0x0  }
0xee: {  	s3 =	rddreg [dreg:$0x2];
	[bflag:$0x3] =	sbarrier.arrive $0xFFFF;
	s2 =	simm.s32 @!p0 $0x1C03  }
0xef: {  	[timem:s3], [sflag:s2] =	dma.local @!p0 [hbm:s0], s1  }
0xf0: {  	s0 =	simm.s32 @!p0 $0x3  }
0xf1: {  	_ =	swait.ge @!p0 [sflag:s0], s1  }
0xf2: {  	s1 =	ssub.s32 @!p0 $0x0, s1;
	[sflag:s0] =	ssyncset.done @!p0 $0x0  }
0xf3: {  	[sflag:s0] =	ssyncadd.s32 @!p0 s1  }
0xf4: {  	[bflag:$0x3] =	sbarrier.arrive $0xFFFF  }
0xf5: {  	_ =	shalt  }

</sc_bundles>
